<compile_context>
chip_gen: v7x
topology: tpu7x:2x2x1
jax: 0.10.2.dev20260603
libtpu: 0.0.44.dev20260713+nightly
codegen_flags: <defaults>
</compile_context>

<pallas_src>
import functools

import jax
import jax.numpy as jnp
from jax import lax
from jax.experimental import pallas as pl
from jax.experimental.pallas import tpu as pltpu
from jax.experimental.pallas import tpu_sc as plsc

_NBINS = 256
_MID = 64
_ITERS = 8
_NC, _NS, _L = 2, 16, 16
_NW = _NC * _NS
_B = 16
_H = 512
_W = 512
_HW = _H * _W
_HALF = _HW // 2
_CHR = 64
_NCH = (_H // 2) // _CHR
_U = 8
_UH = 16

_mesh = plsc.VectorSubcoreMesh(
    core_axis_name="c", subcore_axis_name="s",
    num_cores=_NC, num_subcores=_NS)


def _sc_body(v_hbm, mm_hbm, hist_hbm, bufs, hvals, stage, stage2,
             shared, sem0, sem1):
  c = lax.axis_index("c")
  s = lax.axis_index("s")
  wid = c * _NS + s
  b = wid // 2
  row0 = (wid % 2) * (_H // 2)
  sems = (sem0, sem1)

  def src(k):
    return v_hbm.at[b, pl.ds(row0 + k * _CHR, _CHR), :]

  mns = list(jnp.full((_L,), jnp.inf, jnp.float32) for _ in range(_U))
  mxs = list(jnp.full((_L,), -jnp.inf, jnp.float32) for _ in range(_U))
  pend = pltpu.async_copy(src(0), bufs.at[0], sems[0])
  for k in range(_NCH):
    nxt = None
    if k + 1 < _NCH:
      nxt = pltpu.async_copy(src(k + 1), bufs.at[(k + 1) % 2],
                             sems[(k + 1) % 2])
    pend.wait()

    def step(i, carry2, _k=k):
      mns2, mxs2 = carry2
      new_mns, new_mxs = list(mns2), list(mxs2)
      row = i >> 1
      col = (i & 1) * (_W // 2)
      for u in range(_W // (2 * _L)):
        x = bufs[_k % 2, row, pl.ds(col + u * _L, _L)]
        new_mns[u % _U] = jnp.minimum(new_mns[u % _U], x)
        new_mxs[u % _U] = jnp.maximum(new_mxs[u % _U], x)
      return tuple(new_mns), tuple(new_mxs)

    mns, mxs = plsc.parallel_loop(
        0, 2 * _CHR, carry=(tuple(mns), tuple(mxs)))(step)
    pend = nxt
  own_mn = functools.reduce(jnp.minimum, mns)
  own_mx = functools.reduce(jnp.maximum, mxs)
  stage[pl.ds(0, _L)] = own_mn
  stage[pl.ds(_L, _L)] = own_mx
  pltpu.sync_copy(stage, mm_hbm.at[pl.ds(wid * 2 * _L, 2 * _L)])
  pltpu.sync_copy(stage, shared.at[s])
  plsc.subcore_barrier()
  pltpu.sync_copy(shared.at[s ^ 1], stage2)
  mnv = jnp.minimum(own_mn, stage2[pl.ds(0, _L)])
  mxv = jnp.maximum(own_mx, stage2[pl.ds(_L, _L)])
  mn_s = mnv[0]
  mx_s = mxv[0]
  for i in range(1, _L):
    mn_s = jnp.minimum(mn_s, mnv[i])
    mx_s = jnp.maximum(mx_s, mxv[i])
  mn = jnp.broadcast_to(mn_s, (_L,))
  mx = jnp.broadcast_to(mx_s, (_L,))
  rng = mx - mn
  safe = jnp.where(rng == 0.0, jnp.float32(1.0), rng)
  inv = jnp.float32(_NBINS * (1.0 - 2.0 ** -20)) / safe
  bias = jnp.broadcast_to(jnp.float32(2.0 ** 23 - 0.5), (_L,))

  zero = jnp.zeros((_L,), jnp.float32)
  for j in range(_NBINS // _L):
    hvals[pl.ds(j * _L, _L)] = zero

  ones = jnp.ones((_L,), jnp.float32)
  pend = pltpu.async_copy(src(0), bufs.at[0], sems[0])
  for k in range(_NCH):
    nxt = None
    if k + 1 < _NCH:
      nxt = pltpu.async_copy(src(k + 1), bufs.at[(k + 1) % 2],
                             sems[(k + 1) % 2])
    pend.wait()

    def step(i, _k=k):
      row = i >> 1
      col = (i & 1) * (_W // 2)
      for u in range(_W // (2 * _L)):
        x = bufs[_k % 2, row, pl.ds(col + u * _L, _L)]
        y = (x - mn) * inv + bias
        idx = plsc.bitcast(y, jnp.int32) & 0xFF
        plsc.addupdate_scatter(hvals, [idx], ones)

    plsc.parallel_loop(0, 2 * _CHR)(step)
    pend = nxt

  pltpu.sync_copy(hvals, hist_hbm.at[pl.ds(wid * _NBINS, _NBINS)])


_sc_call = pl.kernel(
    _sc_body,
    out_type=(jax.ShapeDtypeStruct((_NW * 2 * _L,), jnp.float32),
              jax.ShapeDtypeStruct((_NW * _NBINS,), jnp.float32)),
    mesh=_mesh,
    scratch_types=[pltpu.VMEM((2, _CHR, _W), jnp.float32),
                   pltpu.VMEM((_NBINS,), jnp.float32),
                   pltpu.VMEM((2 * _L,), jnp.float32),
                   pltpu.VMEM((2 * _L,), jnp.float32),
                   pltpu.VMEM_SHARED((_NS, 2 * _L), jnp.float32),
                   pltpu.SemaphoreType.DMA,
                   pltpu.SemaphoreType.DMA],
    compiler_params=pltpu.CompilerParams(needs_layout_passes=False,
                                         use_tc_tiling_on_sc=True),
)


def _lrelu(x):
  return jnp.where(x >= 0, x, 0.01 * x)


def _mlp_body(hist_ref, mm_ref, mu_ref,
              w1, b1, w2, b2, w3, b3, w4, b4, w5, b5, out_ref):
  h3 = hist_ref[...].reshape(_B, 2, _NBINS)
  counts = h3[:, 0, :] + h3[:, 1, :]
  h = counts * jnp.float32(1.0 / _HW)
  m4 = mm_ref[...].reshape(_B, 2, 2, _L)
  mn = jnp.min(jnp.minimum(m4[:, 0, 0, :], m4[:, 1, 0, :]), axis=1,
               keepdims=True)
  mx = jnp.max(jnp.maximum(m4[:, 0, 1, :], m4[:, 1, 1, :]), axis=1,
               keepdims=True)
  vec = jnp.concatenate([h, mn, mx, mu_ref[...]], axis=1)
  x = _lrelu(vec @ w1[...] + b1[...])
  x = _lrelu(x @ w2[...] + b2[...])
  x = _lrelu(jnp.concatenate([x, vec], axis=1) @ w3[...] + b3[...])
  x = _lrelu(x @ w4[...] + b4[...])
  out_ref[...] = _lrelu(x @ w5[...] + b5[...])


_CB = 4


def _curve_body(a_ref, v_ref, o_ref):
  g = pl.program_id(0)
  for j in range(_CB):
    x = v_ref[j]
    for i in range(_ITERS):
      a = a_ref[g * _CB + j, i]
      x = x * ((1.0 + a) - a * x)
    o_ref[j] = x


def kernel(V_chanel, mu, W1, b1, W2, b2, W3, b3, W4, b4, W5, b5):
  v3 = V_chanel.reshape(_B, _H, _W)
  mm, hist = _sc_call(v3)

  alphas = pl.pallas_call(
      _mlp_body,
      out_shape=jax.ShapeDtypeStruct((_B, _ITERS), jnp.float32),
  )(hist.reshape(_NW, _NBINS), mm.reshape(_NW * 2, _L),
    mu, W1, b1, W2, b2, W3, b3, W4, b4, W5, b5)

  out = pl.pallas_call(
      _curve_body,
      grid=(_B // _CB,),
      in_specs=[
          pl.BlockSpec((_B, _ITERS), lambda b: (0, 0),
                       memory_space=pltpu.SMEM),
          pl.BlockSpec((_CB, _H, _W), lambda b: (b, 0, 0)),
      ],
      out_specs=pl.BlockSpec((_CB, _H, _W), lambda b: (b, 0, 0)),
      out_shape=jax.ShapeDtypeStruct((_B, _H, _W), jnp.float32),
  )(alphas, v3)
  return out.reshape(V_chanel.shape)

# --- scband reference (transcript-rebuilt; emitter-appended) ---
"""Pipeline reference for scband-hist-branch-16939351016189 (READ-ONLY COPY).

The authoritative reference and input builder live on the scoring server;
editing this copy changes nothing except your own understanding.
"""

import jax, jax.numpy as jnp
import numpy as np

NBINS = 256
MID = 64
NUM_ITERS = 8


def get_histogram(imgs, nbins):
    # imgs: [B, C, H, W]; per-image histc between per-image min and max
    def per_image(img):
        mn = jnp.min(img)
        mx = jnp.max(img)
        rng = mx - mn
        safe = jnp.where(rng == 0, 1.0, rng)
        idx = jnp.floor((img - mn) / safe * nbins).astype(jnp.int32)
        idx = jnp.clip(idx, 0, nbins - 1)
        counts = jnp.bincount(idx.reshape(-1), length=nbins).astype(jnp.float32)
        h = counts / jnp.sum(counts)
        return jnp.concatenate([h, jnp.stack([mn, mx])])
    return jax.vmap(per_image)(imgs)


def _lrelu(x):
    return jnp.where(x >= 0, x, 0.01 * x)


def setup_inputs(seed: int = 0) -> dict:
    key = jax.random.key(seed)
    ks = jax.random.split(key, 12)
    B, C, H, W = 16, 1, 512, 512
    V_chanel = jax.random.uniform(ks[0], (B, C, H, W), dtype=jnp.float32)
    mu = jax.random.uniform(ks[1], (B, 1), dtype=jnp.float32)
    d_in = NBINS + 3
    def lin(k, fan_in, fan_out):
        bound = 1.0 / np.sqrt(fan_in)
        kw, kb = jax.random.split(k)
        Wm = jax.random.uniform(kw, (fan_in, fan_out), minval=-bound, maxval=bound, dtype=jnp.float32)
        bv = jax.random.uniform(kb, (fan_out,), minval=-bound, maxval=bound, dtype=jnp.float32)
        return Wm, bv
    W1, b1 = lin(ks[2], d_in, MID)
    W2, b2 = lin(ks[3], MID, MID)
    W3, b3 = lin(ks[4], MID + d_in, MID)
    W4, b4 = lin(ks[5], MID, MID)
    W5, b5 = lin(ks[6], MID, NUM_ITERS)
    return {"V_chanel": V_chanel, "mu": mu,
            "W1": W1, "b1": b1, "W2": W2, "b2": b2,
            "W3": W3, "b3": b3, "W4": W4, "b4": b4,
            "W5": W5, "b5": b5}


def reference(V_chanel, mu, W1, b1, W2, b2, W3, b3, W4, b4, W5, b5):
    hist = jax.lax.stop_gradient(get_histogram(V_chanel, NBINS))  # torch version is non-differentiable
    vec = jnp.concatenate([hist, mu], axis=-1)
    hbf = _lrelu(vec @ W1 + b1)
    hbf = _lrelu(hbf @ W2 + b2)
    hbf = _lrelu(jnp.concatenate([hbf, vec], axis=1) @ W3 + b3)
    hbf = _lrelu(hbf @ W4 + b4)
    alphas = _lrelu(hbf @ W5 + b5)  # [B, NUM_ITERS]
    out = V_chanel
    for i in range(NUM_ITERS):
        alpha = alphas[:, i:i + 1]  # [B, 1]
        out = out + alpha[..., None, None] * (out - out ** 2)
    return out

if __name__ == "__main__":
    import jax
    _d = setup_inputs()
    print(jax.jit(kernel)(*tuple(_d.values())))

</pallas_src>

<mosaic_0001>
#map = affine_map<(d0, d1) -> (0, 0, 0)>
#map1 = affine_map<(d0, d1) -> (0)>
module attributes {stable_mosaic.version = 14 : i64} {
  func.func @_sc_body(%arg0: i32, %arg1: i32, %arg2: memref<16x512x512xf32, #tpu.memory_space<hbm>>, %arg3: memref<1024xf32, #tpu.memory_space<hbm>>, %arg4: memref<8192xf32, #tpu.memory_space<hbm>>, %arg5: memref<2x64x512xf32, #tpu.memory_space<vmem>>, %arg6: memref<256xf32, #tpu.memory_space<vmem>>, %arg7: memref<32xf32, #tpu.memory_space<vmem>>, %arg8: memref<32xf32, #tpu.memory_space<vmem>>, %arg9: memref<16x32xf32, #tpu.memory_space<vmem_shared>>, %arg10: memref<!tpu.dma_semaphore, #tpu.memory_space<semaphore_mem>>, %arg11: memref<!tpu.dma_semaphore, #tpu.memory_space<semaphore_mem>>) attributes {dimension_semantics = [#tpu.dimension_semantics<core_parallel>, #tpu.dimension_semantics<subcore_parallel>], iteration_bounds = array<i64: 2, 16>, scalar_prefetch = 0 : i64, scratch_operands = 7 : i64, tpu.core_type = #tpu.core_type<sc_vector_subcore>, window_params = [{transform_indices = #map}, {transform_indices = #map1}, {transform_indices = #map1}]} {
    %mul3A = arith.constant 16 : i32
    %mul3A_0 = arith.muli %arg0, %mul3A : i32
    %add3A = arith.addi %mul3A_0, %arg1 : i32
    %jit3A = arith.constant 2 : i32
    %div3A = arith.divsi %add3A, %jit3A : i32
    %sign3A = arith.constant 0 : i32
    %sign3A_1 = arith.cmpi sgt, %add3A, %sign3A : i32
    %sign3A_2 = arith.extui %sign3A_1 : i1 to i32
    %sign3A_3 = arith.constant 0 : i32
    %sign3A_4 = arith.cmpi slt, %add3A, %sign3A_3 : i32
    %sign3A_5 = arith.extui %sign3A_4 : i1 to i32
    %sign3A_6 = arith.subi %sign3A_2, %sign3A_5 : i32
    %sign3A_7 = arith.constant 0 : i32
    %sign3A_8 = arith.cmpi sgt, %jit3A, %sign3A_7 : i32
    %sign3A_9 = arith.extui %sign3A_8 : i1 to i32
    %sign3A_10 = arith.constant 0 : i32
    %sign3A_11 = arith.cmpi slt, %jit3A, %sign3A_10 : i32
    %sign3A_12 = arith.extui %sign3A_11 : i1 to i32
    %sign3A_13 = arith.subi %sign3A_9, %sign3A_12 : i32
    %ne3A = arith.cmpi ne, %sign3A_6, %sign3A_13 : i32
    %rem3A = arith.remsi %add3A, %jit3A : i32
    %ne3A_14 = arith.constant 0 : i32
    %ne3A_15 = arith.cmpi ne, %rem3A, %ne3A_14 : i32
    %and3A = arith.andi %ne3A, %ne3A_15 : i1
    %sub3A = arith.constant 1 : i32
    %sub3A_16 = arith.subi %div3A, %sub3A : i32
    %select_n3A = arith.select %and3A, %sub3A_16, %div3A : i32
    %jit3A_17 = arith.constant 2 : i32
    %eq3A = arith.constant 0 : i32
    %eq3A_18 = arith.cmpi eq, %jit3A_17, %eq3A : i32
    %jit3A_19 = arith.constant 1 : i32
    %select_n3A_20 = arith.select %eq3A_18, %jit3A_19, %jit3A_17 : i32
    %rem3A_21 = arith.remsi %add3A, %select_n3A_20 : i32
    %ne3A_22 = arith.constant 0 : i32
    %ne3A_23 = arith.cmpi ne, %rem3A_21, %ne3A_22 : i32
    %lt3A = arith.constant 0 : i32
    %lt3A_24 = arith.cmpi slt, %rem3A_21, %lt3A : i32
    %lt3A_25 = arith.constant 0 : i32
    %lt3A_26 = arith.cmpi slt, %select_n3A_20, %lt3A_25 : i32
    %ne3A_27 = arith.xori %lt3A_24, %lt3A_26 : i1
    %and3A_28 = arith.andi %ne3A_27, %ne3A_23 : i1
    %add3A_29 = arith.addi %rem3A_21, %select_n3A_20 : i32
    %select_n3A_30 = arith.select %and3A_28, %add3A_29, %rem3A_21 : i32
    %mul3A_31 = arith.constant 256 : i32
    %mul3A_32 = arith.muli %select_n3A_30, %mul3A_31 : i32
    %broadcast_in_dim3A = arith.constant 0x7F800000 : f32
    %broadcast_in_dim3A_33 = vector.broadcast %broadcast_in_dim3A : f32 to vector<16xf32>
    %broadcast_in_dim3A_34 = arith.constant 0x7F800000 : f32
    %broadcast_in_dim3A_35 = vector.broadcast %broadcast_in_dim3A_34 : f32 to vector<16xf32>
    %broadcast_in_dim3A_36 = arith.constant 0x7F800000 : f32
    %broadcast_in_dim3A_37 = vector.broadcast %broadcast_in_dim3A_36 : f32 to vector<16xf32>
    %broadcast_in_dim3A_38 = arith.constant 0x7F800000 : f32
    %broadcast_in_dim3A_39 = vector.broadcast %broadcast_in_dim3A_38 : f32 to vector<16xf32>
    %broadcast_in_dim3A_40 = arith.constant 0x7F800000 : f32
    %broadcast_in_dim3A_41 = vector.broadcast %broadcast_in_dim3A_40 : f32 to vector<16xf32>
    %broadcast_in_dim3A_42 = arith.constant 0x7F800000 : f32
    %broadcast_in_dim3A_43 = vector.broadcast %broadcast_in_dim3A_42 : f32 to vector<16xf32>
    %broadcast_in_dim3A_44 = arith.constant 0x7F800000 : f32
    %broadcast_in_dim3A_45 = vector.broadcast %broadcast_in_dim3A_44 : f32 to vector<16xf32>
    %broadcast_in_dim3A_46 = arith.constant 0x7F800000 : f32
    %broadcast_in_dim3A_47 = vector.broadcast %broadcast_in_dim3A_46 : f32 to vector<16xf32>
    %broadcast_in_dim3A_48 = arith.constant 0xFF800000 : f32
    %broadcast_in_dim3A_49 = vector.broadcast %broadcast_in_dim3A_48 : f32 to vector<16xf32>
    %broadcast_in_dim3A_50 = arith.constant 0xFF800000 : f32
    %broadcast_in_dim3A_51 = vector.broadcast %broadcast_in_dim3A_50 : f32 to vector<16xf32>
    %broadcast_in_dim3A_52 = arith.constant 0xFF800000 : f32
    %broadcast_in_dim3A_53 = vector.broadcast %broadcast_in_dim3A_52 : f32 to vector<16xf32>
    %broadcast_in_dim3A_54 = arith.constant 0xFF800000 : f32
    %broadcast_in_dim3A_55 = vector.broadcast %broadcast_in_dim3A_54 : f32 to vector<16xf32>
    %broadcast_in_dim3A_56 = arith.constant 0xFF800000 : f32
    %broadcast_in_dim3A_57 = vector.broadcast %broadcast_in_dim3A_56 : f32 to vector<16xf32>
    %broadcast_in_dim3A_58 = arith.constant 0xFF800000 : f32
    %broadcast_in_dim3A_59 = vector.broadcast %broadcast_in_dim3A_58 : f32 to vector<16xf32>
    %broadcast_in_dim3A_60 = arith.constant 0xFF800000 : f32
    %broadcast_in_dim3A_61 = vector.broadcast %broadcast_in_dim3A_60 : f32 to vector<16xf32>
    %broadcast_in_dim3A_62 = arith.constant 0xFF800000 : f32
    %broadcast_in_dim3A_63 = vector.broadcast %broadcast_in_dim3A_62 : f32 to vector<16xf32>
    %add3A_64 = arith.constant 0 : i32
    %add3A_65 = arith.addi %mul3A_32, %add3A_64 : i32
    %dma_start3A = arith.constant 0 : i32
    %dma_start3A_66 = arith.constant 0 : i32
    %dma_start3A_67 = arith.constant 0 : i32
    %dma_start3A_68 = tpu.memref_slice %arg5[%dma_start3A, %dma_start3A_66, %dma_start3A_67] : memref<2x64x512xf32, #tpu.memory_space<vmem>> -> memref<1x64x512xf32, #tpu.memory_space<vmem>>
    %dma_start3A_69 = tpu.memref_squeeze %dma_start3A_68 : memref<1x64x512xf32, #tpu.memory_space<vmem>> -> memref<64x512xf32, #tpu.memory_space<vmem>>
    %dma_start3A_70 = arith.constant 0 : i32
    %dma_start3A_71 = tpu.memref_slice %arg2[%select_n3A, %add3A_65, %dma_start3A_70] : memref<16x512x512xf32, #tpu.memory_space<hbm>> -> memref<1x64x512xf32, #tpu.memory_space<hbm>>
    %dma_start3A_72 = tpu.memref_squeeze %dma_start3A_71 : memref<1x64x512xf32, #tpu.memory_space<hbm>> -> memref<64x512xf32, #tpu.memory_space<hbm>>
    %dma_start3A_73 = arith.constant 0 : i32
    %dma_start3A_74 = arith.constant 0 : i32
    %dma_start3A_75 = tpu.memref_slice %arg5[%dma_start3A, %dma_start3A_73, %dma_start3A_74] : memref<2x64x512xf32, #tpu.memory_space<vmem>> -> memref<1x64x512xf32, #tpu.memory_space<vmem>>
    %dma_start3A_76 = tpu.memref_squeeze %dma_start3A_75 : memref<1x64x512xf32, #tpu.memory_space<vmem>> -> memref<64x512xf32, #tpu.memory_space<vmem>>
    %dma_start3A_77 = arith.constant 0 : i32
    %dma_start3A_78 = tpu.memref_slice %arg2[%select_n3A, %add3A_65, %dma_start3A_77] : memref<16x512x512xf32, #tpu.memory_space<hbm>> -> memref<1x64x512xf32, #tpu.memory_space<hbm>>
    %dma_start3A_79 = tpu.memref_squeeze %dma_start3A_78 : memref<1x64x512xf32, #tpu.memory_space<hbm>> -> memref<64x512xf32, #tpu.memory_space<hbm>>
    tpu.enqueue_dma source(%dma_start3A_79 : memref<64x512xf32, #tpu.memory_space<hbm>>) target(%dma_start3A_76 : memref<64x512xf32, #tpu.memory_space<vmem>>) target_semaphore(%arg10 : memref<!tpu.dma_semaphore, #tpu.memory_space<semaphore_mem>>)
    %add3A_80 = arith.constant 64 : i32
    %add3A_81 = arith.addi %mul3A_32, %add3A_80 : i32
    %dma_start3A_82 = arith.constant 1 : i32
    %dma_start3A_83 = arith.constant 0 : i32
    %dma_start3A_84 = arith.constant 0 : i32
    %dma_start3A_85 = tpu.memref_slice %arg5[%dma_start3A_82, %dma_start3A_83, %dma_start3A_84] : memref<2x64x512xf32, #tpu.memory_space<vmem>> -> memref<1x64x512xf32, #tpu.memory_space<vmem>>
    %dma_start3A_86 = tpu.memref_squeeze %dma_start3A_85 : memref<1x64x512xf32, #tpu.memory_space<vmem>> -> memref<64x512xf32, #tpu.memory_space<vmem>>
    %dma_start3A_87 = arith.constant 0 : i32
    %dma_start3A_88 = tpu.memref_slice %arg2[%select_n3A, %add3A_81, %dma_start3A_87] : memref<16x512x512xf32, #tpu.memory_space<hbm>> -> memref<1x64x512xf32, #tpu.memory_space<hbm>>
    %dma_start3A_89 = tpu.memref_squeeze %dma_start3A_88 : memref<1x64x512xf32, #tpu.memory_space<hbm>> -> memref<64x512xf32, #tpu.memory_space<hbm>>
    %dma_start3A_90 = arith.constant 0 : i32
    %dma_start3A_91 = arith.constant 0 : i32
    %dma_start3A_92 = tpu.memref_slice %arg5[%dma_start3A_82, %dma_start3A_90, %dma_start3A_91] : memref<2x64x512xf32, #tpu.memory_space<vmem>> -> memref<1x64x512xf32, #tpu.memory_space<vmem>>
    %dma_start3A_93 = tpu.memref_squeeze %dma_start3A_92 : memref<1x64x512xf32, #tpu.memory_space<vmem>> -> memref<64x512xf32, #tpu.memory_space<vmem>>
    %dma_start3A_94 = arith.constant 0 : i32
    %dma_start3A_95 = tpu.memref_slice %arg2[%select_n3A, %add3A_81, %dma_start3A_94] : memref<16x512x512xf32, #tpu.memory_space<hbm>> -> memref<1x64x512xf32, #tpu.memory_space<hbm>>
    %dma_start3A_96 = tpu.memref_squeeze %dma_start3A_95 : memref<1x64x512xf32, #tpu.memory_space<hbm>> -> memref<64x512xf32, #tpu.memory_space<hbm>>
    tpu.enqueue_dma source(%dma_start3A_96 : memref<64x512xf32, #tpu.memory_space<hbm>>) target(%dma_start3A_93 : memref<64x512xf32, #tpu.memory_space<vmem>>) target_semaphore(%arg11 : memref<!tpu.dma_semaphore, #tpu.memory_space<semaphore_mem>>)
    %dma_wait3A = arith.constant 0 : i32
    %dma_wait3A_97 = arith.constant 0 : i32
    %dma_wait3A_98 = arith.constant 0 : i32
    %dma_wait3A_99 = tpu.memref_slice %arg5[%dma_wait3A, %dma_wait3A_97, %dma_wait3A_98] : memref<2x64x512xf32, #tpu.memory_space<vmem>> -> memref<1x64x512xf32, #tpu.memory_space<vmem>>
    %dma_wait3A_100 = tpu.memref_squeeze %dma_wait3A_99 : memref<1x64x512xf32, #tpu.memory_space<vmem>> -> memref<64x512xf32, #tpu.memory_space<vmem>>
    %dma_wait3A_101 = arith.constant 0 : i32
    %dma_wait3A_102 = tpu.memref_slice %arg2[%select_n3A, %add3A_65, %dma_wait3A_101] : memref<16x512x512xf32, #tpu.memory_space<hbm>> -> memref<1x64x512xf32, #tpu.memory_space<hbm>>
    %dma_wait3A_103 = tpu.memref_squeeze %dma_wait3A_102 : memref<1x64x512xf32, #tpu.memory_space<hbm>> -> memref<64x512xf32, #tpu.memory_space<hbm>>
    %dma_wait3A_104 = arith.constant 0 : i32
    %dma_wait3A_105 = arith.constant 0 : i32
    %dma_wait3A_106 = tpu.memref_slice %arg5[%dma_wait3A, %dma_wait3A_104, %dma_wait3A_105] : memref<2x64x512xf32, #tpu.memory_space<vmem>> -> memref<1x64x512xf32, #tpu.memory_space<vmem>>
    %dma_wait3A_107 = tpu.memref_squeeze %dma_wait3A_106 : memref<1x64x512xf32, #tpu.memory_space<vmem>> -> memref<64x512xf32, #tpu.memory_space<vmem>>
    %dma_wait3A_108 = arith.constant 0 : i32
    %dma_wait3A_109 = tpu.memref_slice %arg2[%select_n3A, %add3A_65, %dma_wait3A_108] : memref<16x512x512xf32, #tpu.memory_space<hbm>> -> memref<1x64x512xf32, #tpu.memory_space<hbm>>
    %dma_wait3A_110 = tpu.memref_squeeze %dma_wait3A_109 : memref<1x64x512xf32, #tpu.memory_space<hbm>> -> memref<64x512xf32, #tpu.memory_space<hbm>>
    tpu.wait_dma2 semaphore(%arg10 : memref<!tpu.dma_semaphore, #tpu.memory_space<semaphore_mem>>) src(%dma_wait3A_110 : memref<64x512xf32, #tpu.memory_space<hbm>>) dst(%dma_wait3A_107 : memref<64x512xf32, #tpu.memory_space<vmem>>)
    %parallel_loop3A = arith.constant 0 : i32
    %parallel_loop3A_111 = arith.constant 128 : i32
    %parallel_loop3A_112 = arith.constant 1 : i32
    %parallel_loop3A_113:16 = scf.for %parallel_loop3A_514 = %parallel_loop3A to %parallel_loop3A_111 step %parallel_loop3A_112 iter_args(%parallel_loop3A_515 = %broadcast_in_dim3A_33, %parallel_loop3A_516 = %broadcast_in_dim3A_35, %parallel_loop3A_517 = %broadcast_in_dim3A_37, %parallel_loop3A_518 = %broadcast_in_dim3A_39, %parallel_loop3A_519 = %broadcast_in_dim3A_41, %parallel_loop3A_520 = %broadcast_in_dim3A_43, %parallel_loop3A_521 = %broadcast_in_dim3A_45, %parallel_loop3A_522 = %broadcast_in_dim3A_47, %parallel_loop3A_523 = %broadcast_in_dim3A_49, %parallel_loop3A_524 = %broadcast_in_dim3A_51, %parallel_loop3A_525 = %broadcast_in_dim3A_53, %parallel_loop3A_526 = %broadcast_in_dim3A_55, %parallel_loop3A_527 = %broadcast_in_dim3A_57, %parallel_loop3A_528 = %broadcast_in_dim3A_59, %parallel_loop3A_529 = %broadcast_in_dim3A_61, %parallel_loop3A_530 = %broadcast_in_dim3A_63) -> (vector<16xf32>, vector<16xf32>, vector<16xf32>, vector<16xf32>, vector<16xf32>, vector<16xf32>, vector<16xf32>, vector<16xf32>, vector<16xf32>, vector<16xf32>, vector<16xf32>, vector<16xf32>, vector<16xf32>, vector<16xf32>, vector<16xf32>, vector<16xf32>)  : i32 {
      %parallel_loop3A_531 = arith.constant 1 : i32
      %parallel_loop3A_532 = arith.shrsi %parallel_loop3A_514, %parallel_loop3A_531 : i32
      %parallel_loop3A_533 = arith.constant 1 : i32
      %parallel_loop3A_534 = arith.andi %parallel_loop3A_514, %parallel_loop3A_533 : i32
      %parallel_loop3A_535 = arith.constant 256 : i32
      %parallel_loop3A_536 = arith.muli %parallel_loop3A_534, %parallel_loop3A_535 : i32
      %parallel_loop3A_537 = arith.constant 0 : i32
      %parallel_loop3A_538 = arith.addi %parallel_loop3A_536, %parallel_loop3A_537 : i32
      %parallel_loop3A_539 = arith.constant 0 : i32
      %parallel_loop3A_540 = arith.index_cast %parallel_loop3A_539 : i32 to index
      %parallel_loop3A_541 = arith.index_cast %parallel_loop3A_532 : i32 to index
      %parallel_loop3A_542 = arith.index_cast %parallel_loop3A_538 : i32 to index
      %parallel_loop3A_543 = tpu.vector_load %arg5[%parallel_loop3A_540, %parallel_loop3A_541, %parallel_loop3A_542] {strides = array<i32>} : memref<2x64x512xf32, #tpu.memory_space<vmem>>, vector<16xf32>,
      %parallel_loop3A_544 = arith.minimumf %parallel_loop3A_515, %parallel_loop3A_543 : vector<16xf32>
      %parallel_loop3A_545 = arith.maximumf %parallel_loop3A_523, %parallel_loop3A_543 : vector<16xf32>
      %parallel_loop3A_546 = arith.constant 16 : i32
      %parallel_loop3A_547 = arith.addi %parallel_loop3A_536, %parallel_loop3A_546 : i32
      %parallel_loop3A_548 = arith.constant 0 : i32
      %parallel_loop3A_549 = arith.index_cast %parallel_loop3A_548 : i32 to index
      %parallel_loop3A_550 = arith.index_cast %parallel_loop3A_532 : i32 to index
      %parallel_loop3A_551 = arith.index_cast %parallel_loop3A_547 : i32 to index
      %parallel_loop3A_552 = tpu.vector_load %arg5[%parallel_loop3A_549, %parallel_loop3A_550, %parallel_loop3A_551] {strides = array<i32>} : memref<2x64x512xf32, #tpu.memory_space<vmem>>, vector<16xf32>,
      %parallel_loop3A_553 = arith.minimumf %parallel_loop3A_516, %parallel_loop3A_552 : vector<16xf32>
      %parallel_loop3A_554 = arith.maximumf %parallel_loop3A_524, %parallel_loop3A_552 : vector<16xf32>
      %parallel_loop3A_555 = arith.constant 32 : i32
      %parallel_loop3A_556 = arith.addi %parallel_loop3A_536, %parallel_loop3A_555 : i32
      %parallel_loop3A_557 = arith.constant 0 : i32
      %parallel_loop3A_558 = arith.index_cast %parallel_loop3A_557 : i32 to index
      %parallel_loop3A_559 = arith.index_cast %parallel_loop3A_532 : i32 to index
      %parallel_loop3A_560 = arith.index_cast %parallel_loop3A_556 : i32 to index
      %parallel_loop3A_561 = tpu.vector_load %arg5[%parallel_loop3A_558, %parallel_loop3A_559, %parallel_loop3A_560] {strides = array<i32>} : memref<2x64x512xf32, #tpu.memory_space<vmem>>, vector<16xf32>,
      %parallel_loop3A_562 = arith.minimumf %parallel_loop3A_517, %parallel_loop3A_561 : vector<16xf32>
      %parallel_loop3A_563 = arith.maximumf %parallel_loop3A_525, %parallel_loop3A_561 : vector<16xf32>
      %parallel_loop3A_564 = arith.constant 48 : i32
      %parallel_loop3A_565 = arith.addi %parallel_loop3A_536, %parallel_loop3A_564 : i32
      %parallel_loop3A_566 = arith.constant 0 : i32
      %parallel_loop3A_567 = arith.index_cast %parallel_loop3A_566 : i32 to index
      %parallel_loop3A_568 = arith.index_cast %parallel_loop3A_532 : i32 to index
      %parallel_loop3A_569 = arith.index_cast %parallel_loop3A_565 : i32 to index
      %parallel_loop3A_570 = tpu.vector_load %arg5[%parallel_loop3A_567, %parallel_loop3A_568, %parallel_loop3A_569] {strides = array<i32>} : memref<2x64x512xf32, #tpu.memory_space<vmem>>, vector<16xf32>,
      %parallel_loop3A_571 = arith.minimumf %parallel_loop3A_518, %parallel_loop3A_570 : vector<16xf32>
      %parallel_loop3A_572 = arith.maximumf %parallel_loop3A_526, %parallel_loop3A_570 : vector<16xf32>
      %parallel_loop3A_573 = arith.constant 64 : i32
      %parallel_loop3A_574 = arith.addi %parallel_loop3A_536, %parallel_loop3A_573 : i32
      %parallel_loop3A_575 = arith.constant 0 : i32
      %parallel_loop3A_576 = arith.index_cast %parallel_loop3A_575 : i32 to index
      %parallel_loop3A_577 = arith.index_cast %parallel_loop3A_532 : i32 to index
      %parallel_loop3A_578 = arith.index_cast %parallel_loop3A_574 : i32 to index
      %parallel_loop3A_579 = tpu.vector_load %arg5[%parallel_loop3A_576, %parallel_loop3A_577, %parallel_loop3A_578] {strides = array<i32>} : memref<2x64x512xf32, #tpu.memory_space<vmem>>, vector<16xf32>,
      %parallel_loop3A_580 = arith.minimumf %parallel_loop3A_519, %parallel_loop3A_579 : vector<16xf32>
      %parallel_loop3A_581 = arith.maximumf %parallel_loop3A_527, %parallel_loop3A_579 : vector<16xf32>
      %parallel_loop3A_582 = arith.constant 80 : i32
      %parallel_loop3A_583 = arith.addi %parallel_loop3A_536, %parallel_loop3A_582 : i32
      %parallel_loop3A_584 = arith.constant 0 : i32
      %parallel_loop3A_585 = arith.index_cast %parallel_loop3A_584 : i32 to index
      %parallel_loop3A_586 = arith.index_cast %parallel_loop3A_532 : i32 to index
      %parallel_loop3A_587 = arith.index_cast %parallel_loop3A_583 : i32 to index
      %parallel_loop3A_588 = tpu.vector_load %arg5[%parallel_loop3A_585, %parallel_loop3A_586, %parallel_loop3A_587] {strides = array<i32>} : memref<2x64x512xf32, #tpu.memory_space<vmem>>, vector<16xf32>,
      %parallel_loop3A_589 = arith.minimumf %parallel_loop3A_520, %parallel_loop3A_588 : vector<16xf32>
      %parallel_loop3A_590 = arith.maximumf %parallel_loop3A_528, %parallel_loop3A_588 : vector<16xf32>
      %parallel_loop3A_591 = arith.constant 96 : i32
      %parallel_loop3A_592 = arith.addi %parallel_loop3A_536, %parallel_loop3A_591 : i32
      %parallel_loop3A_593 = arith.constant 0 : i32
      %parallel_loop3A_594 = arith.index_cast %parallel_loop3A_593 : i32 to index
      %parallel_loop3A_595 = arith.index_cast %parallel_loop3A_532 : i32 to index
      %parallel_loop3A_596 = arith.index_cast %parallel_loop3A_592 : i32 to index
      %parallel_loop3A_597 = tpu.vector_load %arg5[%parallel_loop3A_594, %parallel_loop3A_595, %parallel_loop3A_596] {strides = array<i32>} : memref<2x64x512xf32, #tpu.memory_space<vmem>>, vector<16xf32>,
      %parallel_loop3A_598 = arith.minimumf %parallel_loop3A_521, %parallel_loop3A_597 : vector<16xf32>
      %parallel_loop3A_599 = arith.maximumf %parallel_loop3A_529, %parallel_loop3A_597 : vector<16xf32>
      %parallel_loop3A_600 = arith.constant 112 : i32
      %parallel_loop3A_601 = arith.addi %parallel_loop3A_536, %parallel_loop3A_600 : i32
      %parallel_loop3A_602 = arith.constant 0 : i32
      %parallel_loop3A_603 = arith.index_cast %parallel_loop3A_602 : i32 to index
      %parallel_loop3A_604 = arith.index_cast %parallel_loop3A_532 : i32 to index
      %parallel_loop3A_605 = arith.index_cast %parallel_loop3A_601 : i32 to index
      %parallel_loop3A_606 = tpu.vector_load %arg5[%parallel_loop3A_603, %parallel_loop3A_604, %parallel_loop3A_605] {strides = array<i32>} : memref<2x64x512xf32, #tpu.memory_space<vmem>>, vector<16xf32>,
      %parallel_loop3A_607 = arith.minimumf %parallel_loop3A_522, %parallel_loop3A_606 : vector<16xf32>
      %parallel_loop3A_608 = arith.maximumf %parallel_loop3A_530, %parallel_loop3A_606 : vector<16xf32>
      %parallel_loop3A_609 = arith.constant 128 : i32
      %parallel_loop3A_610 = arith.addi %parallel_loop3A_536, %parallel_loop3A_609 : i32
      %parallel_loop3A_611 = arith.constant 0 : i32
      %parallel_loop3A_612 = arith.index_cast %parallel_loop3A_611 : i32 to index
      %parallel_loop3A_613 = arith.index_cast %parallel_loop3A_532 : i32 to index
      %parallel_loop3A_614 = arith.index_cast %parallel_loop3A_610 : i32 to index
      %parallel_loop3A_615 = tpu.vector_load %arg5[%parallel_loop3A_612, %parallel_loop3A_613, %parallel_loop3A_614] {strides = array<i32>} : memref<2x64x512xf32, #tpu.memory_space<vmem>>, vector<16xf32>,
      %parallel_loop3A_616 = arith.minimumf %parallel_loop3A_544, %parallel_loop3A_615 : vector<16xf32>
      %parallel_loop3A_617 = arith.maximumf %parallel_loop3A_545, %parallel_loop3A_615 : vector<16xf32>
      %parallel_loop3A_618 = arith.constant 144 : i32
      %parallel_loop3A_619 = arith.addi %parallel_loop3A_536, %parallel_loop3A_618 : i32
      %parallel_loop3A_620 = arith.constant 0 : i32
      %parallel_loop3A_621 = arith.index_cast %parallel_loop3A_620 : i32 to index
      %parallel_loop3A_622 = arith.index_cast %parallel_loop3A_532 : i32 to index
      %parallel_loop3A_623 = arith.index_cast %parallel_loop3A_619 : i32 to index
      %parallel_loop3A_624 = tpu.vector_load %arg5[%parallel_loop3A_621, %parallel_loop3A_622, %parallel_loop3A_623] {strides = array<i32>} : memref<2x64x512xf32, #tpu.memory_space<vmem>>, vector<16xf32>,
      %parallel_loop3A_625 = arith.minimumf %parallel_loop3A_553, %parallel_loop3A_624 : vector<16xf32>
      %parallel_loop3A_626 = arith.maximumf %parallel_loop3A_554, %parallel_loop3A_624 : vector<16xf32>
      %parallel_loop3A_627 = arith.constant 160 : i32
      %parallel_loop3A_628 = arith.addi %parallel_loop3A_536, %parallel_loop3A_627 : i32
      %parallel_loop3A_629 = arith.constant 0 : i32
      %parallel_loop3A_630 = arith.index_cast %parallel_loop3A_629 : i32 to index
      %parallel_loop3A_631 = arith.index_cast %parallel_loop3A_532 : i32 to index
      %parallel_loop3A_632 = arith.index_cast %parallel_loop3A_628 : i32 to index
      %parallel_loop3A_633 = tpu.vector_load %arg5[%parallel_loop3A_630, %parallel_loop3A_631, %parallel_loop3A_632] {strides = array<i32>} : memref<2x64x512xf32, #tpu.memory_space<vmem>>, vector<16xf32>,
      %parallel_loop3A_634 = arith.minimumf %parallel_loop3A_562, %parallel_loop3A_633 : vector<16xf32>
      %parallel_loop3A_635 = arith.maximumf %parallel_loop3A_563, %parallel_loop3A_633 : vector<16xf32>
      %parallel_loop3A_636 = arith.constant 176 : i32
      %parallel_loop3A_637 = arith.addi %parallel_loop3A_536, %parallel_loop3A_636 : i32
      %parallel_loop3A_638 = arith.constant 0 : i32
      %parallel_loop3A_639 = arith.index_cast %parallel_loop3A_638 : i32 to index
      %parallel_loop3A_640 = arith.index_cast %parallel_loop3A_532 : i32 to index
      %parallel_loop3A_641 = arith.index_cast %parallel_loop3A_637 : i32 to index
      %parallel_loop3A_642 = tpu.vector_load %arg5[%parallel_loop3A_639, %parallel_loop3A_640, %parallel_loop3A_641] {strides = array<i32>} : memref<2x64x512xf32, #tpu.memory_space<vmem>>, vector<16xf32>,
      %parallel_loop3A_643 = arith.minimumf %parallel_loop3A_571, %parallel_loop3A_642 : vector<16xf32>
      %parallel_loop3A_644 = arith.maximumf %parallel_loop3A_572, %parallel_loop3A_642 : vector<16xf32>
      %parallel_loop3A_645 = arith.constant 192 : i32
      %parallel_loop3A_646 = arith.addi %parallel_loop3A_536, %parallel_loop3A_645 : i32
      %parallel_loop3A_647 = arith.constant 0 : i32
      %parallel_loop3A_648 = arith.index_cast %parallel_loop3A_647 : i32 to index
      %parallel_loop3A_649 = arith.index_cast %parallel_loop3A_532 : i32 to index
      %parallel_loop3A_650 = arith.index_cast %parallel_loop3A_646 : i32 to index
      %parallel_loop3A_651 = tpu.vector_load %arg5[%parallel_loop3A_648, %parallel_loop3A_649, %parallel_loop3A_650] {strides = array<i32>} : memref<2x64x512xf32, #tpu.memory_space<vmem>>, vector<16xf32>,
      %parallel_loop3A_652 = arith.minimumf %parallel_loop3A_580, %parallel_loop3A_651 : vector<16xf32>
      %parallel_loop3A_653 = arith.maximumf %parallel_loop3A_581, %parallel_loop3A_651 : vector<16xf32>
      %parallel_loop3A_654 = arith.constant 208 : i32
      %parallel_loop3A_655 = arith.addi %parallel_loop3A_536, %parallel_loop3A_654 : i32
      %parallel_loop3A_656 = arith.constant 0 : i32
      %parallel_loop3A_657 = arith.index_cast %parallel_loop3A_656 : i32 to index
      %parallel_loop3A_658 = arith.index_cast %parallel_loop3A_532 : i32 to index
      %parallel_loop3A_659 = arith.index_cast %parallel_loop3A_655 : i32 to index
      %parallel_loop3A_660 = tpu.vector_load %arg5[%parallel_loop3A_657, %parallel_loop3A_658, %parallel_loop3A_659] {strides = array<i32>} : memref<2x64x512xf32, #tpu.memory_space<vmem>>, vector<16xf32>,
      %parallel_loop3A_661 = arith.minimumf %parallel_loop3A_589, %parallel_loop3A_660 : vector<16xf32>
      %parallel_loop3A_662 = arith.maximumf %parallel_loop3A_590, %parallel_loop3A_660 : vector<16xf32>
      %parallel_loop3A_663 = arith.constant 224 : i32
      %parallel_loop3A_664 = arith.addi %parallel_loop3A_536, %parallel_loop3A_663 : i32
      %parallel_loop3A_665 = arith.constant 0 : i32
      %parallel_loop3A_666 = arith.index_cast %parallel_loop3A_665 : i32 to index
      %parallel_loop3A_667 = arith.index_cast %parallel_loop3A_532 : i32 to index
      %parallel_loop3A_668 = arith.index_cast %parallel_loop3A_664 : i32 to index
      %parallel_loop3A_669 = tpu.vector_load %arg5[%parallel_loop3A_666, %parallel_loop3A_667, %parallel_loop3A_668] {strides = array<i32>} : memref<2x64x512xf32, #tpu.memory_space<vmem>>, vector<16xf32>,
      %parallel_loop3A_670 = arith.minimumf %parallel_loop3A_598, %parallel_loop3A_669 : vector<16xf32>
      %parallel_loop3A_671 = arith.maximumf %parallel_loop3A_599, %parallel_loop3A_669 : vector<16xf32>
      %parallel_loop3A_672 = arith.constant 240 : i32
      %parallel_loop3A_673 = arith.addi %parallel_loop3A_536, %parallel_loop3A_672 : i32
      %parallel_loop3A_674 = arith.constant 0 : i32
      %parallel_loop3A_675 = arith.index_cast %parallel_loop3A_674 : i32 to index
      %parallel_loop3A_676 = arith.index_cast %parallel_loop3A_532 : i32 to index
      %parallel_loop3A_677 = arith.index_cast %parallel_loop3A_673 : i32 to index
      %parallel_loop3A_678 = tpu.vector_load %arg5[%parallel_loop3A_675, %parallel_loop3A_676, %parallel_loop3A_677] {strides = array<i32>} : memref<2x64x512xf32, #tpu.memory_space<vmem>>, vector<16xf32>,
      %parallel_loop3A_679 = arith.minimumf %parallel_loop3A_607, %parallel_loop3A_678 : vector<16xf32>
      %parallel_loop3A_680 = arith.maximumf %parallel_loop3A_608, %parallel_loop3A_678 : vector<16xf32>
      scf.yield %parallel_loop3A_616, %parallel_loop3A_625, %parallel_loop3A_634, %parallel_loop3A_643, %parallel_loop3A_652, %parallel_loop3A_661, %parallel_loop3A_670, %parallel_loop3A_679, %parallel_loop3A_617, %parallel_loop3A_626, %parallel_loop3A_635, %parallel_loop3A_644, %parallel_loop3A_653, %parallel_loop3A_662, %parallel_loop3A_671, %parallel_loop3A_680 : vector<16xf32>, vector<16xf32>, vector<16xf32>, vector<16xf32>, vector<16xf32>, vector<16xf32>, vector<16xf32>, vector<16xf32>, vector<16xf32>, vector<16xf32>, vector<16xf32>, vector<16xf32>, vector<16xf32>, vector<16xf32>, vector<16xf32>, vector<16xf32>
    } {sc.loop_unroll_factor = 1 : i64, sc.parallel_access}
    %add3A_114 = arith.constant 128 : i32
    %add3A_115 = arith.addi %mul3A_32, %add3A_114 : i32
    %dma_start3A_116 = arith.constant 0 : i32
    %dma_start3A_117 = arith.constant 0 : i32
    %dma_start3A_118 = arith.constant 0 : i32
    %dma_start3A_119 = tpu.memref_slice %arg5[%dma_start3A_116, %dma_start3A_117, %dma_start3A_118] : memref<2x64x512xf32, #tpu.memory_space<vmem>> -> memref<1x64x512xf32, #tpu.memory_space<vmem>>
    %dma_start3A_120 = tpu.memref_squeeze %dma_start3A_119 : memref<1x64x512xf32, #tpu.memory_space<vmem>> -> memref<64x512xf32, #tpu.memory_space<vmem>>
    %dma_start3A_121 = arith.constant 0 : i32
    %dma_start3A_122 = tpu.memref_slice %arg2[%select_n3A, %add3A_115, %dma_start3A_121] : memref<16x512x512xf32, #tpu.memory_space<hbm>> -> memref<1x64x512xf32, #tpu.memory_space<hbm>>
    %dma_start3A_123 = tpu.memref_squeeze %dma_start3A_122 : memref<1x64x512xf32, #tpu.memory_space<hbm>> -> memref<64x512xf32, #tpu.memory_space<hbm>>
    %dma_start3A_124 = arith.constant 0 : i32
    %dma_start3A_125 = arith.constant 0 : i32
    %dma_start3A_126 = tpu.memref_slice %arg5[%dma_start3A_116, %dma_start3A_124, %dma_start3A_125] : memref<2x64x512xf32, #tpu.memory_space<vmem>> -> memref<1x64x512xf32, #tpu.memory_space<vmem>>
    %dma_start3A_127 = tpu.memref_squeeze %dma_start3A_126 : memref<1x64x512xf32, #tpu.memory_space<vmem>> -> memref<64x512xf32, #tpu.memory_space<vmem>>
    %dma_start3A_128 = arith.constant 0 : i32
    %dma_start3A_129 = tpu.memref_slice %arg2[%select_n3A, %add3A_115, %dma_start3A_128] : memref<16x512x512xf32, #tpu.memory_space<hbm>> -> memref<1x64x512xf32, #tpu.memory_space<hbm>>
    %dma_start3A_130 = tpu.memref_squeeze %dma_start3A_129 : memref<1x64x512xf32, #tpu.memory_space<hbm>> -> memref<64x512xf32, #tpu.memory_space<hbm>>
    tpu.enqueue_dma source(%dma_start3A_130 : memref<64x512xf32, #tpu.memory_space<hbm>>) target(%dma_start3A_127 : memref<64x512xf32, #tpu.memory_space<vmem>>) target_semaphore(%arg10 : memref<!tpu.dma_semaphore, #tpu.memory_space<semaphore_mem>>)
    %dma_wait3A_131 = arith.constant 1 : i32
    %dma_wait3A_132 = arith.constant 0 : i32
    %dma_wait3A_133 = arith.constant 0 : i32
    %dma_wait3A_134 = tpu.memref_slice %arg5[%dma_wait3A_131, %dma_wait3A_132, %dma_wait3A_133] : memref<2x64x512xf32, #tpu.memory_space<vmem>> -> memref<1x64x512xf32, #tpu.memory_space<vmem>>
    %dma_wait3A_135 = tpu.memref_squeeze %dma_wait3A_134 : memref<1x64x512xf32, #tpu.memory_space<vmem>> -> memref<64x512xf32, #tpu.memory_space<vmem>>
    %dma_wait3A_136 = arith.constant 0 : i32
    %dma_wait3A_137 = tpu.memref_slice %arg2[%select_n3A, %add3A_81, %dma_wait3A_136] : memref<16x512x512xf32, #tpu.memory_space<hbm>> -> memref<1x64x512xf32, #tpu.memory_space<hbm>>
    %dma_wait3A_138 = tpu.memref_squeeze %dma_wait3A_137 : memref<1x64x512xf32, #tpu.memory_space<hbm>> -> memref<64x512xf32, #tpu.memory_space<hbm>>
    %dma_wait3A_139 = arith.constant 0 : i32
    %dma_wait3A_140 = arith.constant 0 : i32
    %dma_wait3A_141 = tpu.memref_slice %arg5[%dma_wait3A_131, %dma_wait3A_139, %dma_wait3A_140] : memref<2x64x512xf32, #tpu.memory_space<vmem>> -> memref<1x64x512xf32, #tpu.memory_space<vmem>>
    %dma_wait3A_142 = tpu.memref_squeeze %dma_wait3A_141 : memref<1x64x512xf32, #tpu.memory_space<vmem>> -> memref<64x512xf32, #tpu.memory_space<vmem>>
    %dma_wait3A_143 = arith.constant 0 : i32
    %dma_wait3A_144 = tpu.memref_slice %arg2[%select_n3A, %add3A_81, %dma_wait3A_143] : memref<16x512x512xf32, #tpu.memory_space<hbm>> -> memref<1x64x512xf32, #tpu.memory_space<hbm>>
    %dma_wait3A_145 = tpu.memref_squeeze %dma_wait3A_144 : memref<1x64x512xf32, #tpu.memory_space<hbm>> -> memref<64x512xf32, #tpu.memory_space<hbm>>
    tpu.wait_dma2 semaphore(%arg11 : memref<!tpu.dma_semaphore, #tpu.memory_space<semaphore_mem>>) src(%dma_wait3A_145 : memref<64x512xf32, #tpu.memory_space<hbm>>) dst(%dma_wait3A_142 : memref<64x512xf32, #tpu.memory_space<vmem>>)
    %parallel_loop3A_146 = arith.constant 0 : i32
    %parallel_loop3A_147 = arith.constant 128 : i32
    %parallel_loop3A_148 = arith.constant 1 : i32
    %parallel_loop3A_149:16 = scf.for %parallel_loop3A_514 = %parallel_loop3A_146 to %parallel_loop3A_147 step %parallel_loop3A_148 iter_args(%parallel_loop3A_515 = %parallel_loop3A_113#0, %parallel_loop3A_516 = %parallel_loop3A_113#1, %parallel_loop3A_517 = %parallel_loop3A_113#2, %parallel_loop3A_518 = %parallel_loop3A_113#3, %parallel_loop3A_519 = %parallel_loop3A_113#4, %parallel_loop3A_520 = %parallel_loop3A_113#5, %parallel_loop3A_521 = %parallel_loop3A_113#6, %parallel_loop3A_522 = %parallel_loop3A_113#7, %parallel_loop3A_523 = %parallel_loop3A_113#8, %parallel_loop3A_524 = %parallel_loop3A_113#9, %parallel_loop3A_525 = %parallel_loop3A_113#10, %parallel_loop3A_526 = %parallel_loop3A_113#11, %parallel_loop3A_527 = %parallel_loop3A_113#12, %parallel_loop3A_528 = %parallel_loop3A_113#13, %parallel_loop3A_529 = %parallel_loop3A_113#14, %parallel_loop3A_530 = %parallel_loop3A_113#15) -> (vector<16xf32>, vector<16xf32>, vector<16xf32>, vector<16xf32>, vector<16xf32>, vector<16xf32>, vector<16xf32>, vector<16xf32>, vector<16xf32>, vector<16xf32>, vector<16xf32>, vector<16xf32>, vector<16xf32>, vector<16xf32>, vector<16xf32>, vector<16xf32>)  : i32 {
      %parallel_loop3A_531 = arith.constant 1 : i32
      %parallel_loop3A_532 = arith.shrsi %parallel_loop3A_514, %parallel_loop3A_531 : i32
      %parallel_loop3A_533 = arith.constant 1 : i32
      %parallel_loop3A_534 = arith.andi %parallel_loop3A_514, %parallel_loop3A_533 : i32
      %parallel_loop3A_535 = arith.constant 256 : i32
      %parallel_loop3A_536 = arith.muli %parallel_loop3A_534, %parallel_loop3A_535 : i32
      %parallel_loop3A_537 = arith.constant 0 : i32
      %parallel_loop3A_538 = arith.addi %parallel_loop3A_536, %parallel_loop3A_537 : i32
      %parallel_loop3A_539 = arith.constant 1 : i32
      %parallel_loop3A_540 = arith.index_cast %parallel_loop3A_539 : i32 to index
      %parallel_loop3A_541 = arith.index_cast %parallel_loop3A_532 : i32 to index
      %parallel_loop3A_542 = arith.index_cast %parallel_loop3A_538 : i32 to index
      %parallel_loop3A_543 = tpu.vector_load %arg5[%parallel_loop3A_540, %parallel_loop3A_541, %parallel_loop3A_542] {strides = array<i32>} : memref<2x64x512xf32, #tpu.memory_space<vmem>>, vector<16xf32>,
      %parallel_loop3A_544 = arith.minimumf %parallel_loop3A_515, %parallel_loop3A_543 : vector<16xf32>
      %parallel_loop3A_545 = arith.maximumf %parallel_loop3A_523, %parallel_loop3A_543 : vector<16xf32>
      %parallel_loop3A_546 = arith.constant 16 : i32
      %parallel_loop3A_547 = arith.addi %parallel_loop3A_536, %parallel_loop3A_546 : i32
      %parallel_loop3A_548 = arith.constant 1 : i32
      %parallel_loop3A_549 = arith.index_cast %parallel_loop3A_548 : i32 to index
      %parallel_loop3A_550 = arith.index_cast %parallel_loop3A_532 : i32 to index
      %parallel_loop3A_551 = arith.index_cast %parallel_loop3A_547 : i32 to index
      %parallel_loop3A_552 = tpu.vector_load %arg5[%parallel_loop3A_549, %parallel_loop3A_550, %parallel_loop3A_551] {strides = array<i32>} : memref<2x64x512xf32, #tpu.memory_space<vmem>>, vector<16xf32>,
      %parallel_loop3A_553 = arith.minimumf %parallel_loop3A_516, %parallel_loop3A_552 : vector<16xf32>
      %parallel_loop3A_554 = arith.maximumf %parallel_loop3A_524, %parallel_loop3A_552 : vector<16xf32>
      %parallel_loop3A_555 = arith.constant 32 : i32
      %parallel_loop3A_556 = arith.addi %parallel_loop3A_536, %parallel_loop3A_555 : i32
      %parallel_loop3A_557 = arith.constant 1 : i32
      %parallel_loop3A_558 = arith.index_cast %parallel_loop3A_557 : i32 to index
      %parallel_loop3A_559 = arith.index_cast %parallel_loop3A_532 : i32 to index
      %parallel_loop3A_560 = arith.index_cast %parallel_loop3A_556 : i32 to index
      %parallel_loop3A_561 = tpu.vector_load %arg5[%parallel_loop3A_558, %parallel_loop3A_559, %parallel_loop3A_560] {strides = array<i32>} : memref<2x64x512xf32, #tpu.memory_space<vmem>>, vector<16xf32>,
      %parallel_loop3A_562 = arith.minimumf %parallel_loop3A_517, %parallel_loop3A_561 : vector<16xf32>
      %parallel_loop3A_563 = arith.maximumf %parallel_loop3A_525, %parallel_loop3A_561 : vector<16xf32>
      %parallel_loop3A_564 = arith.constant 48 : i32
      %parallel_loop3A_565 = arith.addi %parallel_loop3A_536, %parallel_loop3A_564 : i32
      %parallel_loop3A_566 = arith.constant 1 : i32
      %parallel_loop3A_567 = arith.index_cast %parallel_loop3A_566 : i32 to index
      %parallel_loop3A_568 = arith.index_cast %parallel_loop3A_532 : i32 to index
      %parallel_loop3A_569 = arith.index_cast %parallel_loop3A_565 : i32 to index
      %parallel_loop3A_570 = tpu.vector_load %arg5[%parallel_loop3A_567, %parallel_loop3A_568, %parallel_loop3A_569] {strides = array<i32>} : memref<2x64x512xf32, #tpu.memory_space<vmem>>, vector<16xf32>,
      %parallel_loop3A_571 = arith.minimumf %parallel_loop3A_518, %parallel_loop3A_570 : vector<16xf32>
      %parallel_loop3A_572 = arith.maximumf %parallel_loop3A_526, %parallel_loop3A_570 : vector<16xf32>
      %parallel_loop3A_573 = arith.constant 64 : i32
      %parallel_loop3A_574 = arith.addi %parallel_loop3A_536, %parallel_loop3A_573 : i32
      %parallel_loop3A_575 = arith.constant 1 : i32
      %parallel_loop3A_576 = arith.index_cast %parallel_loop3A_575 : i32 to index
      %parallel_loop3A_577 = arith.index_cast %parallel_loop3A_532 : i32 to index
      %parallel_loop3A_578 = arith.index_cast %parallel_loop3A_574 : i32 to index
      %parallel_loop3A_579 = tpu.vector_load %arg5[%parallel_loop3A_576, %parallel_loop3A_577, %parallel_loop3A_578] {strides = array<i32>} : memref<2x64x512xf32, #tpu.memory_space<vmem>>, vector<16xf32>,
      %parallel_loop3A_580 = arith.minimumf %parallel_loop3A_519, %parallel_loop3A_579 : vector<16xf32>
      %parallel_loop3A_581 = arith.maximumf %parallel_loop3A_527, %parallel_loop3A_579 : vector<16xf32>
      %parallel_loop3A_582 = arith.constant 80 : i32
      %parallel_loop3A_583 = arith.addi %parallel_loop3A_536, %parallel_loop3A_582 : i32
      %parallel_loop3A_584 = arith.constant 1 : i32
      %parallel_loop3A_585 = arith.index_cast %parallel_loop3A_584 : i32 to index
      %parallel_loop3A_586 = arith.index_cast %parallel_loop3A_532 : i32 to index
      %parallel_loop3A_587 = arith.index_cast %parallel_loop3A_583 : i32 to index
      %parallel_loop3A_588 = tpu.vector_load %arg5[%parallel_loop3A_585, %parallel_loop3A_586, %parallel_loop3A_587] {strides = array<i32>} : memref<2x64x512xf32, #tpu.memory_space<vmem>>, vector<16xf32>,
      %parallel_loop3A_589 = arith.minimumf %parallel_loop3A_520, %parallel_loop3A_588 : vector<16xf32>
      %parallel_loop3A_590 = arith.maximumf %parallel_loop3A_528, %parallel_loop3A_588 : vector<16xf32>
      %parallel_loop3A_591 = arith.constant 96 : i32
      %parallel_loop3A_592 = arith.addi %parallel_loop3A_536, %parallel_loop3A_591 : i32
      %parallel_loop3A_593 = arith.constant 1 : i32
      %parallel_loop3A_594 = arith.index_cast %parallel_loop3A_593 : i32 to index
      %parallel_loop3A_595 = arith.index_cast %parallel_loop3A_532 : i32 to index
      %parallel_loop3A_596 = arith.index_cast %parallel_loop3A_592 : i32 to index
      %parallel_loop3A_597 = tpu.vector_load %arg5[%parallel_loop3A_594, %parallel_loop3A_595, %parallel_loop3A_596] {strides = array<i32>} : memref<2x64x512xf32, #tpu.memory_space<vmem>>, vector<16xf32>,
      %parallel_loop3A_598 = arith.minimumf %parallel_loop3A_521, %parallel_loop3A_597 : vector<16xf32>
      %parallel_loop3A_599 = arith.maximumf %parallel_loop3A_529, %parallel_loop3A_597 : vector<16xf32>
      %parallel_loop3A_600 = arith.constant 112 : i32
      %parallel_loop3A_601 = arith.addi %parallel_loop3A_536, %parallel_loop3A_600 : i32
      %parallel_loop3A_602 = arith.constant 1 : i32
      %parallel_loop3A_603 = arith.index_cast %parallel_loop3A_602 : i32 to index
      %parallel_loop3A_604 = arith.index_cast %parallel_loop3A_532 : i32 to index
      %parallel_loop3A_605 = arith.index_cast %parallel_loop3A_601 : i32 to index
      %parallel_loop3A_606 = tpu.vector_load %arg5[%parallel_loop3A_603, %parallel_loop3A_604, %parallel_loop3A_605] {strides = array<i32>} : memref<2x64x512xf32, #tpu.memory_space<vmem>>, vector<16xf32>,
      %parallel_loop3A_607 = arith.minimumf %parallel_loop3A_522, %parallel_loop3A_606 : vector<16xf32>
      %parallel_loop3A_608 = arith.maximumf %parallel_loop3A_530, %parallel_loop3A_606 : vector<16xf32>
      %parallel_loop3A_609 = arith.constant 128 : i32
      %parallel_loop3A_610 = arith.addi %parallel_loop3A_536, %parallel_loop3A_609 : i32
      %parallel_loop3A_611 = arith.constant 1 : i32
      %parallel_loop3A_612 = arith.index_cast %parallel_loop3A_611 : i32 to index
      %parallel_loop3A_613 = arith.index_cast %parallel_loop3A_532 : i32 to index
      %parallel_loop3A_614 = arith.index_cast %parallel_loop3A_610 : i32 to index
      %parallel_loop3A_615 = tpu.vector_load %arg5[%parallel_loop3A_612, %parallel_loop3A_613, %parallel_loop3A_614] {strides = array<i32>} : memref<2x64x512xf32, #tpu.memory_space<vmem>>, vector<16xf32>,
      %parallel_loop3A_616 = arith.minimumf %parallel_loop3A_544, %parallel_loop3A_615 : vector<16xf32>
      %parallel_loop3A_617 = arith.maximumf %parallel_loop3A_545, %parallel_loop3A_615 : vector<16xf32>
      %parallel_loop3A_618 = arith.constant 144 : i32
      %parallel_loop3A_619 = arith.addi %parallel_loop3A_536, %parallel_loop3A_618 : i32
      %parallel_loop3A_620 = arith.constant 1 : i32
      %parallel_loop3A_621 = arith.index_cast %parallel_loop3A_620 : i32 to index
      %parallel_loop3A_622 = arith.index_cast %parallel_loop3A_532 : i32 to index
      %parallel_loop3A_623 = arith.index_cast %parallel_loop3A_619 : i32 to index
      %parallel_loop3A_624 = tpu.vector_load %arg5[%parallel_loop3A_621, %parallel_loop3A_622, %parallel_loop3A_623] {strides = array<i32>} : memref<2x64x512xf32, #tpu.memory_space<vmem>>, vector<16xf32>,
      %parallel_loop3A_625 = arith.minimumf %parallel_loop3A_553, %parallel_loop3A_624 : vector<16xf32>
      %parallel_loop3A_626 = arith.maximumf %parallel_loop3A_554, %parallel_loop3A_624 : vector<16xf32>
      %parallel_loop3A_627 = arith.constant 160 : i32
      %parallel_loop3A_628 = arith.addi %parallel_loop3A_536, %parallel_loop3A_627 : i32
      %parallel_loop3A_629 = arith.constant 1 : i32
      %parallel_loop3A_630 = arith.index_cast %parallel_loop3A_629 : i32 to index
      %parallel_loop3A_631 = arith.index_cast %parallel_loop3A_532 : i32 to index
      %parallel_loop3A_632 = arith.index_cast %parallel_loop3A_628 : i32 to index
      %parallel_loop3A_633 = tpu.vector_load %arg5[%parallel_loop3A_630, %parallel_loop3A_631, %parallel_loop3A_632] {strides = array<i32>} : memref<2x64x512xf32, #tpu.memory_space<vmem>>, vector<16xf32>,
      %parallel_loop3A_634 = arith.minimumf %parallel_loop3A_562, %parallel_loop3A_633 : vector<16xf32>
      %parallel_loop3A_635 = arith.maximumf %parallel_loop3A_563, %parallel_loop3A_633 : vector<16xf32>
      %parallel_loop3A_636 = arith.constant 176 : i32
      %parallel_loop3A_637 = arith.addi %parallel_loop3A_536, %parallel_loop3A_636 : i32
      %parallel_loop3A_638 = arith.constant 1 : i32
      %parallel_loop3A_639 = arith.index_cast %parallel_loop3A_638 : i32 to index
      %parallel_loop3A_640 = arith.index_cast %parallel_loop3A_532 : i32 to index
      %parallel_loop3A_641 = arith.index_cast %parallel_loop3A_637 : i32 to index
      %parallel_loop3A_642 = tpu.vector_load %arg5[%parallel_loop3A_639, %parallel_loop3A_640, %parallel_loop3A_641] {strides = array<i32>} : memref<2x64x512xf32, #tpu.memory_space<vmem>>, vector<16xf32>,
      %parallel_loop3A_643 = arith.minimumf %parallel_loop3A_571, %parallel_loop3A_642 : vector<16xf32>
      %parallel_loop3A_644 = arith.maximumf %parallel_loop3A_572, %parallel_loop3A_642 : vector<16xf32>
      %parallel_loop3A_645 = arith.constant 192 : i32
      %parallel_loop3A_646 = arith.addi %parallel_loop3A_536, %parallel_loop3A_645 : i32
      %parallel_loop3A_647 = arith.constant 1 : i32
      %parallel_loop3A_648 = arith.index_cast %parallel_loop3A_647 : i32 to index
      %parallel_loop3A_649 = arith.index_cast %parallel_loop3A_532 : i32 to index
      %parallel_loop3A_650 = arith.index_cast %parallel_loop3A_646 : i32 to index
      %parallel_loop3A_651 = tpu.vector_load %arg5[%parallel_loop3A_648, %parallel_loop3A_649, %parallel_loop3A_650] {strides = array<i32>} : memref<2x64x512xf32, #tpu.memory_space<vmem>>, vector<16xf32>,
      %parallel_loop3A_652 = arith.minimumf %parallel_loop3A_580, %parallel_loop3A_651 : vector<16xf32>
      %parallel_loop3A_653 = arith.maximumf %parallel_loop3A_581, %parallel_loop3A_651 : vector<16xf32>
      %parallel_loop3A_654 = arith.constant 208 : i32
      %parallel_loop3A_655 = arith.addi %parallel_loop3A_536, %parallel_loop3A_654 : i32
      %parallel_loop3A_656 = arith.constant 1 : i32
      %parallel_loop3A_657 = arith.index_cast %parallel_loop3A_656 : i32 to index
      %parallel_loop3A_658 = arith.index_cast %parallel_loop3A_532 : i32 to index
      %parallel_loop3A_659 = arith.index_cast %parallel_loop3A_655 : i32 to index
      %parallel_loop3A_660 = tpu.vector_load %arg5[%parallel_loop3A_657, %parallel_loop3A_658, %parallel_loop3A_659] {strides = array<i32>} : memref<2x64x512xf32, #tpu.memory_space<vmem>>, vector<16xf32>,
      %parallel_loop3A_661 = arith.minimumf %parallel_loop3A_589, %parallel_loop3A_660 : vector<16xf32>
      %parallel_loop3A_662 = arith.maximumf %parallel_loop3A_590, %parallel_loop3A_660 : vector<16xf32>
      %parallel_loop3A_663 = arith.constant 224 : i32
      %parallel_loop3A_664 = arith.addi %parallel_loop3A_536, %parallel_loop3A_663 : i32
      %parallel_loop3A_665 = arith.constant 1 : i32
      %parallel_loop3A_666 = arith.index_cast %parallel_loop3A_665 : i32 to index
      %parallel_loop3A_667 = arith.index_cast %parallel_loop3A_532 : i32 to index
      %parallel_loop3A_668 = arith.index_cast %parallel_loop3A_664 : i32 to index
      %parallel_loop3A_669 = tpu.vector_load %arg5[%parallel_loop3A_666, %parallel_loop3A_667, %parallel_loop3A_668] {strides = array<i32>} : memref<2x64x512xf32, #tpu.memory_space<vmem>>, vector<16xf32>,
      %parallel_loop3A_670 = arith.minimumf %parallel_loop3A_598, %parallel_loop3A_669 : vector<16xf32>
      %parallel_loop3A_671 = arith.maximumf %parallel_loop3A_599, %parallel_loop3A_669 : vector<16xf32>
      %parallel_loop3A_672 = arith.constant 240 : i32
      %parallel_loop3A_673 = arith.addi %parallel_loop3A_536, %parallel_loop3A_672 : i32
      %parallel_loop3A_674 = arith.constant 1 : i32
      %parallel_loop3A_675 = arith.index_cast %parallel_loop3A_674 : i32 to index
      %parallel_loop3A_676 = arith.index_cast %parallel_loop3A_532 : i32 to index
      %parallel_loop3A_677 = arith.index_cast %parallel_loop3A_673 : i32 to index
      %parallel_loop3A_678 = tpu.vector_load %arg5[%parallel_loop3A_675, %parallel_loop3A_676, %parallel_loop3A_677] {strides = array<i32>} : memref<2x64x512xf32, #tpu.memory_space<vmem>>, vector<16xf32>,
      %parallel_loop3A_679 = arith.minimumf %parallel_loop3A_607, %parallel_loop3A_678 : vector<16xf32>
      %parallel_loop3A_680 = arith.maximumf %parallel_loop3A_608, %parallel_loop3A_678 : vector<16xf32>
      scf.yield %parallel_loop3A_616, %parallel_loop3A_625, %parallel_loop3A_634, %parallel_loop3A_643, %parallel_loop3A_652, %parallel_loop3A_661, %parallel_loop3A_670, %parallel_loop3A_679, %parallel_loop3A_617, %parallel_loop3A_626, %parallel_loop3A_635, %parallel_loop3A_644, %parallel_loop3A_653, %parallel_loop3A_662, %parallel_loop3A_671, %parallel_loop3A_680 : vector<16xf32>, vector<16xf32>, vector<16xf32>, vector<16xf32>, vector<16xf32>, vector<16xf32>, vector<16xf32>, vector<16xf32>, vector<16xf32>, vector<16xf32>, vector<16xf32>, vector<16xf32>, vector<16xf32>, vector<16xf32>, vector<16xf32>, vector<16xf32>
    } {sc.loop_unroll_factor = 1 : i64, sc.parallel_access}
    %add3A_150 = arith.constant 192 : i32
    %add3A_151 = arith.addi %mul3A_32, %add3A_150 : i32
    %dma_start3A_152 = arith.constant 1 : i32
    %dma_start3A_153 = arith.constant 0 : i32
    %dma_start3A_154 = arith.constant 0 : i32
    %dma_start3A_155 = tpu.memref_slice %arg5[%dma_start3A_152, %dma_start3A_153, %dma_start3A_154] : memref<2x64x512xf32, #tpu.memory_space<vmem>> -> memref<1x64x512xf32, #tpu.memory_space<vmem>>
    %dma_start3A_156 = tpu.memref_squeeze %dma_start3A_155 : memref<1x64x512xf32, #tpu.memory_space<vmem>> -> memref<64x512xf32, #tpu.memory_space<vmem>>
    %dma_start3A_157 = arith.constant 0 : i32
    %dma_start3A_158 = tpu.memref_slice %arg2[%select_n3A, %add3A_151, %dma_start3A_157] : memref<16x512x512xf32, #tpu.memory_space<hbm>> -> memref<1x64x512xf32, #tpu.memory_space<hbm>>
    %dma_start3A_159 = tpu.memref_squeeze %dma_start3A_158 : memref<1x64x512xf32, #tpu.memory_space<hbm>> -> memref<64x512xf32, #tpu.memory_space<hbm>>
    %dma_start3A_160 = arith.constant 0 : i32
    %dma_start3A_161 = arith.constant 0 : i32
    %dma_start3A_162 = tpu.memref_slice %arg5[%dma_start3A_152, %dma_start3A_160, %dma_start3A_161] : memref<2x64x512xf32, #tpu.memory_space<vmem>> -> memref<1x64x512xf32, #tpu.memory_space<vmem>>
    %dma_start3A_163 = tpu.memref_squeeze %dma_start3A_162 : memref<1x64x512xf32, #tpu.memory_space<vmem>> -> memref<64x512xf32, #tpu.memory_space<vmem>>
    %dma_start3A_164 = arith.constant 0 : i32
    %dma_start3A_165 = tpu.memref_slice %arg2[%select_n3A, %add3A_151, %dma_start3A_164] : memref<16x512x512xf32, #tpu.memory_space<hbm>> -> memref<1x64x512xf32, #tpu.memory_space<hbm>>
    %dma_start3A_166 = tpu.memref_squeeze %dma_start3A_165 : memref<1x64x512xf32, #tpu.memory_space<hbm>> -> memref<64x512xf32, #tpu.memory_space<hbm>>
    tpu.enqueue_dma source(%dma_start3A_166 : memref<64x512xf32, #tpu.memory_space<hbm>>) target(%dma_start3A_163 : memref<64x512xf32, #tpu.memory_space<vmem>>) target_semaphore(%arg11 : memref<!tpu.dma_semaphore, #tpu.memory_space<semaphore_mem>>)
    %dma_wait3A_167 = arith.constant 0 : i32
    %dma_wait3A_168 = arith.constant 0 : i32
    %dma_wait3A_169 = arith.constant 0 : i32
    %dma_wait3A_170 = tpu.memref_slice %arg5[%dma_wait3A_167, %dma_wait3A_168, %dma_wait3A_169] : memref<2x64x512xf32, #tpu.memory_space<vmem>> -> memref<1x64x512xf32, #tpu.memory_space<vmem>>
    %dma_wait3A_171 = tpu.memref_squeeze %dma_wait3A_170 : memref<1x64x512xf32, #tpu.memory_space<vmem>> -> memref<64x512xf32, #tpu.memory_space<vmem>>
    %dma_wait3A_172 = arith.constant 0 : i32
    %dma_wait3A_173 = tpu.memref_slice %arg2[%select_n3A, %add3A_115, %dma_wait3A_172] : memref<16x512x512xf32, #tpu.memory_space<hbm>> -> memref<1x64x512xf32, #tpu.memory_space<hbm>>
    %dma_wait3A_174 = tpu.memref_squeeze %dma_wait3A_173 : memref<1x64x512xf32, #tpu.memory_space<hbm>> -> memref<64x512xf32, #tpu.memory_space<hbm>>
    %dma_wait3A_175 = arith.constant 0 : i32
    %dma_wait3A_176 = arith.constant 0 : i32
    %dma_wait3A_177 = tpu.memref_slice %arg5[%dma_wait3A_167, %dma_wait3A_175, %dma_wait3A_176] : memref<2x64x512xf32, #tpu.memory_space<vmem>> -> memref<1x64x512xf32, #tpu.memory_space<vmem>>
    %dma_wait3A_178 = tpu.memref_squeeze %dma_wait3A_177 : memref<1x64x512xf32, #tpu.memory_space<vmem>> -> memref<64x512xf32, #tpu.memory_space<vmem>>
    %dma_wait3A_179 = arith.constant 0 : i32
    %dma_wait3A_180 = tpu.memref_slice %arg2[%select_n3A, %add3A_115, %dma_wait3A_179] : memref<16x512x512xf32, #tpu.memory_space<hbm>> -> memref<1x64x512xf32, #tpu.memory_space<hbm>>
    %dma_wait3A_181 = tpu.memref_squeeze %dma_wait3A_180 : memref<1x64x512xf32, #tpu.memory_space<hbm>> -> memref<64x512xf32, #tpu.memory_space<hbm>>
    tpu.wait_dma2 semaphore(%arg10 : memref<!tpu.dma_semaphore, #tpu.memory_space<semaphore_mem>>) src(%dma_wait3A_181 : memref<64x512xf32, #tpu.memory_space<hbm>>) dst(%dma_wait3A_178 : memref<64x512xf32, #tpu.memory_space<vmem>>)
    %parallel_loop3A_182 = arith.constant 0 : i32
    %parallel_loop3A_183 = arith.constant 128 : i32
    %parallel_loop3A_184 = arith.constant 1 : i32
    %parallel_loop3A_185:16 = scf.for %parallel_loop3A_514 = %parallel_loop3A_182 to %parallel_loop3A_183 step %parallel_loop3A_184 iter_args(%parallel_loop3A_515 = %parallel_loop3A_149#0, %parallel_loop3A_516 = %parallel_loop3A_149#1, %parallel_loop3A_517 = %parallel_loop3A_149#2, %parallel_loop3A_518 = %parallel_loop3A_149#3, %parallel_loop3A_519 = %parallel_loop3A_149#4, %parallel_loop3A_520 = %parallel_loop3A_149#5, %parallel_loop3A_521 = %parallel_loop3A_149#6, %parallel_loop3A_522 = %parallel_loop3A_149#7, %parallel_loop3A_523 = %parallel_loop3A_149#8, %parallel_loop3A_524 = %parallel_loop3A_149#9, %parallel_loop3A_525 = %parallel_loop3A_149#10, %parallel_loop3A_526 = %parallel_loop3A_149#11, %parallel_loop3A_527 = %parallel_loop3A_149#12, %parallel_loop3A_528 = %parallel_loop3A_149#13, %parallel_loop3A_529 = %parallel_loop3A_149#14, %parallel_loop3A_530 = %parallel_loop3A_149#15) -> (vector<16xf32>, vector<16xf32>, vector<16xf32>, vector<16xf32>, vector<16xf32>, vector<16xf32>, vector<16xf32>, vector<16xf32>, vector<16xf32>, vector<16xf32>, vector<16xf32>, vector<16xf32>, vector<16xf32>, vector<16xf32>, vector<16xf32>, vector<16xf32>)  : i32 {
      %parallel_loop3A_531 = arith.constant 1 : i32
      %parallel_loop3A_532 = arith.shrsi %parallel_loop3A_514, %parallel_loop3A_531 : i32
      %parallel_loop3A_533 = arith.constant 1 : i32
      %parallel_loop3A_534 = arith.andi %parallel_loop3A_514, %parallel_loop3A_533 : i32
      %parallel_loop3A_535 = arith.constant 256 : i32
      %parallel_loop3A_536 = arith.muli %parallel_loop3A_534, %parallel_loop3A_535 : i32
      %parallel_loop3A_537 = arith.constant 0 : i32
      %parallel_loop3A_538 = arith.addi %parallel_loop3A_536, %parallel_loop3A_537 : i32
      %parallel_loop3A_539 = arith.constant 0 : i32
      %parallel_loop3A_540 = arith.index_cast %parallel_loop3A_539 : i32 to index
      %parallel_loop3A_541 = arith.index_cast %parallel_loop3A_532 : i32 to index
      %parallel_loop3A_542 = arith.index_cast %parallel_loop3A_538 : i32 to index
      %parallel_loop3A_543 = tpu.vector_load %arg5[%parallel_loop3A_540, %parallel_loop3A_541, %parallel_loop3A_542] {strides = array<i32>} : memref<2x64x512xf32, #tpu.memory_space<vmem>>, vector<16xf32>,
      %parallel_loop3A_544 = arith.minimumf %parallel_loop3A_515, %parallel_loop3A_543 : vector<16xf32>
      %parallel_loop3A_545 = arith.maximumf %parallel_loop3A_523, %parallel_loop3A_543 : vector<16xf32>
      %parallel_loop3A_546 = arith.constant 16 : i32
      %parallel_loop3A_547 = arith.addi %parallel_loop3A_536, %parallel_loop3A_546 : i32
      %parallel_loop3A_548 = arith.constant 0 : i32
      %parallel_loop3A_549 = arith.index_cast %parallel_loop3A_548 : i32 to index
      %parallel_loop3A_550 = arith.index_cast %parallel_loop3A_532 : i32 to index
      %parallel_loop3A_551 = arith.index_cast %parallel_loop3A_547 : i32 to index
      %parallel_loop3A_552 = tpu.vector_load %arg5[%parallel_loop3A_549, %parallel_loop3A_550, %parallel_loop3A_551] {strides = array<i32>} : memref<2x64x512xf32, #tpu.memory_space<vmem>>, vector<16xf32>,
      %parallel_loop3A_553 = arith.minimumf %parallel_loop3A_516, %parallel_loop3A_552 : vector<16xf32>
      %parallel_loop3A_554 = arith.maximumf %parallel_loop3A_524, %parallel_loop3A_552 : vector<16xf32>
      %parallel_loop3A_555 = arith.constant 32 : i32
      %parallel_loop3A_556 = arith.addi %parallel_loop3A_536, %parallel_loop3A_555 : i32
      %parallel_loop3A_557 = arith.constant 0 : i32
      %parallel_loop3A_558 = arith.index_cast %parallel_loop3A_557 : i32 to index
      %parallel_loop3A_559 = arith.index_cast %parallel_loop3A_532 : i32 to index
      %parallel_loop3A_560 = arith.index_cast %parallel_loop3A_556 : i32 to index
      %parallel_loop3A_561 = tpu.vector_load %arg5[%parallel_loop3A_558, %parallel_loop3A_559, %parallel_loop3A_560] {strides = array<i32>} : memref<2x64x512xf32, #tpu.memory_space<vmem>>, vector<16xf32>,
      %parallel_loop3A_562 = arith.minimumf %parallel_loop3A_517, %parallel_loop3A_561 : vector<16xf32>
      %parallel_loop3A_563 = arith.maximumf %parallel_loop3A_525, %parallel_loop3A_561 : vector<16xf32>
      %parallel_loop3A_564 = arith.constant 48 : i32
      %parallel_loop3A_565 = arith.addi %parallel_loop3A_536, %parallel_loop3A_564 : i32
      %parallel_loop3A_566 = arith.constant 0 : i32
      %parallel_loop3A_567 = arith.index_cast %parallel_loop3A_566 : i32 to index
      %parallel_loop3A_568 = arith.index_cast %parallel_loop3A_532 : i32 to index
      %parallel_loop3A_569 = arith.index_cast %parallel_loop3A_565 : i32 to index
      %parallel_loop3A_570 = tpu.vector_load %arg5[%parallel_loop3A_567, %parallel_loop3A_568, %parallel_loop3A_569] {strides = array<i32>} : memref<2x64x512xf32, #tpu.memory_space<vmem>>, vector<16xf32>,
      %parallel_loop3A_571 = arith.minimumf %parallel_loop3A_518, %parallel_loop3A_570 : vector<16xf32>
      %parallel_loop3A_572 = arith.maximumf %parallel_loop3A_526, %parallel_loop3A_570 : vector<16xf32>
      %parallel_loop3A_573 = arith.constant 64 : i32
      %parallel_loop3A_574 = arith.addi %parallel_loop3A_536, %parallel_loop3A_573 : i32
      %parallel_loop3A_575 = arith.constant 0 : i32
      %parallel_loop3A_576 = arith.index_cast %parallel_loop3A_575 : i32 to index
      %parallel_loop3A_577 = arith.index_cast %parallel_loop3A_532 : i32 to index
      %parallel_loop3A_578 = arith.index_cast %parallel_loop3A_574 : i32 to index
      %parallel_loop3A_579 = tpu.vector_load %arg5[%parallel_loop3A_576, %parallel_loop3A_577, %parallel_loop3A_578] {strides = array<i32>} : memref<2x64x512xf32, #tpu.memory_space<vmem>>, vector<16xf32>,
      %parallel_loop3A_580 = arith.minimumf %parallel_loop3A_519, %parallel_loop3A_579 : vector<16xf32>
      %parallel_loop3A_581 = arith.maximumf %parallel_loop3A_527, %parallel_loop3A_579 : vector<16xf32>
      %parallel_loop3A_582 = arith.constant 80 : i32
      %parallel_loop3A_583 = arith.addi %parallel_loop3A_536, %parallel_loop3A_582 : i32
      %parallel_loop3A_584 = arith.constant 0 : i32
      %parallel_loop3A_585 = arith.index_cast %parallel_loop3A_584 : i32 to index
      %parallel_loop3A_586 = arith.index_cast %parallel_loop3A_532 : i32 to index
      %parallel_loop3A_587 = arith.index_cast %parallel_loop3A_583 : i32 to index
      %parallel_loop3A_588 = tpu.vector_load %arg5[%parallel_loop3A_585, %parallel_loop3A_586, %parallel_loop3A_587] {strides = array<i32>} : memref<2x64x512xf32, #tpu.memory_space<vmem>>, vector<16xf32>,
      %parallel_loop3A_589 = arith.minimumf %parallel_loop3A_520, %parallel_loop3A_588 : vector<16xf32>
      %parallel_loop3A_590 = arith.maximumf %parallel_loop3A_528, %parallel_loop3A_588 : vector<16xf32>
      %parallel_loop3A_591 = arith.constant 96 : i32
      %parallel_loop3A_592 = arith.addi %parallel_loop3A_536, %parallel_loop3A_591 : i32
      %parallel_loop3A_593 = arith.constant 0 : i32
      %parallel_loop3A_594 = arith.index_cast %parallel_loop3A_593 : i32 to index
      %parallel_loop3A_595 = arith.index_cast %parallel_loop3A_532 : i32 to index
      %parallel_loop3A_596 = arith.index_cast %parallel_loop3A_592 : i32 to index
      %parallel_loop3A_597 = tpu.vector_load %arg5[%parallel_loop3A_594, %parallel_loop3A_595, %parallel_loop3A_596] {strides = array<i32>} : memref<2x64x512xf32, #tpu.memory_space<vmem>>, vector<16xf32>,
      %parallel_loop3A_598 = arith.minimumf %parallel_loop3A_521, %parallel_loop3A_597 : vector<16xf32>
      %parallel_loop3A_599 = arith.maximumf %parallel_loop3A_529, %parallel_loop3A_597 : vector<16xf32>
      %parallel_loop3A_600 = arith.constant 112 : i32
      %parallel_loop3A_601 = arith.addi %parallel_loop3A_536, %parallel_loop3A_600 : i32
      %parallel_loop3A_602 = arith.constant 0 : i32
      %parallel_loop3A_603 = arith.index_cast %parallel_loop3A_602 : i32 to index
      %parallel_loop3A_604 = arith.index_cast %parallel_loop3A_532 : i32 to index
      %parallel_loop3A_605 = arith.index_cast %parallel_loop3A_601 : i32 to index
      %parallel_loop3A_606 = tpu.vector_load %arg5[%parallel_loop3A_603, %parallel_loop3A_604, %parallel_loop3A_605] {strides = array<i32>} : memref<2x64x512xf32, #tpu.memory_space<vmem>>, vector<16xf32>,
      %parallel_loop3A_607 = arith.minimumf %parallel_loop3A_522, %parallel_loop3A_606 : vector<16xf32>
      %parallel_loop3A_608 = arith.maximumf %parallel_loop3A_530, %parallel_loop3A_606 : vector<16xf32>
      %parallel_loop3A_609 = arith.constant 128 : i32
      %parallel_loop3A_610 = arith.addi %parallel_loop3A_536, %parallel_loop3A_609 : i32
      %parallel_loop3A_611 = arith.constant 0 : i32
      %parallel_loop3A_612 = arith.index_cast %parallel_loop3A_611 : i32 to index
      %parallel_loop3A_613 = arith.index_cast %parallel_loop3A_532 : i32 to index
      %parallel_loop3A_614 = arith.index_cast %parallel_loop3A_610 : i32 to index
      %parallel_loop3A_615 = tpu.vector_load %arg5[%parallel_loop3A_612, %parallel_loop3A_613, %parallel_loop3A_614] {strides = array<i32>} : memref<2x64x512xf32, #tpu.memory_space<vmem>>, vector<16xf32>,
      %parallel_loop3A_616 = arith.minimumf %parallel_loop3A_544, %parallel_loop3A_615 : vector<16xf32>
      %parallel_loop3A_617 = arith.maximumf %parallel_loop3A_545, %parallel_loop3A_615 : vector<16xf32>
      %parallel_loop3A_618 = arith.constant 144 : i32
      %parallel_loop3A_619 = arith.addi %parallel_loop3A_536, %parallel_loop3A_618 : i32
      %parallel_loop3A_620 = arith.constant 0 : i32
      %parallel_loop3A_621 = arith.index_cast %parallel_loop3A_620 : i32 to index
      %parallel_loop3A_622 = arith.index_cast %parallel_loop3A_532 : i32 to index
      %parallel_loop3A_623 = arith.index_cast %parallel_loop3A_619 : i32 to index
      %parallel_loop3A_624 = tpu.vector_load %arg5[%parallel_loop3A_621, %parallel_loop3A_622, %parallel_loop3A_623] {strides = array<i32>} : memref<2x64x512xf32, #tpu.memory_space<vmem>>, vector<16xf32>,
      %parallel_loop3A_625 = arith.minimumf %parallel_loop3A_553, %parallel_loop3A_624 : vector<16xf32>
      %parallel_loop3A_626 = arith.maximumf %parallel_loop3A_554, %parallel_loop3A_624 : vector<16xf32>
      %parallel_loop3A_627 = arith.constant 160 : i32
      %parallel_loop3A_628 = arith.addi %parallel_loop3A_536, %parallel_loop3A_627 : i32
      %parallel_loop3A_629 = arith.constant 0 : i32
      %parallel_loop3A_630 = arith.index_cast %parallel_loop3A_629 : i32 to index
      %parallel_loop3A_631 = arith.index_cast %parallel_loop3A_532 : i32 to index
      %parallel_loop3A_632 = arith.index_cast %parallel_loop3A_628 : i32 to index
      %parallel_loop3A_633 = tpu.vector_load %arg5[%parallel_loop3A_630, %parallel_loop3A_631, %parallel_loop3A_632] {strides = array<i32>} : memref<2x64x512xf32, #tpu.memory_space<vmem>>, vector<16xf32>,
      %parallel_loop3A_634 = arith.minimumf %parallel_loop3A_562, %parallel_loop3A_633 : vector<16xf32>
      %parallel_loop3A_635 = arith.maximumf %parallel_loop3A_563, %parallel_loop3A_633 : vector<16xf32>
      %parallel_loop3A_636 = arith.constant 176 : i32
      %parallel_loop3A_637 = arith.addi %parallel_loop3A_536, %parallel_loop3A_636 : i32
      %parallel_loop3A_638 = arith.constant 0 : i32
      %parallel_loop3A_639 = arith.index_cast %parallel_loop3A_638 : i32 to index
      %parallel_loop3A_640 = arith.index_cast %parallel_loop3A_532 : i32 to index
      %parallel_loop3A_641 = arith.index_cast %parallel_loop3A_637 : i32 to index
      %parallel_loop3A_642 = tpu.vector_load %arg5[%parallel_loop3A_639, %parallel_loop3A_640, %parallel_loop3A_641] {strides = array<i32>} : memref<2x64x512xf32, #tpu.memory_space<vmem>>, vector<16xf32>,
      %parallel_loop3A_643 = arith.minimumf %parallel_loop3A_571, %parallel_loop3A_642 : vector<16xf32>
      %parallel_loop3A_644 = arith.maximumf %parallel_loop3A_572, %parallel_loop3A_642 : vector<16xf32>
      %parallel_loop3A_645 = arith.constant 192 : i32
      %parallel_loop3A_646 = arith.addi %parallel_loop3A_536, %parallel_loop3A_645 : i32
      %parallel_loop3A_647 = arith.constant 0 : i32
      %parallel_loop3A_648 = arith.index_cast %parallel_loop3A_647 : i32 to index
      %parallel_loop3A_649 = arith.index_cast %parallel_loop3A_532 : i32 to index
      %parallel_loop3A_650 = arith.index_cast %parallel_loop3A_646 : i32 to index
      %parallel_loop3A_651 = tpu.vector_load %arg5[%parallel_loop3A_648, %parallel_loop3A_649, %parallel_loop3A_650] {strides = array<i32>} : memref<2x64x512xf32, #tpu.memory_space<vmem>>, vector<16xf32>,
      %parallel_loop3A_652 = arith.minimumf %parallel_loop3A_580, %parallel_loop3A_651 : vector<16xf32>
      %parallel_loop3A_653 = arith.maximumf %parallel_loop3A_581, %parallel_loop3A_651 : vector<16xf32>
      %parallel_loop3A_654 = arith.constant 208 : i32
      %parallel_loop3A_655 = arith.addi %parallel_loop3A_536, %parallel_loop3A_654 : i32
      %parallel_loop3A_656 = arith.constant 0 : i32
      %parallel_loop3A_657 = arith.index_cast %parallel_loop3A_656 : i32 to index
      %parallel_loop3A_658 = arith.index_cast %parallel_loop3A_532 : i32 to index
      %parallel_loop3A_659 = arith.index_cast %parallel_loop3A_655 : i32 to index
      %parallel_loop3A_660 = tpu.vector_load %arg5[%parallel_loop3A_657, %parallel_loop3A_658, %parallel_loop3A_659] {strides = array<i32>} : memref<2x64x512xf32, #tpu.memory_space<vmem>>, vector<16xf32>,
      %parallel_loop3A_661 = arith.minimumf %parallel_loop3A_589, %parallel_loop3A_660 : vector<16xf32>
      %parallel_loop3A_662 = arith.maximumf %parallel_loop3A_590, %parallel_loop3A_660 : vector<16xf32>
      %parallel_loop3A_663 = arith.constant 224 : i32
      %parallel_loop3A_664 = arith.addi %parallel_loop3A_536, %parallel_loop3A_663 : i32
      %parallel_loop3A_665 = arith.constant 0 : i32
      %parallel_loop3A_666 = arith.index_cast %parallel_loop3A_665 : i32 to index
      %parallel_loop3A_667 = arith.index_cast %parallel_loop3A_532 : i32 to index
      %parallel_loop3A_668 = arith.index_cast %parallel_loop3A_664 : i32 to index
      %parallel_loop3A_669 = tpu.vector_load %arg5[%parallel_loop3A_666, %parallel_loop3A_667, %parallel_loop3A_668] {strides = array<i32>} : memref<2x64x512xf32, #tpu.memory_space<vmem>>, vector<16xf32>,
      %parallel_loop3A_670 = arith.minimumf %parallel_loop3A_598, %parallel_loop3A_669 : vector<16xf32>
      %parallel_loop3A_671 = arith.maximumf %parallel_loop3A_599, %parallel_loop3A_669 : vector<16xf32>
      %parallel_loop3A_672 = arith.constant 240 : i32
      %parallel_loop3A_673 = arith.addi %parallel_loop3A_536, %parallel_loop3A_672 : i32
      %parallel_loop3A_674 = arith.constant 0 : i32
      %parallel_loop3A_675 = arith.index_cast %parallel_loop3A_674 : i32 to index
      %parallel_loop3A_676 = arith.index_cast %parallel_loop3A_532 : i32 to index
      %parallel_loop3A_677 = arith.index_cast %parallel_loop3A_673 : i32 to index
      %parallel_loop3A_678 = tpu.vector_load %arg5[%parallel_loop3A_675, %parallel_loop3A_676, %parallel_loop3A_677] {strides = array<i32>} : memref<2x64x512xf32, #tpu.memory_space<vmem>>, vector<16xf32>,
      %parallel_loop3A_679 = arith.minimumf %parallel_loop3A_607, %parallel_loop3A_678 : vector<16xf32>
      %parallel_loop3A_680 = arith.maximumf %parallel_loop3A_608, %parallel_loop3A_678 : vector<16xf32>
      scf.yield %parallel_loop3A_616, %parallel_loop3A_625, %parallel_loop3A_634, %parallel_loop3A_643, %parallel_loop3A_652, %parallel_loop3A_661, %parallel_loop3A_670, %parallel_loop3A_679, %parallel_loop3A_617, %parallel_loop3A_626, %parallel_loop3A_635, %parallel_loop3A_644, %parallel_loop3A_653, %parallel_loop3A_662, %parallel_loop3A_671, %parallel_loop3A_680 : vector<16xf32>, vector<16xf32>, vector<16xf32>, vector<16xf32>, vector<16xf32>, vector<16xf32>, vector<16xf32>, vector<16xf32>, vector<16xf32>, vector<16xf32>, vector<16xf32>, vector<16xf32>, vector<16xf32>, vector<16xf32>, vector<16xf32>, vector<16xf32>
    } {sc.loop_unroll_factor = 1 : i64, sc.parallel_access}
    %dma_wait3A_186 = arith.constant 1 : i32
    %dma_wait3A_187 = arith.constant 0 : i32
    %dma_wait3A_188 = arith.constant 0 : i32
    %dma_wait3A_189 = tpu.memref_slice %arg5[%dma_wait3A_186, %dma_wait3A_187, %dma_wait3A_188] : memref<2x64x512xf32, #tpu.memory_space<vmem>> -> memref<1x64x512xf32, #tpu.memory_space<vmem>>
    %dma_wait3A_190 = tpu.memref_squeeze %dma_wait3A_189 : memref<1x64x512xf32, #tpu.memory_space<vmem>> -> memref<64x512xf32, #tpu.memory_space<vmem>>
    %dma_wait3A_191 = arith.constant 0 : i32
    %dma_wait3A_192 = tpu.memref_slice %arg2[%select_n3A, %add3A_151, %dma_wait3A_191] : memref<16x512x512xf32, #tpu.memory_space<hbm>> -> memref<1x64x512xf32, #tpu.memory_space<hbm>>
    %dma_wait3A_193 = tpu.memref_squeeze %dma_wait3A_192 : memref<1x64x512xf32, #tpu.memory_space<hbm>> -> memref<64x512xf32, #tpu.memory_space<hbm>>
    %dma_wait3A_194 = arith.constant 0 : i32
    %dma_wait3A_195 = arith.constant 0 : i32
    %dma_wait3A_196 = tpu.memref_slice %arg5[%dma_wait3A_186, %dma_wait3A_194, %dma_wait3A_195] : memref<2x64x512xf32, #tpu.memory_space<vmem>> -> memref<1x64x512xf32, #tpu.memory_space<vmem>>
    %dma_wait3A_197 = tpu.memref_squeeze %dma_wait3A_196 : memref<1x64x512xf32, #tpu.memory_space<vmem>> -> memref<64x512xf32, #tpu.memory_space<vmem>>
    %dma_wait3A_198 = arith.constant 0 : i32
    %dma_wait3A_199 = tpu.memref_slice %arg2[%select_n3A, %add3A_151, %dma_wait3A_198] : memref<16x512x512xf32, #tpu.memory_space<hbm>> -> memref<1x64x512xf32, #tpu.memory_space<hbm>>
    %dma_wait3A_200 = tpu.memref_squeeze %dma_wait3A_199 : memref<1x64x512xf32, #tpu.memory_space<hbm>> -> memref<64x512xf32, #tpu.memory_space<hbm>>
    tpu.wait_dma2 semaphore(%arg11 : memref<!tpu.dma_semaphore, #tpu.memory_space<semaphore_mem>>) src(%dma_wait3A_200 : memref<64x512xf32, #tpu.memory_space<hbm>>) dst(%dma_wait3A_197 : memref<64x512xf32, #tpu.memory_space<vmem>>)
    %parallel_loop3A_201 = arith.constant 0 : i32
    %parallel_loop3A_202 = arith.constant 128 : i32
    %parallel_loop3A_203 = arith.constant 1 : i32
    %parallel_loop3A_204:16 = scf.for %parallel_loop3A_514 = %parallel_loop3A_201 to %parallel_loop3A_202 step %parallel_loop3A_203 iter_args(%parallel_loop3A_515 = %parallel_loop3A_185#0, %parallel_loop3A_516 = %parallel_loop3A_185#1, %parallel_loop3A_517 = %parallel_loop3A_185#2, %parallel_loop3A_518 = %parallel_loop3A_185#3, %parallel_loop3A_519 = %parallel_loop3A_185#4, %parallel_loop3A_520 = %parallel_loop3A_185#5, %parallel_loop3A_521 = %parallel_loop3A_185#6, %parallel_loop3A_522 = %parallel_loop3A_185#7, %parallel_loop3A_523 = %parallel_loop3A_185#8, %parallel_loop3A_524 = %parallel_loop3A_185#9, %parallel_loop3A_525 = %parallel_loop3A_185#10, %parallel_loop3A_526 = %parallel_loop3A_185#11, %parallel_loop3A_527 = %parallel_loop3A_185#12, %parallel_loop3A_528 = %parallel_loop3A_185#13, %parallel_loop3A_529 = %parallel_loop3A_185#14, %parallel_loop3A_530 = %parallel_loop3A_185#15) -> (vector<16xf32>, vector<16xf32>, vector<16xf32>, vector<16xf32>, vector<16xf32>, vector<16xf32>, vector<16xf32>, vector<16xf32>, vector<16xf32>, vector<16xf32>, vector<16xf32>, vector<16xf32>, vector<16xf32>, vector<16xf32>, vector<16xf32>, vector<16xf32>)  : i32 {
      %parallel_loop3A_531 = arith.constant 1 : i32
      %parallel_loop3A_532 = arith.shrsi %parallel_loop3A_514, %parallel_loop3A_531 : i32
      %parallel_loop3A_533 = arith.constant 1 : i32
      %parallel_loop3A_534 = arith.andi %parallel_loop3A_514, %parallel_loop3A_533 : i32
      %parallel_loop3A_535 = arith.constant 256 : i32
      %parallel_loop3A_536 = arith.muli %parallel_loop3A_534, %parallel_loop3A_535 : i32
      %parallel_loop3A_537 = arith.constant 0 : i32
      %parallel_loop3A_538 = arith.addi %parallel_loop3A_536, %parallel_loop3A_537 : i32
      %parallel_loop3A_539 = arith.constant 1 : i32
      %parallel_loop3A_540 = arith.index_cast %parallel_loop3A_539 : i32 to index
      %parallel_loop3A_541 = arith.index_cast %parallel_loop3A_532 : i32 to index
      %parallel_loop3A_542 = arith.index_cast %parallel_loop3A_538 : i32 to index
      %parallel_loop3A_543 = tpu.vector_load %arg5[%parallel_loop3A_540, %parallel_loop3A_541, %parallel_loop3A_542] {strides = array<i32>} : memref<2x64x512xf32, #tpu.memory_space<vmem>>, vector<16xf32>,
      %parallel_loop3A_544 = arith.minimumf %parallel_loop3A_515, %parallel_loop3A_543 : vector<16xf32>
      %parallel_loop3A_545 = arith.maximumf %parallel_loop3A_523, %parallel_loop3A_543 : vector<16xf32>
      %parallel_loop3A_546 = arith.constant 16 : i32
      %parallel_loop3A_547 = arith.addi %parallel_loop3A_536, %parallel_loop3A_546 : i32
      %parallel_loop3A_548 = arith.constant 1 : i32
      %parallel_loop3A_549 = arith.index_cast %parallel_loop3A_548 : i32 to index
      %parallel_loop3A_550 = arith.index_cast %parallel_loop3A_532 : i32 to index
      %parallel_loop3A_551 = arith.index_cast %parallel_loop3A_547 : i32 to index
      %parallel_loop3A_552 = tpu.vector_load %arg5[%parallel_loop3A_549, %parallel_loop3A_550, %parallel_loop3A_551] {strides = array<i32>} : memref<2x64x512xf32, #tpu.memory_space<vmem>>, vector<16xf32>,
      %parallel_loop3A_553 = arith.minimumf %parallel_loop3A_516, %parallel_loop3A_552 : vector<16xf32>
      %parallel_loop3A_554 = arith.maximumf %parallel_loop3A_524, %parallel_loop3A_552 : vector<16xf32>
      %parallel_loop3A_555 = arith.constant 32 : i32
      %parallel_loop3A_556 = arith.addi %parallel_loop3A_536, %parallel_loop3A_555 : i32
      %parallel_loop3A_557 = arith.constant 1 : i32
      %parallel_loop3A_558 = arith.index_cast %parallel_loop3A_557 : i32 to index
      %parallel_loop3A_559 = arith.index_cast %parallel_loop3A_532 : i32 to index
      %parallel_loop3A_560 = arith.index_cast %parallel_loop3A_556 : i32 to index
      %parallel_loop3A_561 = tpu.vector_load %arg5[%parallel_loop3A_558, %parallel_loop3A_559, %parallel_loop3A_560] {strides = array<i32>} : memref<2x64x512xf32, #tpu.memory_space<vmem>>, vector<16xf32>,
      %parallel_loop3A_562 = arith.minimumf %parallel_loop3A_517, %parallel_loop3A_561 : vector<16xf32>
      %parallel_loop3A_563 = arith.maximumf %parallel_loop3A_525, %parallel_loop3A_561 : vector<16xf32>
      %parallel_loop3A_564 = arith.constant 48 : i32
      %parallel_loop3A_565 = arith.addi %parallel_loop3A_536, %parallel_loop3A_564 : i32
      %parallel_loop3A_566 = arith.constant 1 : i32
      %parallel_loop3A_567 = arith.index_cast %parallel_loop3A_566 : i32 to index
      %parallel_loop3A_568 = arith.index_cast %parallel_loop3A_532 : i32 to index
      %parallel_loop3A_569 = arith.index_cast %parallel_loop3A_565 : i32 to index
      %parallel_loop3A_570 = tpu.vector_load %arg5[%parallel_loop3A_567, %parallel_loop3A_568, %parallel_loop3A_569] {strides = array<i32>} : memref<2x64x512xf32, #tpu.memory_space<vmem>>, vector<16xf32>,
      %parallel_loop3A_571 = arith.minimumf %parallel_loop3A_518, %parallel_loop3A_570 : vector<16xf32>
      %parallel_loop3A_572 = arith.maximumf %parallel_loop3A_526, %parallel_loop3A_570 : vector<16xf32>
      %parallel_loop3A_573 = arith.constant 64 : i32
      %parallel_loop3A_574 = arith.addi %parallel_loop3A_536, %parallel_loop3A_573 : i32
      %parallel_loop3A_575 = arith.constant 1 : i32
      %parallel_loop3A_576 = arith.index_cast %parallel_loop3A_575 : i32 to index
      %parallel_loop3A_577 = arith.index_cast %parallel_loop3A_532 : i32 to index
      %parallel_loop3A_578 = arith.index_cast %parallel_loop3A_574 : i32 to index
      %parallel_loop3A_579 = tpu.vector_load %arg5[%parallel_loop3A_576, %parallel_loop3A_577, %parallel_loop3A_578] {strides = array<i32>} : memref<2x64x512xf32, #tpu.memory_space<vmem>>, vector<16xf32>,
      %parallel_loop3A_580 = arith.minimumf %parallel_loop3A_519, %parallel_loop3A_579 : vector<16xf32>
      %parallel_loop3A_581 = arith.maximumf %parallel_loop3A_527, %parallel_loop3A_579 : vector<16xf32>
      %parallel_loop3A_582 = arith.constant 80 : i32
      %parallel_loop3A_583 = arith.addi %parallel_loop3A_536, %parallel_loop3A_582 : i32
      %parallel_loop3A_584 = arith.constant 1 : i32
      %parallel_loop3A_585 = arith.index_cast %parallel_loop3A_584 : i32 to index
      %parallel_loop3A_586 = arith.index_cast %parallel_loop3A_532 : i32 to index
      %parallel_loop3A_587 = arith.index_cast %parallel_loop3A_583 : i32 to index
      %parallel_loop3A_588 = tpu.vector_load %arg5[%parallel_loop3A_585, %parallel_loop3A_586, %parallel_loop3A_587] {strides = array<i32>} : memref<2x64x512xf32, #tpu.memory_space<vmem>>, vector<16xf32>,
      %parallel_loop3A_589 = arith.minimumf %parallel_loop3A_520, %parallel_loop3A_588 : vector<16xf32>
      %parallel_loop3A_590 = arith.maximumf %parallel_loop3A_528, %parallel_loop3A_588 : vector<16xf32>
      %parallel_loop3A_591 = arith.constant 96 : i32
      %parallel_loop3A_592 = arith.addi %parallel_loop3A_536, %parallel_loop3A_591 : i32
      %parallel_loop3A_593 = arith.constant 1 : i32
      %parallel_loop3A_594 = arith.index_cast %parallel_loop3A_593 : i32 to index
      %parallel_loop3A_595 = arith.index_cast %parallel_loop3A_532 : i32 to index
      %parallel_loop3A_596 = arith.index_cast %parallel_loop3A_592 : i32 to index
      %parallel_loop3A_597 = tpu.vector_load %arg5[%parallel_loop3A_594, %parallel_loop3A_595, %parallel_loop3A_596] {strides = array<i32>} : memref<2x64x512xf32, #tpu.memory_space<vmem>>, vector<16xf32>,
      %parallel_loop3A_598 = arith.minimumf %parallel_loop3A_521, %parallel_loop3A_597 : vector<16xf32>
      %parallel_loop3A_599 = arith.maximumf %parallel_loop3A_529, %parallel_loop3A_597 : vector<16xf32>
      %parallel_loop3A_600 = arith.constant 112 : i32
      %parallel_loop3A_601 = arith.addi %parallel_loop3A_536, %parallel_loop3A_600 : i32
      %parallel_loop3A_602 = arith.constant 1 : i32
      %parallel_loop3A_603 = arith.index_cast %parallel_loop3A_602 : i32 to index
      %parallel_loop3A_604 = arith.index_cast %parallel_loop3A_532 : i32 to index
      %parallel_loop3A_605 = arith.index_cast %parallel_loop3A_601 : i32 to index
      %parallel_loop3A_606 = tpu.vector_load %arg5[%parallel_loop3A_603, %parallel_loop3A_604, %parallel_loop3A_605] {strides = array<i32>} : memref<2x64x512xf32, #tpu.memory_space<vmem>>, vector<16xf32>,
      %parallel_loop3A_607 = arith.minimumf %parallel_loop3A_522, %parallel_loop3A_606 : vector<16xf32>
      %parallel_loop3A_608 = arith.maximumf %parallel_loop3A_530, %parallel_loop3A_606 : vector<16xf32>
      %parallel_loop3A_609 = arith.constant 128 : i32
      %parallel_loop3A_610 = arith.addi %parallel_loop3A_536, %parallel_loop3A_609 : i32
      %parallel_loop3A_611 = arith.constant 1 : i32
      %parallel_loop3A_612 = arith.index_cast %parallel_loop3A_611 : i32 to index
      %parallel_loop3A_613 = arith.index_cast %parallel_loop3A_532 : i32 to index
      %parallel_loop3A_614 = arith.index_cast %parallel_loop3A_610 : i32 to index
      %parallel_loop3A_615 = tpu.vector_load %arg5[%parallel_loop3A_612, %parallel_loop3A_613, %parallel_loop3A_614] {strides = array<i32>} : memref<2x64x512xf32, #tpu.memory_space<vmem>>, vector<16xf32>,
      %parallel_loop3A_616 = arith.minimumf %parallel_loop3A_544, %parallel_loop3A_615 : vector<16xf32>
      %parallel_loop3A_617 = arith.maximumf %parallel_loop3A_545, %parallel_loop3A_615 : vector<16xf32>
      %parallel_loop3A_618 = arith.constant 144 : i32
      %parallel_loop3A_619 = arith.addi %parallel_loop3A_536, %parallel_loop3A_618 : i32
      %parallel_loop3A_620 = arith.constant 1 : i32
      %parallel_loop3A_621 = arith.index_cast %parallel_loop3A_620 : i32 to index
      %parallel_loop3A_622 = arith.index_cast %parallel_loop3A_532 : i32 to index
      %parallel_loop3A_623 = arith.index_cast %parallel_loop3A_619 : i32 to index
      %parallel_loop3A_624 = tpu.vector_load %arg5[%parallel_loop3A_621, %parallel_loop3A_622, %parallel_loop3A_623] {strides = array<i32>} : memref<2x64x512xf32, #tpu.memory_space<vmem>>, vector<16xf32>,
      %parallel_loop3A_625 = arith.minimumf %parallel_loop3A_553, %parallel_loop3A_624 : vector<16xf32>
      %parallel_loop3A_626 = arith.maximumf %parallel_loop3A_554, %parallel_loop3A_624 : vector<16xf32>
      %parallel_loop3A_627 = arith.constant 160 : i32
      %parallel_loop3A_628 = arith.addi %parallel_loop3A_536, %parallel_loop3A_627 : i32
      %parallel_loop3A_629 = arith.constant 1 : i32
      %parallel_loop3A_630 = arith.index_cast %parallel_loop3A_629 : i32 to index
      %parallel_loop3A_631 = arith.index_cast %parallel_loop3A_532 : i32 to index
      %parallel_loop3A_632 = arith.index_cast %parallel_loop3A_628 : i32 to index
      %parallel_loop3A_633 = tpu.vector_load %arg5[%parallel_loop3A_630, %parallel_loop3A_631, %parallel_loop3A_632] {strides = array<i32>} : memref<2x64x512xf32, #tpu.memory_space<vmem>>, vector<16xf32>,
      %parallel_loop3A_634 = arith.minimumf %parallel_loop3A_562, %parallel_loop3A_633 : vector<16xf32>
      %parallel_loop3A_635 = arith.maximumf %parallel_loop3A_563, %parallel_loop3A_633 : vector<16xf32>
      %parallel_loop3A_636 = arith.constant 176 : i32
      %parallel_loop3A_637 = arith.addi %parallel_loop3A_536, %parallel_loop3A_636 : i32
      %parallel_loop3A_638 = arith.constant 1 : i32
      %parallel_loop3A_639 = arith.index_cast %parallel_loop3A_638 : i32 to index
      %parallel_loop3A_640 = arith.index_cast %parallel_loop3A_532 : i32 to index
      %parallel_loop3A_641 = arith.index_cast %parallel_loop3A_637 : i32 to index
      %parallel_loop3A_642 = tpu.vector_load %arg5[%parallel_loop3A_639, %parallel_loop3A_640, %parallel_loop3A_641] {strides = array<i32>} : memref<2x64x512xf32, #tpu.memory_space<vmem>>, vector<16xf32>,
      %parallel_loop3A_643 = arith.minimumf %parallel_loop3A_571, %parallel_loop3A_642 : vector<16xf32>
      %parallel_loop3A_644 = arith.maximumf %parallel_loop3A_572, %parallel_loop3A_642 : vector<16xf32>
      %parallel_loop3A_645 = arith.constant 192 : i32
      %parallel_loop3A_646 = arith.addi %parallel_loop3A_536, %parallel_loop3A_645 : i32
      %parallel_loop3A_647 = arith.constant 1 : i32
      %parallel_loop3A_648 = arith.index_cast %parallel_loop3A_647 : i32 to index
      %parallel_loop3A_649 = arith.index_cast %parallel_loop3A_532 : i32 to index
      %parallel_loop3A_650 = arith.index_cast %parallel_loop3A_646 : i32 to index
      %parallel_loop3A_651 = tpu.vector_load %arg5[%parallel_loop3A_648, %parallel_loop3A_649, %parallel_loop3A_650] {strides = array<i32>} : memref<2x64x512xf32, #tpu.memory_space<vmem>>, vector<16xf32>,
      %parallel_loop3A_652 = arith.minimumf %parallel_loop3A_580, %parallel_loop3A_651 : vector<16xf32>
      %parallel_loop3A_653 = arith.maximumf %parallel_loop3A_581, %parallel_loop3A_651 : vector<16xf32>
      %parallel_loop3A_654 = arith.constant 208 : i32
      %parallel_loop3A_655 = arith.addi %parallel_loop3A_536, %parallel_loop3A_654 : i32
      %parallel_loop3A_656 = arith.constant 1 : i32
      %parallel_loop3A_657 = arith.index_cast %parallel_loop3A_656 : i32 to index
      %parallel_loop3A_658 = arith.index_cast %parallel_loop3A_532 : i32 to index
      %parallel_loop3A_659 = arith.index_cast %parallel_loop3A_655 : i32 to index
      %parallel_loop3A_660 = tpu.vector_load %arg5[%parallel_loop3A_657, %parallel_loop3A_658, %parallel_loop3A_659] {strides = array<i32>} : memref<2x64x512xf32, #tpu.memory_space<vmem>>, vector<16xf32>,
      %parallel_loop3A_661 = arith.minimumf %parallel_loop3A_589, %parallel_loop3A_660 : vector<16xf32>
      %parallel_loop3A_662 = arith.maximumf %parallel_loop3A_590, %parallel_loop3A_660 : vector<16xf32>
      %parallel_loop3A_663 = arith.constant 224 : i32
      %parallel_loop3A_664 = arith.addi %parallel_loop3A_536, %parallel_loop3A_663 : i32
      %parallel_loop3A_665 = arith.constant 1 : i32
      %parallel_loop3A_666 = arith.index_cast %parallel_loop3A_665 : i32 to index
      %parallel_loop3A_667 = arith.index_cast %parallel_loop3A_532 : i32 to index
      %parallel_loop3A_668 = arith.index_cast %parallel_loop3A_664 : i32 to index
      %parallel_loop3A_669 = tpu.vector_load %arg5[%parallel_loop3A_666, %parallel_loop3A_667, %parallel_loop3A_668] {strides = array<i32>} : memref<2x64x512xf32, #tpu.memory_space<vmem>>, vector<16xf32>,
      %parallel_loop3A_670 = arith.minimumf %parallel_loop3A_598, %parallel_loop3A_669 : vector<16xf32>
      %parallel_loop3A_671 = arith.maximumf %parallel_loop3A_599, %parallel_loop3A_669 : vector<16xf32>
      %parallel_loop3A_672 = arith.constant 240 : i32
      %parallel_loop3A_673 = arith.addi %parallel_loop3A_536, %parallel_loop3A_672 : i32
      %parallel_loop3A_674 = arith.constant 1 : i32
      %parallel_loop3A_675 = arith.index_cast %parallel_loop3A_674 : i32 to index
      %parallel_loop3A_676 = arith.index_cast %parallel_loop3A_532 : i32 to index
      %parallel_loop3A_677 = arith.index_cast %parallel_loop3A_673 : i32 to index
      %parallel_loop3A_678 = tpu.vector_load %arg5[%parallel_loop3A_675, %parallel_loop3A_676, %parallel_loop3A_677] {strides = array<i32>} : memref<2x64x512xf32, #tpu.memory_space<vmem>>, vector<16xf32>,
      %parallel_loop3A_679 = arith.minimumf %parallel_loop3A_607, %parallel_loop3A_678 : vector<16xf32>
      %parallel_loop3A_680 = arith.maximumf %parallel_loop3A_608, %parallel_loop3A_678 : vector<16xf32>
      scf.yield %parallel_loop3A_616, %parallel_loop3A_625, %parallel_loop3A_634, %parallel_loop3A_643, %parallel_loop3A_652, %parallel_loop3A_661, %parallel_loop3A_670, %parallel_loop3A_679, %parallel_loop3A_617, %parallel_loop3A_626, %parallel_loop3A_635, %parallel_loop3A_644, %parallel_loop3A_653, %parallel_loop3A_662, %parallel_loop3A_671, %parallel_loop3A_680 : vector<16xf32>, vector<16xf32>, vector<16xf32>, vector<16xf32>, vector<16xf32>, vector<16xf32>, vector<16xf32>, vector<16xf32>, vector<16xf32>, vector<16xf32>, vector<16xf32>, vector<16xf32>, vector<16xf32>, vector<16xf32>, vector<16xf32>, vector<16xf32>
    } {sc.loop_unroll_factor = 1 : i64, sc.parallel_access}
    %min3A = arith.minimumf %parallel_loop3A_204#0, %parallel_loop3A_204#1 : vector<16xf32>
    %min3A_205 = arith.minimumf %min3A, %parallel_loop3A_204#2 : vector<16xf32>
    %min3A_206 = arith.minimumf %min3A_205, %parallel_loop3A_204#3 : vector<16xf32>
    %min3A_207 = arith.minimumf %min3A_206, %parallel_loop3A_204#4 : vector<16xf32>
    %min3A_208 = arith.minimumf %min3A_207, %parallel_loop3A_204#5 : vector<16xf32>
    %min3A_209 = arith.minimumf %min3A_208, %parallel_loop3A_204#6 : vector<16xf32>
    %min3A_210 = arith.minimumf %min3A_209, %parallel_loop3A_204#7 : vector<16xf32>
    %max3A = arith.maximumf %parallel_loop3A_204#8, %parallel_loop3A_204#9 : vector<16xf32>
    %max3A_211 = arith.maximumf %max3A, %parallel_loop3A_204#10 : vector<16xf32>
    %max3A_212 = arith.maximumf %max3A_211, %parallel_loop3A_204#11 : vector<16xf32>
    %max3A_213 = arith.maximumf %max3A_212, %parallel_loop3A_204#12 : vector<16xf32>
    %max3A_214 = arith.maximumf %max3A_213, %parallel_loop3A_204#13 : vector<16xf32>
    %max3A_215 = arith.maximumf %max3A_214, %parallel_loop3A_204#14 : vector<16xf32>
    %max3A_216 = arith.maximumf %max3A_215, %parallel_loop3A_204#15 : vector<16xf32>
    %swap3A = arith.constant 0 : index
    %swap3A_217 = tpu.vector_load %arg7[%swap3A] {strides = array<i32>} : memref<32xf32, #tpu.memory_space<vmem>>, vector<16xf32>,
    tpu.vector_store %arg7[%swap3A], %min3A_210 {strides = array<i32>} : memref<32xf32, #tpu.memory_space<vmem>>, vector<16xf32>,
    %swap3A_218 = arith.constant 16 : index
    %swap3A_219 = tpu.vector_load %arg7[%swap3A_218] {strides = array<i32>} : memref<32xf32, #tpu.memory_space<vmem>>, vector<16xf32>,
    tpu.vector_store %arg7[%swap3A_218], %max3A_216 {strides = array<i32>} : memref<32xf32, #tpu.memory_space<vmem>>, vector<16xf32>,
    %mul3A_220 = arith.constant 2 : i32
    %mul3A_221 = arith.muli %add3A, %mul3A_220 : i32
    %mul3A_222 = arith.constant 16 : i32
    %mul3A_223 = arith.muli %mul3A_221, %mul3A_222 : i32
    "tpu.region"() ({
      %run_scoped3A = tpu.sem_alloc : memref<!tpu.dma_semaphore, #tpu.memory_space<semaphore_mem>>
      %dma_start3A_514 = tpu.memref_slice %arg3[%mul3A_223] : memref<1024xf32, #tpu.memory_space<hbm>> -> memref<32xf32, #tpu.memory_space<hbm>>
      %dma_start3A_515 = tpu.memref_slice %arg3[%mul3A_223] : memref<1024xf32, #tpu.memory_space<hbm>> -> memref<32xf32, #tpu.memory_space<hbm>>
      tpu.enqueue_dma source(%arg7 : memref<32xf32, #tpu.memory_space<vmem>>) target(%dma_start3A_515 : memref<32xf32, #tpu.memory_space<hbm>>) target_semaphore(%run_scoped3A : memref<!tpu.dma_semaphore, #tpu.memory_space<semaphore_mem>>)
      %dma_wait3A_516 = tpu.memref_slice %arg3[%mul3A_223] : memref<1024xf32, #tpu.memory_space<hbm>> -> memref<32xf32, #tpu.memory_space<hbm>>
      %dma_wait3A_517 = tpu.memref_slice %arg3[%mul3A_223] : memref<1024xf32, #tpu.memory_space<hbm>> -> memref<32xf32, #tpu.memory_space<hbm>>
      tpu.wait_dma2 semaphore(%run_scoped3A : memref<!tpu.dma_semaphore, #tpu.memory_space<semaphore_mem>>) src(%arg7 : memref<32xf32, #tpu.memory_space<vmem>>) dst(%dma_wait3A_517 : memref<32xf32, #tpu.memory_space<hbm>>)
      tpu.yield
    }) : () -> ()
    "tpu.region"() ({
      %run_scoped3A = tpu.sem_alloc : memref<!tpu.dma_semaphore, #tpu.memory_space<semaphore_mem>>
      %dma_start3A_514 = arith.constant 0 : i32
      %dma_start3A_515 = tpu.memref_slice %arg9[%arg1, %dma_start3A_514] : memref<16x32xf32, #tpu.memory_space<vmem_shared>> -> memref<1x32xf32, #tpu.memory_space<vmem_shared>>
      %dma_start3A_516 = tpu.memref_squeeze %dma_start3A_515 : memref<1x32xf32, #tpu.memory_space<vmem_shared>> -> memref<32xf32, #tpu.memory_space<vmem_shared>>
      %dma_start3A_517 = arith.constant 0 : i32
      %dma_start3A_518 = tpu.memref_slice %arg9[%arg1, %dma_start3A_517] : memref<16x32xf32, #tpu.memory_space<vmem_shared>> -> memref<1x32xf32, #tpu.memory_space<vmem_shared>>
      %dma_start3A_519 = tpu.memref_squeeze %dma_start3A_518 : memref<1x32xf32, #tpu.memory_space<vmem_shared>> -> memref<32xf32, #tpu.memory_space<vmem_shared>>
      tpu.enqueue_dma source(%arg7 : memref<32xf32, #tpu.memory_space<vmem>>) target(%dma_start3A_519 : memref<32xf32, #tpu.memory_space<vmem_shared>>) target_semaphore(%run_scoped3A : memref<!tpu.dma_semaphore, #tpu.memory_space<semaphore_mem>>)
      %dma_wait3A_520 = arith.constant 0 : i32
      %dma_wait3A_521 = tpu.memref_slice %arg9[%arg1, %dma_wait3A_520] : memref<16x32xf32, #tpu.memory_space<vmem_shared>> -> memref<1x32xf32, #tpu.memory_space<vmem_shared>>
      %dma_wait3A_522 = tpu.memref_squeeze %dma_wait3A_521 : memref<1x32xf32, #tpu.memory_space<vmem_shared>> -> memref<32xf32, #tpu.memory_space<vmem_shared>>
      %dma_wait3A_523 = arith.constant 0 : i32
      %dma_wait3A_524 = tpu.memref_slice %arg9[%arg1, %dma_wait3A_523] : memref<16x32xf32, #tpu.memory_space<vmem_shared>> -> memref<1x32xf32, #tpu.memory_space<vmem_shared>>
      %dma_wait3A_525 = tpu.memref_squeeze %dma_wait3A_524 : memref<1x32xf32, #tpu.memory_space<vmem_shared>> -> memref<32xf32, #tpu.memory_space<vmem_shared>>
      tpu.wait_dma2 semaphore(%run_scoped3A : memref<!tpu.dma_semaphore, #tpu.memory_space<semaphore_mem>>) src(%arg7 : memref<32xf32, #tpu.memory_space<vmem>>) dst(%dma_wait3A_525 : memref<32xf32, #tpu.memory_space<vmem_shared>>)
      tpu.yield
    }) : () -> ()
    %barrier3A = arith.constant 0 : index
    tpu.barrier barrier_id(%barrier3A)
    %xor3A = arith.constant 1 : i32
    %xor3A_224 = arith.xori %arg1, %xor3A : i32
    "tpu.region"() ({
      %run_scoped3A = tpu.sem_alloc : memref<!tpu.dma_semaphore, #tpu.memory_space<semaphore_mem>>
      %dma_start3A_514 = arith.constant 0 : i32
      %dma_start3A_515 = tpu.memref_slice %arg9[%xor3A_224, %dma_start3A_514] : memref<16x32xf32, #tpu.memory_space<vmem_shared>> -> memref<1x32xf32, #tpu.memory_space<vmem_shared>>
      %dma_start3A_516 = tpu.memref_squeeze %dma_start3A_515 : memref<1x32xf32, #tpu.memory_space<vmem_shared>> -> memref<32xf32, #tpu.memory_space<vmem_shared>>
      %dma_start3A_517 = arith.constant 0 : i32
      %dma_start3A_518 = tpu.memref_slice %arg9[%xor3A_224, %dma_start3A_517] : memref<16x32xf32, #tpu.memory_space<vmem_shared>> -> memref<1x32xf32, #tpu.memory_space<vmem_shared>>
      %dma_start3A_519 = tpu.memref_squeeze %dma_start3A_518 : memref<1x32xf32, #tpu.memory_space<vmem_shared>> -> memref<32xf32, #tpu.memory_space<vmem_shared>>
      tpu.enqueue_dma source(%dma_start3A_519 : memref<32xf32, #tpu.memory_space<vmem_shared>>) target(%arg8 : memref<32xf32, #tpu.memory_space<vmem>>) target_semaphore(%run_scoped3A : memref<!tpu.dma_semaphore, #tpu.memory_space<semaphore_mem>>)
      %dma_wait3A_520 = arith.constant 0 : i32
      %dma_wait3A_521 = tpu.memref_slice %arg9[%xor3A_224, %dma_wait3A_520] : memref<16x32xf32, #tpu.memory_space<vmem_shared>> -> memref<1x32xf32, #tpu.memory_space<vmem_shared>>
      %dma_wait3A_522 = tpu.memref_squeeze %dma_wait3A_521 : memref<1x32xf32, #tpu.memory_space<vmem_shared>> -> memref<32xf32, #tpu.memory_space<vmem_shared>>
      %dma_wait3A_523 = arith.constant 0 : i32
      %dma_wait3A_524 = tpu.memref_slice %arg9[%xor3A_224, %dma_wait3A_523] : memref<16x32xf32, #tpu.memory_space<vmem_shared>> -> memref<1x32xf32, #tpu.memory_space<vmem_shared>>
      %dma_wait3A_525 = tpu.memref_squeeze %dma_wait3A_524 : memref<1x32xf32, #tpu.memory_space<vmem_shared>> -> memref<32xf32, #tpu.memory_space<vmem_shared>>
      tpu.wait_dma2 semaphore(%run_scoped3A : memref<!tpu.dma_semaphore, #tpu.memory_space<semaphore_mem>>) src(%dma_wait3A_525 : memref<32xf32, #tpu.memory_space<vmem_shared>>) dst(%arg8 : memref<32xf32, #tpu.memory_space<vmem>>)
      tpu.yield
    }) : () -> ()
    %get3A = arith.constant 0 : index
    %get3A_225 = tpu.vector_load %arg8[%get3A] {strides = array<i32>} : memref<32xf32, #tpu.memory_space<vmem>>, vector<16xf32>,
    %min3A_226 = arith.minimumf %min3A_210, %get3A_225 : vector<16xf32>
    %get3A_227 = arith.constant 16 : index
    %get3A_228 = tpu.vector_load %arg8[%get3A_227] {strides = array<i32>} : memref<32xf32, #tpu.memory_space<vmem>>, vector<16xf32>,
    %max3A_229 = arith.maximumf %max3A_216, %get3A_228 : vector<16xf32>
    %slice3A = vector.extract_strided_slice %min3A_226 {offsets = [0], sizes = [1], strides = [1]} : vector<16xf32> to vector<1xf32>
    %squeeze3A = vector.extract %slice3A[0] : f32 from vector<1xf32>
    %slice3A_230 = vector.extract_strided_slice %max3A_229 {offsets = [0], sizes = [1], strides = [1]} : vector<16xf32> to vector<1xf32>
    %squeeze3A_231 = vector.extract %slice3A_230[0] : f32 from vector<1xf32>
    %slice3A_232 = vector.extract_strided_slice %min3A_226 {offsets = [1], sizes = [1], strides = [1]} : vector<16xf32> to vector<1xf32>
    %squeeze3A_233 = vector.extract %slice3A_232[0] : f32 from vector<1xf32>
    %min3A_234 = arith.minimumf %squeeze3A, %squeeze3A_233 : f32
    %slice3A_235 = vector.extract_strided_slice %max3A_229 {offsets = [1], sizes = [1], strides = [1]} : vector<16xf32> to vector<1xf32>
    %squeeze3A_236 = vector.extract %slice3A_235[0] : f32 from vector<1xf32>
    %max3A_237 = arith.maximumf %squeeze3A_231, %squeeze3A_236 : f32
    %slice3A_238 = vector.extract_strided_slice %min3A_226 {offsets = [2], sizes = [1], strides = [1]} : vector<16xf32> to vector<1xf32>
    %squeeze3A_239 = vector.extract %slice3A_238[0] : f32 from vector<1xf32>
    %min3A_240 = arith.minimumf %min3A_234, %squeeze3A_239 : f32
    %slice3A_241 = vector.extract_strided_slice %max3A_229 {offsets = [2], sizes = [1], strides = [1]} : vector<16xf32> to vector<1xf32>
    %squeeze3A_242 = vector.extract %slice3A_241[0] : f32 from vector<1xf32>
    %max3A_243 = arith.maximumf %max3A_237, %squeeze3A_242 : f32
    %slice3A_244 = vector.extract_strided_slice %min3A_226 {offsets = [3], sizes = [1], strides = [1]} : vector<16xf32> to vector<1xf32>
    %squeeze3A_245 = vector.extract %slice3A_244[0] : f32 from vector<1xf32>
    %min3A_246 = arith.minimumf %min3A_240, %squeeze3A_245 : f32
    %slice3A_247 = vector.extract_strided_slice %max3A_229 {offsets = [3], sizes = [1], strides = [1]} : vector<16xf32> to vector<1xf32>
    %squeeze3A_248 = vector.extract %slice3A_247[0] : f32 from vector<1xf32>
    %max3A_249 = arith.maximumf %max3A_243, %squeeze3A_248 : f32
    %slice3A_250 = vector.extract_strided_slice %min3A_226 {offsets = [4], sizes = [1], strides = [1]} : vector<16xf32> to vector<1xf32>
    %squeeze3A_251 = vector.extract %slice3A_250[0] : f32 from vector<1xf32>
    %min3A_252 = arith.minimumf %min3A_246, %squeeze3A_251 : f32
    %slice3A_253 = vector.extract_strided_slice %max3A_229 {offsets = [4], sizes = [1], strides = [1]} : vector<16xf32> to vector<1xf32>
    %squeeze3A_254 = vector.extract %slice3A_253[0] : f32 from vector<1xf32>
    %max3A_255 = arith.maximumf %max3A_249, %squeeze3A_254 : f32
    %slice3A_256 = vector.extract_strided_slice %min3A_226 {offsets = [5], sizes = [1], strides = [1]} : vector<16xf32> to vector<1xf32>
    %squeeze3A_257 = vector.extract %slice3A_256[0] : f32 from vector<1xf32>
    %min3A_258 = arith.minimumf %min3A_252, %squeeze3A_257 : f32
    %slice3A_259 = vector.extract_strided_slice %max3A_229 {offsets = [5], sizes = [1], strides = [1]} : vector<16xf32> to vector<1xf32>
    %squeeze3A_260 = vector.extract %slice3A_259[0] : f32 from vector<1xf32>
    %max3A_261 = arith.maximumf %max3A_255, %squeeze3A_260 : f32
    %slice3A_262 = vector.extract_strided_slice %min3A_226 {offsets = [6], sizes = [1], strides = [1]} : vector<16xf32> to vector<1xf32>
    %squeeze3A_263 = vector.extract %slice3A_262[0] : f32 from vector<1xf32>
    %min3A_264 = arith.minimumf %min3A_258, %squeeze3A_263 : f32
    %slice3A_265 = vector.extract_strided_slice %max3A_229 {offsets = [6], sizes = [1], strides = [1]} : vector<16xf32> to vector<1xf32>
    %squeeze3A_266 = vector.extract %slice3A_265[0] : f32 from vector<1xf32>
    %max3A_267 = arith.maximumf %max3A_261, %squeeze3A_266 : f32
    %slice3A_268 = vector.extract_strided_slice %min3A_226 {offsets = [7], sizes = [1], strides = [1]} : vector<16xf32> to vector<1xf32>
    %squeeze3A_269 = vector.extract %slice3A_268[0] : f32 from vector<1xf32>
    %min3A_270 = arith.minimumf %min3A_264, %squeeze3A_269 : f32
    %slice3A_271 = vector.extract_strided_slice %max3A_229 {offsets = [7], sizes = [1], strides = [1]} : vector<16xf32> to vector<1xf32>
    %squeeze3A_272 = vector.extract %slice3A_271[0] : f32 from vector<1xf32>
    %max3A_273 = arith.maximumf %max3A_267, %squeeze3A_272 : f32
    %slice3A_274 = vector.extract_strided_slice %min3A_226 {offsets = [8], sizes = [1], strides = [1]} : vector<16xf32> to vector<1xf32>
    %squeeze3A_275 = vector.extract %slice3A_274[0] : f32 from vector<1xf32>
    %min3A_276 = arith.minimumf %min3A_270, %squeeze3A_275 : f32
    %slice3A_277 = vector.extract_strided_slice %max3A_229 {offsets = [8], sizes = [1], strides = [1]} : vector<16xf32> to vector<1xf32>
    %squeeze3A_278 = vector.extract %slice3A_277[0] : f32 from vector<1xf32>
    %max3A_279 = arith.maximumf %max3A_273, %squeeze3A_278 : f32
    %slice3A_280 = vector.extract_strided_slice %min3A_226 {offsets = [9], sizes = [1], strides = [1]} : vector<16xf32> to vector<1xf32>
    %squeeze3A_281 = vector.extract %slice3A_280[0] : f32 from vector<1xf32>
    %min3A_282 = arith.minimumf %min3A_276, %squeeze3A_281 : f32
    %slice3A_283 = vector.extract_strided_slice %max3A_229 {offsets = [9], sizes = [1], strides = [1]} : vector<16xf32> to vector<1xf32>
    %squeeze3A_284 = vector.extract %slice3A_283[0] : f32 from vector<1xf32>
    %max3A_285 = arith.maximumf %max3A_279, %squeeze3A_284 : f32
    %slice3A_286 = vector.extract_strided_slice %min3A_226 {offsets = [10], sizes = [1], strides = [1]} : vector<16xf32> to vector<1xf32>
    %squeeze3A_287 = vector.extract %slice3A_286[0] : f32 from vector<1xf32>
    %min3A_288 = arith.minimumf %min3A_282, %squeeze3A_287 : f32
    %slice3A_289 = vector.extract_strided_slice %max3A_229 {offsets = [10], sizes = [1], strides = [1]} : vector<16xf32> to vector<1xf32>
    %squeeze3A_290 = vector.extract %slice3A_289[0] : f32 from vector<1xf32>
    %max3A_291 = arith.maximumf %max3A_285, %squeeze3A_290 : f32
    %slice3A_292 = vector.extract_strided_slice %min3A_226 {offsets = [11], sizes = [1], strides = [1]} : vector<16xf32> to vector<1xf32>
    %squeeze3A_293 = vector.extract %slice3A_292[0] : f32 from vector<1xf32>
    %min3A_294 = arith.minimumf %min3A_288, %squeeze3A_293 : f32
    %slice3A_295 = vector.extract_strided_slice %max3A_229 {offsets = [11], sizes = [1], strides = [1]} : vector<16xf32> to vector<1xf32>
    %squeeze3A_296 = vector.extract %slice3A_295[0] : f32 from vector<1xf32>
    %max3A_297 = arith.maximumf %max3A_291, %squeeze3A_296 : f32
    %slice3A_298 = vector.extract_strided_slice %min3A_226 {offsets = [12], sizes = [1], strides = [1]} : vector<16xf32> to vector<1xf32>
    %squeeze3A_299 = vector.extract %slice3A_298[0] : f32 from vector<1xf32>
    %min3A_300 = arith.minimumf %min3A_294, %squeeze3A_299 : f32
    %slice3A_301 = vector.extract_strided_slice %max3A_229 {offsets = [12], sizes = [1], strides = [1]} : vector<16xf32> to vector<1xf32>
    %squeeze3A_302 = vector.extract %slice3A_301[0] : f32 from vector<1xf32>
    %max3A_303 = arith.maximumf %max3A_297, %squeeze3A_302 : f32
    %slice3A_304 = vector.extract_strided_slice %min3A_226 {offsets = [13], sizes = [1], strides = [1]} : vector<16xf32> to vector<1xf32>
    %squeeze3A_305 = vector.extract %slice3A_304[0] : f32 from vector<1xf32>
    %min3A_306 = arith.minimumf %min3A_300, %squeeze3A_305 : f32
    %slice3A_307 = vector.extract_strided_slice %max3A_229 {offsets = [13], sizes = [1], strides = [1]} : vector<16xf32> to vector<1xf32>
    %squeeze3A_308 = vector.extract %slice3A_307[0] : f32 from vector<1xf32>
    %max3A_309 = arith.maximumf %max3A_303, %squeeze3A_308 : f32
    %slice3A_310 = vector.extract_strided_slice %min3A_226 {offsets = [14], sizes = [1], strides = [1]} : vector<16xf32> to vector<1xf32>
    %squeeze3A_311 = vector.extract %slice3A_310[0] : f32 from vector<1xf32>
    %min3A_312 = arith.minimumf %min3A_306, %squeeze3A_311 : f32
    %slice3A_313 = vector.extract_strided_slice %max3A_229 {offsets = [14], sizes = [1], strides = [1]} : vector<16xf32> to vector<1xf32>
    %squeeze3A_314 = vector.extract %slice3A_313[0] : f32 from vector<1xf32>
    %max3A_315 = arith.maximumf %max3A_309, %squeeze3A_314 : f32
    %slice3A_316 = vector.extract_strided_slice %min3A_226 {offsets = [15], sizes = [1], strides = [1]} : vector<16xf32> to vector<1xf32>
    %squeeze3A_317 = vector.extract %slice3A_316[0] : f32 from vector<1xf32>
    %min3A_318 = arith.minimumf %min3A_312, %squeeze3A_317 : f32
    %slice3A_319 = vector.extract_strided_slice %max3A_229 {offsets = [15], sizes = [1], strides = [1]} : vector<16xf32> to vector<1xf32>
    %squeeze3A_320 = vector.extract %slice3A_319[0] : f32 from vector<1xf32>
    %max3A_321 = arith.maximumf %max3A_315, %squeeze3A_320 : f32
    %broadcast_in_dim3A_322 = vector.broadcast %min3A_318 : f32 to vector<16xf32>
    %broadcast_in_dim3A_323 = vector.broadcast %max3A_321 : f32 to vector<16xf32>
    %sub3A_324 = arith.subf %broadcast_in_dim3A_323, %broadcast_in_dim3A_322 : vector<16xf32>
    %eq3A_325 = arith.constant 0.000000e+00 : f32
    %eq3A_326 = vector.broadcast %eq3A_325 : f32 to vector<16xf32>
    %eq3A_327 = arith.cmpf oeq, %sub3A_324, %eq3A_326 : vector<16xf32>
    %jit3A_328 = arith.constant 1.000000e+00 : f32
    %broadcast_in_dim3A_329 = vector.broadcast %jit3A_328 : f32 to vector<16xf32>
    %select_n3A_330 = arith.select %eq3A_327, %broadcast_in_dim3A_329, %sub3A_324 : vector<16xi1>, vector<16xf32>
    %div3A_331 = arith.constant 255.999756 : f32
    %div3A_332 = vector.broadcast %div3A_331 : f32 to vector<16xf32>
    %div3A_333 = arith.divf %div3A_332, %select_n3A_330 : vector<16xf32>
    %broadcast_in_dim3A_334 = arith.constant 8388607.5 : f32
    %broadcast_in_dim3A_335 = vector.broadcast %broadcast_in_dim3A_334 : f32 to vector<16xf32>
    %broadcast_in_dim3A_336 = arith.constant 0.000000e+00 : f32
    %broadcast_in_dim3A_337 = vector.broadcast %broadcast_in_dim3A_336 : f32 to vector<16xf32>
    %swap3A_338 = arith.constant 0 : index
    %swap3A_339 = tpu.vector_load %arg6[%swap3A_338] {strides = array<i32>} : memref<256xf32, #tpu.memory_space<vmem>>, vector<16xf32>,
    tpu.vector_store %arg6[%swap3A_338], %broadcast_in_dim3A_337 {strides = array<i32>} : memref<256xf32, #tpu.memory_space<vmem>>, vector<16xf32>,
    %swap3A_340 = arith.constant 16 : index
    %swap3A_341 = tpu.vector_load %arg6[%swap3A_340] {strides = array<i32>} : memref<256xf32, #tpu.memory_space<vmem>>, vector<16xf32>,
    tpu.vector_store %arg6[%swap3A_340], %broadcast_in_dim3A_337 {strides = array<i32>} : memref<256xf32, #tpu.memory_space<vmem>>, vector<16xf32>,
    %swap3A_342 = arith.constant 32 : index
    %swap3A_343 = tpu.vector_load %arg6[%swap3A_342] {strides = array<i32>} : memref<256xf32, #tpu.memory_space<vmem>>, vector<16xf32>,
    tpu.vector_store %arg6[%swap3A_342], %broadcast_in_dim3A_337 {strides = array<i32>} : memref<256xf32, #tpu.memory_space<vmem>>, vector<16xf32>,
    %swap3A_344 = arith.constant 48 : index
    %swap3A_345 = tpu.vector_load %arg6[%swap3A_344] {strides = array<i32>} : memref<256xf32, #tpu.memory_space<vmem>>, vector<16xf32>,
    tpu.vector_store %arg6[%swap3A_344], %broadcast_in_dim3A_337 {strides = array<i32>} : memref<256xf32, #tpu.memory_space<vmem>>, vector<16xf32>,
    %swap3A_346 = arith.constant 64 : index
    %swap3A_347 = tpu.vector_load %arg6[%swap3A_346] {strides = array<i32>} : memref<256xf32, #tpu.memory_space<vmem>>, vector<16xf32>,
    tpu.vector_store %arg6[%swap3A_346], %broadcast_in_dim3A_337 {strides = array<i32>} : memref<256xf32, #tpu.memory_space<vmem>>, vector<16xf32>,
    %swap3A_348 = arith.constant 80 : index
    %swap3A_349 = tpu.vector_load %arg6[%swap3A_348] {strides = array<i32>} : memref<256xf32, #tpu.memory_space<vmem>>, vector<16xf32>,
    tpu.vector_store %arg6[%swap3A_348], %broadcast_in_dim3A_337 {strides = array<i32>} : memref<256xf32, #tpu.memory_space<vmem>>, vector<16xf32>,
    %swap3A_350 = arith.constant 96 : index
    %swap3A_351 = tpu.vector_load %arg6[%swap3A_350] {strides = array<i32>} : memref<256xf32, #tpu.memory_space<vmem>>, vector<16xf32>,
    tpu.vector_store %arg6[%swap3A_350], %broadcast_in_dim3A_337 {strides = array<i32>} : memref<256xf32, #tpu.memory_space<vmem>>, vector<16xf32>,
    %swap3A_352 = arith.constant 112 : index
    %swap3A_353 = tpu.vector_load %arg6[%swap3A_352] {strides = array<i32>} : memref<256xf32, #tpu.memory_space<vmem>>, vector<16xf32>,
    tpu.vector_store %arg6[%swap3A_352], %broadcast_in_dim3A_337 {strides = array<i32>} : memref<256xf32, #tpu.memory_space<vmem>>, vector<16xf32>,
    %swap3A_354 = arith.constant 128 : index
    %swap3A_355 = tpu.vector_load %arg6[%swap3A_354] {strides = array<i32>} : memref<256xf32, #tpu.memory_space<vmem>>, vector<16xf32>,
    tpu.vector_store %arg6[%swap3A_354], %broadcast_in_dim3A_337 {strides = array<i32>} : memref<256xf32, #tpu.memory_space<vmem>>, vector<16xf32>,
    %swap3A_356 = arith.constant 144 : index
    %swap3A_357 = tpu.vector_load %arg6[%swap3A_356] {strides = array<i32>} : memref<256xf32, #tpu.memory_space<vmem>>, vector<16xf32>,
    tpu.vector_store %arg6[%swap3A_356], %broadcast_in_dim3A_337 {strides = array<i32>} : memref<256xf32, #tpu.memory_space<vmem>>, vector<16xf32>,
    %swap3A_358 = arith.constant 160 : index
    %swap3A_359 = tpu.vector_load %arg6[%swap3A_358] {strides = array<i32>} : memref<256xf32, #tpu.memory_space<vmem>>, vector<16xf32>,
    tpu.vector_store %arg6[%swap3A_358], %broadcast_in_dim3A_337 {strides = array<i32>} : memref<256xf32, #tpu.memory_space<vmem>>, vector<16xf32>,
    %swap3A_360 = arith.constant 176 : index
    %swap3A_361 = tpu.vector_load %arg6[%swap3A_360] {strides = array<i32>} : memref<256xf32, #tpu.memory_space<vmem>>, vector<16xf32>,
    tpu.vector_store %arg6[%swap3A_360], %broadcast_in_dim3A_337 {strides = array<i32>} : memref<256xf32, #tpu.memory_space<vmem>>, vector<16xf32>,
    %swap3A_362 = arith.constant 192 : index
    %swap3A_363 = tpu.vector_load %arg6[%swap3A_362] {strides = array<i32>} : memref<256xf32, #tpu.memory_space<vmem>>, vector<16xf32>,
    tpu.vector_store %arg6[%swap3A_362], %broadcast_in_dim3A_337 {strides = array<i32>} : memref<256xf32, #tpu.memory_space<vmem>>, vector<16xf32>,
    %swap3A_364 = arith.constant 208 : index
    %swap3A_365 = tpu.vector_load %arg6[%swap3A_364] {strides = array<i32>} : memref<256xf32, #tpu.memory_space<vmem>>, vector<16xf32>,
    tpu.vector_store %arg6[%swap3A_364], %broadcast_in_dim3A_337 {strides = array<i32>} : memref<256xf32, #tpu.memory_space<vmem>>, vector<16xf32>,
    %swap3A_366 = arith.constant 224 : index
    %swap3A_367 = tpu.vector_load %arg6[%swap3A_366] {strides = array<i32>} : memref<256xf32, #tpu.memory_space<vmem>>, vector<16xf32>,
    tpu.vector_store %arg6[%swap3A_366], %broadcast_in_dim3A_337 {strides = array<i32>} : memref<256xf32, #tpu.memory_space<vmem>>, vector<16xf32>,
    %swap3A_368 = arith.constant 240 : index
    %swap3A_369 = tpu.vector_load %arg6[%swap3A_368] {strides = array<i32>} : memref<256xf32, #tpu.memory_space<vmem>>, vector<16xf32>,
    tpu.vector_store %arg6[%swap3A_368], %broadcast_in_dim3A_337 {strides = array<i32>} : memref<256xf32, #tpu.memory_space<vmem>>, vector<16xf32>,
    %broadcast_in_dim3A_370 = arith.constant 1.000000e+00 : f32
    %broadcast_in_dim3A_371 = vector.broadcast %broadcast_in_dim3A_370 : f32 to vector<16xf32>
    %add3A_372 = arith.constant 0 : i32
    %add3A_373 = arith.addi %mul3A_32, %add3A_372 : i32
    %dma_start3A_374 = arith.constant 0 : i32
    %dma_start3A_375 = arith.constant 0 : i32
    %dma_start3A_376 = arith.constant 0 : i32
    %dma_start3A_377 = tpu.memref_slice %arg5[%dma_start3A_374, %dma_start3A_375, %dma_start3A_376] : memref<2x64x512xf32, #tpu.memory_space<vmem>> -> memref<1x64x512xf32, #tpu.memory_space<vmem>>
    %dma_start3A_378 = tpu.memref_squeeze %dma_start3A_377 : memref<1x64x512xf32, #tpu.memory_space<vmem>> -> memref<64x512xf32, #tpu.memory_space<vmem>>
    %dma_start3A_379 = arith.constant 0 : i32
    %dma_start3A_380 = tpu.memref_slice %arg2[%select_n3A, %add3A_373, %dma_start3A_379] : memref<16x512x512xf32, #tpu.memory_space<hbm>> -> memref<1x64x512xf32, #tpu.memory_space<hbm>>
    %dma_start3A_381 = tpu.memref_squeeze %dma_start3A_380 : memref<1x64x512xf32, #tpu.memory_space<hbm>> -> memref<64x512xf32, #tpu.memory_space<hbm>>
    %dma_start3A_382 = arith.constant 0 : i32
    %dma_start3A_383 = arith.constant 0 : i32
    %dma_start3A_384 = tpu.memref_slice %arg5[%dma_start3A_374, %dma_start3A_382, %dma_start3A_383] : memref<2x64x512xf32, #tpu.memory_space<vmem>> -> memref<1x64x512xf32, #tpu.memory_space<vmem>>
    %dma_start3A_385 = tpu.memref_squeeze %dma_start3A_384 : memref<1x64x512xf32, #tpu.memory_space<vmem>> -> memref<64x512xf32, #tpu.memory_space<vmem>>
    %dma_start3A_386 = arith.constant 0 : i32
    %dma_start3A_387 = tpu.memref_slice %arg2[%select_n3A, %add3A_373, %dma_start3A_386] : memref<16x512x512xf32, #tpu.memory_space<hbm>> -> memref<1x64x512xf32, #tpu.memory_space<hbm>>
    %dma_start3A_388 = tpu.memref_squeeze %dma_start3A_387 : memref<1x64x512xf32, #tpu.memory_space<hbm>> -> memref<64x512xf32, #tpu.memory_space<hbm>>
    tpu.enqueue_dma source(%dma_start3A_388 : memref<64x512xf32, #tpu.memory_space<hbm>>) target(%dma_start3A_385 : memref<64x512xf32, #tpu.memory_space<vmem>>) target_semaphore(%arg10 : memref<!tpu.dma_semaphore, #tpu.memory_space<semaphore_mem>>)
    %add3A_389 = arith.constant 64 : i32
    %add3A_390 = arith.addi %mul3A_32, %add3A_389 : i32
    %dma_start3A_391 = arith.constant 1 : i32
    %dma_start3A_392 = arith.constant 0 : i32
    %dma_start3A_393 = arith.constant 0 : i32
    %dma_start3A_394 = tpu.memref_slice %arg5[%dma_start3A_391, %dma_start3A_392, %dma_start3A_393] : memref<2x64x512xf32, #tpu.memory_space<vmem>> -> memref<1x64x512xf32, #tpu.memory_space<vmem>>
    %dma_start3A_395 = tpu.memref_squeeze %dma_start3A_394 : memref<1x64x512xf32, #tpu.memory_space<vmem>> -> memref<64x512xf32, #tpu.memory_space<vmem>>
    %dma_start3A_396 = arith.constant 0 : i32
    %dma_start3A_397 = tpu.memref_slice %arg2[%select_n3A, %add3A_390, %dma_start3A_396] : memref<16x512x512xf32, #tpu.memory_space<hbm>> -> memref<1x64x512xf32, #tpu.memory_space<hbm>>
    %dma_start3A_398 = tpu.memref_squeeze %dma_start3A_397 : memref<1x64x512xf32, #tpu.memory_space<hbm>> -> memref<64x512xf32, #tpu.memory_space<hbm>>
    %dma_start3A_399 = arith.constant 0 : i32
    %dma_start3A_400 = arith.constant 0 : i32
    %dma_start3A_401 = tpu.memref_slice %arg5[%dma_start3A_391, %dma_start3A_399, %dma_start3A_400] : memref<2x64x512xf32, #tpu.memory_space<vmem>> -> memref<1x64x512xf32, #tpu.memory_space<vmem>>
    %dma_start3A_402 = tpu.memref_squeeze %dma_start3A_401 : memref<1x64x512xf32, #tpu.memory_space<vmem>> -> memref<64x512xf32, #tpu.memory_space<vmem>>
    %dma_start3A_403 = arith.constant 0 : i32
    %dma_start3A_404 = tpu.memref_slice %arg2[%select_n3A, %add3A_390, %dma_start3A_403] : memref<16x512x512xf32, #tpu.memory_space<hbm>> -> memref<1x64x512xf32, #tpu.memory_space<hbm>>
    %dma_start3A_405 = tpu.memref_squeeze %dma_start3A_404 : memref<1x64x512xf32, #tpu.memory_space<hbm>> -> memref<64x512xf32, #tpu.memory_space<hbm>>
    tpu.enqueue_dma source(%dma_start3A_405 : memref<64x512xf32, #tpu.memory_space<hbm>>) target(%dma_start3A_402 : memref<64x512xf32, #tpu.memory_space<vmem>>) target_semaphore(%arg11 : memref<!tpu.dma_semaphore, #tpu.memory_space<semaphore_mem>>)
    %dma_wait3A_406 = arith.constant 0 : i32
    %dma_wait3A_407 = arith.constant 0 : i32
    %dma_wait3A_408 = arith.constant 0 : i32
    %dma_wait3A_409 = tpu.memref_slice %arg5[%dma_wait3A_406, %dma_wait3A_407, %dma_wait3A_408] : memref<2x64x512xf32, #tpu.memory_space<vmem>> -> memref<1x64x512xf32, #tpu.memory_space<vmem>>
    %dma_wait3A_410 = tpu.memref_squeeze %dma_wait3A_409 : memref<1x64x512xf32, #tpu.memory_space<vmem>> -> memref<64x512xf32, #tpu.memory_space<vmem>>
    %dma_wait3A_411 = arith.constant 0 : i32
    %dma_wait3A_412 = tpu.memref_slice %arg2[%select_n3A, %add3A_373, %dma_wait3A_411] : memref<16x512x512xf32, #tpu.memory_space<hbm>> -> memref<1x64x512xf32, #tpu.memory_space<hbm>>
    %dma_wait3A_413 = tpu.memref_squeeze %dma_wait3A_412 : memref<1x64x512xf32, #tpu.memory_space<hbm>> -> memref<64x512xf32, #tpu.memory_space<hbm>>
    %dma_wait3A_414 = arith.constant 0 : i32
    %dma_wait3A_415 = arith.constant 0 : i32
    %dma_wait3A_416 = tpu.memref_slice %arg5[%dma_wait3A_406, %dma_wait3A_414, %dma_wait3A_415] : memref<2x64x512xf32, #tpu.memory_space<vmem>> -> memref<1x64x512xf32, #tpu.memory_space<vmem>>
    %dma_wait3A_417 = tpu.memref_squeeze %dma_wait3A_416 : memref<1x64x512xf32, #tpu.memory_space<vmem>> -> memref<64x512xf32, #tpu.memory_space<vmem>>
    %dma_wait3A_418 = arith.constant 0 : i32
    %dma_wait3A_419 = tpu.memref_slice %arg2[%select_n3A, %add3A_373, %dma_wait3A_418] : memref<16x512x512xf32, #tpu.memory_space<hbm>> -> memref<1x64x512xf32, #tpu.memory_space<hbm>>
    %dma_wait3A_420 = tpu.memref_squeeze %dma_wait3A_419 : memref<1x64x512xf32, #tpu.memory_space<hbm>> -> memref<64x512xf32, #tpu.memory_space<hbm>>
    tpu.wait_dma2 semaphore(%arg10 : memref<!tpu.dma_semaphore, #tpu.memory_space<semaphore_mem>>) src(%dma_wait3A_420 : memref<64x512xf32, #tpu.memory_space<hbm>>) dst(%dma_wait3A_417 : memref<64x512xf32, #tpu.memory_space<vmem>>)
    %parallel_loop3A_421 = arith.constant 0 : i32
    %parallel_loop3A_422 = arith.constant 128 : i32
    %parallel_loop3A_423 = arith.constant 1 : i32
    scf.for %parallel_loop3A_514 = %parallel_loop3A_421 to %parallel_loop3A_422 step %parallel_loop3A_423  : i32 {
      %parallel_loop3A_515 = arith.constant 1 : i32
      %parallel_loop3A_516 = arith.shrsi %parallel_loop3A_514, %parallel_loop3A_515 : i32
      %parallel_loop3A_517 = arith.constant 1 : i32
      %parallel_loop3A_518 = arith.andi %parallel_loop3A_514, %parallel_loop3A_517 : i32
      %parallel_loop3A_519 = arith.constant 256 : i32
      %parallel_loop3A_520 = arith.muli %parallel_loop3A_518, %parallel_loop3A_519 : i32
      %parallel_loop3A_521 = arith.constant 0 : i32
      %parallel_loop3A_522 = arith.addi %parallel_loop3A_520, %parallel_loop3A_521 : i32
      %parallel_loop3A_523 = arith.constant 0 : i32
      %parallel_loop3A_524 = arith.index_cast %parallel_loop3A_523 : i32 to index
      %parallel_loop3A_525 = arith.index_cast %parallel_loop3A_516 : i32 to index
      %parallel_loop3A_526 = arith.index_cast %parallel_loop3A_522 : i32 to index
      %parallel_loop3A_527 = tpu.vector_load %arg5[%parallel_loop3A_524, %parallel_loop3A_525, %parallel_loop3A_526] {strides = array<i32>} : memref<2x64x512xf32, #tpu.memory_space<vmem>>, vector<16xf32>,
      %parallel_loop3A_528 = arith.subf %parallel_loop3A_527, %broadcast_in_dim3A_322 : vector<16xf32>
      %parallel_loop3A_529 = arith.mulf %parallel_loop3A_528, %div3A_333 : vector<16xf32>
      %parallel_loop3A_530 = arith.addf %parallel_loop3A_529, %broadcast_in_dim3A_335 : vector<16xf32>
      %parallel_loop3A_531 = vector.bitcast %parallel_loop3A_530 : vector<16xf32> to vector<16xi32>
      %parallel_loop3A_532 = arith.constant 255 : i32
      %parallel_loop3A_533 = vector.broadcast %parallel_loop3A_532 : i32 to vector<16xi32>
      %parallel_loop3A_534 = arith.andi %parallel_loop3A_531, %parallel_loop3A_533 : vector<16xi32>
      tpu.vector_store_idx %arg6[%parallel_loop3A_534], %broadcast_in_dim3A_371 {add = true} : memref<256xf32, #tpu.memory_space<vmem>>[vector<16xi32>], vector<16xf32>,
      %parallel_loop3A_535 = arith.constant 16 : i32
      %parallel_loop3A_536 = arith.addi %parallel_loop3A_520, %parallel_loop3A_535 : i32
      %parallel_loop3A_537 = arith.constant 0 : i32
      %parallel_loop3A_538 = arith.index_cast %parallel_loop3A_537 : i32 to index
      %parallel_loop3A_539 = arith.index_cast %parallel_loop3A_516 : i32 to index
      %parallel_loop3A_540 = arith.index_cast %parallel_loop3A_536 : i32 to index
      %parallel_loop3A_541 = tpu.vector_load %arg5[%parallel_loop3A_538, %parallel_loop3A_539, %parallel_loop3A_540] {strides = array<i32>} : memref<2x64x512xf32, #tpu.memory_space<vmem>>, vector<16xf32>,
      %parallel_loop3A_542 = arith.subf %parallel_loop3A_541, %broadcast_in_dim3A_322 : vector<16xf32>
      %parallel_loop3A_543 = arith.mulf %parallel_loop3A_542, %div3A_333 : vector<16xf32>
      %parallel_loop3A_544 = arith.addf %parallel_loop3A_543, %broadcast_in_dim3A_335 : vector<16xf32>
      %parallel_loop3A_545 = vector.bitcast %parallel_loop3A_544 : vector<16xf32> to vector<16xi32>
      %parallel_loop3A_546 = arith.constant 255 : i32
      %parallel_loop3A_547 = vector.broadcast %parallel_loop3A_546 : i32 to vector<16xi32>
      %parallel_loop3A_548 = arith.andi %parallel_loop3A_545, %parallel_loop3A_547 : vector<16xi32>
      tpu.vector_store_idx %arg6[%parallel_loop3A_548], %broadcast_in_dim3A_371 {add = true} : memref<256xf32, #tpu.memory_space<vmem>>[vector<16xi32>], vector<16xf32>,
      %parallel_loop3A_549 = arith.constant 32 : i32
      %parallel_loop3A_550 = arith.addi %parallel_loop3A_520, %parallel_loop3A_549 : i32
      %parallel_loop3A_551 = arith.constant 0 : i32
      %parallel_loop3A_552 = arith.index_cast %parallel_loop3A_551 : i32 to index
      %parallel_loop3A_553 = arith.index_cast %parallel_loop3A_516 : i32 to index
      %parallel_loop3A_554 = arith.index_cast %parallel_loop3A_550 : i32 to index
      %parallel_loop3A_555 = tpu.vector_load %arg5[%parallel_loop3A_552, %parallel_loop3A_553, %parallel_loop3A_554] {strides = array<i32>} : memref<2x64x512xf32, #tpu.memory_space<vmem>>, vector<16xf32>,
      %parallel_loop3A_556 = arith.subf %parallel_loop3A_555, %broadcast_in_dim3A_322 : vector<16xf32>
      %parallel_loop3A_557 = arith.mulf %parallel_loop3A_556, %div3A_333 : vector<16xf32>
      %parallel_loop3A_558 = arith.addf %parallel_loop3A_557, %broadcast_in_dim3A_335 : vector<16xf32>
      %parallel_loop3A_559 = vector.bitcast %parallel_loop3A_558 : vector<16xf32> to vector<16xi32>
      %parallel_loop3A_560 = arith.constant 255 : i32
      %parallel_loop3A_561 = vector.broadcast %parallel_loop3A_560 : i32 to vector<16xi32>
      %parallel_loop3A_562 = arith.andi %parallel_loop3A_559, %parallel_loop3A_561 : vector<16xi32>
      tpu.vector_store_idx %arg6[%parallel_loop3A_562], %broadcast_in_dim3A_371 {add = true} : memref<256xf32, #tpu.memory_space<vmem>>[vector<16xi32>], vector<16xf32>,
      %parallel_loop3A_563 = arith.constant 48 : i32
      %parallel_loop3A_564 = arith.addi %parallel_loop3A_520, %parallel_loop3A_563 : i32
      %parallel_loop3A_565 = arith.constant 0 : i32
      %parallel_loop3A_566 = arith.index_cast %parallel_loop3A_565 : i32 to index
      %parallel_loop3A_567 = arith.index_cast %parallel_loop3A_516 : i32 to index
      %parallel_loop3A_568 = arith.index_cast %parallel_loop3A_564 : i32 to index
      %parallel_loop3A_569 = tpu.vector_load %arg5[%parallel_loop3A_566, %parallel_loop3A_567, %parallel_loop3A_568] {strides = array<i32>} : memref<2x64x512xf32, #tpu.memory_space<vmem>>, vector<16xf32>,
      %parallel_loop3A_570 = arith.subf %parallel_loop3A_569, %broadcast_in_dim3A_322 : vector<16xf32>
      %parallel_loop3A_571 = arith.mulf %parallel_loop3A_570, %div3A_333 : vector<16xf32>
      %parallel_loop3A_572 = arith.addf %parallel_loop3A_571, %broadcast_in_dim3A_335 : vector<16xf32>
      %parallel_loop3A_573 = vector.bitcast %parallel_loop3A_572 : vector<16xf32> to vector<16xi32>
      %parallel_loop3A_574 = arith.constant 255 : i32
      %parallel_loop3A_575 = vector.broadcast %parallel_loop3A_574 : i32 to vector<16xi32>
      %parallel_loop3A_576 = arith.andi %parallel_loop3A_573, %parallel_loop3A_575 : vector<16xi32>
      tpu.vector_store_idx %arg6[%parallel_loop3A_576], %broadcast_in_dim3A_371 {add = true} : memref<256xf32, #tpu.memory_space<vmem>>[vector<16xi32>], vector<16xf32>,
      %parallel_loop3A_577 = arith.constant 64 : i32
      %parallel_loop3A_578 = arith.addi %parallel_loop3A_520, %parallel_loop3A_577 : i32
      %parallel_loop3A_579 = arith.constant 0 : i32
      %parallel_loop3A_580 = arith.index_cast %parallel_loop3A_579 : i32 to index
      %parallel_loop3A_581 = arith.index_cast %parallel_loop3A_516 : i32 to index
      %parallel_loop3A_582 = arith.index_cast %parallel_loop3A_578 : i32 to index
      %parallel_loop3A_583 = tpu.vector_load %arg5[%parallel_loop3A_580, %parallel_loop3A_581, %parallel_loop3A_582] {strides = array<i32>} : memref<2x64x512xf32, #tpu.memory_space<vmem>>, vector<16xf32>,
      %parallel_loop3A_584 = arith.subf %parallel_loop3A_583, %broadcast_in_dim3A_322 : vector<16xf32>
      %parallel_loop3A_585 = arith.mulf %parallel_loop3A_584, %div3A_333 : vector<16xf32>
      %parallel_loop3A_586 = arith.addf %parallel_loop3A_585, %broadcast_in_dim3A_335 : vector<16xf32>
      %parallel_loop3A_587 = vector.bitcast %parallel_loop3A_586 : vector<16xf32> to vector<16xi32>
      %parallel_loop3A_588 = arith.constant 255 : i32
      %parallel_loop3A_589 = vector.broadcast %parallel_loop3A_588 : i32 to vector<16xi32>
      %parallel_loop3A_590 = arith.andi %parallel_loop3A_587, %parallel_loop3A_589 : vector<16xi32>
      tpu.vector_store_idx %arg6[%parallel_loop3A_590], %broadcast_in_dim3A_371 {add = true} : memref<256xf32, #tpu.memory_space<vmem>>[vector<16xi32>], vector<16xf32>,
      %parallel_loop3A_591 = arith.constant 80 : i32
      %parallel_loop3A_592 = arith.addi %parallel_loop3A_520, %parallel_loop3A_591 : i32
      %parallel_loop3A_593 = arith.constant 0 : i32
      %parallel_loop3A_594 = arith.index_cast %parallel_loop3A_593 : i32 to index
      %parallel_loop3A_595 = arith.index_cast %parallel_loop3A_516 : i32 to index
      %parallel_loop3A_596 = arith.index_cast %parallel_loop3A_592 : i32 to index
      %parallel_loop3A_597 = tpu.vector_load %arg5[%parallel_loop3A_594, %parallel_loop3A_595, %parallel_loop3A_596] {strides = array<i32>} : memref<2x64x512xf32, #tpu.memory_space<vmem>>, vector<16xf32>,
      %parallel_loop3A_598 = arith.subf %parallel_loop3A_597, %broadcast_in_dim3A_322 : vector<16xf32>
      %parallel_loop3A_599 = arith.mulf %parallel_loop3A_598, %div3A_333 : vector<16xf32>
      %parallel_loop3A_600 = arith.addf %parallel_loop3A_599, %broadcast_in_dim3A_335 : vector<16xf32>
      %parallel_loop3A_601 = vector.bitcast %parallel_loop3A_600 : vector<16xf32> to vector<16xi32>
      %parallel_loop3A_602 = arith.constant 255 : i32
      %parallel_loop3A_603 = vector.broadcast %parallel_loop3A_602 : i32 to vector<16xi32>
      %parallel_loop3A_604 = arith.andi %parallel_loop3A_601, %parallel_loop3A_603 : vector<16xi32>
      tpu.vector_store_idx %arg6[%parallel_loop3A_604], %broadcast_in_dim3A_371 {add = true} : memref<256xf32, #tpu.memory_space<vmem>>[vector<16xi32>], vector<16xf32>,
      %parallel_loop3A_605 = arith.constant 96 : i32
      %parallel_loop3A_606 = arith.addi %parallel_loop3A_520, %parallel_loop3A_605 : i32
      %parallel_loop3A_607 = arith.constant 0 : i32
      %parallel_loop3A_608 = arith.index_cast %parallel_loop3A_607 : i32 to index
      %parallel_loop3A_609 = arith.index_cast %parallel_loop3A_516 : i32 to index
      %parallel_loop3A_610 = arith.index_cast %parallel_loop3A_606 : i32 to index
      %parallel_loop3A_611 = tpu.vector_load %arg5[%parallel_loop3A_608, %parallel_loop3A_609, %parallel_loop3A_610] {strides = array<i32>} : memref<2x64x512xf32, #tpu.memory_space<vmem>>, vector<16xf32>,
      %parallel_loop3A_612 = arith.subf %parallel_loop3A_611, %broadcast_in_dim3A_322 : vector<16xf32>
      %parallel_loop3A_613 = arith.mulf %parallel_loop3A_612, %div3A_333 : vector<16xf32>
      %parallel_loop3A_614 = arith.addf %parallel_loop3A_613, %broadcast_in_dim3A_335 : vector<16xf32>
      %parallel_loop3A_615 = vector.bitcast %parallel_loop3A_614 : vector<16xf32> to vector<16xi32>
      %parallel_loop3A_616 = arith.constant 255 : i32
      %parallel_loop3A_617 = vector.broadcast %parallel_loop3A_616 : i32 to vector<16xi32>
      %parallel_loop3A_618 = arith.andi %parallel_loop3A_615, %parallel_loop3A_617 : vector<16xi32>
      tpu.vector_store_idx %arg6[%parallel_loop3A_618], %broadcast_in_dim3A_371 {add = true} : memref<256xf32, #tpu.memory_space<vmem>>[vector<16xi32>], vector<16xf32>,
      %parallel_loop3A_619 = arith.constant 112 : i32
      %parallel_loop3A_620 = arith.addi %parallel_loop3A_520, %parallel_loop3A_619 : i32
      %parallel_loop3A_621 = arith.constant 0 : i32
      %parallel_loop3A_622 = arith.index_cast %parallel_loop3A_621 : i32 to index
      %parallel_loop3A_623 = arith.index_cast %parallel_loop3A_516 : i32 to index
      %parallel_loop3A_624 = arith.index_cast %parallel_loop3A_620 : i32 to index
      %parallel_loop3A_625 = tpu.vector_load %arg5[%parallel_loop3A_622, %parallel_loop3A_623, %parallel_loop3A_624] {strides = array<i32>} : memref<2x64x512xf32, #tpu.memory_space<vmem>>, vector<16xf32>,
      %parallel_loop3A_626 = arith.subf %parallel_loop3A_625, %broadcast_in_dim3A_322 : vector<16xf32>
      %parallel_loop3A_627 = arith.mulf %parallel_loop3A_626, %div3A_333 : vector<16xf32>
      %parallel_loop3A_628 = arith.addf %parallel_loop3A_627, %broadcast_in_dim3A_335 : vector<16xf32>
      %parallel_loop3A_629 = vector.bitcast %parallel_loop3A_628 : vector<16xf32> to vector<16xi32>
      %parallel_loop3A_630 = arith.constant 255 : i32
      %parallel_loop3A_631 = vector.broadcast %parallel_loop3A_630 : i32 to vector<16xi32>
      %parallel_loop3A_632 = arith.andi %parallel_loop3A_629, %parallel_loop3A_631 : vector<16xi32>
      tpu.vector_store_idx %arg6[%parallel_loop3A_632], %broadcast_in_dim3A_371 {add = true} : memref<256xf32, #tpu.memory_space<vmem>>[vector<16xi32>], vector<16xf32>,
      %parallel_loop3A_633 = arith.constant 128 : i32
      %parallel_loop3A_634 = arith.addi %parallel_loop3A_520, %parallel_loop3A_633 : i32
      %parallel_loop3A_635 = arith.constant 0 : i32
      %parallel_loop3A_636 = arith.index_cast %parallel_loop3A_635 : i32 to index
      %parallel_loop3A_637 = arith.index_cast %parallel_loop3A_516 : i32 to index
      %parallel_loop3A_638 = arith.index_cast %parallel_loop3A_634 : i32 to index
      %parallel_loop3A_639 = tpu.vector_load %arg5[%parallel_loop3A_636, %parallel_loop3A_637, %parallel_loop3A_638] {strides = array<i32>} : memref<2x64x512xf32, #tpu.memory_space<vmem>>, vector<16xf32>,
      %parallel_loop3A_640 = arith.subf %parallel_loop3A_639, %broadcast_in_dim3A_322 : vector<16xf32>
      %parallel_loop3A_641 = arith.mulf %parallel_loop3A_640, %div3A_333 : vector<16xf32>
      %parallel_loop3A_642 = arith.addf %parallel_loop3A_641, %broadcast_in_dim3A_335 : vector<16xf32>
      %parallel_loop3A_643 = vector.bitcast %parallel_loop3A_642 : vector<16xf32> to vector<16xi32>
      %parallel_loop3A_644 = arith.constant 255 : i32
      %parallel_loop3A_645 = vector.broadcast %parallel_loop3A_644 : i32 to vector<16xi32>
      %parallel_loop3A_646 = arith.andi %parallel_loop3A_643, %parallel_loop3A_645 : vector<16xi32>
      tpu.vector_store_idx %arg6[%parallel_loop3A_646], %broadcast_in_dim3A_371 {add = true} : memref<256xf32, #tpu.memory_space<vmem>>[vector<16xi32>], vector<16xf32>,
      %parallel_loop3A_647 = arith.constant 144 : i32
      %parallel_loop3A_648 = arith.addi %parallel_loop3A_520, %parallel_loop3A_647 : i32
      %parallel_loop3A_649 = arith.constant 0 : i32
      %parallel_loop3A_650 = arith.index_cast %parallel_loop3A_649 : i32 to index
      %parallel_loop3A_651 = arith.index_cast %parallel_loop3A_516 : i32 to index
      %parallel_loop3A_652 = arith.index_cast %parallel_loop3A_648 : i32 to index
      %parallel_loop3A_653 = tpu.vector_load %arg5[%parallel_loop3A_650, %parallel_loop3A_651, %parallel_loop3A_652] {strides = array<i32>} : memref<2x64x512xf32, #tpu.memory_space<vmem>>, vector<16xf32>,
      %parallel_loop3A_654 = arith.subf %parallel_loop3A_653, %broadcast_in_dim3A_322 : vector<16xf32>
      %parallel_loop3A_655 = arith.mulf %parallel_loop3A_654, %div3A_333 : vector<16xf32>
      %parallel_loop3A_656 = arith.addf %parallel_loop3A_655, %broadcast_in_dim3A_335 : vector<16xf32>
      %parallel_loop3A_657 = vector.bitcast %parallel_loop3A_656 : vector<16xf32> to vector<16xi32>
      %parallel_loop3A_658 = arith.constant 255 : i32
      %parallel_loop3A_659 = vector.broadcast %parallel_loop3A_658 : i32 to vector<16xi32>
      %parallel_loop3A_660 = arith.andi %parallel_loop3A_657, %parallel_loop3A_659 : vector<16xi32>
      tpu.vector_store_idx %arg6[%parallel_loop3A_660], %broadcast_in_dim3A_371 {add = true} : memref<256xf32, #tpu.memory_space<vmem>>[vector<16xi32>], vector<16xf32>,
      %parallel_loop3A_661 = arith.constant 160 : i32
      %parallel_loop3A_662 = arith.addi %parallel_loop3A_520, %parallel_loop3A_661 : i32
      %parallel_loop3A_663 = arith.constant 0 : i32
      %parallel_loop3A_664 = arith.index_cast %parallel_loop3A_663 : i32 to index
      %parallel_loop3A_665 = arith.index_cast %parallel_loop3A_516 : i32 to index
      %parallel_loop3A_666 = arith.index_cast %parallel_loop3A_662 : i32 to index
      %parallel_loop3A_667 = tpu.vector_load %arg5[%parallel_loop3A_664, %parallel_loop3A_665, %parallel_loop3A_666] {strides = array<i32>} : memref<2x64x512xf32, #tpu.memory_space<vmem>>, vector<16xf32>,
      %parallel_loop3A_668 = arith.subf %parallel_loop3A_667, %broadcast_in_dim3A_322 : vector<16xf32>
      %parallel_loop3A_669 = arith.mulf %parallel_loop3A_668, %div3A_333 : vector<16xf32>
      %parallel_loop3A_670 = arith.addf %parallel_loop3A_669, %broadcast_in_dim3A_335 : vector<16xf32>
      %parallel_loop3A_671 = vector.bitcast %parallel_loop3A_670 : vector<16xf32> to vector<16xi32>
      %parallel_loop3A_672 = arith.constant 255 : i32
      %parallel_loop3A_673 = vector.broadcast %parallel_loop3A_672 : i32 to vector<16xi32>
      %parallel_loop3A_674 = arith.andi %parallel_loop3A_671, %parallel_loop3A_673 : vector<16xi32>
      tpu.vector_store_idx %arg6[%parallel_loop3A_674], %broadcast_in_dim3A_371 {add = true} : memref<256xf32, #tpu.memory_space<vmem>>[vector<16xi32>], vector<16xf32>,
      %parallel_loop3A_675 = arith.constant 176 : i32
      %parallel_loop3A_676 = arith.addi %parallel_loop3A_520, %parallel_loop3A_675 : i32
      %parallel_loop3A_677 = arith.constant 0 : i32
      %parallel_loop3A_678 = arith.index_cast %parallel_loop3A_677 : i32 to index
      %parallel_loop3A_679 = arith.index_cast %parallel_loop3A_516 : i32 to index
      %parallel_loop3A_680 = arith.index_cast %parallel_loop3A_676 : i32 to index
      %parallel_loop3A_681 = tpu.vector_load %arg5[%parallel_loop3A_678, %parallel_loop3A_679, %parallel_loop3A_680] {strides = array<i32>} : memref<2x64x512xf32, #tpu.memory_space<vmem>>, vector<16xf32>,
      %parallel_loop3A_682 = arith.subf %parallel_loop3A_681, %broadcast_in_dim3A_322 : vector<16xf32>
      %parallel_loop3A_683 = arith.mulf %parallel_loop3A_682, %div3A_333 : vector<16xf32>
      %parallel_loop3A_684 = arith.addf %parallel_loop3A_683, %broadcast_in_dim3A_335 : vector<16xf32>
      %parallel_loop3A_685 = vector.bitcast %parallel_loop3A_684 : vector<16xf32> to vector<16xi32>
      %parallel_loop3A_686 = arith.constant 255 : i32
      %parallel_loop3A_687 = vector.broadcast %parallel_loop3A_686 : i32 to vector<16xi32>
      %parallel_loop3A_688 = arith.andi %parallel_loop3A_685, %parallel_loop3A_687 : vector<16xi32>
      tpu.vector_store_idx %arg6[%parallel_loop3A_688], %broadcast_in_dim3A_371 {add = true} : memref<256xf32, #tpu.memory_space<vmem>>[vector<16xi32>], vector<16xf32>,
      %parallel_loop3A_689 = arith.constant 192 : i32
      %parallel_loop3A_690 = arith.addi %parallel_loop3A_520, %parallel_loop3A_689 : i32
      %parallel_loop3A_691 = arith.constant 0 : i32
      %parallel_loop3A_692 = arith.index_cast %parallel_loop3A_691 : i32 to index
      %parallel_loop3A_693 = arith.index_cast %parallel_loop3A_516 : i32 to index
      %parallel_loop3A_694 = arith.index_cast %parallel_loop3A_690 : i32 to index
      %parallel_loop3A_695 = tpu.vector_load %arg5[%parallel_loop3A_692, %parallel_loop3A_693, %parallel_loop3A_694] {strides = array<i32>} : memref<2x64x512xf32, #tpu.memory_space<vmem>>, vector<16xf32>,
      %parallel_loop3A_696 = arith.subf %parallel_loop3A_695, %broadcast_in_dim3A_322 : vector<16xf32>
      %parallel_loop3A_697 = arith.mulf %parallel_loop3A_696, %div3A_333 : vector<16xf32>
      %parallel_loop3A_698 = arith.addf %parallel_loop3A_697, %broadcast_in_dim3A_335 : vector<16xf32>
      %parallel_loop3A_699 = vector.bitcast %parallel_loop3A_698 : vector<16xf32> to vector<16xi32>
      %parallel_loop3A_700 = arith.constant 255 : i32
      %parallel_loop3A_701 = vector.broadcast %parallel_loop3A_700 : i32 to vector<16xi32>
      %parallel_loop3A_702 = arith.andi %parallel_loop3A_699, %parallel_loop3A_701 : vector<16xi32>
      tpu.vector_store_idx %arg6[%parallel_loop3A_702], %broadcast_in_dim3A_371 {add = true} : memref<256xf32, #tpu.memory_space<vmem>>[vector<16xi32>], vector<16xf32>,
      %parallel_loop3A_703 = arith.constant 208 : i32
      %parallel_loop3A_704 = arith.addi %parallel_loop3A_520, %parallel_loop3A_703 : i32
      %parallel_loop3A_705 = arith.constant 0 : i32
      %parallel_loop3A_706 = arith.index_cast %parallel_loop3A_705 : i32 to index
      %parallel_loop3A_707 = arith.index_cast %parallel_loop3A_516 : i32 to index
      %parallel_loop3A_708 = arith.index_cast %parallel_loop3A_704 : i32 to index
      %parallel_loop3A_709 = tpu.vector_load %arg5[%parallel_loop3A_706, %parallel_loop3A_707, %parallel_loop3A_708] {strides = array<i32>} : memref<2x64x512xf32, #tpu.memory_space<vmem>>, vector<16xf32>,
      %parallel_loop3A_710 = arith.subf %parallel_loop3A_709, %broadcast_in_dim3A_322 : vector<16xf32>
      %parallel_loop3A_711 = arith.mulf %parallel_loop3A_710, %div3A_333 : vector<16xf32>
      %parallel_loop3A_712 = arith.addf %parallel_loop3A_711, %broadcast_in_dim3A_335 : vector<16xf32>
      %parallel_loop3A_713 = vector.bitcast %parallel_loop3A_712 : vector<16xf32> to vector<16xi32>
      %parallel_loop3A_714 = arith.constant 255 : i32
      %parallel_loop3A_715 = vector.broadcast %parallel_loop3A_714 : i32 to vector<16xi32>
      %parallel_loop3A_716 = arith.andi %parallel_loop3A_713, %parallel_loop3A_715 : vector<16xi32>
      tpu.vector_store_idx %arg6[%parallel_loop3A_716], %broadcast_in_dim3A_371 {add = true} : memref<256xf32, #tpu.memory_space<vmem>>[vector<16xi32>], vector<16xf32>,
      %parallel_loop3A_717 = arith.constant 224 : i32
      %parallel_loop3A_718 = arith.addi %parallel_loop3A_520, %parallel_loop3A_717 : i32
      %parallel_loop3A_719 = arith.constant 0 : i32
      %parallel_loop3A_720 = arith.index_cast %parallel_loop3A_719 : i32 to index
      %parallel_loop3A_721 = arith.index_cast %parallel_loop3A_516 : i32 to index
      %parallel_loop3A_722 = arith.index_cast %parallel_loop3A_718 : i32 to index
      %parallel_loop3A_723 = tpu.vector_load %arg5[%parallel_loop3A_720, %parallel_loop3A_721, %parallel_loop3A_722] {strides = array<i32>} : memref<2x64x512xf32, #tpu.memory_space<vmem>>, vector<16xf32>,
      %parallel_loop3A_724 = arith.subf %parallel_loop3A_723, %broadcast_in_dim3A_322 : vector<16xf32>
      %parallel_loop3A_725 = arith.mulf %parallel_loop3A_724, %div3A_333 : vector<16xf32>
      %parallel_loop3A_726 = arith.addf %parallel_loop3A_725, %broadcast_in_dim3A_335 : vector<16xf32>
      %parallel_loop3A_727 = vector.bitcast %parallel_loop3A_726 : vector<16xf32> to vector<16xi32>
      %parallel_loop3A_728 = arith.constant 255 : i32
      %parallel_loop3A_729 = vector.broadcast %parallel_loop3A_728 : i32 to vector<16xi32>
      %parallel_loop3A_730 = arith.andi %parallel_loop3A_727, %parallel_loop3A_729 : vector<16xi32>
      tpu.vector_store_idx %arg6[%parallel_loop3A_730], %broadcast_in_dim3A_371 {add = true} : memref<256xf32, #tpu.memory_space<vmem>>[vector<16xi32>], vector<16xf32>,
      %parallel_loop3A_731 = arith.constant 240 : i32
      %parallel_loop3A_732 = arith.addi %parallel_loop3A_520, %parallel_loop3A_731 : i32
      %parallel_loop3A_733 = arith.constant 0 : i32
      %parallel_loop3A_734 = arith.index_cast %parallel_loop3A_733 : i32 to index
      %parallel_loop3A_735 = arith.index_cast %parallel_loop3A_516 : i32 to index
      %parallel_loop3A_736 = arith.index_cast %parallel_loop3A_732 : i32 to index
      %parallel_loop3A_737 = tpu.vector_load %arg5[%parallel_loop3A_734, %parallel_loop3A_735, %parallel_loop3A_736] {strides = array<i32>} : memref<2x64x512xf32, #tpu.memory_space<vmem>>, vector<16xf32>,
      %parallel_loop3A_738 = arith.subf %parallel_loop3A_737, %broadcast_in_dim3A_322 : vector<16xf32>
      %parallel_loop3A_739 = arith.mulf %parallel_loop3A_738, %div3A_333 : vector<16xf32>
      %parallel_loop3A_740 = arith.addf %parallel_loop3A_739, %broadcast_in_dim3A_335 : vector<16xf32>
      %parallel_loop3A_741 = vector.bitcast %parallel_loop3A_740 : vector<16xf32> to vector<16xi32>
      %parallel_loop3A_742 = arith.constant 255 : i32
      %parallel_loop3A_743 = vector.broadcast %parallel_loop3A_742 : i32 to vector<16xi32>
      %parallel_loop3A_744 = arith.andi %parallel_loop3A_741, %parallel_loop3A_743 : vector<16xi32>
      tpu.vector_store_idx %arg6[%parallel_loop3A_744], %broadcast_in_dim3A_371 {add = true} : memref<256xf32, #tpu.memory_space<vmem>>[vector<16xi32>], vector<16xf32>,
    } {sc.loop_unroll_factor = 1 : i64, sc.parallel_access}
    %add3A_424 = arith.constant 128 : i32
    %add3A_425 = arith.addi %mul3A_32, %add3A_424 : i32
    %dma_start3A_426 = arith.constant 0 : i32
    %dma_start3A_427 = arith.constant 0 : i32
    %dma_start3A_428 = arith.constant 0 : i32
    %dma_start3A_429 = tpu.memref_slice %arg5[%dma_start3A_426, %dma_start3A_427, %dma_start3A_428] : memref<2x64x512xf32, #tpu.memory_space<vmem>> -> memref<1x64x512xf32, #tpu.memory_space<vmem>>
    %dma_start3A_430 = tpu.memref_squeeze %dma_start3A_429 : memref<1x64x512xf32, #tpu.memory_space<vmem>> -> memref<64x512xf32, #tpu.memory_space<vmem>>
    %dma_start3A_431 = arith.constant 0 : i32
    %dma_start3A_432 = tpu.memref_slice %arg2[%select_n3A, %add3A_425, %dma_start3A_431] : memref<16x512x512xf32, #tpu.memory_space<hbm>> -> memref<1x64x512xf32, #tpu.memory_space<hbm>>
    %dma_start3A_433 = tpu.memref_squeeze %dma_start3A_432 : memref<1x64x512xf32, #tpu.memory_space<hbm>> -> memref<64x512xf32, #tpu.memory_space<hbm>>
    %dma_start3A_434 = arith.constant 0 : i32
    %dma_start3A_435 = arith.constant 0 : i32
    %dma_start3A_436 = tpu.memref_slice %arg5[%dma_start3A_426, %dma_start3A_434, %dma_start3A_435] : memref<2x64x512xf32, #tpu.memory_space<vmem>> -> memref<1x64x512xf32, #tpu.memory_space<vmem>>
    %dma_start3A_437 = tpu.memref_squeeze %dma_start3A_436 : memref<1x64x512xf32, #tpu.memory_space<vmem>> -> memref<64x512xf32, #tpu.memory_space<vmem>>
    %dma_start3A_438 = arith.constant 0 : i32
    %dma_start3A_439 = tpu.memref_slice %arg2[%select_n3A, %add3A_425, %dma_start3A_438] : memref<16x512x512xf32, #tpu.memory_space<hbm>> -> memref<1x64x512xf32, #tpu.memory_space<hbm>>
    %dma_start3A_440 = tpu.memref_squeeze %dma_start3A_439 : memref<1x64x512xf32, #tpu.memory_space<hbm>> -> memref<64x512xf32, #tpu.memory_space<hbm>>
    tpu.enqueue_dma source(%dma_start3A_440 : memref<64x512xf32, #tpu.memory_space<hbm>>) target(%dma_start3A_437 : memref<64x512xf32, #tpu.memory_space<vmem>>) target_semaphore(%arg10 : memref<!tpu.dma_semaphore, #tpu.memory_space<semaphore_mem>>)
    %dma_wait3A_441 = arith.constant 1 : i32
    %dma_wait3A_442 = arith.constant 0 : i32
    %dma_wait3A_443 = arith.constant 0 : i32
    %dma_wait3A_444 = tpu.memref_slice %arg5[%dma_wait3A_441, %dma_wait3A_442, %dma_wait3A_443] : memref<2x64x512xf32, #tpu.memory_space<vmem>> -> memref<1x64x512xf32, #tpu.memory_space<vmem>>
    %dma_wait3A_445 = tpu.memref_squeeze %dma_wait3A_444 : memref<1x64x512xf32, #tpu.memory_space<vmem>> -> memref<64x512xf32, #tpu.memory_space<vmem>>
    %dma_wait3A_446 = arith.constant 0 : i32
    %dma_wait3A_447 = tpu.memref_slice %arg2[%select_n3A, %add3A_390, %dma_wait3A_446] : memref<16x512x512xf32, #tpu.memory_space<hbm>> -> memref<1x64x512xf32, #tpu.memory_space<hbm>>
    %dma_wait3A_448 = tpu.memref_squeeze %dma_wait3A_447 : memref<1x64x512xf32, #tpu.memory_space<hbm>> -> memref<64x512xf32, #tpu.memory_space<hbm>>
    %dma_wait3A_449 = arith.constant 0 : i32
    %dma_wait3A_450 = arith.constant 0 : i32
    %dma_wait3A_451 = tpu.memref_slice %arg5[%dma_wait3A_441, %dma_wait3A_449, %dma_wait3A_450] : memref<2x64x512xf32, #tpu.memory_space<vmem>> -> memref<1x64x512xf32, #tpu.memory_space<vmem>>
    %dma_wait3A_452 = tpu.memref_squeeze %dma_wait3A_451 : memref<1x64x512xf32, #tpu.memory_space<vmem>> -> memref<64x512xf32, #tpu.memory_space<vmem>>
    %dma_wait3A_453 = arith.constant 0 : i32
    %dma_wait3A_454 = tpu.memref_slice %arg2[%select_n3A, %add3A_390, %dma_wait3A_453] : memref<16x512x512xf32, #tpu.memory_space<hbm>> -> memref<1x64x512xf32, #tpu.memory_space<hbm>>
    %dma_wait3A_455 = tpu.memref_squeeze %dma_wait3A_454 : memref<1x64x512xf32, #tpu.memory_space<hbm>> -> memref<64x512xf32, #tpu.memory_space<hbm>>
    tpu.wait_dma2 semaphore(%arg11 : memref<!tpu.dma_semaphore, #tpu.memory_space<semaphore_mem>>) src(%dma_wait3A_455 : memref<64x512xf32, #tpu.memory_space<hbm>>) dst(%dma_wait3A_452 : memref<64x512xf32, #tpu.memory_space<vmem>>)
    %parallel_loop3A_456 = arith.constant 0 : i32
    %parallel_loop3A_457 = arith.constant 128 : i32
    %parallel_loop3A_458 = arith.constant 1 : i32
    scf.for %parallel_loop3A_514 = %parallel_loop3A_456 to %parallel_loop3A_457 step %parallel_loop3A_458  : i32 {
      %parallel_loop3A_515 = arith.constant 1 : i32
      %parallel_loop3A_516 = arith.shrsi %parallel_loop3A_514, %parallel_loop3A_515 : i32
      %parallel_loop3A_517 = arith.constant 1 : i32
      %parallel_loop3A_518 = arith.andi %parallel_loop3A_514, %parallel_loop3A_517 : i32
      %parallel_loop3A_519 = arith.constant 256 : i32
      %parallel_loop3A_520 = arith.muli %parallel_loop3A_518, %parallel_loop3A_519 : i32
      %parallel_loop3A_521 = arith.constant 0 : i32
      %parallel_loop3A_522 = arith.addi %parallel_loop3A_520, %parallel_loop3A_521 : i32
      %parallel_loop3A_523 = arith.constant 1 : i32
      %parallel_loop3A_524 = arith.index_cast %parallel_loop3A_523 : i32 to index
      %parallel_loop3A_525 = arith.index_cast %parallel_loop3A_516 : i32 to index
      %parallel_loop3A_526 = arith.index_cast %parallel_loop3A_522 : i32 to index
      %parallel_loop3A_527 = tpu.vector_load %arg5[%parallel_loop3A_524, %parallel_loop3A_525, %parallel_loop3A_526] {strides = array<i32>} : memref<2x64x512xf32, #tpu.memory_space<vmem>>, vector<16xf32>,
      %parallel_loop3A_528 = arith.subf %parallel_loop3A_527, %broadcast_in_dim3A_322 : vector<16xf32>
      %parallel_loop3A_529 = arith.mulf %parallel_loop3A_528, %div3A_333 : vector<16xf32>
      %parallel_loop3A_530 = arith.addf %parallel_loop3A_529, %broadcast_in_dim3A_335 : vector<16xf32>
      %parallel_loop3A_531 = vector.bitcast %parallel_loop3A_530 : vector<16xf32> to vector<16xi32>
      %parallel_loop3A_532 = arith.constant 255 : i32
      %parallel_loop3A_533 = vector.broadcast %parallel_loop3A_532 : i32 to vector<16xi32>
      %parallel_loop3A_534 = arith.andi %parallel_loop3A_531, %parallel_loop3A_533 : vector<16xi32>
      tpu.vector_store_idx %arg6[%parallel_loop3A_534], %broadcast_in_dim3A_371 {add = true} : memref<256xf32, #tpu.memory_space<vmem>>[vector<16xi32>], vector<16xf32>,
      %parallel_loop3A_535 = arith.constant 16 : i32
      %parallel_loop3A_536 = arith.addi %parallel_loop3A_520, %parallel_loop3A_535 : i32
      %parallel_loop3A_537 = arith.constant 1 : i32
      %parallel_loop3A_538 = arith.index_cast %parallel_loop3A_537 : i32 to index
      %parallel_loop3A_539 = arith.index_cast %parallel_loop3A_516 : i32 to index
      %parallel_loop3A_540 = arith.index_cast %parallel_loop3A_536 : i32 to index
      %parallel_loop3A_541 = tpu.vector_load %arg5[%parallel_loop3A_538, %parallel_loop3A_539, %parallel_loop3A_540] {strides = array<i32>} : memref<2x64x512xf32, #tpu.memory_space<vmem>>, vector<16xf32>,
      %parallel_loop3A_542 = arith.subf %parallel_loop3A_541, %broadcast_in_dim3A_322 : vector<16xf32>
      %parallel_loop3A_543 = arith.mulf %parallel_loop3A_542, %div3A_333 : vector<16xf32>
      %parallel_loop3A_544 = arith.addf %parallel_loop3A_543, %broadcast_in_dim3A_335 : vector<16xf32>
      %parallel_loop3A_545 = vector.bitcast %parallel_loop3A_544 : vector<16xf32> to vector<16xi32>
      %parallel_loop3A_546 = arith.constant 255 : i32
      %parallel_loop3A_547 = vector.broadcast %parallel_loop3A_546 : i32 to vector<16xi32>
      %parallel_loop3A_548 = arith.andi %parallel_loop3A_545, %parallel_loop3A_547 : vector<16xi32>
      tpu.vector_store_idx %arg6[%parallel_loop3A_548], %broadcast_in_dim3A_371 {add = true} : memref<256xf32, #tpu.memory_space<vmem>>[vector<16xi32>], vector<16xf32>,
      %parallel_loop3A_549 = arith.constant 32 : i32
      %parallel_loop3A_550 = arith.addi %parallel_loop3A_520, %parallel_loop3A_549 : i32
      %parallel_loop3A_551 = arith.constant 1 : i32
      %parallel_loop3A_552 = arith.index_cast %parallel_loop3A_551 : i32 to index
      %parallel_loop3A_553 = arith.index_cast %parallel_loop3A_516 : i32 to index
      %parallel_loop3A_554 = arith.index_cast %parallel_loop3A_550 : i32 to index
      %parallel_loop3A_555 = tpu.vector_load %arg5[%parallel_loop3A_552, %parallel_loop3A_553, %parallel_loop3A_554] {strides = array<i32>} : memref<2x64x512xf32, #tpu.memory_space<vmem>>, vector<16xf32>,
      %parallel_loop3A_556 = arith.subf %parallel_loop3A_555, %broadcast_in_dim3A_322 : vector<16xf32>
      %parallel_loop3A_557 = arith.mulf %parallel_loop3A_556, %div3A_333 : vector<16xf32>
      %parallel_loop3A_558 = arith.addf %parallel_loop3A_557, %broadcast_in_dim3A_335 : vector<16xf32>
      %parallel_loop3A_559 = vector.bitcast %parallel_loop3A_558 : vector<16xf32> to vector<16xi32>
      %parallel_loop3A_560 = arith.constant 255 : i32
      %parallel_loop3A_561 = vector.broadcast %parallel_loop3A_560 : i32 to vector<16xi32>
      %parallel_loop3A_562 = arith.andi %parallel_loop3A_559, %parallel_loop3A_561 : vector<16xi32>
      tpu.vector_store_idx %arg6[%parallel_loop3A_562], %broadcast_in_dim3A_371 {add = true} : memref<256xf32, #tpu.memory_space<vmem>>[vector<16xi32>], vector<16xf32>,
      %parallel_loop3A_563 = arith.constant 48 : i32
      %parallel_loop3A_564 = arith.addi %parallel_loop3A_520, %parallel_loop3A_563 : i32
      %parallel_loop3A_565 = arith.constant 1 : i32
      %parallel_loop3A_566 = arith.index_cast %parallel_loop3A_565 : i32 to index
      %parallel_loop3A_567 = arith.index_cast %parallel_loop3A_516 : i32 to index
      %parallel_loop3A_568 = arith.index_cast %parallel_loop3A_564 : i32 to index
      %parallel_loop3A_569 = tpu.vector_load %arg5[%parallel_loop3A_566, %parallel_loop3A_567, %parallel_loop3A_568] {strides = array<i32>} : memref<2x64x512xf32, #tpu.memory_space<vmem>>, vector<16xf32>,
      %parallel_loop3A_570 = arith.subf %parallel_loop3A_569, %broadcast_in_dim3A_322 : vector<16xf32>
      %parallel_loop3A_571 = arith.mulf %parallel_loop3A_570, %div3A_333 : vector<16xf32>
      %parallel_loop3A_572 = arith.addf %parallel_loop3A_571, %broadcast_in_dim3A_335 : vector<16xf32>
      %parallel_loop3A_573 = vector.bitcast %parallel_loop3A_572 : vector<16xf32> to vector<16xi32>
      %parallel_loop3A_574 = arith.constant 255 : i32
      %parallel_loop3A_575 = vector.broadcast %parallel_loop3A_574 : i32 to vector<16xi32>
      %parallel_loop3A_576 = arith.andi %parallel_loop3A_573, %parallel_loop3A_575 : vector<16xi32>
      tpu.vector_store_idx %arg6[%parallel_loop3A_576], %broadcast_in_dim3A_371 {add = true} : memref<256xf32, #tpu.memory_space<vmem>>[vector<16xi32>], vector<16xf32>,
      %parallel_loop3A_577 = arith.constant 64 : i32
      %parallel_loop3A_578 = arith.addi %parallel_loop3A_520, %parallel_loop3A_577 : i32
      %parallel_loop3A_579 = arith.constant 1 : i32
      %parallel_loop3A_580 = arith.index_cast %parallel_loop3A_579 : i32 to index
      %parallel_loop3A_581 = arith.index_cast %parallel_loop3A_516 : i32 to index
      %parallel_loop3A_582 = arith.index_cast %parallel_loop3A_578 : i32 to index
      %parallel_loop3A_583 = tpu.vector_load %arg5[%parallel_loop3A_580, %parallel_loop3A_581, %parallel_loop3A_582] {strides = array<i32>} : memref<2x64x512xf32, #tpu.memory_space<vmem>>, vector<16xf32>,
      %parallel_loop3A_584 = arith.subf %parallel_loop3A_583, %broadcast_in_dim3A_322 : vector<16xf32>
      %parallel_loop3A_585 = arith.mulf %parallel_loop3A_584, %div3A_333 : vector<16xf32>
      %parallel_loop3A_586 = arith.addf %parallel_loop3A_585, %broadcast_in_dim3A_335 : vector<16xf32>
      %parallel_loop3A_587 = vector.bitcast %parallel_loop3A_586 : vector<16xf32> to vector<16xi32>
      %parallel_loop3A_588 = arith.constant 255 : i32
      %parallel_loop3A_589 = vector.broadcast %parallel_loop3A_588 : i32 to vector<16xi32>
      %parallel_loop3A_590 = arith.andi %parallel_loop3A_587, %parallel_loop3A_589 : vector<16xi32>
      tpu.vector_store_idx %arg6[%parallel_loop3A_590], %broadcast_in_dim3A_371 {add = true} : memref<256xf32, #tpu.memory_space<vmem>>[vector<16xi32>], vector<16xf32>,
      %parallel_loop3A_591 = arith.constant 80 : i32
      %parallel_loop3A_592 = arith.addi %parallel_loop3A_520, %parallel_loop3A_591 : i32
      %parallel_loop3A_593 = arith.constant 1 : i32
      %parallel_loop3A_594 = arith.index_cast %parallel_loop3A_593 : i32 to index
      %parallel_loop3A_595 = arith.index_cast %parallel_loop3A_516 : i32 to index
      %parallel_loop3A_596 = arith.index_cast %parallel_loop3A_592 : i32 to index
      %parallel_loop3A_597 = tpu.vector_load %arg5[%parallel_loop3A_594, %parallel_loop3A_595, %parallel_loop3A_596] {strides = array<i32>} : memref<2x64x512xf32, #tpu.memory_space<vmem>>, vector<16xf32>,
      %parallel_loop3A_598 = arith.subf %parallel_loop3A_597, %broadcast_in_dim3A_322 : vector<16xf32>
      %parallel_loop3A_599 = arith.mulf %parallel_loop3A_598, %div3A_333 : vector<16xf32>
      %parallel_loop3A_600 = arith.addf %parallel_loop3A_599, %broadcast_in_dim3A_335 : vector<16xf32>
      %parallel_loop3A_601 = vector.bitcast %parallel_loop3A_600 : vector<16xf32> to vector<16xi32>
      %parallel_loop3A_602 = arith.constant 255 : i32
      %parallel_loop3A_603 = vector.broadcast %parallel_loop3A_602 : i32 to vector<16xi32>
      %parallel_loop3A_604 = arith.andi %parallel_loop3A_601, %parallel_loop3A_603 : vector<16xi32>
      tpu.vector_store_idx %arg6[%parallel_loop3A_604], %broadcast_in_dim3A_371 {add = true} : memref<256xf32, #tpu.memory_space<vmem>>[vector<16xi32>], vector<16xf32>,
      %parallel_loop3A_605 = arith.constant 96 : i32
      %parallel_loop3A_606 = arith.addi %parallel_loop3A_520, %parallel_loop3A_605 : i32
      %parallel_loop3A_607 = arith.constant 1 : i32
      %parallel_loop3A_608 = arith.index_cast %parallel_loop3A_607 : i32 to index
      %parallel_loop3A_609 = arith.index_cast %parallel_loop3A_516 : i32 to index
      %parallel_loop3A_610 = arith.index_cast %parallel_loop3A_606 : i32 to index
      %parallel_loop3A_611 = tpu.vector_load %arg5[%parallel_loop3A_608, %parallel_loop3A_609, %parallel_loop3A_610] {strides = array<i32>} : memref<2x64x512xf32, #tpu.memory_space<vmem>>, vector<16xf32>,
      %parallel_loop3A_612 = arith.subf %parallel_loop3A_611, %broadcast_in_dim3A_322 : vector<16xf32>
      %parallel_loop3A_613 = arith.mulf %parallel_loop3A_612, %div3A_333 : vector<16xf32>
      %parallel_loop3A_614 = arith.addf %parallel_loop3A_613, %broadcast_in_dim3A_335 : vector<16xf32>
      %parallel_loop3A_615 = vector.bitcast %parallel_loop3A_614 : vector<16xf32> to vector<16xi32>
      %parallel_loop3A_616 = arith.constant 255 : i32
      %parallel_loop3A_617 = vector.broadcast %parallel_loop3A_616 : i32 to vector<16xi32>
      %parallel_loop3A_618 = arith.andi %parallel_loop3A_615, %parallel_loop3A_617 : vector<16xi32>
      tpu.vector_store_idx %arg6[%parallel_loop3A_618], %broadcast_in_dim3A_371 {add = true} : memref<256xf32, #tpu.memory_space<vmem>>[vector<16xi32>], vector<16xf32>,
      %parallel_loop3A_619 = arith.constant 112 : i32
      %parallel_loop3A_620 = arith.addi %parallel_loop3A_520, %parallel_loop3A_619 : i32
      %parallel_loop3A_621 = arith.constant 1 : i32
      %parallel_loop3A_622 = arith.index_cast %parallel_loop3A_621 : i32 to index
      %parallel_loop3A_623 = arith.index_cast %parallel_loop3A_516 : i32 to index
      %parallel_loop3A_624 = arith.index_cast %parallel_loop3A_620 : i32 to index
      %parallel_loop3A_625 = tpu.vector_load %arg5[%parallel_loop3A_622, %parallel_loop3A_623, %parallel_loop3A_624] {strides = array<i32>} : memref<2x64x512xf32, #tpu.memory_space<vmem>>, vector<16xf32>,
      %parallel_loop3A_626 = arith.subf %parallel_loop3A_625, %broadcast_in_dim3A_322 : vector<16xf32>
      %parallel_loop3A_627 = arith.mulf %parallel_loop3A_626, %div3A_333 : vector<16xf32>
      %parallel_loop3A_628 = arith.addf %parallel_loop3A_627, %broadcast_in_dim3A_335 : vector<16xf32>
      %parallel_loop3A_629 = vector.bitcast %parallel_loop3A_628 : vector<16xf32> to vector<16xi32>
      %parallel_loop3A_630 = arith.constant 255 : i32
      %parallel_loop3A_631 = vector.broadcast %parallel_loop3A_630 : i32 to vector<16xi32>
      %parallel_loop3A_632 = arith.andi %parallel_loop3A_629, %parallel_loop3A_631 : vector<16xi32>
      tpu.vector_store_idx %arg6[%parallel_loop3A_632], %broadcast_in_dim3A_371 {add = true} : memref<256xf32, #tpu.memory_space<vmem>>[vector<16xi32>], vector<16xf32>,
      %parallel_loop3A_633 = arith.constant 128 : i32
      %parallel_loop3A_634 = arith.addi %parallel_loop3A_520, %parallel_loop3A_633 : i32
      %parallel_loop3A_635 = arith.constant 1 : i32
      %parallel_loop3A_636 = arith.index_cast %parallel_loop3A_635 : i32 to index
      %parallel_loop3A_637 = arith.index_cast %parallel_loop3A_516 : i32 to index
      %parallel_loop3A_638 = arith.index_cast %parallel_loop3A_634 : i32 to index
      %parallel_loop3A_639 = tpu.vector_load %arg5[%parallel_loop3A_636, %parallel_loop3A_637, %parallel_loop3A_638] {strides = array<i32>} : memref<2x64x512xf32, #tpu.memory_space<vmem>>, vector<16xf32>,
      %parallel_loop3A_640 = arith.subf %parallel_loop3A_639, %broadcast_in_dim3A_322 : vector<16xf32>
      %parallel_loop3A_641 = arith.mulf %parallel_loop3A_640, %div3A_333 : vector<16xf32>
      %parallel_loop3A_642 = arith.addf %parallel_loop3A_641, %broadcast_in_dim3A_335 : vector<16xf32>
      %parallel_loop3A_643 = vector.bitcast %parallel_loop3A_642 : vector<16xf32> to vector<16xi32>
      %parallel_loop3A_644 = arith.constant 255 : i32
      %parallel_loop3A_645 = vector.broadcast %parallel_loop3A_644 : i32 to vector<16xi32>
      %parallel_loop3A_646 = arith.andi %parallel_loop3A_643, %parallel_loop3A_645 : vector<16xi32>
      tpu.vector_store_idx %arg6[%parallel_loop3A_646], %broadcast_in_dim3A_371 {add = true} : memref<256xf32, #tpu.memory_space<vmem>>[vector<16xi32>], vector<16xf32>,
      %parallel_loop3A_647 = arith.constant 144 : i32
      %parallel_loop3A_648 = arith.addi %parallel_loop3A_520, %parallel_loop3A_647 : i32
      %parallel_loop3A_649 = arith.constant 1 : i32
      %parallel_loop3A_650 = arith.index_cast %parallel_loop3A_649 : i32 to index
      %parallel_loop3A_651 = arith.index_cast %parallel_loop3A_516 : i32 to index
      %parallel_loop3A_652 = arith.index_cast %parallel_loop3A_648 : i32 to index
      %parallel_loop3A_653 = tpu.vector_load %arg5[%parallel_loop3A_650, %parallel_loop3A_651, %parallel_loop3A_652] {strides = array<i32>} : memref<2x64x512xf32, #tpu.memory_space<vmem>>, vector<16xf32>,
      %parallel_loop3A_654 = arith.subf %parallel_loop3A_653, %broadcast_in_dim3A_322 : vector<16xf32>
      %parallel_loop3A_655 = arith.mulf %parallel_loop3A_654, %div3A_333 : vector<16xf32>
      %parallel_loop3A_656 = arith.addf %parallel_loop3A_655, %broadcast_in_dim3A_335 : vector<16xf32>
      %parallel_loop3A_657 = vector.bitcast %parallel_loop3A_656 : vector<16xf32> to vector<16xi32>
      %parallel_loop3A_658 = arith.constant 255 : i32
      %parallel_loop3A_659 = vector.broadcast %parallel_loop3A_658 : i32 to vector<16xi32>
      %parallel_loop3A_660 = arith.andi %parallel_loop3A_657, %parallel_loop3A_659 : vector<16xi32>
      tpu.vector_store_idx %arg6[%parallel_loop3A_660], %broadcast_in_dim3A_371 {add = true} : memref<256xf32, #tpu.memory_space<vmem>>[vector<16xi32>], vector<16xf32>,
      %parallel_loop3A_661 = arith.constant 160 : i32
      %parallel_loop3A_662 = arith.addi %parallel_loop3A_520, %parallel_loop3A_661 : i32
      %parallel_loop3A_663 = arith.constant 1 : i32
      %parallel_loop3A_664 = arith.index_cast %parallel_loop3A_663 : i32 to index
      %parallel_loop3A_665 = arith.index_cast %parallel_loop3A_516 : i32 to index
      %parallel_loop3A_666 = arith.index_cast %parallel_loop3A_662 : i32 to index
      %parallel_loop3A_667 = tpu.vector_load %arg5[%parallel_loop3A_664, %parallel_loop3A_665, %parallel_loop3A_666] {strides = array<i32>} : memref<2x64x512xf32, #tpu.memory_space<vmem>>, vector<16xf32>,
      %parallel_loop3A_668 = arith.subf %parallel_loop3A_667, %broadcast_in_dim3A_322 : vector<16xf32>
      %parallel_loop3A_669 = arith.mulf %parallel_loop3A_668, %div3A_333 : vector<16xf32>
      %parallel_loop3A_670 = arith.addf %parallel_loop3A_669, %broadcast_in_dim3A_335 : vector<16xf32>
      %parallel_loop3A_671 = vector.bitcast %parallel_loop3A_670 : vector<16xf32> to vector<16xi32>
      %parallel_loop3A_672 = arith.constant 255 : i32
      %parallel_loop3A_673 = vector.broadcast %parallel_loop3A_672 : i32 to vector<16xi32>
      %parallel_loop3A_674 = arith.andi %parallel_loop3A_671, %parallel_loop3A_673 : vector<16xi32>
      tpu.vector_store_idx %arg6[%parallel_loop3A_674], %broadcast_in_dim3A_371 {add = true} : memref<256xf32, #tpu.memory_space<vmem>>[vector<16xi32>], vector<16xf32>,
      %parallel_loop3A_675 = arith.constant 176 : i32
      %parallel_loop3A_676 = arith.addi %parallel_loop3A_520, %parallel_loop3A_675 : i32
      %parallel_loop3A_677 = arith.constant 1 : i32
      %parallel_loop3A_678 = arith.index_cast %parallel_loop3A_677 : i32 to index
      %parallel_loop3A_679 = arith.index_cast %parallel_loop3A_516 : i32 to index
      %parallel_loop3A_680 = arith.index_cast %parallel_loop3A_676 : i32 to index
      %parallel_loop3A_681 = tpu.vector_load %arg5[%parallel_loop3A_678, %parallel_loop3A_679, %parallel_loop3A_680] {strides = array<i32>} : memref<2x64x512xf32, #tpu.memory_space<vmem>>, vector<16xf32>,
      %parallel_loop3A_682 = arith.subf %parallel_loop3A_681, %broadcast_in_dim3A_322 : vector<16xf32>
      %parallel_loop3A_683 = arith.mulf %parallel_loop3A_682, %div3A_333 : vector<16xf32>
      %parallel_loop3A_684 = arith.addf %parallel_loop3A_683, %broadcast_in_dim3A_335 : vector<16xf32>
      %parallel_loop3A_685 = vector.bitcast %parallel_loop3A_684 : vector<16xf32> to vector<16xi32>
      %parallel_loop3A_686 = arith.constant 255 : i32
      %parallel_loop3A_687 = vector.broadcast %parallel_loop3A_686 : i32 to vector<16xi32>
      %parallel_loop3A_688 = arith.andi %parallel_loop3A_685, %parallel_loop3A_687 : vector<16xi32>
      tpu.vector_store_idx %arg6[%parallel_loop3A_688], %broadcast_in_dim3A_371 {add = true} : memref<256xf32, #tpu.memory_space<vmem>>[vector<16xi32>], vector<16xf32>,
      %parallel_loop3A_689 = arith.constant 192 : i32
      %parallel_loop3A_690 = arith.addi %parallel_loop3A_520, %parallel_loop3A_689 : i32
      %parallel_loop3A_691 = arith.constant 1 : i32
      %parallel_loop3A_692 = arith.index_cast %parallel_loop3A_691 : i32 to index
      %parallel_loop3A_693 = arith.index_cast %parallel_loop3A_516 : i32 to index
      %parallel_loop3A_694 = arith.index_cast %parallel_loop3A_690 : i32 to index
      %parallel_loop3A_695 = tpu.vector_load %arg5[%parallel_loop3A_692, %parallel_loop3A_693, %parallel_loop3A_694] {strides = array<i32>} : memref<2x64x512xf32, #tpu.memory_space<vmem>>, vector<16xf32>,
      %parallel_loop3A_696 = arith.subf %parallel_loop3A_695, %broadcast_in_dim3A_322 : vector<16xf32>
      %parallel_loop3A_697 = arith.mulf %parallel_loop3A_696, %div3A_333 : vector<16xf32>
      %parallel_loop3A_698 = arith.addf %parallel_loop3A_697, %broadcast_in_dim3A_335 : vector<16xf32>
      %parallel_loop3A_699 = vector.bitcast %parallel_loop3A_698 : vector<16xf32> to vector<16xi32>
      %parallel_loop3A_700 = arith.constant 255 : i32
      %parallel_loop3A_701 = vector.broadcast %parallel_loop3A_700 : i32 to vector<16xi32>
      %parallel_loop3A_702 = arith.andi %parallel_loop3A_699, %parallel_loop3A_701 : vector<16xi32>
      tpu.vector_store_idx %arg6[%parallel_loop3A_702], %broadcast_in_dim3A_371 {add = true} : memref<256xf32, #tpu.memory_space<vmem>>[vector<16xi32>], vector<16xf32>,
      %parallel_loop3A_703 = arith.constant 208 : i32
      %parallel_loop3A_704 = arith.addi %parallel_loop3A_520, %parallel_loop3A_703 : i32
      %parallel_loop3A_705 = arith.constant 1 : i32
      %parallel_loop3A_706 = arith.index_cast %parallel_loop3A_705 : i32 to index
      %parallel_loop3A_707 = arith.index_cast %parallel_loop3A_516 : i32 to index
      %parallel_loop3A_708 = arith.index_cast %parallel_loop3A_704 : i32 to index
      %parallel_loop3A_709 = tpu.vector_load %arg5[%parallel_loop3A_706, %parallel_loop3A_707, %parallel_loop3A_708] {strides = array<i32>} : memref<2x64x512xf32, #tpu.memory_space<vmem>>, vector<16xf32>,
      %parallel_loop3A_710 = arith.subf %parallel_loop3A_709, %broadcast_in_dim3A_322 : vector<16xf32>
      %parallel_loop3A_711 = arith.mulf %parallel_loop3A_710, %div3A_333 : vector<16xf32>
      %parallel_loop3A_712 = arith.addf %parallel_loop3A_711, %broadcast_in_dim3A_335 : vector<16xf32>
      %parallel_loop3A_713 = vector.bitcast %parallel_loop3A_712 : vector<16xf32> to vector<16xi32>
      %parallel_loop3A_714 = arith.constant 255 : i32
      %parallel_loop3A_715 = vector.broadcast %parallel_loop3A_714 : i32 to vector<16xi32>
      %parallel_loop3A_716 = arith.andi %parallel_loop3A_713, %parallel_loop3A_715 : vector<16xi32>
      tpu.vector_store_idx %arg6[%parallel_loop3A_716], %broadcast_in_dim3A_371 {add = true} : memref<256xf32, #tpu.memory_space<vmem>>[vector<16xi32>], vector<16xf32>,
      %parallel_loop3A_717 = arith.constant 224 : i32
      %parallel_loop3A_718 = arith.addi %parallel_loop3A_520, %parallel_loop3A_717 : i32
      %parallel_loop3A_719 = arith.constant 1 : i32
      %parallel_loop3A_720 = arith.index_cast %parallel_loop3A_719 : i32 to index
      %parallel_loop3A_721 = arith.index_cast %parallel_loop3A_516 : i32 to index
      %parallel_loop3A_722 = arith.index_cast %parallel_loop3A_718 : i32 to index
      %parallel_loop3A_723 = tpu.vector_load %arg5[%parallel_loop3A_720, %parallel_loop3A_721, %parallel_loop3A_722] {strides = array<i32>} : memref<2x64x512xf32, #tpu.memory_space<vmem>>, vector<16xf32>,
      %parallel_loop3A_724 = arith.subf %parallel_loop3A_723, %broadcast_in_dim3A_322 : vector<16xf32>
      %parallel_loop3A_725 = arith.mulf %parallel_loop3A_724, %div3A_333 : vector<16xf32>
      %parallel_loop3A_726 = arith.addf %parallel_loop3A_725, %broadcast_in_dim3A_335 : vector<16xf32>
      %parallel_loop3A_727 = vector.bitcast %parallel_loop3A_726 : vector<16xf32> to vector<16xi32>
      %parallel_loop3A_728 = arith.constant 255 : i32
      %parallel_loop3A_729 = vector.broadcast %parallel_loop3A_728 : i32 to vector<16xi32>
      %parallel_loop3A_730 = arith.andi %parallel_loop3A_727, %parallel_loop3A_729 : vector<16xi32>
      tpu.vector_store_idx %arg6[%parallel_loop3A_730], %broadcast_in_dim3A_371 {add = true} : memref<256xf32, #tpu.memory_space<vmem>>[vector<16xi32>], vector<16xf32>,
      %parallel_loop3A_731 = arith.constant 240 : i32
      %parallel_loop3A_732 = arith.addi %parallel_loop3A_520, %parallel_loop3A_731 : i32
      %parallel_loop3A_733 = arith.constant 1 : i32
      %parallel_loop3A_734 = arith.index_cast %parallel_loop3A_733 : i32 to index
      %parallel_loop3A_735 = arith.index_cast %parallel_loop3A_516 : i32 to index
      %parallel_loop3A_736 = arith.index_cast %parallel_loop3A_732 : i32 to index
      %parallel_loop3A_737 = tpu.vector_load %arg5[%parallel_loop3A_734, %parallel_loop3A_735, %parallel_loop3A_736] {strides = array<i32>} : memref<2x64x512xf32, #tpu.memory_space<vmem>>, vector<16xf32>,
      %parallel_loop3A_738 = arith.subf %parallel_loop3A_737, %broadcast_in_dim3A_322 : vector<16xf32>
      %parallel_loop3A_739 = arith.mulf %parallel_loop3A_738, %div3A_333 : vector<16xf32>
      %parallel_loop3A_740 = arith.addf %parallel_loop3A_739, %broadcast_in_dim3A_335 : vector<16xf32>
      %parallel_loop3A_741 = vector.bitcast %parallel_loop3A_740 : vector<16xf32> to vector<16xi32>
      %parallel_loop3A_742 = arith.constant 255 : i32
      %parallel_loop3A_743 = vector.broadcast %parallel_loop3A_742 : i32 to vector<16xi32>
      %parallel_loop3A_744 = arith.andi %parallel_loop3A_741, %parallel_loop3A_743 : vector<16xi32>
      tpu.vector_store_idx %arg6[%parallel_loop3A_744], %broadcast_in_dim3A_371 {add = true} : memref<256xf32, #tpu.memory_space<vmem>>[vector<16xi32>], vector<16xf32>,
    } {sc.loop_unroll_factor = 1 : i64, sc.parallel_access}
    %add3A_459 = arith.constant 192 : i32
    %add3A_460 = arith.addi %mul3A_32, %add3A_459 : i32
    %dma_start3A_461 = arith.constant 1 : i32
    %dma_start3A_462 = arith.constant 0 : i32
    %dma_start3A_463 = arith.constant 0 : i32
    %dma_start3A_464 = tpu.memref_slice %arg5[%dma_start3A_461, %dma_start3A_462, %dma_start3A_463] : memref<2x64x512xf32, #tpu.memory_space<vmem>> -> memref<1x64x512xf32, #tpu.memory_space<vmem>>
    %dma_start3A_465 = tpu.memref_squeeze %dma_start3A_464 : memref<1x64x512xf32, #tpu.memory_space<vmem>> -> memref<64x512xf32, #tpu.memory_space<vmem>>
    %dma_start3A_466 = arith.constant 0 : i32
    %dma_start3A_467 = tpu.memref_slice %arg2[%select_n3A, %add3A_460, %dma_start3A_466] : memref<16x512x512xf32, #tpu.memory_space<hbm>> -> memref<1x64x512xf32, #tpu.memory_space<hbm>>
    %dma_start3A_468 = tpu.memref_squeeze %dma_start3A_467 : memref<1x64x512xf32, #tpu.memory_space<hbm>> -> memref<64x512xf32, #tpu.memory_space<hbm>>
    %dma_start3A_469 = arith.constant 0 : i32
    %dma_start3A_470 = arith.constant 0 : i32
    %dma_start3A_471 = tpu.memref_slice %arg5[%dma_start3A_461, %dma_start3A_469, %dma_start3A_470] : memref<2x64x512xf32, #tpu.memory_space<vmem>> -> memref<1x64x512xf32, #tpu.memory_space<vmem>>
    %dma_start3A_472 = tpu.memref_squeeze %dma_start3A_471 : memref<1x64x512xf32, #tpu.memory_space<vmem>> -> memref<64x512xf32, #tpu.memory_space<vmem>>
    %dma_start3A_473 = arith.constant 0 : i32
    %dma_start3A_474 = tpu.memref_slice %arg2[%select_n3A, %add3A_460, %dma_start3A_473] : memref<16x512x512xf32, #tpu.memory_space<hbm>> -> memref<1x64x512xf32, #tpu.memory_space<hbm>>
    %dma_start3A_475 = tpu.memref_squeeze %dma_start3A_474 : memref<1x64x512xf32, #tpu.memory_space<hbm>> -> memref<64x512xf32, #tpu.memory_space<hbm>>
    tpu.enqueue_dma source(%dma_start3A_475 : memref<64x512xf32, #tpu.memory_space<hbm>>) target(%dma_start3A_472 : memref<64x512xf32, #tpu.memory_space<vmem>>) target_semaphore(%arg11 : memref<!tpu.dma_semaphore, #tpu.memory_space<semaphore_mem>>)
    %dma_wait3A_476 = arith.constant 0 : i32
    %dma_wait3A_477 = arith.constant 0 : i32
    %dma_wait3A_478 = arith.constant 0 : i32
    %dma_wait3A_479 = tpu.memref_slice %arg5[%dma_wait3A_476, %dma_wait3A_477, %dma_wait3A_478] : memref<2x64x512xf32, #tpu.memory_space<vmem>> -> memref<1x64x512xf32, #tpu.memory_space<vmem>>
    %dma_wait3A_480 = tpu.memref_squeeze %dma_wait3A_479 : memref<1x64x512xf32, #tpu.memory_space<vmem>> -> memref<64x512xf32, #tpu.memory_space<vmem>>
    %dma_wait3A_481 = arith.constant 0 : i32
    %dma_wait3A_482 = tpu.memref_slice %arg2[%select_n3A, %add3A_425, %dma_wait3A_481] : memref<16x512x512xf32, #tpu.memory_space<hbm>> -> memref<1x64x512xf32, #tpu.memory_space<hbm>>
    %dma_wait3A_483 = tpu.memref_squeeze %dma_wait3A_482 : memref<1x64x512xf32, #tpu.memory_space<hbm>> -> memref<64x512xf32, #tpu.memory_space<hbm>>
    %dma_wait3A_484 = arith.constant 0 : i32
    %dma_wait3A_485 = arith.constant 0 : i32
    %dma_wait3A_486 = tpu.memref_slice %arg5[%dma_wait3A_476, %dma_wait3A_484, %dma_wait3A_485] : memref<2x64x512xf32, #tpu.memory_space<vmem>> -> memref<1x64x512xf32, #tpu.memory_space<vmem>>
    %dma_wait3A_487 = tpu.memref_squeeze %dma_wait3A_486 : memref<1x64x512xf32, #tpu.memory_space<vmem>> -> memref<64x512xf32, #tpu.memory_space<vmem>>
    %dma_wait3A_488 = arith.constant 0 : i32
    %dma_wait3A_489 = tpu.memref_slice %arg2[%select_n3A, %add3A_425, %dma_wait3A_488] : memref<16x512x512xf32, #tpu.memory_space<hbm>> -> memref<1x64x512xf32, #tpu.memory_space<hbm>>
    %dma_wait3A_490 = tpu.memref_squeeze %dma_wait3A_489 : memref<1x64x512xf32, #tpu.memory_space<hbm>> -> memref<64x512xf32, #tpu.memory_space<hbm>>
    tpu.wait_dma2 semaphore(%arg10 : memref<!tpu.dma_semaphore, #tpu.memory_space<semaphore_mem>>) src(%dma_wait3A_490 : memref<64x512xf32, #tpu.memory_space<hbm>>) dst(%dma_wait3A_487 : memref<64x512xf32, #tpu.memory_space<vmem>>)
    %parallel_loop3A_491 = arith.constant 0 : i32
    %parallel_loop3A_492 = arith.constant 128 : i32
    %parallel_loop3A_493 = arith.constant 1 : i32
    scf.for %parallel_loop3A_514 = %parallel_loop3A_491 to %parallel_loop3A_492 step %parallel_loop3A_493  : i32 {
      %parallel_loop3A_515 = arith.constant 1 : i32
      %parallel_loop3A_516 = arith.shrsi %parallel_loop3A_514, %parallel_loop3A_515 : i32
      %parallel_loop3A_517 = arith.constant 1 : i32
      %parallel_loop3A_518 = arith.andi %parallel_loop3A_514, %parallel_loop3A_517 : i32
      %parallel_loop3A_519 = arith.constant 256 : i32
      %parallel_loop3A_520 = arith.muli %parallel_loop3A_518, %parallel_loop3A_519 : i32
      %parallel_loop3A_521 = arith.constant 0 : i32
      %parallel_loop3A_522 = arith.addi %parallel_loop3A_520, %parallel_loop3A_521 : i32
      %parallel_loop3A_523 = arith.constant 0 : i32
      %parallel_loop3A_524 = arith.index_cast %parallel_loop3A_523 : i32 to index
      %parallel_loop3A_525 = arith.index_cast %parallel_loop3A_516 : i32 to index
      %parallel_loop3A_526 = arith.index_cast %parallel_loop3A_522 : i32 to index
      %parallel_loop3A_527 = tpu.vector_load %arg5[%parallel_loop3A_524, %parallel_loop3A_525, %parallel_loop3A_526] {strides = array<i32>} : memref<2x64x512xf32, #tpu.memory_space<vmem>>, vector<16xf32>,
      %parallel_loop3A_528 = arith.subf %parallel_loop3A_527, %broadcast_in_dim3A_322 : vector<16xf32>
      %parallel_loop3A_529 = arith.mulf %parallel_loop3A_528, %div3A_333 : vector<16xf32>
      %parallel_loop3A_530 = arith.addf %parallel_loop3A_529, %broadcast_in_dim3A_335 : vector<16xf32>
      %parallel_loop3A_531 = vector.bitcast %parallel_loop3A_530 : vector<16xf32> to vector<16xi32>
      %parallel_loop3A_532 = arith.constant 255 : i32
      %parallel_loop3A_533 = vector.broadcast %parallel_loop3A_532 : i32 to vector<16xi32>
      %parallel_loop3A_534 = arith.andi %parallel_loop3A_531, %parallel_loop3A_533 : vector<16xi32>
      tpu.vector_store_idx %arg6[%parallel_loop3A_534], %broadcast_in_dim3A_371 {add = true} : memref<256xf32, #tpu.memory_space<vmem>>[vector<16xi32>], vector<16xf32>,
      %parallel_loop3A_535 = arith.constant 16 : i32
      %parallel_loop3A_536 = arith.addi %parallel_loop3A_520, %parallel_loop3A_535 : i32
      %parallel_loop3A_537 = arith.constant 0 : i32
      %parallel_loop3A_538 = arith.index_cast %parallel_loop3A_537 : i32 to index
      %parallel_loop3A_539 = arith.index_cast %parallel_loop3A_516 : i32 to index
      %parallel_loop3A_540 = arith.index_cast %parallel_loop3A_536 : i32 to index
      %parallel_loop3A_541 = tpu.vector_load %arg5[%parallel_loop3A_538, %parallel_loop3A_539, %parallel_loop3A_540] {strides = array<i32>} : memref<2x64x512xf32, #tpu.memory_space<vmem>>, vector<16xf32>,
      %parallel_loop3A_542 = arith.subf %parallel_loop3A_541, %broadcast_in_dim3A_322 : vector<16xf32>
      %parallel_loop3A_543 = arith.mulf %parallel_loop3A_542, %div3A_333 : vector<16xf32>
      %parallel_loop3A_544 = arith.addf %parallel_loop3A_543, %broadcast_in_dim3A_335 : vector<16xf32>
      %parallel_loop3A_545 = vector.bitcast %parallel_loop3A_544 : vector<16xf32> to vector<16xi32>
      %parallel_loop3A_546 = arith.constant 255 : i32
      %parallel_loop3A_547 = vector.broadcast %parallel_loop3A_546 : i32 to vector<16xi32>
      %parallel_loop3A_548 = arith.andi %parallel_loop3A_545, %parallel_loop3A_547 : vector<16xi32>
      tpu.vector_store_idx %arg6[%parallel_loop3A_548], %broadcast_in_dim3A_371 {add = true} : memref<256xf32, #tpu.memory_space<vmem>>[vector<16xi32>], vector<16xf32>,
      %parallel_loop3A_549 = arith.constant 32 : i32
      %parallel_loop3A_550 = arith.addi %parallel_loop3A_520, %parallel_loop3A_549 : i32
      %parallel_loop3A_551 = arith.constant 0 : i32
      %parallel_loop3A_552 = arith.index_cast %parallel_loop3A_551 : i32 to index
      %parallel_loop3A_553 = arith.index_cast %parallel_loop3A_516 : i32 to index
      %parallel_loop3A_554 = arith.index_cast %parallel_loop3A_550 : i32 to index
      %parallel_loop3A_555 = tpu.vector_load %arg5[%parallel_loop3A_552, %parallel_loop3A_553, %parallel_loop3A_554] {strides = array<i32>} : memref<2x64x512xf32, #tpu.memory_space<vmem>>, vector<16xf32>,
      %parallel_loop3A_556 = arith.subf %parallel_loop3A_555, %broadcast_in_dim3A_322 : vector<16xf32>
      %parallel_loop3A_557 = arith.mulf %parallel_loop3A_556, %div3A_333 : vector<16xf32>
      %parallel_loop3A_558 = arith.addf %parallel_loop3A_557, %broadcast_in_dim3A_335 : vector<16xf32>
      %parallel_loop3A_559 = vector.bitcast %parallel_loop3A_558 : vector<16xf32> to vector<16xi32>
      %parallel_loop3A_560 = arith.constant 255 : i32
      %parallel_loop3A_561 = vector.broadcast %parallel_loop3A_560 : i32 to vector<16xi32>
      %parallel_loop3A_562 = arith.andi %parallel_loop3A_559, %parallel_loop3A_561 : vector<16xi32>
      tpu.vector_store_idx %arg6[%parallel_loop3A_562], %broadcast_in_dim3A_371 {add = true} : memref<256xf32, #tpu.memory_space<vmem>>[vector<16xi32>], vector<16xf32>,
      %parallel_loop3A_563 = arith.constant 48 : i32
      %parallel_loop3A_564 = arith.addi %parallel_loop3A_520, %parallel_loop3A_563 : i32
      %parallel_loop3A_565 = arith.constant 0 : i32
      %parallel_loop3A_566 = arith.index_cast %parallel_loop3A_565 : i32 to index
      %parallel_loop3A_567 = arith.index_cast %parallel_loop3A_516 : i32 to index
      %parallel_loop3A_568 = arith.index_cast %parallel_loop3A_564 : i32 to index
      %parallel_loop3A_569 = tpu.vector_load %arg5[%parallel_loop3A_566, %parallel_loop3A_567, %parallel_loop3A_568] {strides = array<i32>} : memref<2x64x512xf32, #tpu.memory_space<vmem>>, vector<16xf32>,
      %parallel_loop3A_570 = arith.subf %parallel_loop3A_569, %broadcast_in_dim3A_322 : vector<16xf32>
      %parallel_loop3A_571 = arith.mulf %parallel_loop3A_570, %div3A_333 : vector<16xf32>
      %parallel_loop3A_572 = arith.addf %parallel_loop3A_571, %broadcast_in_dim3A_335 : vector<16xf32>
      %parallel_loop3A_573 = vector.bitcast %parallel_loop3A_572 : vector<16xf32> to vector<16xi32>
      %parallel_loop3A_574 = arith.constant 255 : i32
      %parallel_loop3A_575 = vector.broadcast %parallel_loop3A_574 : i32 to vector<16xi32>
      %parallel_loop3A_576 = arith.andi %parallel_loop3A_573, %parallel_loop3A_575 : vector<16xi32>
      tpu.vector_store_idx %arg6[%parallel_loop3A_576], %broadcast_in_dim3A_371 {add = true} : memref<256xf32, #tpu.memory_space<vmem>>[vector<16xi32>], vector<16xf32>,
      %parallel_loop3A_577 = arith.constant 64 : i32
      %parallel_loop3A_578 = arith.addi %parallel_loop3A_520, %parallel_loop3A_577 : i32
      %parallel_loop3A_579 = arith.constant 0 : i32
      %parallel_loop3A_580 = arith.index_cast %parallel_loop3A_579 : i32 to index
      %parallel_loop3A_581 = arith.index_cast %parallel_loop3A_516 : i32 to index
      %parallel_loop3A_582 = arith.index_cast %parallel_loop3A_578 : i32 to index
      %parallel_loop3A_583 = tpu.vector_load %arg5[%parallel_loop3A_580, %parallel_loop3A_581, %parallel_loop3A_582] {strides = array<i32>} : memref<2x64x512xf32, #tpu.memory_space<vmem>>, vector<16xf32>,
      %parallel_loop3A_584 = arith.subf %parallel_loop3A_583, %broadcast_in_dim3A_322 : vector<16xf32>
      %parallel_loop3A_585 = arith.mulf %parallel_loop3A_584, %div3A_333 : vector<16xf32>
      %parallel_loop3A_586 = arith.addf %parallel_loop3A_585, %broadcast_in_dim3A_335 : vector<16xf32>
      %parallel_loop3A_587 = vector.bitcast %parallel_loop3A_586 : vector<16xf32> to vector<16xi32>
      %parallel_loop3A_588 = arith.constant 255 : i32
      %parallel_loop3A_589 = vector.broadcast %parallel_loop3A_588 : i32 to vector<16xi32>
      %parallel_loop3A_590 = arith.andi %parallel_loop3A_587, %parallel_loop3A_589 : vector<16xi32>
      tpu.vector_store_idx %arg6[%parallel_loop3A_590], %broadcast_in_dim3A_371 {add = true} : memref<256xf32, #tpu.memory_space<vmem>>[vector<16xi32>], vector<16xf32>,
      %parallel_loop3A_591 = arith.constant 80 : i32
      %parallel_loop3A_592 = arith.addi %parallel_loop3A_520, %parallel_loop3A_591 : i32
      %parallel_loop3A_593 = arith.constant 0 : i32
      %parallel_loop3A_594 = arith.index_cast %parallel_loop3A_593 : i32 to index
      %parallel_loop3A_595 = arith.index_cast %parallel_loop3A_516 : i32 to index
      %parallel_loop3A_596 = arith.index_cast %parallel_loop3A_592 : i32 to index
      %parallel_loop3A_597 = tpu.vector_load %arg5[%parallel_loop3A_594, %parallel_loop3A_595, %parallel_loop3A_596] {strides = array<i32>} : memref<2x64x512xf32, #tpu.memory_space<vmem>>, vector<16xf32>,
      %parallel_loop3A_598 = arith.subf %parallel_loop3A_597, %broadcast_in_dim3A_322 : vector<16xf32>
      %parallel_loop3A_599 = arith.mulf %parallel_loop3A_598, %div3A_333 : vector<16xf32>
      %parallel_loop3A_600 = arith.addf %parallel_loop3A_599, %broadcast_in_dim3A_335 : vector<16xf32>
      %parallel_loop3A_601 = vector.bitcast %parallel_loop3A_600 : vector<16xf32> to vector<16xi32>
      %parallel_loop3A_602 = arith.constant 255 : i32
      %parallel_loop3A_603 = vector.broadcast %parallel_loop3A_602 : i32 to vector<16xi32>
      %parallel_loop3A_604 = arith.andi %parallel_loop3A_601, %parallel_loop3A_603 : vector<16xi32>
      tpu.vector_store_idx %arg6[%parallel_loop3A_604], %broadcast_in_dim3A_371 {add = true} : memref<256xf32, #tpu.memory_space<vmem>>[vector<16xi32>], vector<16xf32>,
      %parallel_loop3A_605 = arith.constant 96 : i32
      %parallel_loop3A_606 = arith.addi %parallel_loop3A_520, %parallel_loop3A_605 : i32
      %parallel_loop3A_607 = arith.constant 0 : i32
      %parallel_loop3A_608 = arith.index_cast %parallel_loop3A_607 : i32 to index
      %parallel_loop3A_609 = arith.index_cast %parallel_loop3A_516 : i32 to index
      %parallel_loop3A_610 = arith.index_cast %parallel_loop3A_606 : i32 to index
      %parallel_loop3A_611 = tpu.vector_load %arg5[%parallel_loop3A_608, %parallel_loop3A_609, %parallel_loop3A_610] {strides = array<i32>} : memref<2x64x512xf32, #tpu.memory_space<vmem>>, vector<16xf32>,
      %parallel_loop3A_612 = arith.subf %parallel_loop3A_611, %broadcast_in_dim3A_322 : vector<16xf32>
      %parallel_loop3A_613 = arith.mulf %parallel_loop3A_612, %div3A_333 : vector<16xf32>
      %parallel_loop3A_614 = arith.addf %parallel_loop3A_613, %broadcast_in_dim3A_335 : vector<16xf32>
      %parallel_loop3A_615 = vector.bitcast %parallel_loop3A_614 : vector<16xf32> to vector<16xi32>
      %parallel_loop3A_616 = arith.constant 255 : i32
      %parallel_loop3A_617 = vector.broadcast %parallel_loop3A_616 : i32 to vector<16xi32>
      %parallel_loop3A_618 = arith.andi %parallel_loop3A_615, %parallel_loop3A_617 : vector<16xi32>
      tpu.vector_store_idx %arg6[%parallel_loop3A_618], %broadcast_in_dim3A_371 {add = true} : memref<256xf32, #tpu.memory_space<vmem>>[vector<16xi32>], vector<16xf32>,
      %parallel_loop3A_619 = arith.constant 112 : i32
      %parallel_loop3A_620 = arith.addi %parallel_loop3A_520, %parallel_loop3A_619 : i32
      %parallel_loop3A_621 = arith.constant 0 : i32
      %parallel_loop3A_622 = arith.index_cast %parallel_loop3A_621 : i32 to index
      %parallel_loop3A_623 = arith.index_cast %parallel_loop3A_516 : i32 to index
      %parallel_loop3A_624 = arith.index_cast %parallel_loop3A_620 : i32 to index
      %parallel_loop3A_625 = tpu.vector_load %arg5[%parallel_loop3A_622, %parallel_loop3A_623, %parallel_loop3A_624] {strides = array<i32>} : memref<2x64x512xf32, #tpu.memory_space<vmem>>, vector<16xf32>,
      %parallel_loop3A_626 = arith.subf %parallel_loop3A_625, %broadcast_in_dim3A_322 : vector<16xf32>
      %parallel_loop3A_627 = arith.mulf %parallel_loop3A_626, %div3A_333 : vector<16xf32>
      %parallel_loop3A_628 = arith.addf %parallel_loop3A_627, %broadcast_in_dim3A_335 : vector<16xf32>
      %parallel_loop3A_629 = vector.bitcast %parallel_loop3A_628 : vector<16xf32> to vector<16xi32>
      %parallel_loop3A_630 = arith.constant 255 : i32
      %parallel_loop3A_631 = vector.broadcast %parallel_loop3A_630 : i32 to vector<16xi32>
      %parallel_loop3A_632 = arith.andi %parallel_loop3A_629, %parallel_loop3A_631 : vector<16xi32>
      tpu.vector_store_idx %arg6[%parallel_loop3A_632], %broadcast_in_dim3A_371 {add = true} : memref<256xf32, #tpu.memory_space<vmem>>[vector<16xi32>], vector<16xf32>,
      %parallel_loop3A_633 = arith.constant 128 : i32
      %parallel_loop3A_634 = arith.addi %parallel_loop3A_520, %parallel_loop3A_633 : i32
      %parallel_loop3A_635 = arith.constant 0 : i32
      %parallel_loop3A_636 = arith.index_cast %parallel_loop3A_635 : i32 to index
      %parallel_loop3A_637 = arith.index_cast %parallel_loop3A_516 : i32 to index
      %parallel_loop3A_638 = arith.index_cast %parallel_loop3A_634 : i32 to index
      %parallel_loop3A_639 = tpu.vector_load %arg5[%parallel_loop3A_636, %parallel_loop3A_637, %parallel_loop3A_638] {strides = array<i32>} : memref<2x64x512xf32, #tpu.memory_space<vmem>>, vector<16xf32>,
      %parallel_loop3A_640 = arith.subf %parallel_loop3A_639, %broadcast_in_dim3A_322 : vector<16xf32>
      %parallel_loop3A_641 = arith.mulf %parallel_loop3A_640, %div3A_333 : vector<16xf32>
      %parallel_loop3A_642 = arith.addf %parallel_loop3A_641, %broadcast_in_dim3A_335 : vector<16xf32>
      %parallel_loop3A_643 = vector.bitcast %parallel_loop3A_642 : vector<16xf32> to vector<16xi32>
      %parallel_loop3A_644 = arith.constant 255 : i32
      %parallel_loop3A_645 = vector.broadcast %parallel_loop3A_644 : i32 to vector<16xi32>
      %parallel_loop3A_646 = arith.andi %parallel_loop3A_643, %parallel_loop3A_645 : vector<16xi32>
      tpu.vector_store_idx %arg6[%parallel_loop3A_646], %broadcast_in_dim3A_371 {add = true} : memref<256xf32, #tpu.memory_space<vmem>>[vector<16xi32>], vector<16xf32>,
      %parallel_loop3A_647 = arith.constant 144 : i32
      %parallel_loop3A_648 = arith.addi %parallel_loop3A_520, %parallel_loop3A_647 : i32
      %parallel_loop3A_649 = arith.constant 0 : i32
      %parallel_loop3A_650 = arith.index_cast %parallel_loop3A_649 : i32 to index
      %parallel_loop3A_651 = arith.index_cast %parallel_loop3A_516 : i32 to index
      %parallel_loop3A_652 = arith.index_cast %parallel_loop3A_648 : i32 to index
      %parallel_loop3A_653 = tpu.vector_load %arg5[%parallel_loop3A_650, %parallel_loop3A_651, %parallel_loop3A_652] {strides = array<i32>} : memref<2x64x512xf32, #tpu.memory_space<vmem>>, vector<16xf32>,
      %parallel_loop3A_654 = arith.subf %parallel_loop3A_653, %broadcast_in_dim3A_322 : vector<16xf32>
      %parallel_loop3A_655 = arith.mulf %parallel_loop3A_654, %div3A_333 : vector<16xf32>
      %parallel_loop3A_656 = arith.addf %parallel_loop3A_655, %broadcast_in_dim3A_335 : vector<16xf32>
      %parallel_loop3A_657 = vector.bitcast %parallel_loop3A_656 : vector<16xf32> to vector<16xi32>
      %parallel_loop3A_658 = arith.constant 255 : i32
      %parallel_loop3A_659 = vector.broadcast %parallel_loop3A_658 : i32 to vector<16xi32>
      %parallel_loop3A_660 = arith.andi %parallel_loop3A_657, %parallel_loop3A_659 : vector<16xi32>
      tpu.vector_store_idx %arg6[%parallel_loop3A_660], %broadcast_in_dim3A_371 {add = true} : memref<256xf32, #tpu.memory_space<vmem>>[vector<16xi32>], vector<16xf32>,
      %parallel_loop3A_661 = arith.constant 160 : i32
      %parallel_loop3A_662 = arith.addi %parallel_loop3A_520, %parallel_loop3A_661 : i32
      %parallel_loop3A_663 = arith.constant 0 : i32
      %parallel_loop3A_664 = arith.index_cast %parallel_loop3A_663 : i32 to index
      %parallel_loop3A_665 = arith.index_cast %parallel_loop3A_516 : i32 to index
      %parallel_loop3A_666 = arith.index_cast %parallel_loop3A_662 : i32 to index
      %parallel_loop3A_667 = tpu.vector_load %arg5[%parallel_loop3A_664, %parallel_loop3A_665, %parallel_loop3A_666] {strides = array<i32>} : memref<2x64x512xf32, #tpu.memory_space<vmem>>, vector<16xf32>,
      %parallel_loop3A_668 = arith.subf %parallel_loop3A_667, %broadcast_in_dim3A_322 : vector<16xf32>
      %parallel_loop3A_669 = arith.mulf %parallel_loop3A_668, %div3A_333 : vector<16xf32>
      %parallel_loop3A_670 = arith.addf %parallel_loop3A_669, %broadcast_in_dim3A_335 : vector<16xf32>
      %parallel_loop3A_671 = vector.bitcast %parallel_loop3A_670 : vector<16xf32> to vector<16xi32>
      %parallel_loop3A_672 = arith.constant 255 : i32
      %parallel_loop3A_673 = vector.broadcast %parallel_loop3A_672 : i32 to vector<16xi32>
      %parallel_loop3A_674 = arith.andi %parallel_loop3A_671, %parallel_loop3A_673 : vector<16xi32>
      tpu.vector_store_idx %arg6[%parallel_loop3A_674], %broadcast_in_dim3A_371 {add = true} : memref<256xf32, #tpu.memory_space<vmem>>[vector<16xi32>], vector<16xf32>,
      %parallel_loop3A_675 = arith.constant 176 : i32
      %parallel_loop3A_676 = arith.addi %parallel_loop3A_520, %parallel_loop3A_675 : i32
      %parallel_loop3A_677 = arith.constant 0 : i32
      %parallel_loop3A_678 = arith.index_cast %parallel_loop3A_677 : i32 to index
      %parallel_loop3A_679 = arith.index_cast %parallel_loop3A_516 : i32 to index
      %parallel_loop3A_680 = arith.index_cast %parallel_loop3A_676 : i32 to index
      %parallel_loop3A_681 = tpu.vector_load %arg5[%parallel_loop3A_678, %parallel_loop3A_679, %parallel_loop3A_680] {strides = array<i32>} : memref<2x64x512xf32, #tpu.memory_space<vmem>>, vector<16xf32>,
      %parallel_loop3A_682 = arith.subf %parallel_loop3A_681, %broadcast_in_dim3A_322 : vector<16xf32>
      %parallel_loop3A_683 = arith.mulf %parallel_loop3A_682, %div3A_333 : vector<16xf32>
      %parallel_loop3A_684 = arith.addf %parallel_loop3A_683, %broadcast_in_dim3A_335 : vector<16xf32>
      %parallel_loop3A_685 = vector.bitcast %parallel_loop3A_684 : vector<16xf32> to vector<16xi32>
      %parallel_loop3A_686 = arith.constant 255 : i32
      %parallel_loop3A_687 = vector.broadcast %parallel_loop3A_686 : i32 to vector<16xi32>
      %parallel_loop3A_688 = arith.andi %parallel_loop3A_685, %parallel_loop3A_687 : vector<16xi32>
      tpu.vector_store_idx %arg6[%parallel_loop3A_688], %broadcast_in_dim3A_371 {add = true} : memref<256xf32, #tpu.memory_space<vmem>>[vector<16xi32>], vector<16xf32>,
      %parallel_loop3A_689 = arith.constant 192 : i32
      %parallel_loop3A_690 = arith.addi %parallel_loop3A_520, %parallel_loop3A_689 : i32
      %parallel_loop3A_691 = arith.constant 0 : i32
      %parallel_loop3A_692 = arith.index_cast %parallel_loop3A_691 : i32 to index
      %parallel_loop3A_693 = arith.index_cast %parallel_loop3A_516 : i32 to index
      %parallel_loop3A_694 = arith.index_cast %parallel_loop3A_690 : i32 to index
      %parallel_loop3A_695 = tpu.vector_load %arg5[%parallel_loop3A_692, %parallel_loop3A_693, %parallel_loop3A_694] {strides = array<i32>} : memref<2x64x512xf32, #tpu.memory_space<vmem>>, vector<16xf32>,
      %parallel_loop3A_696 = arith.subf %parallel_loop3A_695, %broadcast_in_dim3A_322 : vector<16xf32>
      %parallel_loop3A_697 = arith.mulf %parallel_loop3A_696, %div3A_333 : vector<16xf32>
      %parallel_loop3A_698 = arith.addf %parallel_loop3A_697, %broadcast_in_dim3A_335 : vector<16xf32>
      %parallel_loop3A_699 = vector.bitcast %parallel_loop3A_698 : vector<16xf32> to vector<16xi32>
      %parallel_loop3A_700 = arith.constant 255 : i32
      %parallel_loop3A_701 = vector.broadcast %parallel_loop3A_700 : i32 to vector<16xi32>
      %parallel_loop3A_702 = arith.andi %parallel_loop3A_699, %parallel_loop3A_701 : vector<16xi32>
      tpu.vector_store_idx %arg6[%parallel_loop3A_702], %broadcast_in_dim3A_371 {add = true} : memref<256xf32, #tpu.memory_space<vmem>>[vector<16xi32>], vector<16xf32>,
      %parallel_loop3A_703 = arith.constant 208 : i32
      %parallel_loop3A_704 = arith.addi %parallel_loop3A_520, %parallel_loop3A_703 : i32
      %parallel_loop3A_705 = arith.constant 0 : i32
      %parallel_loop3A_706 = arith.index_cast %parallel_loop3A_705 : i32 to index
      %parallel_loop3A_707 = arith.index_cast %parallel_loop3A_516 : i32 to index
      %parallel_loop3A_708 = arith.index_cast %parallel_loop3A_704 : i32 to index
      %parallel_loop3A_709 = tpu.vector_load %arg5[%parallel_loop3A_706, %parallel_loop3A_707, %parallel_loop3A_708] {strides = array<i32>} : memref<2x64x512xf32, #tpu.memory_space<vmem>>, vector<16xf32>,
      %parallel_loop3A_710 = arith.subf %parallel_loop3A_709, %broadcast_in_dim3A_322 : vector<16xf32>
      %parallel_loop3A_711 = arith.mulf %parallel_loop3A_710, %div3A_333 : vector<16xf32>
      %parallel_loop3A_712 = arith.addf %parallel_loop3A_711, %broadcast_in_dim3A_335 : vector<16xf32>
      %parallel_loop3A_713 = vector.bitcast %parallel_loop3A_712 : vector<16xf32> to vector<16xi32>
      %parallel_loop3A_714 = arith.constant 255 : i32
      %parallel_loop3A_715 = vector.broadcast %parallel_loop3A_714 : i32 to vector<16xi32>
      %parallel_loop3A_716 = arith.andi %parallel_loop3A_713, %parallel_loop3A_715 : vector<16xi32>
      tpu.vector_store_idx %arg6[%parallel_loop3A_716], %broadcast_in_dim3A_371 {add = true} : memref<256xf32, #tpu.memory_space<vmem>>[vector<16xi32>], vector<16xf32>,
      %parallel_loop3A_717 = arith.constant 224 : i32
      %parallel_loop3A_718 = arith.addi %parallel_loop3A_520, %parallel_loop3A_717 : i32
      %parallel_loop3A_719 = arith.constant 0 : i32
      %parallel_loop3A_720 = arith.index_cast %parallel_loop3A_719 : i32 to index
      %parallel_loop3A_721 = arith.index_cast %parallel_loop3A_516 : i32 to index
      %parallel_loop3A_722 = arith.index_cast %parallel_loop3A_718 : i32 to index
      %parallel_loop3A_723 = tpu.vector_load %arg5[%parallel_loop3A_720, %parallel_loop3A_721, %parallel_loop3A_722] {strides = array<i32>} : memref<2x64x512xf32, #tpu.memory_space<vmem>>, vector<16xf32>,
      %parallel_loop3A_724 = arith.subf %parallel_loop3A_723, %broadcast_in_dim3A_322 : vector<16xf32>
      %parallel_loop3A_725 = arith.mulf %parallel_loop3A_724, %div3A_333 : vector<16xf32>
      %parallel_loop3A_726 = arith.addf %parallel_loop3A_725, %broadcast_in_dim3A_335 : vector<16xf32>
      %parallel_loop3A_727 = vector.bitcast %parallel_loop3A_726 : vector<16xf32> to vector<16xi32>
      %parallel_loop3A_728 = arith.constant 255 : i32
      %parallel_loop3A_729 = vector.broadcast %parallel_loop3A_728 : i32 to vector<16xi32>
      %parallel_loop3A_730 = arith.andi %parallel_loop3A_727, %parallel_loop3A_729 : vector<16xi32>
      tpu.vector_store_idx %arg6[%parallel_loop3A_730], %broadcast_in_dim3A_371 {add = true} : memref<256xf32, #tpu.memory_space<vmem>>[vector<16xi32>], vector<16xf32>,
      %parallel_loop3A_731 = arith.constant 240 : i32
      %parallel_loop3A_732 = arith.addi %parallel_loop3A_520, %parallel_loop3A_731 : i32
      %parallel_loop3A_733 = arith.constant 0 : i32
      %parallel_loop3A_734 = arith.index_cast %parallel_loop3A_733 : i32 to index
      %parallel_loop3A_735 = arith.index_cast %parallel_loop3A_516 : i32 to index
      %parallel_loop3A_736 = arith.index_cast %parallel_loop3A_732 : i32 to index
      %parallel_loop3A_737 = tpu.vector_load %arg5[%parallel_loop3A_734, %parallel_loop3A_735, %parallel_loop3A_736] {strides = array<i32>} : memref<2x64x512xf32, #tpu.memory_space<vmem>>, vector<16xf32>,
      %parallel_loop3A_738 = arith.subf %parallel_loop3A_737, %broadcast_in_dim3A_322 : vector<16xf32>
      %parallel_loop3A_739 = arith.mulf %parallel_loop3A_738, %div3A_333 : vector<16xf32>
      %parallel_loop3A_740 = arith.addf %parallel_loop3A_739, %broadcast_in_dim3A_335 : vector<16xf32>
      %parallel_loop3A_741 = vector.bitcast %parallel_loop3A_740 : vector<16xf32> to vector<16xi32>
      %parallel_loop3A_742 = arith.constant 255 : i32
      %parallel_loop3A_743 = vector.broadcast %parallel_loop3A_742 : i32 to vector<16xi32>
      %parallel_loop3A_744 = arith.andi %parallel_loop3A_741, %parallel_loop3A_743 : vector<16xi32>
      tpu.vector_store_idx %arg6[%parallel_loop3A_744], %broadcast_in_dim3A_371 {add = true} : memref<256xf32, #tpu.memory_space<vmem>>[vector<16xi32>], vector<16xf32>,
    } {sc.loop_unroll_factor = 1 : i64, sc.parallel_access}
    %dma_wait3A_494 = arith.constant 1 : i32
    %dma_wait3A_495 = arith.constant 0 : i32
    %dma_wait3A_496 = arith.constant 0 : i32
    %dma_wait3A_497 = tpu.memref_slice %arg5[%dma_wait3A_494, %dma_wait3A_495, %dma_wait3A_496] : memref<2x64x512xf32, #tpu.memory_space<vmem>> -> memref<1x64x512xf32, #tpu.memory_space<vmem>>
    %dma_wait3A_498 = tpu.memref_squeeze %dma_wait3A_497 : memref<1x64x512xf32, #tpu.memory_space<vmem>> -> memref<64x512xf32, #tpu.memory_space<vmem>>
    %dma_wait3A_499 = arith.constant 0 : i32
    %dma_wait3A_500 = tpu.memref_slice %arg2[%select_n3A, %add3A_460, %dma_wait3A_499] : memref<16x512x512xf32, #tpu.memory_space<hbm>> -> memref<1x64x512xf32, #tpu.memory_space<hbm>>
    %dma_wait3A_501 = tpu.memref_squeeze %dma_wait3A_500 : memref<1x64x512xf32, #tpu.memory_space<hbm>> -> memref<64x512xf32, #tpu.memory_space<hbm>>
    %dma_wait3A_502 = arith.constant 0 : i32
    %dma_wait3A_503 = arith.constant 0 : i32
    %dma_wait3A_504 = tpu.memref_slice %arg5[%dma_wait3A_494, %dma_wait3A_502, %dma_wait3A_503] : memref<2x64x512xf32, #tpu.memory_space<vmem>> -> memref<1x64x512xf32, #tpu.memory_space<vmem>>
    %dma_wait3A_505 = tpu.memref_squeeze %dma_wait3A_504 : memref<1x64x512xf32, #tpu.memory_space<vmem>> -> memref<64x512xf32, #tpu.memory_space<vmem>>
    %dma_wait3A_506 = arith.constant 0 : i32
    %dma_wait3A_507 = tpu.memref_slice %arg2[%select_n3A, %add3A_460, %dma_wait3A_506] : memref<16x512x512xf32, #tpu.memory_space<hbm>> -> memref<1x64x512xf32, #tpu.memory_space<hbm>>
    %dma_wait3A_508 = tpu.memref_squeeze %dma_wait3A_507 : memref<1x64x512xf32, #tpu.memory_space<hbm>> -> memref<64x512xf32, #tpu.memory_space<hbm>>
    tpu.wait_dma2 semaphore(%arg11 : memref<!tpu.dma_semaphore, #tpu.memory_space<semaphore_mem>>) src(%dma_wait3A_508 : memref<64x512xf32, #tpu.memory_space<hbm>>) dst(%dma_wait3A_505 : memref<64x512xf32, #tpu.memory_space<vmem>>)
    %parallel_loop3A_509 = arith.constant 0 : i32
    %parallel_loop3A_510 = arith.constant 128 : i32
    %parallel_loop3A_511 = arith.constant 1 : i32
    scf.for %parallel_loop3A_514 = %parallel_loop3A_509 to %parallel_loop3A_510 step %parallel_loop3A_511  : i32 {
      %parallel_loop3A_515 = arith.constant 1 : i32
      %parallel_loop3A_516 = arith.shrsi %parallel_loop3A_514, %parallel_loop3A_515 : i32
      %parallel_loop3A_517 = arith.constant 1 : i32
      %parallel_loop3A_518 = arith.andi %parallel_loop3A_514, %parallel_loop3A_517 : i32
      %parallel_loop3A_519 = arith.constant 256 : i32
      %parallel_loop3A_520 = arith.muli %parallel_loop3A_518, %parallel_loop3A_519 : i32
      %parallel_loop3A_521 = arith.constant 0 : i32
      %parallel_loop3A_522 = arith.addi %parallel_loop3A_520, %parallel_loop3A_521 : i32
      %parallel_loop3A_523 = arith.constant 1 : i32
      %parallel_loop3A_524 = arith.index_cast %parallel_loop3A_523 : i32 to index
      %parallel_loop3A_525 = arith.index_cast %parallel_loop3A_516 : i32 to index
      %parallel_loop3A_526 = arith.index_cast %parallel_loop3A_522 : i32 to index
      %parallel_loop3A_527 = tpu.vector_load %arg5[%parallel_loop3A_524, %parallel_loop3A_525, %parallel_loop3A_526] {strides = array<i32>} : memref<2x64x512xf32, #tpu.memory_space<vmem>>, vector<16xf32>,
      %parallel_loop3A_528 = arith.subf %parallel_loop3A_527, %broadcast_in_dim3A_322 : vector<16xf32>
      %parallel_loop3A_529 = arith.mulf %parallel_loop3A_528, %div3A_333 : vector<16xf32>
      %parallel_loop3A_530 = arith.addf %parallel_loop3A_529, %broadcast_in_dim3A_335 : vector<16xf32>
      %parallel_loop3A_531 = vector.bitcast %parallel_loop3A_530 : vector<16xf32> to vector<16xi32>
      %parallel_loop3A_532 = arith.constant 255 : i32
      %parallel_loop3A_533 = vector.broadcast %parallel_loop3A_532 : i32 to vector<16xi32>
      %parallel_loop3A_534 = arith.andi %parallel_loop3A_531, %parallel_loop3A_533 : vector<16xi32>
      tpu.vector_store_idx %arg6[%parallel_loop3A_534], %broadcast_in_dim3A_371 {add = true} : memref<256xf32, #tpu.memory_space<vmem>>[vector<16xi32>], vector<16xf32>,
      %parallel_loop3A_535 = arith.constant 16 : i32
      %parallel_loop3A_536 = arith.addi %parallel_loop3A_520, %parallel_loop3A_535 : i32
      %parallel_loop3A_537 = arith.constant 1 : i32
      %parallel_loop3A_538 = arith.index_cast %parallel_loop3A_537 : i32 to index
      %parallel_loop3A_539 = arith.index_cast %parallel_loop3A_516 : i32 to index
      %parallel_loop3A_540 = arith.index_cast %parallel_loop3A_536 : i32 to index
      %parallel_loop3A_541 = tpu.vector_load %arg5[%parallel_loop3A_538, %parallel_loop3A_539, %parallel_loop3A_540] {strides = array<i32>} : memref<2x64x512xf32, #tpu.memory_space<vmem>>, vector<16xf32>,
      %parallel_loop3A_542 = arith.subf %parallel_loop3A_541, %broadcast_in_dim3A_322 : vector<16xf32>
      %parallel_loop3A_543 = arith.mulf %parallel_loop3A_542, %div3A_333 : vector<16xf32>
      %parallel_loop3A_544 = arith.addf %parallel_loop3A_543, %broadcast_in_dim3A_335 : vector<16xf32>
      %parallel_loop3A_545 = vector.bitcast %parallel_loop3A_544 : vector<16xf32> to vector<16xi32>
      %parallel_loop3A_546 = arith.constant 255 : i32
      %parallel_loop3A_547 = vector.broadcast %parallel_loop3A_546 : i32 to vector<16xi32>
      %parallel_loop3A_548 = arith.andi %parallel_loop3A_545, %parallel_loop3A_547 : vector<16xi32>
      tpu.vector_store_idx %arg6[%parallel_loop3A_548], %broadcast_in_dim3A_371 {add = true} : memref<256xf32, #tpu.memory_space<vmem>>[vector<16xi32>], vector<16xf32>,
      %parallel_loop3A_549 = arith.constant 32 : i32
      %parallel_loop3A_550 = arith.addi %parallel_loop3A_520, %parallel_loop3A_549 : i32
      %parallel_loop3A_551 = arith.constant 1 : i32
      %parallel_loop3A_552 = arith.index_cast %parallel_loop3A_551 : i32 to index
      %parallel_loop3A_553 = arith.index_cast %parallel_loop3A_516 : i32 to index
      %parallel_loop3A_554 = arith.index_cast %parallel_loop3A_550 : i32 to index
      %parallel_loop3A_555 = tpu.vector_load %arg5[%parallel_loop3A_552, %parallel_loop3A_553, %parallel_loop3A_554] {strides = array<i32>} : memref<2x64x512xf32, #tpu.memory_space<vmem>>, vector<16xf32>,
      %parallel_loop3A_556 = arith.subf %parallel_loop3A_555, %broadcast_in_dim3A_322 : vector<16xf32>
      %parallel_loop3A_557 = arith.mulf %parallel_loop3A_556, %div3A_333 : vector<16xf32>
      %parallel_loop3A_558 = arith.addf %parallel_loop3A_557, %broadcast_in_dim3A_335 : vector<16xf32>
      %parallel_loop3A_559 = vector.bitcast %parallel_loop3A_558 : vector<16xf32> to vector<16xi32>
      %parallel_loop3A_560 = arith.constant 255 : i32
      %parallel_loop3A_561 = vector.broadcast %parallel_loop3A_560 : i32 to vector<16xi32>
      %parallel_loop3A_562 = arith.andi %parallel_loop3A_559, %parallel_loop3A_561 : vector<16xi32>
      tpu.vector_store_idx %arg6[%parallel_loop3A_562], %broadcast_in_dim3A_371 {add = true} : memref<256xf32, #tpu.memory_space<vmem>>[vector<16xi32>], vector<16xf32>,
      %parallel_loop3A_563 = arith.constant 48 : i32
      %parallel_loop3A_564 = arith.addi %parallel_loop3A_520, %parallel_loop3A_563 : i32
      %parallel_loop3A_565 = arith.constant 1 : i32
      %parallel_loop3A_566 = arith.index_cast %parallel_loop3A_565 : i32 to index
      %parallel_loop3A_567 = arith.index_cast %parallel_loop3A_516 : i32 to index
      %parallel_loop3A_568 = arith.index_cast %parallel_loop3A_564 : i32 to index
      %parallel_loop3A_569 = tpu.vector_load %arg5[%parallel_loop3A_566, %parallel_loop3A_567, %parallel_loop3A_568] {strides = array<i32>} : memref<2x64x512xf32, #tpu.memory_space<vmem>>, vector<16xf32>,
      %parallel_loop3A_570 = arith.subf %parallel_loop3A_569, %broadcast_in_dim3A_322 : vector<16xf32>
      %parallel_loop3A_571 = arith.mulf %parallel_loop3A_570, %div3A_333 : vector<16xf32>
      %parallel_loop3A_572 = arith.addf %parallel_loop3A_571, %broadcast_in_dim3A_335 : vector<16xf32>
      %parallel_loop3A_573 = vector.bitcast %parallel_loop3A_572 : vector<16xf32> to vector<16xi32>
      %parallel_loop3A_574 = arith.constant 255 : i32
      %parallel_loop3A_575 = vector.broadcast %parallel_loop3A_574 : i32 to vector<16xi32>
      %parallel_loop3A_576 = arith.andi %parallel_loop3A_573, %parallel_loop3A_575 : vector<16xi32>
      tpu.vector_store_idx %arg6[%parallel_loop3A_576], %broadcast_in_dim3A_371 {add = true} : memref<256xf32, #tpu.memory_space<vmem>>[vector<16xi32>], vector<16xf32>,
      %parallel_loop3A_577 = arith.constant 64 : i32
      %parallel_loop3A_578 = arith.addi %parallel_loop3A_520, %parallel_loop3A_577 : i32
      %parallel_loop3A_579 = arith.constant 1 : i32
      %parallel_loop3A_580 = arith.index_cast %parallel_loop3A_579 : i32 to index
      %parallel_loop3A_581 = arith.index_cast %parallel_loop3A_516 : i32 to index
      %parallel_loop3A_582 = arith.index_cast %parallel_loop3A_578 : i32 to index
      %parallel_loop3A_583 = tpu.vector_load %arg5[%parallel_loop3A_580, %parallel_loop3A_581, %parallel_loop3A_582] {strides = array<i32>} : memref<2x64x512xf32, #tpu.memory_space<vmem>>, vector<16xf32>,
      %parallel_loop3A_584 = arith.subf %parallel_loop3A_583, %broadcast_in_dim3A_322 : vector<16xf32>
      %parallel_loop3A_585 = arith.mulf %parallel_loop3A_584, %div3A_333 : vector<16xf32>
      %parallel_loop3A_586 = arith.addf %parallel_loop3A_585, %broadcast_in_dim3A_335 : vector<16xf32>
      %parallel_loop3A_587 = vector.bitcast %parallel_loop3A_586 : vector<16xf32> to vector<16xi32>
      %parallel_loop3A_588 = arith.constant 255 : i32
      %parallel_loop3A_589 = vector.broadcast %parallel_loop3A_588 : i32 to vector<16xi32>
      %parallel_loop3A_590 = arith.andi %parallel_loop3A_587, %parallel_loop3A_589 : vector<16xi32>
      tpu.vector_store_idx %arg6[%parallel_loop3A_590], %broadcast_in_dim3A_371 {add = true} : memref<256xf32, #tpu.memory_space<vmem>>[vector<16xi32>], vector<16xf32>,
      %parallel_loop3A_591 = arith.constant 80 : i32
      %parallel_loop3A_592 = arith.addi %parallel_loop3A_520, %parallel_loop3A_591 : i32
      %parallel_loop3A_593 = arith.constant 1 : i32
      %parallel_loop3A_594 = arith.index_cast %parallel_loop3A_593 : i32 to index
      %parallel_loop3A_595 = arith.index_cast %parallel_loop3A_516 : i32 to index
      %parallel_loop3A_596 = arith.index_cast %parallel_loop3A_592 : i32 to index
      %parallel_loop3A_597 = tpu.vector_load %arg5[%parallel_loop3A_594, %parallel_loop3A_595, %parallel_loop3A_596] {strides = array<i32>} : memref<2x64x512xf32, #tpu.memory_space<vmem>>, vector<16xf32>,
      %parallel_loop3A_598 = arith.subf %parallel_loop3A_597, %broadcast_in_dim3A_322 : vector<16xf32>
      %parallel_loop3A_599 = arith.mulf %parallel_loop3A_598, %div3A_333 : vector<16xf32>
      %parallel_loop3A_600 = arith.addf %parallel_loop3A_599, %broadcast_in_dim3A_335 : vector<16xf32>
      %parallel_loop3A_601 = vector.bitcast %parallel_loop3A_600 : vector<16xf32> to vector<16xi32>
      %parallel_loop3A_602 = arith.constant 255 : i32
      %parallel_loop3A_603 = vector.broadcast %parallel_loop3A_602 : i32 to vector<16xi32>
      %parallel_loop3A_604 = arith.andi %parallel_loop3A_601, %parallel_loop3A_603 : vector<16xi32>
      tpu.vector_store_idx %arg6[%parallel_loop3A_604], %broadcast_in_dim3A_371 {add = true} : memref<256xf32, #tpu.memory_space<vmem>>[vector<16xi32>], vector<16xf32>,
      %parallel_loop3A_605 = arith.constant 96 : i32
      %parallel_loop3A_606 = arith.addi %parallel_loop3A_520, %parallel_loop3A_605 : i32
      %parallel_loop3A_607 = arith.constant 1 : i32
      %parallel_loop3A_608 = arith.index_cast %parallel_loop3A_607 : i32 to index
      %parallel_loop3A_609 = arith.index_cast %parallel_loop3A_516 : i32 to index
      %parallel_loop3A_610 = arith.index_cast %parallel_loop3A_606 : i32 to index
      %parallel_loop3A_611 = tpu.vector_load %arg5[%parallel_loop3A_608, %parallel_loop3A_609, %parallel_loop3A_610] {strides = array<i32>} : memref<2x64x512xf32, #tpu.memory_space<vmem>>, vector<16xf32>,
      %parallel_loop3A_612 = arith.subf %parallel_loop3A_611, %broadcast_in_dim3A_322 : vector<16xf32>
      %parallel_loop3A_613 = arith.mulf %parallel_loop3A_612, %div3A_333 : vector<16xf32>
      %parallel_loop3A_614 = arith.addf %parallel_loop3A_613, %broadcast_in_dim3A_335 : vector<16xf32>
      %parallel_loop3A_615 = vector.bitcast %parallel_loop3A_614 : vector<16xf32> to vector<16xi32>
      %parallel_loop3A_616 = arith.constant 255 : i32
      %parallel_loop3A_617 = vector.broadcast %parallel_loop3A_616 : i32 to vector<16xi32>
      %parallel_loop3A_618 = arith.andi %parallel_loop3A_615, %parallel_loop3A_617 : vector<16xi32>
      tpu.vector_store_idx %arg6[%parallel_loop3A_618], %broadcast_in_dim3A_371 {add = true} : memref<256xf32, #tpu.memory_space<vmem>>[vector<16xi32>], vector<16xf32>,
      %parallel_loop3A_619 = arith.constant 112 : i32
      %parallel_loop3A_620 = arith.addi %parallel_loop3A_520, %parallel_loop3A_619 : i32
      %parallel_loop3A_621 = arith.constant 1 : i32
      %parallel_loop3A_622 = arith.index_cast %parallel_loop3A_621 : i32 to index
      %parallel_loop3A_623 = arith.index_cast %parallel_loop3A_516 : i32 to index
      %parallel_loop3A_624 = arith.index_cast %parallel_loop3A_620 : i32 to index
      %parallel_loop3A_625 = tpu.vector_load %arg5[%parallel_loop3A_622, %parallel_loop3A_623, %parallel_loop3A_624] {strides = array<i32>} : memref<2x64x512xf32, #tpu.memory_space<vmem>>, vector<16xf32>,
      %parallel_loop3A_626 = arith.subf %parallel_loop3A_625, %broadcast_in_dim3A_322 : vector<16xf32>
      %parallel_loop3A_627 = arith.mulf %parallel_loop3A_626, %div3A_333 : vector<16xf32>
      %parallel_loop3A_628 = arith.addf %parallel_loop3A_627, %broadcast_in_dim3A_335 : vector<16xf32>
      %parallel_loop3A_629 = vector.bitcast %parallel_loop3A_628 : vector<16xf32> to vector<16xi32>
      %parallel_loop3A_630 = arith.constant 255 : i32
      %parallel_loop3A_631 = vector.broadcast %parallel_loop3A_630 : i32 to vector<16xi32>
      %parallel_loop3A_632 = arith.andi %parallel_loop3A_629, %parallel_loop3A_631 : vector<16xi32>
      tpu.vector_store_idx %arg6[%parallel_loop3A_632], %broadcast_in_dim3A_371 {add = true} : memref<256xf32, #tpu.memory_space<vmem>>[vector<16xi32>], vector<16xf32>,
      %parallel_loop3A_633 = arith.constant 128 : i32
      %parallel_loop3A_634 = arith.addi %parallel_loop3A_520, %parallel_loop3A_633 : i32
      %parallel_loop3A_635 = arith.constant 1 : i32
      %parallel_loop3A_636 = arith.index_cast %parallel_loop3A_635 : i32 to index
      %parallel_loop3A_637 = arith.index_cast %parallel_loop3A_516 : i32 to index
      %parallel_loop3A_638 = arith.index_cast %parallel_loop3A_634 : i32 to index
      %parallel_loop3A_639 = tpu.vector_load %arg5[%parallel_loop3A_636, %parallel_loop3A_637, %parallel_loop3A_638] {strides = array<i32>} : memref<2x64x512xf32, #tpu.memory_space<vmem>>, vector<16xf32>,
      %parallel_loop3A_640 = arith.subf %parallel_loop3A_639, %broadcast_in_dim3A_322 : vector<16xf32>
      %parallel_loop3A_641 = arith.mulf %parallel_loop3A_640, %div3A_333 : vector<16xf32>
      %parallel_loop3A_642 = arith.addf %parallel_loop3A_641, %broadcast_in_dim3A_335 : vector<16xf32>
      %parallel_loop3A_643 = vector.bitcast %parallel_loop3A_642 : vector<16xf32> to vector<16xi32>
      %parallel_loop3A_644 = arith.constant 255 : i32
      %parallel_loop3A_645 = vector.broadcast %parallel_loop3A_644 : i32 to vector<16xi32>
      %parallel_loop3A_646 = arith.andi %parallel_loop3A_643, %parallel_loop3A_645 : vector<16xi32>
      tpu.vector_store_idx %arg6[%parallel_loop3A_646], %broadcast_in_dim3A_371 {add = true} : memref<256xf32, #tpu.memory_space<vmem>>[vector<16xi32>], vector<16xf32>,
      %parallel_loop3A_647 = arith.constant 144 : i32
      %parallel_loop3A_648 = arith.addi %parallel_loop3A_520, %parallel_loop3A_647 : i32
      %parallel_loop3A_649 = arith.constant 1 : i32
      %parallel_loop3A_650 = arith.index_cast %parallel_loop3A_649 : i32 to index
      %parallel_loop3A_651 = arith.index_cast %parallel_loop3A_516 : i32 to index
      %parallel_loop3A_652 = arith.index_cast %parallel_loop3A_648 : i32 to index
      %parallel_loop3A_653 = tpu.vector_load %arg5[%parallel_loop3A_650, %parallel_loop3A_651, %parallel_loop3A_652] {strides = array<i32>} : memref<2x64x512xf32, #tpu.memory_space<vmem>>, vector<16xf32>,
      %parallel_loop3A_654 = arith.subf %parallel_loop3A_653, %broadcast_in_dim3A_322 : vector<16xf32>
      %parallel_loop3A_655 = arith.mulf %parallel_loop3A_654, %div3A_333 : vector<16xf32>
      %parallel_loop3A_656 = arith.addf %parallel_loop3A_655, %broadcast_in_dim3A_335 : vector<16xf32>
      %parallel_loop3A_657 = vector.bitcast %parallel_loop3A_656 : vector<16xf32> to vector<16xi32>
      %parallel_loop3A_658 = arith.constant 255 : i32
      %parallel_loop3A_659 = vector.broadcast %parallel_loop3A_658 : i32 to vector<16xi32>
      %parallel_loop3A_660 = arith.andi %parallel_loop3A_657, %parallel_loop3A_659 : vector<16xi32>
      tpu.vector_store_idx %arg6[%parallel_loop3A_660], %broadcast_in_dim3A_371 {add = true} : memref<256xf32, #tpu.memory_space<vmem>>[vector<16xi32>], vector<16xf32>,
      %parallel_loop3A_661 = arith.constant 160 : i32
      %parallel_loop3A_662 = arith.addi %parallel_loop3A_520, %parallel_loop3A_661 : i32
      %parallel_loop3A_663 = arith.constant 1 : i32
      %parallel_loop3A_664 = arith.index_cast %parallel_loop3A_663 : i32 to index
      %parallel_loop3A_665 = arith.index_cast %parallel_loop3A_516 : i32 to index
      %parallel_loop3A_666 = arith.index_cast %parallel_loop3A_662 : i32 to index
      %parallel_loop3A_667 = tpu.vector_load %arg5[%parallel_loop3A_664, %parallel_loop3A_665, %parallel_loop3A_666] {strides = array<i32>} : memref<2x64x512xf32, #tpu.memory_space<vmem>>, vector<16xf32>,
      %parallel_loop3A_668 = arith.subf %parallel_loop3A_667, %broadcast_in_dim3A_322 : vector<16xf32>
      %parallel_loop3A_669 = arith.mulf %parallel_loop3A_668, %div3A_333 : vector<16xf32>
      %parallel_loop3A_670 = arith.addf %parallel_loop3A_669, %broadcast_in_dim3A_335 : vector<16xf32>
      %parallel_loop3A_671 = vector.bitcast %parallel_loop3A_670 : vector<16xf32> to vector<16xi32>
      %parallel_loop3A_672 = arith.constant 255 : i32
      %parallel_loop3A_673 = vector.broadcast %parallel_loop3A_672 : i32 to vector<16xi32>
      %parallel_loop3A_674 = arith.andi %parallel_loop3A_671, %parallel_loop3A_673 : vector<16xi32>
      tpu.vector_store_idx %arg6[%parallel_loop3A_674], %broadcast_in_dim3A_371 {add = true} : memref<256xf32, #tpu.memory_space<vmem>>[vector<16xi32>], vector<16xf32>,
      %parallel_loop3A_675 = arith.constant 176 : i32
      %parallel_loop3A_676 = arith.addi %parallel_loop3A_520, %parallel_loop3A_675 : i32
      %parallel_loop3A_677 = arith.constant 1 : i32
      %parallel_loop3A_678 = arith.index_cast %parallel_loop3A_677 : i32 to index
      %parallel_loop3A_679 = arith.index_cast %parallel_loop3A_516 : i32 to index
      %parallel_loop3A_680 = arith.index_cast %parallel_loop3A_676 : i32 to index
      %parallel_loop3A_681 = tpu.vector_load %arg5[%parallel_loop3A_678, %parallel_loop3A_679, %parallel_loop3A_680] {strides = array<i32>} : memref<2x64x512xf32, #tpu.memory_space<vmem>>, vector<16xf32>,
      %parallel_loop3A_682 = arith.subf %parallel_loop3A_681, %broadcast_in_dim3A_322 : vector<16xf32>
      %parallel_loop3A_683 = arith.mulf %parallel_loop3A_682, %div3A_333 : vector<16xf32>
      %parallel_loop3A_684 = arith.addf %parallel_loop3A_683, %broadcast_in_dim3A_335 : vector<16xf32>
      %parallel_loop3A_685 = vector.bitcast %parallel_loop3A_684 : vector<16xf32> to vector<16xi32>
      %parallel_loop3A_686 = arith.constant 255 : i32
      %parallel_loop3A_687 = vector.broadcast %parallel_loop3A_686 : i32 to vector<16xi32>
      %parallel_loop3A_688 = arith.andi %parallel_loop3A_685, %parallel_loop3A_687 : vector<16xi32>
      tpu.vector_store_idx %arg6[%parallel_loop3A_688], %broadcast_in_dim3A_371 {add = true} : memref<256xf32, #tpu.memory_space<vmem>>[vector<16xi32>], vector<16xf32>,
      %parallel_loop3A_689 = arith.constant 192 : i32
      %parallel_loop3A_690 = arith.addi %parallel_loop3A_520, %parallel_loop3A_689 : i32
      %parallel_loop3A_691 = arith.constant 1 : i32
      %parallel_loop3A_692 = arith.index_cast %parallel_loop3A_691 : i32 to index
      %parallel_loop3A_693 = arith.index_cast %parallel_loop3A_516 : i32 to index
      %parallel_loop3A_694 = arith.index_cast %parallel_loop3A_690 : i32 to index
      %parallel_loop3A_695 = tpu.vector_load %arg5[%parallel_loop3A_692, %parallel_loop3A_693, %parallel_loop3A_694] {strides = array<i32>} : memref<2x64x512xf32, #tpu.memory_space<vmem>>, vector<16xf32>,
      %parallel_loop3A_696 = arith.subf %parallel_loop3A_695, %broadcast_in_dim3A_322 : vector<16xf32>
      %parallel_loop3A_697 = arith.mulf %parallel_loop3A_696, %div3A_333 : vector<16xf32>
      %parallel_loop3A_698 = arith.addf %parallel_loop3A_697, %broadcast_in_dim3A_335 : vector<16xf32>
      %parallel_loop3A_699 = vector.bitcast %parallel_loop3A_698 : vector<16xf32> to vector<16xi32>
      %parallel_loop3A_700 = arith.constant 255 : i32
      %parallel_loop3A_701 = vector.broadcast %parallel_loop3A_700 : i32 to vector<16xi32>
      %parallel_loop3A_702 = arith.andi %parallel_loop3A_699, %parallel_loop3A_701 : vector<16xi32>
      tpu.vector_store_idx %arg6[%parallel_loop3A_702], %broadcast_in_dim3A_371 {add = true} : memref<256xf32, #tpu.memory_space<vmem>>[vector<16xi32>], vector<16xf32>,
      %parallel_loop3A_703 = arith.constant 208 : i32
      %parallel_loop3A_704 = arith.addi %parallel_loop3A_520, %parallel_loop3A_703 : i32
      %parallel_loop3A_705 = arith.constant 1 : i32
      %parallel_loop3A_706 = arith.index_cast %parallel_loop3A_705 : i32 to index
      %parallel_loop3A_707 = arith.index_cast %parallel_loop3A_516 : i32 to index
      %parallel_loop3A_708 = arith.index_cast %parallel_loop3A_704 : i32 to index
      %parallel_loop3A_709 = tpu.vector_load %arg5[%parallel_loop3A_706, %parallel_loop3A_707, %parallel_loop3A_708] {strides = array<i32>} : memref<2x64x512xf32, #tpu.memory_space<vmem>>, vector<16xf32>,
      %parallel_loop3A_710 = arith.subf %parallel_loop3A_709, %broadcast_in_dim3A_322 : vector<16xf32>
      %parallel_loop3A_711 = arith.mulf %parallel_loop3A_710, %div3A_333 : vector<16xf32>
      %parallel_loop3A_712 = arith.addf %parallel_loop3A_711, %broadcast_in_dim3A_335 : vector<16xf32>
      %parallel_loop3A_713 = vector.bitcast %parallel_loop3A_712 : vector<16xf32> to vector<16xi32>
      %parallel_loop3A_714 = arith.constant 255 : i32
      %parallel_loop3A_715 = vector.broadcast %parallel_loop3A_714 : i32 to vector<16xi32>
      %parallel_loop3A_716 = arith.andi %parallel_loop3A_713, %parallel_loop3A_715 : vector<16xi32>
      tpu.vector_store_idx %arg6[%parallel_loop3A_716], %broadcast_in_dim3A_371 {add = true} : memref<256xf32, #tpu.memory_space<vmem>>[vector<16xi32>], vector<16xf32>,
      %parallel_loop3A_717 = arith.constant 224 : i32
      %parallel_loop3A_718 = arith.addi %parallel_loop3A_520, %parallel_loop3A_717 : i32
      %parallel_loop3A_719 = arith.constant 1 : i32
      %parallel_loop3A_720 = arith.index_cast %parallel_loop3A_719 : i32 to index
      %parallel_loop3A_721 = arith.index_cast %parallel_loop3A_516 : i32 to index
      %parallel_loop3A_722 = arith.index_cast %parallel_loop3A_718 : i32 to index
      %parallel_loop3A_723 = tpu.vector_load %arg5[%parallel_loop3A_720, %parallel_loop3A_721, %parallel_loop3A_722] {strides = array<i32>} : memref<2x64x512xf32, #tpu.memory_space<vmem>>, vector<16xf32>,
      %parallel_loop3A_724 = arith.subf %parallel_loop3A_723, %broadcast_in_dim3A_322 : vector<16xf32>
      %parallel_loop3A_725 = arith.mulf %parallel_loop3A_724, %div3A_333 : vector<16xf32>
      %parallel_loop3A_726 = arith.addf %parallel_loop3A_725, %broadcast_in_dim3A_335 : vector<16xf32>
      %parallel_loop3A_727 = vector.bitcast %parallel_loop3A_726 : vector<16xf32> to vector<16xi32>
      %parallel_loop3A_728 = arith.constant 255 : i32
      %parallel_loop3A_729 = vector.broadcast %parallel_loop3A_728 : i32 to vector<16xi32>
      %parallel_loop3A_730 = arith.andi %parallel_loop3A_727, %parallel_loop3A_729 : vector<16xi32>
      tpu.vector_store_idx %arg6[%parallel_loop3A_730], %broadcast_in_dim3A_371 {add = true} : memref<256xf32, #tpu.memory_space<vmem>>[vector<16xi32>], vector<16xf32>,
      %parallel_loop3A_731 = arith.constant 240 : i32
      %parallel_loop3A_732 = arith.addi %parallel_loop3A_520, %parallel_loop3A_731 : i32
      %parallel_loop3A_733 = arith.constant 1 : i32
      %parallel_loop3A_734 = arith.index_cast %parallel_loop3A_733 : i32 to index
      %parallel_loop3A_735 = arith.index_cast %parallel_loop3A_516 : i32 to index
      %parallel_loop3A_736 = arith.index_cast %parallel_loop3A_732 : i32 to index
      %parallel_loop3A_737 = tpu.vector_load %arg5[%parallel_loop3A_734, %parallel_loop3A_735, %parallel_loop3A_736] {strides = array<i32>} : memref<2x64x512xf32, #tpu.memory_space<vmem>>, vector<16xf32>,
      %parallel_loop3A_738 = arith.subf %parallel_loop3A_737, %broadcast_in_dim3A_322 : vector<16xf32>
      %parallel_loop3A_739 = arith.mulf %parallel_loop3A_738, %div3A_333 : vector<16xf32>
      %parallel_loop3A_740 = arith.addf %parallel_loop3A_739, %broadcast_in_dim3A_335 : vector<16xf32>
      %parallel_loop3A_741 = vector.bitcast %parallel_loop3A_740 : vector<16xf32> to vector<16xi32>
      %parallel_loop3A_742 = arith.constant 255 : i32
      %parallel_loop3A_743 = vector.broadcast %parallel_loop3A_742 : i32 to vector<16xi32>
      %parallel_loop3A_744 = arith.andi %parallel_loop3A_741, %parallel_loop3A_743 : vector<16xi32>
      tpu.vector_store_idx %arg6[%parallel_loop3A_744], %broadcast_in_dim3A_371 {add = true} : memref<256xf32, #tpu.memory_space<vmem>>[vector<16xi32>], vector<16xf32>,
    } {sc.loop_unroll_factor = 1 : i64, sc.parallel_access}
    %mul3A_512 = arith.constant 256 : i32
    %mul3A_513 = arith.muli %add3A, %mul3A_512 : i32
    "tpu.region"() ({
      %run_scoped3A = tpu.sem_alloc : memref<!tpu.dma_semaphore, #tpu.memory_space<semaphore_mem>>
      %dma_start3A_514 = tpu.memref_slice %arg4[%mul3A_513] : memref<8192xf32, #tpu.memory_space<hbm>> -> memref<256xf32, #tpu.memory_space<hbm>>
      %dma_start3A_515 = tpu.memref_slice %arg4[%mul3A_513] : memref<8192xf32, #tpu.memory_space<hbm>> -> memref<256xf32, #tpu.memory_space<hbm>>
      tpu.enqueue_dma source(%arg6 : memref<256xf32, #tpu.memory_space<vmem>>) target(%dma_start3A_515 : memref<256xf32, #tpu.memory_space<hbm>>) target_semaphore(%run_scoped3A : memref<!tpu.dma_semaphore, #tpu.memory_space<semaphore_mem>>)
      %dma_wait3A_516 = tpu.memref_slice %arg4[%mul3A_513] : memref<8192xf32, #tpu.memory_space<hbm>> -> memref<256xf32, #tpu.memory_space<hbm>>
      %dma_wait3A_517 = tpu.memref_slice %arg4[%mul3A_513] : memref<8192xf32, #tpu.memory_space<hbm>> -> memref<256xf32, #tpu.memory_space<hbm>>
      tpu.wait_dma2 semaphore(%run_scoped3A : memref<!tpu.dma_semaphore, #tpu.memory_space<semaphore_mem>>) src(%arg6 : memref<256xf32, #tpu.memory_space<vmem>>) dst(%dma_wait3A_517 : memref<256xf32, #tpu.memory_space<hbm>>)
      tpu.yield
    }) : () -> ()
    return
  }
}

module attributes {stable_mosaic.version = 14 : i64} {
  func.func @_mlp_body(%arg0: memref<32x256xf32, #tpu.memory_space<vmem>>, %arg1: memref<64x16xf32, #tpu.memory_space<vmem>>, %arg2: memref<16x1xf32, #tpu.memory_space<vmem>>, %arg3: memref<259x64xf32, #tpu.memory_space<vmem>>, %arg4: memref<64xf32, #tpu.memory_space<vmem>>, %arg5: memref<64x64xf32, #tpu.memory_space<vmem>>, %arg6: memref<64xf32, #tpu.memory_space<vmem>>, %arg7: memref<323x64xf32, #tpu.memory_space<vmem>>, %arg8: memref<64xf32, #tpu.memory_space<vmem>>, %arg9: memref<64x64xf32, #tpu.memory_space<vmem>>, %arg10: memref<64xf32, #tpu.memory_space<vmem>>, %arg11: memref<64x8xf32, #tpu.memory_space<vmem>>, %arg12: memref<8xf32, #tpu.memory_space<vmem>>, %arg13: memref<16x8xf32, #tpu.memory_space<vmem>>) attributes {dimension_semantics = [], scalar_prefetch = 0 : i64, scratch_operands = 0 : i64, tpu.core_type = #tpu.core_type<tc>} {
    %get3A = arith.constant 0 : index
    %get3A_0 = arith.constant 0 : index
    %get3A_1 = vector.load %arg0[%get3A, %get3A_0] : memref<32x256xf32, #tpu.memory_space<vmem>>, vector<32x256xf32>
    %reshape3A = vector.shape_cast %get3A_1 : vector<32x256xf32> to vector<16x2x256xf32>
    %slice3A = vector.extract_strided_slice %reshape3A {offsets = [0, 0, 0], sizes = [16, 1, 256], strides = [1, 1, 1]} : vector<16x2x256xf32> to vector<16x1x256xf32>
    %squeeze3A = vector.shape_cast %slice3A : vector<16x1x256xf32> to vector<16x256xf32>
    %slice3A_2 = vector.extract_strided_slice %reshape3A {offsets = [0, 1, 0], sizes = [16, 1, 256], strides = [1, 1, 1]} : vector<16x2x256xf32> to vector<16x1x256xf32>
    %squeeze3A_3 = vector.shape_cast %slice3A_2 : vector<16x1x256xf32> to vector<16x256xf32>
    %add3A = arith.addf %squeeze3A, %squeeze3A_3 : vector<16x256xf32>
    %mul3A = arith.constant 3.81469727E-6 : f32
    %mul3A_4 = vector.broadcast %mul3A : f32 to vector<16x256xf32>
    %mul3A_5 = arith.mulf %add3A, %mul3A_4 : vector<16x256xf32>
    %get3A_6 = arith.constant 0 : index
    %get3A_7 = arith.constant 0 : index
    %get3A_8 = vector.load %arg1[%get3A_6, %get3A_7] : memref<64x16xf32, #tpu.memory_space<vmem>>, vector<64x16xf32>
    %reshape3A_9 = vector.shape_cast %get3A_8 : vector<64x16xf32> to vector<16x2x2x16xf32>
    %slice3A_10 = vector.extract_strided_slice %reshape3A_9 {offsets = [0, 0, 0, 0], sizes = [16, 1, 1, 16], strides = [1, 1, 1, 1]} : vector<16x2x2x16xf32> to vector<16x1x1x16xf32>
    %squeeze3A_11 = vector.shape_cast %slice3A_10 : vector<16x1x1x16xf32> to vector<16x16xf32>
    %slice3A_12 = vector.extract_strided_slice %reshape3A_9 {offsets = [0, 1, 0, 0], sizes = [16, 1, 1, 16], strides = [1, 1, 1, 1]} : vector<16x2x2x16xf32> to vector<16x1x1x16xf32>
    %squeeze3A_13 = vector.shape_cast %slice3A_12 : vector<16x1x1x16xf32> to vector<16x16xf32>
    %min3A = arith.minimumf %squeeze3A_11, %squeeze3A_13 : vector<16x16xf32>
    %reduce_min3A = arith.constant dense<0x7F800000> : vector<16xf32>
    %reduce_min3A_14 = vector.multi_reduction <minimumf>, %min3A, %reduce_min3A [1] : vector<16x16xf32> to vector<16xf32>
    %broadcast_in_dim3A = vector.shape_cast %reduce_min3A_14 : vector<16xf32> to vector<16x1xf32>
    %slice3A_15 = vector.extract_strided_slice %reshape3A_9 {offsets = [0, 0, 1, 0], sizes = [16, 1, 1, 16], strides = [1, 1, 1, 1]} : vector<16x2x2x16xf32> to vector<16x1x1x16xf32>
    %squeeze3A_16 = vector.shape_cast %slice3A_15 : vector<16x1x1x16xf32> to vector<16x16xf32>
    %slice3A_17 = vector.extract_strided_slice %reshape3A_9 {offsets = [0, 1, 1, 0], sizes = [16, 1, 1, 16], strides = [1, 1, 1, 1]} : vector<16x2x2x16xf32> to vector<16x1x1x16xf32>
    %squeeze3A_18 = vector.shape_cast %slice3A_17 : vector<16x1x1x16xf32> to vector<16x16xf32>
    %max3A = arith.maximumf %squeeze3A_16, %squeeze3A_18 : vector<16x16xf32>
    %reduce_max3A = arith.constant dense<0xFF800000> : vector<16xf32>
    %reduce_max3A_19 = vector.multi_reduction <maximumf>, %max3A, %reduce_max3A [1] : vector<16x16xf32> to vector<16xf32>
    %broadcast_in_dim3A_20 = vector.shape_cast %reduce_max3A_19 : vector<16xf32> to vector<16x1xf32>
    %get3A_21 = arith.constant 0 : index
    %get3A_22 = arith.constant 0 : index
    %get3A_23 = vector.load %arg2[%get3A_21, %get3A_22] : memref<16x1xf32, #tpu.memory_space<vmem>>, vector<16x1xf32>
    %concatenate3A = tpu.concatenate %mul3A_5, %broadcast_in_dim3A, %broadcast_in_dim3A_20, %get3A_23 in 1 : vector<16x256xf32>, vector<16x1xf32>, vector<16x1xf32>, vector<16x1xf32> -> vector<16x259xf32>
    %get3A_24 = arith.constant 0 : index
    %get3A_25 = arith.constant 0 : index
    %get3A_26 = vector.load %arg3[%get3A_24, %get3A_25] : memref<259x64xf32, #tpu.memory_space<vmem>>, vector<259x64xf32>
    %dot_general3A = arith.constant dense<0.000000e+00> : vector<16x64xf32>
    %dot_general3A_27 = tpu.matmul %concatenate3A, %get3A_26, %dot_general3A {dimension_numbers = #tpu.dot_dimension_numbers<[1], [0], [0], [1], [0, 0, 1, 1], [], []>, transpose_lhs_hint = false} : vector<16x259xf32>, vector<259x64xf32>, vector<16x64xf32> -> vector<16x64xf32>
    %get3A_28 = arith.constant 0 : index
    %get3A_29 = vector.load %arg4[%get3A_28] : memref<64xf32, #tpu.memory_space<vmem>>, vector<64xf32>
    %broadcast_in_dim3A_30 = vector.shape_cast %get3A_29 : vector<64xf32> to vector<1x64xf32>
    %add3A_31 = vector.broadcast %broadcast_in_dim3A_30 : vector<1x64xf32> to vector<16x64xf32>
    %add3A_32 = arith.addf %dot_general3A_27, %add3A_31 : vector<16x64xf32>
    %ge3A = arith.constant 0.000000e+00 : f32
    %ge3A_33 = vector.broadcast %ge3A : f32 to vector<16x64xf32>
    %ge3A_34 = arith.cmpf oge, %add3A_32, %ge3A_33 : vector<16x64xf32>
    %mul3A_35 = arith.constant 0.00999999977 : f32
    %mul3A_36 = vector.broadcast %mul3A_35 : f32 to vector<16x64xf32>
    %mul3A_37 = arith.mulf %mul3A_36, %add3A_32 : vector<16x64xf32>
    %select_n3A = arith.select %ge3A_34, %add3A_32, %mul3A_37 : vector<16x64xi1>, vector<16x64xf32>
    %get3A_38 = arith.constant 0 : index
    %get3A_39 = arith.constant 0 : index
    %get3A_40 = vector.load %arg5[%get3A_38, %get3A_39] : memref<64x64xf32, #tpu.memory_space<vmem>>, vector<64x64xf32>
    %dot_general3A_41 = arith.constant dense<0.000000e+00> : vector<16x64xf32>
    %dot_general3A_42 = tpu.matmul %select_n3A, %get3A_40, %dot_general3A_41 {dimension_numbers = #tpu.dot_dimension_numbers<[1], [0], [0], [1], [0, 0, 1, 1], [], []>, transpose_lhs_hint = false} : vector<16x64xf32>, vector<64x64xf32>, vector<16x64xf32> -> vector<16x64xf32>
    %get3A_43 = arith.constant 0 : index
    %get3A_44 = vector.load %arg6[%get3A_43] : memref<64xf32, #tpu.memory_space<vmem>>, vector<64xf32>
    %broadcast_in_dim3A_45 = vector.shape_cast %get3A_44 : vector<64xf32> to vector<1x64xf32>
    %add3A_46 = vector.broadcast %broadcast_in_dim3A_45 : vector<1x64xf32> to vector<16x64xf32>
    %add3A_47 = arith.addf %dot_general3A_42, %add3A_46 : vector<16x64xf32>
    %ge3A_48 = arith.constant 0.000000e+00 : f32
    %ge3A_49 = vector.broadcast %ge3A_48 : f32 to vector<16x64xf32>
    %ge3A_50 = arith.cmpf oge, %add3A_47, %ge3A_49 : vector<16x64xf32>
    %mul3A_51 = arith.constant 0.00999999977 : f32
    %mul3A_52 = vector.broadcast %mul3A_51 : f32 to vector<16x64xf32>
    %mul3A_53 = arith.mulf %mul3A_52, %add3A_47 : vector<16x64xf32>
    %select_n3A_54 = arith.select %ge3A_50, %add3A_47, %mul3A_53 : vector<16x64xi1>, vector<16x64xf32>
    %concatenate3A_55 = tpu.concatenate %select_n3A_54, %concatenate3A in 1 : vector<16x64xf32>, vector<16x259xf32> -> vector<16x323xf32>
    %get3A_56 = arith.constant 0 : index
    %get3A_57 = arith.constant 0 : index
    %get3A_58 = vector.load %arg7[%get3A_56, %get3A_57] : memref<323x64xf32, #tpu.memory_space<vmem>>, vector<323x64xf32>
    %dot_general3A_59 = arith.constant dense<0.000000e+00> : vector<16x64xf32>
    %dot_general3A_60 = tpu.matmul %concatenate3A_55, %get3A_58, %dot_general3A_59 {dimension_numbers = #tpu.dot_dimension_numbers<[1], [0], [0], [1], [0, 0, 1, 1], [], []>, transpose_lhs_hint = false} : vector<16x323xf32>, vector<323x64xf32>, vector<16x64xf32> -> vector<16x64xf32>
    %get3A_61 = arith.constant 0 : index
    %get3A_62 = vector.load %arg8[%get3A_61] : memref<64xf32, #tpu.memory_space<vmem>>, vector<64xf32>
    %broadcast_in_dim3A_63 = vector.shape_cast %get3A_62 : vector<64xf32> to vector<1x64xf32>
    %add3A_64 = vector.broadcast %broadcast_in_dim3A_63 : vector<1x64xf32> to vector<16x64xf32>
    %add3A_65 = arith.addf %dot_general3A_60, %add3A_64 : vector<16x64xf32>
    %ge3A_66 = arith.constant 0.000000e+00 : f32
    %ge3A_67 = vector.broadcast %ge3A_66 : f32 to vector<16x64xf32>
    %ge3A_68 = arith.cmpf oge, %add3A_65, %ge3A_67 : vector<16x64xf32>
    %mul3A_69 = arith.constant 0.00999999977 : f32
    %mul3A_70 = vector.broadcast %mul3A_69 : f32 to vector<16x64xf32>
    %mul3A_71 = arith.mulf %mul3A_70, %add3A_65 : vector<16x64xf32>
    %select_n3A_72 = arith.select %ge3A_68, %add3A_65, %mul3A_71 : vector<16x64xi1>, vector<16x64xf32>
    %get3A_73 = arith.constant 0 : index
    %get3A_74 = arith.constant 0 : index
    %get3A_75 = vector.load %arg9[%get3A_73, %get3A_74] : memref<64x64xf32, #tpu.memory_space<vmem>>, vector<64x64xf32>
    %dot_general3A_76 = arith.constant dense<0.000000e+00> : vector<16x64xf32>
    %dot_general3A_77 = tpu.matmul %select_n3A_72, %get3A_75, %dot_general3A_76 {dimension_numbers = #tpu.dot_dimension_numbers<[1], [0], [0], [1], [0, 0, 1, 1], [], []>, transpose_lhs_hint = false} : vector<16x64xf32>, vector<64x64xf32>, vector<16x64xf32> -> vector<16x64xf32>
    %get3A_78 = arith.constant 0 : index
    %get3A_79 = vector.load %arg10[%get3A_78] : memref<64xf32, #tpu.memory_space<vmem>>, vector<64xf32>
    %broadcast_in_dim3A_80 = vector.shape_cast %get3A_79 : vector<64xf32> to vector<1x64xf32>
    %add3A_81 = vector.broadcast %broadcast_in_dim3A_80 : vector<1x64xf32> to vector<16x64xf32>
    %add3A_82 = arith.addf %dot_general3A_77, %add3A_81 : vector<16x64xf32>
    %ge3A_83 = arith.constant 0.000000e+00 : f32
    %ge3A_84 = vector.broadcast %ge3A_83 : f32 to vector<16x64xf32>
    %ge3A_85 = arith.cmpf oge, %add3A_82, %ge3A_84 : vector<16x64xf32>
    %mul3A_86 = arith.constant 0.00999999977 : f32
    %mul3A_87 = vector.broadcast %mul3A_86 : f32 to vector<16x64xf32>
    %mul3A_88 = arith.mulf %mul3A_87, %add3A_82 : vector<16x64xf32>
    %select_n3A_89 = arith.select %ge3A_85, %add3A_82, %mul3A_88 : vector<16x64xi1>, vector<16x64xf32>
    %get3A_90 = arith.constant 0 : index
    %get3A_91 = arith.constant 0 : index
    %get3A_92 = vector.load %arg11[%get3A_90, %get3A_91] : memref<64x8xf32, #tpu.memory_space<vmem>>, vector<64x8xf32>
    %dot_general3A_93 = arith.constant dense<0.000000e+00> : vector<16x8xf32>
    %dot_general3A_94 = tpu.matmul %select_n3A_89, %get3A_92, %dot_general3A_93 {dimension_numbers = #tpu.dot_dimension_numbers<[1], [0], [0], [1], [0, 0, 1, 1], [], []>, transpose_lhs_hint = false} : vector<16x64xf32>, vector<64x8xf32>, vector<16x8xf32> -> vector<16x8xf32>
    %get3A_95 = arith.constant 0 : index
    %get3A_96 = vector.load %arg12[%get3A_95] : memref<8xf32, #tpu.memory_space<vmem>>, vector<8xf32>
    %broadcast_in_dim3A_97 = vector.shape_cast %get3A_96 : vector<8xf32> to vector<1x8xf32>
    %add3A_98 = vector.broadcast %broadcast_in_dim3A_97 : vector<1x8xf32> to vector<16x8xf32>
    %add3A_99 = arith.addf %dot_general3A_94, %add3A_98 : vector<16x8xf32>
    %ge3A_100 = arith.constant 0.000000e+00 : f32
    %ge3A_101 = vector.broadcast %ge3A_100 : f32 to vector<16x8xf32>
    %ge3A_102 = arith.cmpf oge, %add3A_99, %ge3A_101 : vector<16x8xf32>
    %mul3A_103 = arith.constant 0.00999999977 : f32
    %mul3A_104 = vector.broadcast %mul3A_103 : f32 to vector<16x8xf32>
    %mul3A_105 = arith.mulf %mul3A_104, %add3A_99 : vector<16x8xf32>
    %select_n3A_106 = arith.select %ge3A_102, %add3A_99, %mul3A_105 : vector<16x8xi1>, vector<16x8xf32>
    %swap3A = arith.constant 0 : index
    %swap3A_107 = arith.constant 0 : index
    %swap3A_108 = vector.load %arg13[%swap3A, %swap3A_107] : memref<16x8xf32, #tpu.memory_space<vmem>>, vector<16x8xf32>
    tpu.vector_store %arg13[%swap3A, %swap3A_107], %select_n3A_106 {strides = array<i32>} : memref<16x8xf32, #tpu.memory_space<vmem>>, vector<16x8xf32>,
    return
  }
}

module attributes {stable_mosaic.version = 14 : i64} {
  func.func @_curve_body(%arg0: i32, %arg1: memref<16x8xf32, #tpu.memory_space<smem>>, %arg2: memref<4x512x512xf32, #tpu.memory_space<vmem>>, %arg3: memref<4x512x512xf32, #tpu.memory_space<vmem>>) attributes {dimension_semantics = [#tpu.dimension_semantics<arbitrary>], iteration_bounds = array<i64: 4>, scalar_prefetch = 0 : i64, scratch_operands = 0 : i64, tpu.core_type = #tpu.core_type<tc>, window_params = [{transform_indices = @transform_0, window_bounds = array<i64: 16, 8>}, {transform_indices = @transform_1, window_bounds = array<i64: 4, 512, 512>}, {transform_indices = @transform_2, window_bounds = array<i64: 4, 512, 512>}]} {
    %get3A = arith.constant 0 : index
    %get3A_0 = arith.constant 0 : index
    %get3A_1 = arith.constant 0 : index
    %get3A_2 = vector.load %arg2[%get3A, %get3A_0, %get3A_1] : memref<4x512x512xf32, #tpu.memory_space<vmem>>, vector<1x512x512xf32>
    %get3A_3 = vector.shape_cast %get3A_2 : vector<1x512x512xf32> to vector<512x512xf32>
    %mul3A = arith.constant 4 : i32
    %mul3A_4 = arith.muli %arg0, %mul3A : i32
    %add3A = arith.constant 0 : i32
    %add3A_5 = arith.addi %mul3A_4, %add3A : i32
    %get3A_6 = arith.index_cast %add3A_5 : i32 to index
    %get3A_7 = arith.constant 0 : index
    %get3A_8 = memref.load %arg1[%get3A_6, %get3A_7] : memref<16x8xf32, #tpu.memory_space<smem>>
    %add3A_9 = arith.constant 1.000000e+00 : f32
    %add3A_10 = arith.addf %add3A_9, %get3A_8 : f32
    %mul3A_11 = vector.broadcast %get3A_8 : f32 to vector<512x512xf32>
    %mul3A_12 = arith.mulf %mul3A_11, %get3A_3 : vector<512x512xf32>
    %sub3A = vector.broadcast %add3A_10 : f32 to vector<512x512xf32>
    %sub3A_13 = arith.subf %sub3A, %mul3A_12 : vector<512x512xf32>
    %mul3A_14 = arith.mulf %get3A_3, %sub3A_13 : vector<512x512xf32>
    %mul3A_15 = arith.constant 4 : i32
    %mul3A_16 = arith.muli %arg0, %mul3A_15 : i32
    %add3A_17 = arith.constant 0 : i32
    %add3A_18 = arith.addi %mul3A_16, %add3A_17 : i32
    %get3A_19 = arith.index_cast %add3A_18 : i32 to index
    %get3A_20 = arith.constant 1 : index
    %get3A_21 = memref.load %arg1[%get3A_19, %get3A_20] : memref<16x8xf32, #tpu.memory_space<smem>>
    %add3A_22 = arith.constant 1.000000e+00 : f32
    %add3A_23 = arith.addf %add3A_22, %get3A_21 : f32
    %mul3A_24 = vector.broadcast %get3A_21 : f32 to vector<512x512xf32>
    %mul3A_25 = arith.mulf %mul3A_24, %mul3A_14 : vector<512x512xf32>
    %sub3A_26 = vector.broadcast %add3A_23 : f32 to vector<512x512xf32>
    %sub3A_27 = arith.subf %sub3A_26, %mul3A_25 : vector<512x512xf32>
    %mul3A_28 = arith.mulf %mul3A_14, %sub3A_27 : vector<512x512xf32>
    %mul3A_29 = arith.constant 4 : i32
    %mul3A_30 = arith.muli %arg0, %mul3A_29 : i32
    %add3A_31 = arith.constant 0 : i32
    %add3A_32 = arith.addi %mul3A_30, %add3A_31 : i32
    %get3A_33 = arith.index_cast %add3A_32 : i32 to index
    %get3A_34 = arith.constant 2 : index
    %get3A_35 = memref.load %arg1[%get3A_33, %get3A_34] : memref<16x8xf32, #tpu.memory_space<smem>>
    %add3A_36 = arith.constant 1.000000e+00 : f32
    %add3A_37 = arith.addf %add3A_36, %get3A_35 : f32
    %mul3A_38 = vector.broadcast %get3A_35 : f32 to vector<512x512xf32>
    %mul3A_39 = arith.mulf %mul3A_38, %mul3A_28 : vector<512x512xf32>
    %sub3A_40 = vector.broadcast %add3A_37 : f32 to vector<512x512xf32>
    %sub3A_41 = arith.subf %sub3A_40, %mul3A_39 : vector<512x512xf32>
    %mul3A_42 = arith.mulf %mul3A_28, %sub3A_41 : vector<512x512xf32>
    %mul3A_43 = arith.constant 4 : i32
    %mul3A_44 = arith.muli %arg0, %mul3A_43 : i32
    %add3A_45 = arith.constant 0 : i32
    %add3A_46 = arith.addi %mul3A_44, %add3A_45 : i32
    %get3A_47 = arith.index_cast %add3A_46 : i32 to index
    %get3A_48 = arith.constant 3 : index
    %get3A_49 = memref.load %arg1[%get3A_47, %get3A_48] : memref<16x8xf32, #tpu.memory_space<smem>>
    %add3A_50 = arith.constant 1.000000e+00 : f32
    %add3A_51 = arith.addf %add3A_50, %get3A_49 : f32
    %mul3A_52 = vector.broadcast %get3A_49 : f32 to vector<512x512xf32>
    %mul3A_53 = arith.mulf %mul3A_52, %mul3A_42 : vector<512x512xf32>
    %sub3A_54 = vector.broadcast %add3A_51 : f32 to vector<512x512xf32>
    %sub3A_55 = arith.subf %sub3A_54, %mul3A_53 : vector<512x512xf32>
    %mul3A_56 = arith.mulf %mul3A_42, %sub3A_55 : vector<512x512xf32>
    %mul3A_57 = arith.constant 4 : i32
    %mul3A_58 = arith.muli %arg0, %mul3A_57 : i32
    %add3A_59 = arith.constant 0 : i32
    %add3A_60 = arith.addi %mul3A_58, %add3A_59 : i32
    %get3A_61 = arith.index_cast %add3A_60 : i32 to index
    %get3A_62 = arith.constant 4 : index
    %get3A_63 = memref.load %arg1[%get3A_61, %get3A_62] : memref<16x8xf32, #tpu.memory_space<smem>>
    %add3A_64 = arith.constant 1.000000e+00 : f32
    %add3A_65 = arith.addf %add3A_64, %get3A_63 : f32
    %mul3A_66 = vector.broadcast %get3A_63 : f32 to vector<512x512xf32>
    %mul3A_67 = arith.mulf %mul3A_66, %mul3A_56 : vector<512x512xf32>
    %sub3A_68 = vector.broadcast %add3A_65 : f32 to vector<512x512xf32>
    %sub3A_69 = arith.subf %sub3A_68, %mul3A_67 : vector<512x512xf32>
    %mul3A_70 = arith.mulf %mul3A_56, %sub3A_69 : vector<512x512xf32>
    %mul3A_71 = arith.constant 4 : i32
    %mul3A_72 = arith.muli %arg0, %mul3A_71 : i32
    %add3A_73 = arith.constant 0 : i32
    %add3A_74 = arith.addi %mul3A_72, %add3A_73 : i32
    %get3A_75 = arith.index_cast %add3A_74 : i32 to index
    %get3A_76 = arith.constant 5 : index
    %get3A_77 = memref.load %arg1[%get3A_75, %get3A_76] : memref<16x8xf32, #tpu.memory_space<smem>>
    %add3A_78 = arith.constant 1.000000e+00 : f32
    %add3A_79 = arith.addf %add3A_78, %get3A_77 : f32
    %mul3A_80 = vector.broadcast %get3A_77 : f32 to vector<512x512xf32>
    %mul3A_81 = arith.mulf %mul3A_80, %mul3A_70 : vector<512x512xf32>
    %sub3A_82 = vector.broadcast %add3A_79 : f32 to vector<512x512xf32>
    %sub3A_83 = arith.subf %sub3A_82, %mul3A_81 : vector<512x512xf32>
    %mul3A_84 = arith.mulf %mul3A_70, %sub3A_83 : vector<512x512xf32>
    %mul3A_85 = arith.constant 4 : i32
    %mul3A_86 = arith.muli %arg0, %mul3A_85 : i32
    %add3A_87 = arith.constant 0 : i32
    %add3A_88 = arith.addi %mul3A_86, %add3A_87 : i32
    %get3A_89 = arith.index_cast %add3A_88 : i32 to index
    %get3A_90 = arith.constant 6 : index
    %get3A_91 = memref.load %arg1[%get3A_89, %get3A_90] : memref<16x8xf32, #tpu.memory_space<smem>>
    %add3A_92 = arith.constant 1.000000e+00 : f32
    %add3A_93 = arith.addf %add3A_92, %get3A_91 : f32
    %mul3A_94 = vector.broadcast %get3A_91 : f32 to vector<512x512xf32>
    %mul3A_95 = arith.mulf %mul3A_94, %mul3A_84 : vector<512x512xf32>
    %sub3A_96 = vector.broadcast %add3A_93 : f32 to vector<512x512xf32>
    %sub3A_97 = arith.subf %sub3A_96, %mul3A_95 : vector<512x512xf32>
    %mul3A_98 = arith.mulf %mul3A_84, %sub3A_97 : vector<512x512xf32>
    %mul3A_99 = arith.constant 4 : i32
    %mul3A_100 = arith.muli %arg0, %mul3A_99 : i32
    %add3A_101 = arith.constant 0 : i32
    %add3A_102 = arith.addi %mul3A_100, %add3A_101 : i32
    %get3A_103 = arith.index_cast %add3A_102 : i32 to index
    %get3A_104 = arith.constant 7 : index
    %get3A_105 = memref.load %arg1[%get3A_103, %get3A_104] : memref<16x8xf32, #tpu.memory_space<smem>>
    %add3A_106 = arith.constant 1.000000e+00 : f32
    %add3A_107 = arith.addf %add3A_106, %get3A_105 : f32
    %mul3A_108 = vector.broadcast %get3A_105 : f32 to vector<512x512xf32>
    %mul3A_109 = arith.mulf %mul3A_108, %mul3A_98 : vector<512x512xf32>
    %sub3A_110 = vector.broadcast %add3A_107 : f32 to vector<512x512xf32>
    %sub3A_111 = arith.subf %sub3A_110, %mul3A_109 : vector<512x512xf32>
    %mul3A_112 = arith.mulf %mul3A_98, %sub3A_111 : vector<512x512xf32>
    %swap3A = arith.constant 0 : index
    %swap3A_113 = arith.constant 0 : index
    %swap3A_114 = arith.constant 0 : index
    %swap3A_115 = vector.load %arg3[%swap3A, %swap3A_113, %swap3A_114] : memref<4x512x512xf32, #tpu.memory_space<vmem>>, vector<1x512x512xf32>
    %swap3A_116 = vector.shape_cast %swap3A_115 : vector<1x512x512xf32> to vector<512x512xf32>
    %swap3A_117 = vector.shape_cast %mul3A_112 : vector<512x512xf32> to vector<1x512x512xf32>
    tpu.vector_store %arg3[%swap3A, %swap3A_113, %swap3A_114], %swap3A_117 {strides = array<i32>} : memref<4x512x512xf32, #tpu.memory_space<vmem>>, vector<1x512x512xf32>,
    %get3A_118 = arith.constant 1 : index
    %get3A_119 = arith.constant 0 : index
    %get3A_120 = arith.constant 0 : index
    %get3A_121 = vector.load %arg2[%get3A_118, %get3A_119, %get3A_120] : memref<4x512x512xf32, #tpu.memory_space<vmem>>, vector<1x512x512xf32>
    %get3A_122 = vector.shape_cast %get3A_121 : vector<1x512x512xf32> to vector<512x512xf32>
    %mul3A_123 = arith.constant 4 : i32
    %mul3A_124 = arith.muli %arg0, %mul3A_123 : i32
    %add3A_125 = arith.constant 1 : i32
    %add3A_126 = arith.addi %mul3A_124, %add3A_125 : i32
    %get3A_127 = arith.index_cast %add3A_126 : i32 to index
    %get3A_128 = arith.constant 0 : index
    %get3A_129 = memref.load %arg1[%get3A_127, %get3A_128] : memref<16x8xf32, #tpu.memory_space<smem>>
    %add3A_130 = arith.constant 1.000000e+00 : f32
    %add3A_131 = arith.addf %add3A_130, %get3A_129 : f32
    %mul3A_132 = vector.broadcast %get3A_129 : f32 to vector<512x512xf32>
    %mul3A_133 = arith.mulf %mul3A_132, %get3A_122 : vector<512x512xf32>
    %sub3A_134 = vector.broadcast %add3A_131 : f32 to vector<512x512xf32>
    %sub3A_135 = arith.subf %sub3A_134, %mul3A_133 : vector<512x512xf32>
    %mul3A_136 = arith.mulf %get3A_122, %sub3A_135 : vector<512x512xf32>
    %mul3A_137 = arith.constant 4 : i32
    %mul3A_138 = arith.muli %arg0, %mul3A_137 : i32
    %add3A_139 = arith.constant 1 : i32
    %add3A_140 = arith.addi %mul3A_138, %add3A_139 : i32
    %get3A_141 = arith.index_cast %add3A_140 : i32 to index
    %get3A_142 = arith.constant 1 : index
    %get3A_143 = memref.load %arg1[%get3A_141, %get3A_142] : memref<16x8xf32, #tpu.memory_space<smem>>
    %add3A_144 = arith.constant 1.000000e+00 : f32
    %add3A_145 = arith.addf %add3A_144, %get3A_143 : f32
    %mul3A_146 = vector.broadcast %get3A_143 : f32 to vector<512x512xf32>
    %mul3A_147 = arith.mulf %mul3A_146, %mul3A_136 : vector<512x512xf32>
    %sub3A_148 = vector.broadcast %add3A_145 : f32 to vector<512x512xf32>
    %sub3A_149 = arith.subf %sub3A_148, %mul3A_147 : vector<512x512xf32>
    %mul3A_150 = arith.mulf %mul3A_136, %sub3A_149 : vector<512x512xf32>
    %mul3A_151 = arith.constant 4 : i32
    %mul3A_152 = arith.muli %arg0, %mul3A_151 : i32
    %add3A_153 = arith.constant 1 : i32
    %add3A_154 = arith.addi %mul3A_152, %add3A_153 : i32
    %get3A_155 = arith.index_cast %add3A_154 : i32 to index
    %get3A_156 = arith.constant 2 : index
    %get3A_157 = memref.load %arg1[%get3A_155, %get3A_156] : memref<16x8xf32, #tpu.memory_space<smem>>
    %add3A_158 = arith.constant 1.000000e+00 : f32
    %add3A_159 = arith.addf %add3A_158, %get3A_157 : f32
    %mul3A_160 = vector.broadcast %get3A_157 : f32 to vector<512x512xf32>
    %mul3A_161 = arith.mulf %mul3A_160, %mul3A_150 : vector<512x512xf32>
    %sub3A_162 = vector.broadcast %add3A_159 : f32 to vector<512x512xf32>
    %sub3A_163 = arith.subf %sub3A_162, %mul3A_161 : vector<512x512xf32>
    %mul3A_164 = arith.mulf %mul3A_150, %sub3A_163 : vector<512x512xf32>
    %mul3A_165 = arith.constant 4 : i32
    %mul3A_166 = arith.muli %arg0, %mul3A_165 : i32
    %add3A_167 = arith.constant 1 : i32
    %add3A_168 = arith.addi %mul3A_166, %add3A_167 : i32
    %get3A_169 = arith.index_cast %add3A_168 : i32 to index
    %get3A_170 = arith.constant 3 : index
    %get3A_171 = memref.load %arg1[%get3A_169, %get3A_170] : memref<16x8xf32, #tpu.memory_space<smem>>
    %add3A_172 = arith.constant 1.000000e+00 : f32
    %add3A_173 = arith.addf %add3A_172, %get3A_171 : f32
    %mul3A_174 = vector.broadcast %get3A_171 : f32 to vector<512x512xf32>
    %mul3A_175 = arith.mulf %mul3A_174, %mul3A_164 : vector<512x512xf32>
    %sub3A_176 = vector.broadcast %add3A_173 : f32 to vector<512x512xf32>
    %sub3A_177 = arith.subf %sub3A_176, %mul3A_175 : vector<512x512xf32>
    %mul3A_178 = arith.mulf %mul3A_164, %sub3A_177 : vector<512x512xf32>
    %mul3A_179 = arith.constant 4 : i32
    %mul3A_180 = arith.muli %arg0, %mul3A_179 : i32
    %add3A_181 = arith.constant 1 : i32
    %add3A_182 = arith.addi %mul3A_180, %add3A_181 : i32
    %get3A_183 = arith.index_cast %add3A_182 : i32 to index
    %get3A_184 = arith.constant 4 : index
    %get3A_185 = memref.load %arg1[%get3A_183, %get3A_184] : memref<16x8xf32, #tpu.memory_space<smem>>
    %add3A_186 = arith.constant 1.000000e+00 : f32
    %add3A_187 = arith.addf %add3A_186, %get3A_185 : f32
    %mul3A_188 = vector.broadcast %get3A_185 : f32 to vector<512x512xf32>
    %mul3A_189 = arith.mulf %mul3A_188, %mul3A_178 : vector<512x512xf32>
    %sub3A_190 = vector.broadcast %add3A_187 : f32 to vector<512x512xf32>
    %sub3A_191 = arith.subf %sub3A_190, %mul3A_189 : vector<512x512xf32>
    %mul3A_192 = arith.mulf %mul3A_178, %sub3A_191 : vector<512x512xf32>
    %mul3A_193 = arith.constant 4 : i32
    %mul3A_194 = arith.muli %arg0, %mul3A_193 : i32
    %add3A_195 = arith.constant 1 : i32
    %add3A_196 = arith.addi %mul3A_194, %add3A_195 : i32
    %get3A_197 = arith.index_cast %add3A_196 : i32 to index
    %get3A_198 = arith.constant 5 : index
    %get3A_199 = memref.load %arg1[%get3A_197, %get3A_198] : memref<16x8xf32, #tpu.memory_space<smem>>
    %add3A_200 = arith.constant 1.000000e+00 : f32
    %add3A_201 = arith.addf %add3A_200, %get3A_199 : f32
    %mul3A_202 = vector.broadcast %get3A_199 : f32 to vector<512x512xf32>
    %mul3A_203 = arith.mulf %mul3A_202, %mul3A_192 : vector<512x512xf32>
    %sub3A_204 = vector.broadcast %add3A_201 : f32 to vector<512x512xf32>
    %sub3A_205 = arith.subf %sub3A_204, %mul3A_203 : vector<512x512xf32>
    %mul3A_206 = arith.mulf %mul3A_192, %sub3A_205 : vector<512x512xf32>
    %mul3A_207 = arith.constant 4 : i32
    %mul3A_208 = arith.muli %arg0, %mul3A_207 : i32
    %add3A_209 = arith.constant 1 : i32
    %add3A_210 = arith.addi %mul3A_208, %add3A_209 : i32
    %get3A_211 = arith.index_cast %add3A_210 : i32 to index
    %get3A_212 = arith.constant 6 : index
    %get3A_213 = memref.load %arg1[%get3A_211, %get3A_212] : memref<16x8xf32, #tpu.memory_space<smem>>
    %add3A_214 = arith.constant 1.000000e+00 : f32
    %add3A_215 = arith.addf %add3A_214, %get3A_213 : f32
    %mul3A_216 = vector.broadcast %get3A_213 : f32 to vector<512x512xf32>
    %mul3A_217 = arith.mulf %mul3A_216, %mul3A_206 : vector<512x512xf32>
    %sub3A_218 = vector.broadcast %add3A_215 : f32 to vector<512x512xf32>
    %sub3A_219 = arith.subf %sub3A_218, %mul3A_217 : vector<512x512xf32>
    %mul3A_220 = arith.mulf %mul3A_206, %sub3A_219 : vector<512x512xf32>
    %mul3A_221 = arith.constant 4 : i32
    %mul3A_222 = arith.muli %arg0, %mul3A_221 : i32
    %add3A_223 = arith.constant 1 : i32
    %add3A_224 = arith.addi %mul3A_222, %add3A_223 : i32
    %get3A_225 = arith.index_cast %add3A_224 : i32 to index
    %get3A_226 = arith.constant 7 : index
    %get3A_227 = memref.load %arg1[%get3A_225, %get3A_226] : memref<16x8xf32, #tpu.memory_space<smem>>
    %add3A_228 = arith.constant 1.000000e+00 : f32
    %add3A_229 = arith.addf %add3A_228, %get3A_227 : f32
    %mul3A_230 = vector.broadcast %get3A_227 : f32 to vector<512x512xf32>
    %mul3A_231 = arith.mulf %mul3A_230, %mul3A_220 : vector<512x512xf32>
    %sub3A_232 = vector.broadcast %add3A_229 : f32 to vector<512x512xf32>
    %sub3A_233 = arith.subf %sub3A_232, %mul3A_231 : vector<512x512xf32>
    %mul3A_234 = arith.mulf %mul3A_220, %sub3A_233 : vector<512x512xf32>
    %swap3A_235 = arith.constant 1 : index
    %swap3A_236 = arith.constant 0 : index
    %swap3A_237 = arith.constant 0 : index
    %swap3A_238 = vector.load %arg3[%swap3A_235, %swap3A_236, %swap3A_237] : memref<4x512x512xf32, #tpu.memory_space<vmem>>, vector<1x512x512xf32>
    %swap3A_239 = vector.shape_cast %swap3A_238 : vector<1x512x512xf32> to vector<512x512xf32>
    %swap3A_240 = vector.shape_cast %mul3A_234 : vector<512x512xf32> to vector<1x512x512xf32>
    tpu.vector_store %arg3[%swap3A_235, %swap3A_236, %swap3A_237], %swap3A_240 {strides = array<i32>} : memref<4x512x512xf32, #tpu.memory_space<vmem>>, vector<1x512x512xf32>,
    %get3A_241 = arith.constant 2 : index
    %get3A_242 = arith.constant 0 : index
    %get3A_243 = arith.constant 0 : index
    %get3A_244 = vector.load %arg2[%get3A_241, %get3A_242, %get3A_243] : memref<4x512x512xf32, #tpu.memory_space<vmem>>, vector<1x512x512xf32>
    %get3A_245 = vector.shape_cast %get3A_244 : vector<1x512x512xf32> to vector<512x512xf32>
    %mul3A_246 = arith.constant 4 : i32
    %mul3A_247 = arith.muli %arg0, %mul3A_246 : i32
    %add3A_248 = arith.constant 2 : i32
    %add3A_249 = arith.addi %mul3A_247, %add3A_248 : i32
    %get3A_250 = arith.index_cast %add3A_249 : i32 to index
    %get3A_251 = arith.constant 0 : index
    %get3A_252 = memref.load %arg1[%get3A_250, %get3A_251] : memref<16x8xf32, #tpu.memory_space<smem>>
    %add3A_253 = arith.constant 1.000000e+00 : f32
    %add3A_254 = arith.addf %add3A_253, %get3A_252 : f32
    %mul3A_255 = vector.broadcast %get3A_252 : f32 to vector<512x512xf32>
    %mul3A_256 = arith.mulf %mul3A_255, %get3A_245 : vector<512x512xf32>
    %sub3A_257 = vector.broadcast %add3A_254 : f32 to vector<512x512xf32>
    %sub3A_258 = arith.subf %sub3A_257, %mul3A_256 : vector<512x512xf32>
    %mul3A_259 = arith.mulf %get3A_245, %sub3A_258 : vector<512x512xf32>
    %mul3A_260 = arith.constant 4 : i32
    %mul3A_261 = arith.muli %arg0, %mul3A_260 : i32
    %add3A_262 = arith.constant 2 : i32
    %add3A_263 = arith.addi %mul3A_261, %add3A_262 : i32
    %get3A_264 = arith.index_cast %add3A_263 : i32 to index
    %get3A_265 = arith.constant 1 : index
    %get3A_266 = memref.load %arg1[%get3A_264, %get3A_265] : memref<16x8xf32, #tpu.memory_space<smem>>
    %add3A_267 = arith.constant 1.000000e+00 : f32
    %add3A_268 = arith.addf %add3A_267, %get3A_266 : f32
    %mul3A_269 = vector.broadcast %get3A_266 : f32 to vector<512x512xf32>
    %mul3A_270 = arith.mulf %mul3A_269, %mul3A_259 : vector<512x512xf32>
    %sub3A_271 = vector.broadcast %add3A_268 : f32 to vector<512x512xf32>
    %sub3A_272 = arith.subf %sub3A_271, %mul3A_270 : vector<512x512xf32>
    %mul3A_273 = arith.mulf %mul3A_259, %sub3A_272 : vector<512x512xf32>
    %mul3A_274 = arith.constant 4 : i32
    %mul3A_275 = arith.muli %arg0, %mul3A_274 : i32
    %add3A_276 = arith.constant 2 : i32
    %add3A_277 = arith.addi %mul3A_275, %add3A_276 : i32
    %get3A_278 = arith.index_cast %add3A_277 : i32 to index
    %get3A_279 = arith.constant 2 : index
    %get3A_280 = memref.load %arg1[%get3A_278, %get3A_279] : memref<16x8xf32, #tpu.memory_space<smem>>
    %add3A_281 = arith.constant 1.000000e+00 : f32
    %add3A_282 = arith.addf %add3A_281, %get3A_280 : f32
    %mul3A_283 = vector.broadcast %get3A_280 : f32 to vector<512x512xf32>
    %mul3A_284 = arith.mulf %mul3A_283, %mul3A_273 : vector<512x512xf32>
    %sub3A_285 = vector.broadcast %add3A_282 : f32 to vector<512x512xf32>
    %sub3A_286 = arith.subf %sub3A_285, %mul3A_284 : vector<512x512xf32>
    %mul3A_287 = arith.mulf %mul3A_273, %sub3A_286 : vector<512x512xf32>
    %mul3A_288 = arith.constant 4 : i32
    %mul3A_289 = arith.muli %arg0, %mul3A_288 : i32
    %add3A_290 = arith.constant 2 : i32
    %add3A_291 = arith.addi %mul3A_289, %add3A_290 : i32
    %get3A_292 = arith.index_cast %add3A_291 : i32 to index
    %get3A_293 = arith.constant 3 : index
    %get3A_294 = memref.load %arg1[%get3A_292, %get3A_293] : memref<16x8xf32, #tpu.memory_space<smem>>
    %add3A_295 = arith.constant 1.000000e+00 : f32
    %add3A_296 = arith.addf %add3A_295, %get3A_294 : f32
    %mul3A_297 = vector.broadcast %get3A_294 : f32 to vector<512x512xf32>
    %mul3A_298 = arith.mulf %mul3A_297, %mul3A_287 : vector<512x512xf32>
    %sub3A_299 = vector.broadcast %add3A_296 : f32 to vector<512x512xf32>
    %sub3A_300 = arith.subf %sub3A_299, %mul3A_298 : vector<512x512xf32>
    %mul3A_301 = arith.mulf %mul3A_287, %sub3A_300 : vector<512x512xf32>
    %mul3A_302 = arith.constant 4 : i32
    %mul3A_303 = arith.muli %arg0, %mul3A_302 : i32
    %add3A_304 = arith.constant 2 : i32
    %add3A_305 = arith.addi %mul3A_303, %add3A_304 : i32
    %get3A_306 = arith.index_cast %add3A_305 : i32 to index
    %get3A_307 = arith.constant 4 : index
    %get3A_308 = memref.load %arg1[%get3A_306, %get3A_307] : memref<16x8xf32, #tpu.memory_space<smem>>
    %add3A_309 = arith.constant 1.000000e+00 : f32
    %add3A_310 = arith.addf %add3A_309, %get3A_308 : f32
    %mul3A_311 = vector.broadcast %get3A_308 : f32 to vector<512x512xf32>
    %mul3A_312 = arith.mulf %mul3A_311, %mul3A_301 : vector<512x512xf32>
    %sub3A_313 = vector.broadcast %add3A_310 : f32 to vector<512x512xf32>
    %sub3A_314 = arith.subf %sub3A_313, %mul3A_312 : vector<512x512xf32>
    %mul3A_315 = arith.mulf %mul3A_301, %sub3A_314 : vector<512x512xf32>
    %mul3A_316 = arith.constant 4 : i32
    %mul3A_317 = arith.muli %arg0, %mul3A_316 : i32
    %add3A_318 = arith.constant 2 : i32
    %add3A_319 = arith.addi %mul3A_317, %add3A_318 : i32
    %get3A_320 = arith.index_cast %add3A_319 : i32 to index
    %get3A_321 = arith.constant 5 : index
    %get3A_322 = memref.load %arg1[%get3A_320, %get3A_321] : memref<16x8xf32, #tpu.memory_space<smem>>
    %add3A_323 = arith.constant 1.000000e+00 : f32
    %add3A_324 = arith.addf %add3A_323, %get3A_322 : f32
    %mul3A_325 = vector.broadcast %get3A_322 : f32 to vector<512x512xf32>
    %mul3A_326 = arith.mulf %mul3A_325, %mul3A_315 : vector<512x512xf32>
    %sub3A_327 = vector.broadcast %add3A_324 : f32 to vector<512x512xf32>
    %sub3A_328 = arith.subf %sub3A_327, %mul3A_326 : vector<512x512xf32>
    %mul3A_329 = arith.mulf %mul3A_315, %sub3A_328 : vector<512x512xf32>
    %mul3A_330 = arith.constant 4 : i32
    %mul3A_331 = arith.muli %arg0, %mul3A_330 : i32
    %add3A_332 = arith.constant 2 : i32
    %add3A_333 = arith.addi %mul3A_331, %add3A_332 : i32
    %get3A_334 = arith.index_cast %add3A_333 : i32 to index
    %get3A_335 = arith.constant 6 : index
    %get3A_336 = memref.load %arg1[%get3A_334, %get3A_335] : memref<16x8xf32, #tpu.memory_space<smem>>
    %add3A_337 = arith.constant 1.000000e+00 : f32
    %add3A_338 = arith.addf %add3A_337, %get3A_336 : f32
    %mul3A_339 = vector.broadcast %get3A_336 : f32 to vector<512x512xf32>
    %mul3A_340 = arith.mulf %mul3A_339, %mul3A_329 : vector<512x512xf32>
    %sub3A_341 = vector.broadcast %add3A_338 : f32 to vector<512x512xf32>
    %sub3A_342 = arith.subf %sub3A_341, %mul3A_340 : vector<512x512xf32>
    %mul3A_343 = arith.mulf %mul3A_329, %sub3A_342 : vector<512x512xf32>
    %mul3A_344 = arith.constant 4 : i32
    %mul3A_345 = arith.muli %arg0, %mul3A_344 : i32
    %add3A_346 = arith.constant 2 : i32
    %add3A_347 = arith.addi %mul3A_345, %add3A_346 : i32
    %get3A_348 = arith.index_cast %add3A_347 : i32 to index
    %get3A_349 = arith.constant 7 : index
    %get3A_350 = memref.load %arg1[%get3A_348, %get3A_349] : memref<16x8xf32, #tpu.memory_space<smem>>
    %add3A_351 = arith.constant 1.000000e+00 : f32
    %add3A_352 = arith.addf %add3A_351, %get3A_350 : f32
    %mul3A_353 = vector.broadcast %get3A_350 : f32 to vector<512x512xf32>
    %mul3A_354 = arith.mulf %mul3A_353, %mul3A_343 : vector<512x512xf32>
    %sub3A_355 = vector.broadcast %add3A_352 : f32 to vector<512x512xf32>
    %sub3A_356 = arith.subf %sub3A_355, %mul3A_354 : vector<512x512xf32>
    %mul3A_357 = arith.mulf %mul3A_343, %sub3A_356 : vector<512x512xf32>
    %swap3A_358 = arith.constant 2 : index
    %swap3A_359 = arith.constant 0 : index
    %swap3A_360 = arith.constant 0 : index
    %swap3A_361 = vector.load %arg3[%swap3A_358, %swap3A_359, %swap3A_360] : memref<4x512x512xf32, #tpu.memory_space<vmem>>, vector<1x512x512xf32>
    %swap3A_362 = vector.shape_cast %swap3A_361 : vector<1x512x512xf32> to vector<512x512xf32>
    %swap3A_363 = vector.shape_cast %mul3A_357 : vector<512x512xf32> to vector<1x512x512xf32>
    tpu.vector_store %arg3[%swap3A_358, %swap3A_359, %swap3A_360], %swap3A_363 {strides = array<i32>} : memref<4x512x512xf32, #tpu.memory_space<vmem>>, vector<1x512x512xf32>,
    %get3A_364 = arith.constant 3 : index
    %get3A_365 = arith.constant 0 : index
    %get3A_366 = arith.constant 0 : index
    %get3A_367 = vector.load %arg2[%get3A_364, %get3A_365, %get3A_366] : memref<4x512x512xf32, #tpu.memory_space<vmem>>, vector<1x512x512xf32>
    %get3A_368 = vector.shape_cast %get3A_367 : vector<1x512x512xf32> to vector<512x512xf32>
    %mul3A_369 = arith.constant 4 : i32
    %mul3A_370 = arith.muli %arg0, %mul3A_369 : i32
    %add3A_371 = arith.constant 3 : i32
    %add3A_372 = arith.addi %mul3A_370, %add3A_371 : i32
    %get3A_373 = arith.index_cast %add3A_372 : i32 to index
    %get3A_374 = arith.constant 0 : index
    %get3A_375 = memref.load %arg1[%get3A_373, %get3A_374] : memref<16x8xf32, #tpu.memory_space<smem>>
    %add3A_376 = arith.constant 1.000000e+00 : f32
    %add3A_377 = arith.addf %add3A_376, %get3A_375 : f32
    %mul3A_378 = vector.broadcast %get3A_375 : f32 to vector<512x512xf32>
    %mul3A_379 = arith.mulf %mul3A_378, %get3A_368 : vector<512x512xf32>
    %sub3A_380 = vector.broadcast %add3A_377 : f32 to vector<512x512xf32>
    %sub3A_381 = arith.subf %sub3A_380, %mul3A_379 : vector<512x512xf32>
    %mul3A_382 = arith.mulf %get3A_368, %sub3A_381 : vector<512x512xf32>
    %mul3A_383 = arith.constant 4 : i32
    %mul3A_384 = arith.muli %arg0, %mul3A_383 : i32
    %add3A_385 = arith.constant 3 : i32
    %add3A_386 = arith.addi %mul3A_384, %add3A_385 : i32
    %get3A_387 = arith.index_cast %add3A_386 : i32 to index
    %get3A_388 = arith.constant 1 : index
    %get3A_389 = memref.load %arg1[%get3A_387, %get3A_388] : memref<16x8xf32, #tpu.memory_space<smem>>
    %add3A_390 = arith.constant 1.000000e+00 : f32
    %add3A_391 = arith.addf %add3A_390, %get3A_389 : f32
    %mul3A_392 = vector.broadcast %get3A_389 : f32 to vector<512x512xf32>
    %mul3A_393 = arith.mulf %mul3A_392, %mul3A_382 : vector<512x512xf32>
    %sub3A_394 = vector.broadcast %add3A_391 : f32 to vector<512x512xf32>
    %sub3A_395 = arith.subf %sub3A_394, %mul3A_393 : vector<512x512xf32>
    %mul3A_396 = arith.mulf %mul3A_382, %sub3A_395 : vector<512x512xf32>
    %mul3A_397 = arith.constant 4 : i32
    %mul3A_398 = arith.muli %arg0, %mul3A_397 : i32
    %add3A_399 = arith.constant 3 : i32
    %add3A_400 = arith.addi %mul3A_398, %add3A_399 : i32
    %get3A_401 = arith.index_cast %add3A_400 : i32 to index
    %get3A_402 = arith.constant 2 : index
    %get3A_403 = memref.load %arg1[%get3A_401, %get3A_402] : memref<16x8xf32, #tpu.memory_space<smem>>
    %add3A_404 = arith.constant 1.000000e+00 : f32
    %add3A_405 = arith.addf %add3A_404, %get3A_403 : f32
    %mul3A_406 = vector.broadcast %get3A_403 : f32 to vector<512x512xf32>
    %mul3A_407 = arith.mulf %mul3A_406, %mul3A_396 : vector<512x512xf32>
    %sub3A_408 = vector.broadcast %add3A_405 : f32 to vector<512x512xf32>
    %sub3A_409 = arith.subf %sub3A_408, %mul3A_407 : vector<512x512xf32>
    %mul3A_410 = arith.mulf %mul3A_396, %sub3A_409 : vector<512x512xf32>
    %mul3A_411 = arith.constant 4 : i32
    %mul3A_412 = arith.muli %arg0, %mul3A_411 : i32
    %add3A_413 = arith.constant 3 : i32
    %add3A_414 = arith.addi %mul3A_412, %add3A_413 : i32
    %get3A_415 = arith.index_cast %add3A_414 : i32 to index
    %get3A_416 = arith.constant 3 : index
    %get3A_417 = memref.load %arg1[%get3A_415, %get3A_416] : memref<16x8xf32, #tpu.memory_space<smem>>
    %add3A_418 = arith.constant 1.000000e+00 : f32
    %add3A_419 = arith.addf %add3A_418, %get3A_417 : f32
    %mul3A_420 = vector.broadcast %get3A_417 : f32 to vector<512x512xf32>
    %mul3A_421 = arith.mulf %mul3A_420, %mul3A_410 : vector<512x512xf32>
    %sub3A_422 = vector.broadcast %add3A_419 : f32 to vector<512x512xf32>
    %sub3A_423 = arith.subf %sub3A_422, %mul3A_421 : vector<512x512xf32>
    %mul3A_424 = arith.mulf %mul3A_410, %sub3A_423 : vector<512x512xf32>
    %mul3A_425 = arith.constant 4 : i32
    %mul3A_426 = arith.muli %arg0, %mul3A_425 : i32
    %add3A_427 = arith.constant 3 : i32
    %add3A_428 = arith.addi %mul3A_426, %add3A_427 : i32
    %get3A_429 = arith.index_cast %add3A_428 : i32 to index
    %get3A_430 = arith.constant 4 : index
    %get3A_431 = memref.load %arg1[%get3A_429, %get3A_430] : memref<16x8xf32, #tpu.memory_space<smem>>
    %add3A_432 = arith.constant 1.000000e+00 : f32
    %add3A_433 = arith.addf %add3A_432, %get3A_431 : f32
    %mul3A_434 = vector.broadcast %get3A_431 : f32 to vector<512x512xf32>
    %mul3A_435 = arith.mulf %mul3A_434, %mul3A_424 : vector<512x512xf32>
    %sub3A_436 = vector.broadcast %add3A_433 : f32 to vector<512x512xf32>
    %sub3A_437 = arith.subf %sub3A_436, %mul3A_435 : vector<512x512xf32>
    %mul3A_438 = arith.mulf %mul3A_424, %sub3A_437 : vector<512x512xf32>
    %mul3A_439 = arith.constant 4 : i32
    %mul3A_440 = arith.muli %arg0, %mul3A_439 : i32
    %add3A_441 = arith.constant 3 : i32
    %add3A_442 = arith.addi %mul3A_440, %add3A_441 : i32
    %get3A_443 = arith.index_cast %add3A_442 : i32 to index
    %get3A_444 = arith.constant 5 : index
    %get3A_445 = memref.load %arg1[%get3A_443, %get3A_444] : memref<16x8xf32, #tpu.memory_space<smem>>
    %add3A_446 = arith.constant 1.000000e+00 : f32
    %add3A_447 = arith.addf %add3A_446, %get3A_445 : f32
    %mul3A_448 = vector.broadcast %get3A_445 : f32 to vector<512x512xf32>
    %mul3A_449 = arith.mulf %mul3A_448, %mul3A_438 : vector<512x512xf32>
    %sub3A_450 = vector.broadcast %add3A_447 : f32 to vector<512x512xf32>
    %sub3A_451 = arith.subf %sub3A_450, %mul3A_449 : vector<512x512xf32>
    %mul3A_452 = arith.mulf %mul3A_438, %sub3A_451 : vector<512x512xf32>
    %mul3A_453 = arith.constant 4 : i32
    %mul3A_454 = arith.muli %arg0, %mul3A_453 : i32
    %add3A_455 = arith.constant 3 : i32
    %add3A_456 = arith.addi %mul3A_454, %add3A_455 : i32
    %get3A_457 = arith.index_cast %add3A_456 : i32 to index
    %get3A_458 = arith.constant 6 : index
    %get3A_459 = memref.load %arg1[%get3A_457, %get3A_458] : memref<16x8xf32, #tpu.memory_space<smem>>
    %add3A_460 = arith.constant 1.000000e+00 : f32
    %add3A_461 = arith.addf %add3A_460, %get3A_459 : f32
    %mul3A_462 = vector.broadcast %get3A_459 : f32 to vector<512x512xf32>
    %mul3A_463 = arith.mulf %mul3A_462, %mul3A_452 : vector<512x512xf32>
    %sub3A_464 = vector.broadcast %add3A_461 : f32 to vector<512x512xf32>
    %sub3A_465 = arith.subf %sub3A_464, %mul3A_463 : vector<512x512xf32>
    %mul3A_466 = arith.mulf %mul3A_452, %sub3A_465 : vector<512x512xf32>
    %mul3A_467 = arith.constant 4 : i32
    %mul3A_468 = arith.muli %arg0, %mul3A_467 : i32
    %add3A_469 = arith.constant 3 : i32
    %add3A_470 = arith.addi %mul3A_468, %add3A_469 : i32
    %get3A_471 = arith.index_cast %add3A_470 : i32 to index
    %get3A_472 = arith.constant 7 : index
    %get3A_473 = memref.load %arg1[%get3A_471, %get3A_472] : memref<16x8xf32, #tpu.memory_space<smem>>
    %add3A_474 = arith.constant 1.000000e+00 : f32
    %add3A_475 = arith.addf %add3A_474, %get3A_473 : f32
    %mul3A_476 = vector.broadcast %get3A_473 : f32 to vector<512x512xf32>
    %mul3A_477 = arith.mulf %mul3A_476, %mul3A_466 : vector<512x512xf32>
    %sub3A_478 = vector.broadcast %add3A_475 : f32 to vector<512x512xf32>
    %sub3A_479 = arith.subf %sub3A_478, %mul3A_477 : vector<512x512xf32>
    %mul3A_480 = arith.mulf %mul3A_466, %sub3A_479 : vector<512x512xf32>
    %swap3A_481 = arith.constant 3 : index
    %swap3A_482 = arith.constant 0 : index
    %swap3A_483 = arith.constant 0 : index
    %swap3A_484 = vector.load %arg3[%swap3A_481, %swap3A_482, %swap3A_483] : memref<4x512x512xf32, #tpu.memory_space<vmem>>, vector<1x512x512xf32>
    %swap3A_485 = vector.shape_cast %swap3A_484 : vector<1x512x512xf32> to vector<512x512xf32>
    %swap3A_486 = vector.shape_cast %mul3A_480 : vector<512x512xf32> to vector<1x512x512xf32>
    tpu.vector_store %arg3[%swap3A_481, %swap3A_482, %swap3A_483], %swap3A_486 {strides = array<i32>} : memref<4x512x512xf32, #tpu.memory_space<vmem>>, vector<1x512x512xf32>,
    return
  }
  func.func @transform_0(%arg0: i32) -> (i32, i32) {
    %c0_i32 = arith.constant 0 : i32
    %c0_i32_0 = arith.constant 0 : i32
    %c0_i32_1 = arith.constant 0 : i32
    return %c0_i32, %c0_i32_0 : i32, i32
  }
  func.func @transform_1(%arg0: i32) -> (i32, i32, i32) {
    %c0_i32 = arith.constant 0 : i32
    %c0_i32_0 = arith.constant 0 : i32
    %c0_i32_1 = arith.constant 0 : i32
    return %arg0, %c0_i32, %c0_i32_0 : i32, i32, i32
  }
  func.func @transform_2(%arg0: i32) -> (i32, i32, i32) {
    %c0_i32 = arith.constant 0 : i32
    %c0_i32_0 = arith.constant 0 : i32
    %c0_i32_1 = arith.constant 0 : i32
    return %arg0, %c0_i32, %c0_i32_0 : i32, i32, i32
  }
}

</mosaic_0001>

<sc_bundles>
// kernel: kernel.5.cloned.1.call-start
scs
__scs_entry_jumppad:
0x0: {  	(pc) =	sbr.rel $0x88, $3  }
0x1: {  	(tag) =	ssettag $0x0;
	lr =	simm.s32 $0x1  }
0x2: {  	[smem:$0x3F95] =	sst lr;
	_ =	strace $0xD0000000  }
0x3: {  	_ = 	snop  }
0x4: {  	_ = 	snop  }
0x5: {  	_ = 	snop  }
0x6: {  	_ = 	snop  }
0x7: {  	_ = 	snop  }
__scs_overlays_trampoline_lowered:
0x8: {  	[smem:$0x3FA4] =	sst s0  }
0x9: {  	[smem:$0x3FA5] =	sst s1  }
0xa: {  	[smem:$0x3FA6] =	sst s2  }
0xb: {  	[smem:$0x3FA7] =	sst s3  }
0xc: {  	[smem:$0x3FA8] =	sst s4  }
0xd: {  	[smem:$0x3FA9] =	sst s5  }
0xe: {  	[smem:$0x3FAA] =	sst s6  }
0xf: {  	[smem:$0x3FAB] =	sst s7  }
0x10: {  	[smem:$0x3FAC] =	sst s8  }
0x11: {  	[smem:$0x3FAD] =	sst s9;
	s0 =	simm.s32 @!p0 $0x0  }
0x12: {  	s1 =	sld [smem:$0x3F93];
	s0 =	simm.s32 @p0 $0x1  }
0x13: {  	[smem:$0x3FAE] =	sst s0;
	s0 =	simm.s32 @!p1 $0x0  }
0x14: {  	s2 =	sld [smem:$0x3F92];
	s0 =	simm.s32 @p1 $0x1  }
0x15: {  	[smem:$0x3FAF] =	sst s0;
	s0 =	simm.s32 @!p2 $0x0  }
0x16: {  	s3 =	sld [smem:$0x3FDB];
	s0 =	simm.s32 @p2 $0x1  }
0x17: {  	s4 =	simm.s32 $0x1BF5;
	[smem:$0x3FB1] =	sst s0  }
0x18: {  	s0 =	sld [smem:$0x3F94];
	_ =	swait.ge [sflag:s4], $0x0  }
0x19: {  	s7 =	sld [smem:$0x3F95]  }
0x1a: {  	s8 =	sadd.s32 $0xFFFFE003, lr  }
0x1b: {  	s9 =	sadd.s32 $0xFFFFFEF7, lr;
	s5 =	simm.s32 $0xFFFFFFFF;
	p2 =	slt.u32 s8, $0xFFFFF086  }
0x1c: {  	p1 =	slt.u32 s9, $0xF7A;
	s5 =	simm.s32 @!p2 $0x0  }
0x1d: {  	s5 =	simm.s32 @p1 $0x1;
	p0 =	seq.s32 s7, s2  }
0x1e: {  	s7 =	smul.u32 @!p0 $0xF7A, s2;
	p2 =	seq.s32 @!p0 s5, $0x0  }
0x1f: {  	s9 =	smul.u32 $0xF7A, s1;
	s8 =	simm.s32 @!p0 $0x1BF5;
	p2 =	por !p2, p0  }
0x20: {  	[sflag:s8] =	ssyncset.s32 @!p0 $0xFFFFF086;
	s6 =	sadd.s32 @!p0 s3, s7;
	s7 =	simm.s32 @!p0 $0x108  }
0x21: {  	s3 =	sadd.s32 s3, s9;
	s6 =	sadd.s32 @!p0 $0x88, s6;
	s7 =	simm.s32 @p2 $0x1082  }
0x22: {  	[simem:s7], [sflag:s8] =	dma.local @!p0 [hbm:s6], $0xF7A  }
0x23: {  	s9 =	sor.u32 $0xD0000000, s2;
	s6 =	simm.s32 $0x108;
	_ =	swait.ge @!p0 [sflag:s8], $0x0  }
0x24: {  	s3 =	sadd.s32 $0x88, s3;
	s6 =	simm.s32 @!p1 $0x1082;
	[sflag:s4] =	ssyncset.s32 $0xFFFFF086  }
0x25: {  	[simem:s6], [sflag:s4] =	dma.local [hbm:s3], $0xF7A  }
0x26: {  	[smem:$0x3F95] =	sst s1;
	(tag) =	ssettag s2;
	_ =	strace s9  }
0x27: {  	s1 =	sld [smem:$0x3FA5]  }
0x28: {  	s2 =	sld [smem:$0x3FA6]  }
0x29: {  	s4 =	sld [smem:$0x3FA8]  }
0x2a: {  	p0 =	seq.s32 s5, $0x0;
	s5 =	sld [smem:$0x3FA9]  }
0x2b: {  	s6 =	sld [smem:$0x3FAA]  }
0x2c: {  	s7 =	sld [smem:$0x3FAB]  }
0x2d: {  	s3 =	simm.s32 $0x108;
	s8 =	sld [smem:$0x3FAC]  }
0x2e: {  	s3 =	simm.s32 @!p0 $0x1082;
	s9 =	sld [smem:$0x3FAD]  }
0x2f: {  	lr =	sadd.s32 s0, s3;
	s0 =	sld [smem:$0x3FA4]  }
0x30: {  	s3 =	sld [smem:$0x3FA7]  }
0x31: {  	[smem:$0x3FB0] =	sst s10  }
0x32: {  	s10 =	sld [smem:$0x3FAE];
	_ =	sdelay $0x3  }
0x33: {  	p0 =	seq.s32 s10, $0x1;
	s10 =	sld [smem:$0x3FB0];
	_ =	sdelay $0x3  }
0x34: {  	[smem:$0x3FB0] =	sst s10  }
0x35: {  	s10 =	sld [smem:$0x3FAF];
	_ =	sdelay $0x3  }
0x36: {  	p1 =	seq.s32 s10, $0x1;
	s10 =	sld [smem:$0x3FB0];
	_ =	sdelay $0x3  }
0x37: {  	[smem:$0x3FB0] =	sst s10  }
0x38: {  	s10 =	sld [smem:$0x3FB1]  }
0x39: {  	_ = 	snop;
	(pc) =	sbr.ind lr, $3  }
0x3a: {  	_ = 	snop  }
0x3b: {  	_ = 	snop  }
0x3c: {  	p2 =	seq.s32 s10, $0x1;
	s10 =	sld [smem:$0x3FB0]  }
0x3d: {  	_ =	shalt  }
0x3e: {  	_ =	shalt  }
0x3f: {  	_ =	shalt  }
0x40: {  	_ =	shalt  }
0x41: {  	_ =	shalt  }
0x42: {  	_ =	shalt  }
0x43: {  	_ =	shalt  }
0x44: {  	_ =	shalt  }
0x45: {  	_ =	shalt  }
0x46: {  	_ =	shalt  }
0x47: {  	_ =	shalt  }
0x48: {  	_ =	shalt  }
0x49: {  	_ =	shalt  }
0x4a: {  	_ =	shalt  }
0x4b: {  	_ =	shalt  }
0x4c: {  	_ =	shalt  }
0x4d: {  	_ =	shalt  }
0x4e: {  	_ =	shalt  }
0x4f: {  	_ =	shalt  }
0x50: {  	_ =	shalt  }
0x51: {  	_ =	shalt  }
0x52: {  	_ =	shalt  }
0x53: {  	_ =	shalt  }
0x54: {  	_ =	shalt  }
0x55: {  	_ =	shalt  }
0x56: {  	_ =	shalt  }
0x57: {  	_ =	shalt  }
0x58: {  	_ =	shalt  }
0x59: {  	_ =	shalt  }
0x5a: {  	_ =	shalt  }
0x5b: {  	_ =	shalt  }
0x5c: {  	_ =	shalt  }
0x5d: {  	_ =	shalt  }
0x5e: {  	_ =	shalt  }
0x5f: {  	_ =	shalt  }
0x60: {  	_ =	shalt  }
0x61: {  	_ =	shalt  }
0x62: {  	_ =	shalt  }
0x63: {  	_ =	shalt  }
0x64: {  	_ =	shalt  }
0x65: {  	_ =	shalt  }
0x66: {  	_ =	shalt  }
0x67: {  	_ =	shalt  }
0x68: {  	_ =	shalt  }
0x69: {  	_ =	shalt  }
0x6a: {  	_ =	shalt  }
0x6b: {  	_ =	shalt  }
0x6c: {  	_ =	shalt  }
0x6d: {  	_ =	shalt  }
0x6e: {  	_ =	shalt  }
0x6f: {  	_ =	shalt  }
0x70: {  	_ =	shalt  }
0x71: {  	_ =	shalt  }
0x72: {  	_ =	shalt  }
0x73: {  	_ =	shalt  }
0x74: {  	_ =	shalt  }
0x75: {  	_ =	shalt  }
0x76: {  	_ =	shalt  }
0x77: {  	_ =	shalt  }
0x78: {  	_ =	shalt  }
0x79: {  	_ =	shalt  }
0x7a: {  	_ =	shalt  }
0x7b: {  	_ =	shalt  }
0x7c: {  	_ =	shalt  }
0x7d: {  	_ =	shalt  }
0x7e: {  	_ =	shalt  }
0x7f: {  	_ =	shalt  }
0x80: {  	_ =	shalt  }
0x81: {  	_ =	shalt  }
0x82: {  	_ =	shalt  }
0x83: {  	_ =	shalt  }
0x84: {  	_ =	shalt  }
0x85: {  	_ =	shalt  }
0x86: {  	_ =	shalt  }
0x87: {  	_ =	shalt  }
.Lfunc_end0:
.L_simem_size_0:
called_computation_lowered:
.L_overlay_start_0:
0x88: {  	s2 =	sld [smem:$0x3FD9]  }
0x89: {  	s3 =	sld [smem:$0x3FFE];
	_ =	sdelay $0x1  }
0x8a: {  	s1 =	srdreg.scid  }
0x8b: {  	s0 =	sand.u32 $0x1, s1  }
0x8c: {  	s17 =	sshll.u32 s0, $0xA;
	s2 =	sadd.s32 s3, s2  }
0x8d: {  	s2 =	sadd.s32 s2, s17  }
0x8e: {  	[smem:$0x3FBC] =	sst s2  }
0x8f: {  	_ = 	snop  }
0x90: {  	s2 =	sld [smem:$0x3FC9]  }
0x91: {  	s18 =	sld [smem:$0x3FD0];
	(tm) =	ssettm $0x1  }
0x92: {  	s4 =	sld [smem:$0x3FFB];
	_ =	sdelay $0x3  }
0x93: {  	_ =	strace s4  }
0x94: {  	s4 =	sld [smem:$0x3FFC];
	_ =	sdelay $0x3  }
0x95: {  	_ =	strace s4  }
0x96: {  	s4 =	sld [smem:$0x3FFD];
	_ =	sdelay $0x3  }
0x97: {  	_ =	strace s4  }
0x98: {  	_ =	strace $0x8FFFFFFF  }
0x99: {  	s19 =	sld [smem:$0x3FDB];
	_ =	sdelay $0x1  }
0x9a: {  	s5 =	simm.s32 $_scs_section_size  }
0x9b: {  	s6 =	simm.s32 $_size__tile_overlayer_lowered;
	s7 =	simm.s32 $_tile_overlayer_lowered  }
0x9c: {  	s22 =	simm.s32 $0x1BFF;
	s21 =	sshll.u32 s7, $0x1;
	s4 =	sadd.s32 s5, s19  }
0x9d: {  	s8 =	simm.s32 $0x0;
	s20 =	sshll.u32 s6, $0x1;
	s6 =	sadd.s32 s21, s4  }
0x9e: {  	[timem:s8], [sflag:s22] =	dma.local [hbm:s6], s20  }
0x9f: {  	_ =	swait.ge [sflag:s22], s20  }
0xa0: {  	s5 =	ssub.s32 $0x0, s20;
	[sflag:s22] =	ssyncset.done $0x0  }
0xa1: {  	[sflag:s22] =	ssyncadd.s32 s5;
	_ =	sdelay $0x1  }
0xa2: {  	s23 =	simm.s32 $0x1B8B  }
0xa3: {  	_ =	swait.ge [sflag:s23], $0x1  }
0xa4: {  	[sflag:s23] =	ssyncset.done $0x0  }
0xa5: {  	s25 =	simm.s32 $0x1B8E;
	s24 =	sld [smem:$0x3FFE];
	[sflag:s23] =	ssyncadd.s32 $0xFFFFFFFF  }
0xa6: {  	s26 =	simm.s32 $execute0_lowered;
	[smem:$0x3FD2] =	sst s25  }
0xa7: {  	s6 =	sshll.u32 s26, $0x1;
	_ =	strace $0x80000046;
	[dreg:$0x1] =	wrdreg $0xFFFFFFFF  }
0xa8: {  	s28 =	simm.s32 $_size_execute0_lowered;
	s4 =	sadd.s32 s4, s6;
	[dreg:$0x0] =	wrdreg $0x0  }
0xa9: {  	s6 =	sshll.u32 s28, $0x1;
	[dreg:$0x2] =	wrdreg s4  }
0xaa: {  	[dreg:$0x3] =	wrdreg s6  }
0xab: {  	[dreg:$0x4] =	wrdreg $0xC0  }
0xac: {  	_ =	task [dreg:s8], $0x5FFFF  }
0xad: {  	[dreg:$0x1] =	wrdreg $0xFFFFFFFF  }
0xae: {  	[dreg:$0x0] =	wrdreg $0x60  }
0xaf: {  	[dreg:$0x2] =	wrdreg s2  }
0xb0: {  	[dreg:$0x3] =	wrdreg s24  }
0xb1: {  	[dreg:$0x4] =	wrdreg s18  }
0xb2: {  	[dreg:$0x5] =	wrdreg $0x102000  }
0xb3: {  	[dreg:$0x6] =	wrdreg $0x9  }
0xb4: {  	_ =	task.clear_ibuf [dreg:s8], $0x7FFFF;
	_ =	strace $0x90000046  }
0xb5: {  	s29 =	simm.s32 $0x9;
	_ =	strace $0x80000048  }
0xb6: {  	_ =	swait.ge [sflag:s29], $0x1  }
0xb7: {  	[sflag:s29] =	ssyncadd.s32 $0xFFFFFFFF  }
0xb8: {  	_ =	strace $0x90000048  }
0xb9: {  	_ =	sfence  }
0xba: {  	s30 =	sld [smem:$0x0];
	_ =	sdelay $0x2  }
0xbb: {  	s31 =	sshll.u32 s1, $0xD;
	s1 =	sshrl.u32 s1, $0x2  }
0xbc: {  	s3 =	sand.u32 $0x4000, s31;
	s1 =	sadd.s32 s1, s30  }
0xbd: {  	s0 =	sor.u32 s3, s0;
	s1 =	sshll.u32 s1, $0x11  }
0xbe: {  	s0 =	sor.u32 s1, s0  }
0xbf: {  	s0 =	sadd.s32 $0x8F2B, s0  }
0xc0: {  	[sflag:s0] =	ssyncadd.remote.s32 $0x1  }
0xc1: {  	_ =	sfence.sel $0xFFFF  }
0xc2: {  	[dreg:$0x0] =	wrdreg $0xFFFFFFFF;
	(pc) =	sbr.abs _section_cstart, $3  }
0xc3: {  	[dreg:$0x1] =	wrdreg $0xFFFFFFFF  }
0xc4: {  	_ =	task.clear_ibuf [dreg:s8], $0x2FFFF;
	_ =	strace $0x9FFFFFFF  }
0xc5: {  	(tm) =	ssettm $0x7FFFFFFF  }
tec
execute0_lowered:
.L_overlay_start_1:
0x0: {  	(tag) =	ssettag $0x1  }
0x1: {  	s4 =	rddreg [dreg:$0x0]  }
0x2: {  	s0 =	srdreg.scid;
	s5 =	rddreg [dreg:$0x1]  }
0x3: {  	s28 =	stileid.u32;
	s12 =	rddreg [dreg:$0x2]  }
0x4: {  	s10 =	rddreg [dreg:$0x3];
	s6 =	simm.s32 $0x1;
	s2 =	simm.s32 $0x0  }
0x5: {  	s15 =	simm.s32 $0x10100;
	s16 =	simm.s32 $0x3;
	s18 =	simm.s32 $0x10000  }
0x6: {  	s19 =	simm.s32 $0x0;
	s3 =	sand.u32 $0x1, s0;
	s29 =	sand.u32 $0x1, s28  }
0x7: {  	[smem:$0x7FF] =	sst s2;
	s30 =	sshll.u32 s28, $0x11;
	s1 =	sshll.u32 s3, $0x4  }
0x8: {  	s9 =	sshll.u32 s28, $0x7;
	p1 =	seq.s32 s29, $0x1;
	s11 =	sor.u32 s28, s1  }
0x9: {  	_ =	strace $0x80000047;
	s3 =	ssub.s32 $0x2, s3;
	p0 =	seq.s32 s11, $0x0  }
0xa: {  	s14 =	sxor.u32 $0x80, s9;
	s9 =	sadd.s32 s9, s10;
	p0 =	por !p0, !p1  }
0xb: {  	s31 =	sshrl.u32 s3, $0x1;
	s10 =	sadd.s32 s14, s10;
	p0 =	por !p0, !p0  }
0xc: {  	s14 =	simm.s32 $0x2;
	s7 =	sshrl.u32 s11, $0x1;
	s6 =	simm.s32 @!p0 $0x0  }
0xd: {  	s8 =	sshll.u32 s11, $0x2;
	s13 =	ssub.s32 s3, s31;
	s6 =	ssub.s32 s7, s6  }
0xe: {  	s3 =	simm.s32 $0x1;
	s7 =	sand.u32 $0x20000, s30;
	s6 =	sshll.u32 s6, $0x12  }
0xf: {  	s11 =	sshll.u32 s11, $0x5;
	s8 =	sadd.s32 s8, s5;
	s6 =	sor.u32 s7, s6  }
0x10: {  	s11 =	sadd.s32 s12, s11;
	s12 =	smax.u32 s13, $0x1;
	s6 =	sshrl.u32 s6, $0x3  }
0x11: {  	s13 =	simm.s32 $0x8000;
	s8 =	sadd.s32 $0x2000, s8;
	s4 =	sadd.s32 s4, s6  }
0x12: {  	v0 =	vimm.f32 $0.0e+00;
	v1 =	vimm.f32 $1.000000000e+00;
	s5 =	sadd.s32 $0x1000, s4;
	s6 =	sadd.s32 $0x2000, s4;
	s7 =	sadd.s32 $0x3000, s4  }
.LBB2_1:
0x13: {  	[tilespmem:s2], [sflag:$0x1] =	stream.linear.gather [hbm4b:s4+s2], $0x8000, $0x38;
	[tilespmem:$0x10220] =	vst v63  }
0x14: {  	s20 =	sand.u32 $0x2000, s2;
	s21 =	simm.s32 $0x0;
	s22 =	simm.s32 $0x0  }
0x15: {  	[tilespmem:s13], [sflag:$0x2] =	stream.linear.gather [hbm4b:s5+s2], $0x8000, $0x38;
	[tilespmem:$0x10220] =	vst v63  }
0x16: {  	s21 =	sand.u32 $0x7000, s21;
	s20 =	sshrl.u32 s20, $0x2;
	_ =	swait.ge [sflag:s3], $0x8000  }
0x17: {  	s22 =	sand.u32 $0x380, s22;
	s20 =	sor.u32 s20, s21;
	[sflag:s3] =	ssyncset.done $0x0  }
0x18: {  	s20 =	sor.u32 s22, s20;
	[sflag:s3] =	ssyncadd.s32 $0xFFFF8000  }
0x19: {  	v21 =	vld [tilespmem:s20+$0x0]  }
0x1a: {  	v15 =	vld [tilespmem:s20+$0x400]  }
0x1b: {  	v25 =	vld [tilespmem:s20+$0x410]  }
0x1c: {  	v3 =	vld [tilespmem:s20+$0x420]  }
0x1d: {  	v4 =	vld [tilespmem:s20+$0x430]  }
0x1e: {  	v6 =	vimm.f32 $+Inf;
	v13 =	vimm.f32 $-Inf;
	v16 =	vld [tilespmem:s20+$0x440]  }
0x1f: {  	v14 =	vimm.f32 $-Inf;
	v20 =	vimm.f32 $+Inf;
	v22 =	vimm.f32 $-Inf;
	v24 =	vld [tilespmem:s20+$0x10]  }
0x20: {  	v8 =	vimm.f32 $+Inf;
	v9 =	vimm.f32 $-Inf;
	v10 =	vimm.f32 $+Inf;
	v28 =	vld [tilespmem:s20+$0x20]  }
0x21: {  	v19 =	vimm.f32 $-Inf;
	v17 =	vimm.f32 $+Inf;
	v18 =	vimm.f32 $-Inf;
	v26 =	vld [tilespmem:s20+$0x30]  }
0x22: {  	v5 =	vimm.f32 $+Inf;
	v7 =	vimm.f32 $-Inf;
	v23 =	vld [tilespmem:s20+$0x450];
	v2 =	vmin.f32 v6, v21  }
0x23: {  	v11 =	vimm.f32 $+Inf;
	v12 =	vimm.f32 $-Inf;
	s21 =	simm.s32 $0x1;
	s22 =	simm.s32 $0x0;
	v27 =	vld [tilespmem:s20+$0x40];
	v2 =	vmin.f32 v2, v15  }
.LBB2_2:
0x24: {  	p0 =	sne.s32 s21, $0x7F;
	v13 =	vmax.f32 v13, v21;
	v6 =	vmin.f32 v6, v24;
	v14 =	vmax.f32 v14, v24;
	v21 =	vld [tilespmem:s20+$0x50];
	s22 =	sadd.s32 $0x2000, s22  }
0x25: {  	s24 =	sshll.u32 s21, $0x8;
	s23 =	sand.u32 $0x2000, s22;
	v24 =	vld [tilespmem:s20+$0x60];
	v13 =	vmax.f32 v13, v15;
	v6 =	vmin.f32 v6, v25;
	v14 =	vmax.f32 v14, v25  }
0x26: {  	s25 =	sshll.u32 s21, $0x6;
	s24 =	sand.u32 $0x7000, s24;
	v15 =	vmin.f32 v20, v28;
	v22 =	vmax.f32 v22, v28;
	s23 =	sshrl.u32 s23, $0x2;
	v8 =	vmin.f32 v8, v26;
	v28 =	vld [tilespmem:s20+$0x460]  }
0x27: {  	s25 =	sand.u32 $0x380, s25;
	v20 =	vmin.f32 v15, v3;
	v22 =	vmax.f32 v22, v3;
	s23 =	sor.u32 s23, s24;
	v29 =	vld [tilespmem:s20+$0x70];
	v8 =	vmin.f32 v8, v4  }
0x28: {  	v3 =	vmax.f32 v9, v26;
	v10 =	vmin.f32 v10, v27;
	v19 =	vmax.f32 v19, v27;
	v26 =	vld [tilespmem:s20+$0x470];
	s20 =	sor.u32 s25, s23  }
0x29: {  	v9 =	vmax.f32 v3, v4;
	v15 =	vld [tilespmem:s20+$0x400];
	v10 =	vmin.f32 v10, v16;
	v19 =	vmax.f32 v19, v16  }
0x2a: {  	v4 =	vmin.f32 v17, v21;
	v16 =	vmax.f32 v18, v21;
	v25 =	vld [tilespmem:s20+$0x410];
	v5 =	vmin.f32 v5, v24  }
0x2b: {  	v17 =	vmin.f32 v4, v23;
	v18 =	vmax.f32 v16, v23;
	v3 =	vld [tilespmem:s20+$0x420];
	v5 =	vmin.f32 v5, v28  }
0x2c: {  	v7 =	vmax.f32 v7, v24;
	v4 =	vld [tilespmem:s20+$0x430];
	v11 =	vmin.f32 v11, v29;
	v12 =	vmax.f32 v12, v29  }
0x2d: {  	v7 =	vmax.f32 v7, v28;
	v21 =	vld [tilespmem:s20+$0x0];
	v11 =	vmin.f32 v11, v26;
	v12 =	vmax.f32 v12, v26  }
0x2e: {  	v16 =	vld [tilespmem:s20+$0x440]  }
.Ltmp0:
0x2f: {  	v24 =	vld [tilespmem:s20+$0x10];
	(pc) =	sbr.rel @p0 .LBB2_2-.Ltmp0, $4  }
0x30: {  	v28 =	vld [tilespmem:s20+$0x20]  }
0x31: {  	v26 =	vld [tilespmem:s20+$0x30]  }
0x32: {  	v2 =	vmin.f32 v2, v21;
	v23 =	vld [tilespmem:s20+$0x450]  }
0x33: {  	s21 =	sadd.s32 $0x1, s21;
	v27 =	vld [tilespmem:s20+$0x40];
	v2 =	vmin.f32 v2, v15  }
0x34: {  	v29 =	vld [tilespmem:s20+$0x50]  }
0x35: {  	v30 =	vld [tilespmem:s20+$0x60]  }
0x36: {  	v31 =	vld [tilespmem:s20+$0x460]  }
0x37: {  	v32 =	vld [tilespmem:s20+$0x70]  }
0x38: {  	v33 =	vld [tilespmem:s20+$0x470];
	s20 =	simm.s32 $0x0  }
0x39: {  	[tilespmem:s20], [sflag:$0x1] =	stream.linear.gather [hbm4b:s6+s20], $0x8000, $0x38;
	[tilespmem:$0x10220] =	vst v63  }
0x3a: {  	s22 =	simm.s32 $0x0;
	s23 =	simm.s32 $0x0;
	s21 =	sand.u32 $0x2000, s20  }
0x3b: {  	s22 =	sand.u32 $0x7000, s22;
	_ =	swait.ge [sflag:s14], $0x8000;
	s21 =	sshrl.u32 s21, $0x2  }
0x3c: {  	s23 =	sand.u32 $0x380, s23;
	[sflag:s14] =	ssyncset.done $0x0;
	s21 =	sor.u32 s21, s22  }
0x3d: {  	[sflag:s14] =	ssyncadd.s32 $0xFFFF8000;
	s21 =	sor.u32 s23, s21  }
0x3e: {  	v13 =	vmax.f32 v13, v21;
	v6 =	vmin.f32 v6, v24;
	v21 =	vld [tilespmem:s21+$0x8400]  }
0x3f: {  	v34 =	vmax.f32 v14, v24;
	v13 =	vmax.f32 v13, v15;
	v14 =	vmin.f32 v6, v25;
	v24 =	vld [tilespmem:s21+$0x8410]  }
0x40: {  	v6 =	vmin.f32 v20, v28;
	v22 =	vmax.f32 v22, v28;
	v28 =	vmin.f32 v8, v26;
	v20 =	vld [tilespmem:s21+$0x8420]  }
0x41: {  	v6 =	vmin.f32 v6, v3;
	v8 =	vmax.f32 v22, v3;
	v9 =	vmax.f32 v9, v26;
	v3 =	vld [tilespmem:s21+$0x8430]  }
0x42: {  	v15 =	vmax.f32 v34, v25;
	v9 =	vmax.f32 v9, v4;
	v10 =	vmin.f32 v10, v27;
	v25 =	vld [tilespmem:s21+$0x8000]  }
0x43: {  	v26 =	vmax.f32 v19, v27;
	v19 =	vmin.f32 v28, v4;
	v10 =	vmin.f32 v10, v16;
	v22 =	vld [tilespmem:s21+$0x8440]  }
0x44: {  	v16 =	vmax.f32 v26, v16;
	v4 =	vmin.f32 v17, v29;
	v17 =	vmax.f32 v18, v29;
	v18 =	vld [tilespmem:s21+$0x8010]  }
0x45: {  	v26 =	vmin.f32 v5, v30;
	v29 =	vld [tilespmem:s21+$0x8020];
	v7 =	vmax.f32 v7, v30;
	v11 =	vmin.f32 v11, v32  }
0x46: {  	v12 =	vmax.f32 v12, v32;
	v27 =	vld [tilespmem:s21+$0x8030];
	v4 =	vmin.f32 v4, v23;
	v5 =	vmax.f32 v17, v23  }
0x47: {  	v28 =	vld [tilespmem:s21+$0x8040];
	v17 =	vmin.f32 v26, v31;
	v7 =	vmax.f32 v7, v31;
	v2 =	vmin.f32 v2, v25  }
0x48: {  	s22 =	simm.s32 $0x1;
	v26 =	vld [tilespmem:s21+$0x8450];
	v11 =	vmin.f32 v11, v33;
	v12 =	vmax.f32 v12, v33;
	v2 =	vmin.f32 v2, v21  }
.LBB2_4:
0x49: {  	p0 =	sne.s32 s22, $0x7F;
	v13 =	vmax.f32 v13, v25;
	v14 =	vmin.f32 v14, v18;
	v15 =	vmax.f32 v15, v18;
	v18 =	vld [tilespmem:s21+$0x8050];
	s20 =	sadd.s32 $0x2000, s20  }
0x4a: {  	s24 =	sshll.u32 s22, $0x8;
	s23 =	sand.u32 $0x2000, s20;
	v23 =	vld [tilespmem:s21+$0x8060];
	v13 =	vmax.f32 v13, v21;
	v14 =	vmin.f32 v14, v24;
	v15 =	vmax.f32 v15, v24  }
0x4b: {  	s25 =	sshll.u32 s22, $0x6;
	s24 =	sand.u32 $0x7000, s24;
	v6 =	vmin.f32 v6, v29;
	v8 =	vmax.f32 v8, v29;
	s23 =	sshrl.u32 s23, $0x2;
	v19 =	vmin.f32 v19, v27;
	v29 =	vld [tilespmem:s21+$0x8460]  }
0x4c: {  	s25 =	sand.u32 $0x380, s25;
	v6 =	vmin.f32 v6, v20;
	v8 =	vmax.f32 v8, v20;
	s23 =	sor.u32 s23, s24;
	v25 =	vld [tilespmem:s21+$0x8070];
	v19 =	vmin.f32 v19, v3  }
0x4d: {  	v9 =	vmax.f32 v9, v27;
	v10 =	vmin.f32 v10, v28;
	v16 =	vmax.f32 v16, v28;
	v27 =	vld [tilespmem:s21+$0x8470];
	s21 =	sor.u32 s25, s23  }
0x4e: {  	v9 =	vmax.f32 v9, v3;
	v21 =	vld [tilespmem:s21+$0x8400];
	v10 =	vmin.f32 v10, v22;
	v16 =	vmax.f32 v16, v22  }
0x4f: {  	v3 =	vmin.f32 v4, v18;
	v5 =	vmax.f32 v5, v18;
	v24 =	vld [tilespmem:s21+$0x8410];
	v17 =	vmin.f32 v17, v23  }
0x50: {  	v4 =	vmin.f32 v3, v26;
	v5 =	vmax.f32 v5, v26;
	v20 =	vld [tilespmem:s21+$0x8420];
	v17 =	vmin.f32 v17, v29  }
0x51: {  	v7 =	vmax.f32 v7, v23;
	v3 =	vld [tilespmem:s21+$0x8430];
	v11 =	vmin.f32 v11, v25;
	v12 =	vmax.f32 v12, v25  }
0x52: {  	v7 =	vmax.f32 v7, v29;
	v25 =	vld [tilespmem:s21+$0x8000];
	v11 =	vmin.f32 v11, v27;
	v12 =	vmax.f32 v12, v27  }
0x53: {  	v22 =	vld [tilespmem:s21+$0x8440]  }
.Ltmp1:
0x54: {  	v18 =	vld [tilespmem:s21+$0x8010];
	(pc) =	sbr.rel @p0 .LBB2_4-.Ltmp1, $4  }
0x55: {  	v29 =	vld [tilespmem:s21+$0x8020]  }
0x56: {  	v27 =	vld [tilespmem:s21+$0x8030]  }
0x57: {  	v2 =	vmin.f32 v2, v25;
	v26 =	vld [tilespmem:s21+$0x8450]  }
0x58: {  	s22 =	sadd.s32 $0x1, s22;
	v28 =	vld [tilespmem:s21+$0x8040];
	v2 =	vmin.f32 v2, v21  }
0x59: {  	v30 =	vld [tilespmem:s21+$0x8050]  }
0x5a: {  	v31 =	vld [tilespmem:s21+$0x8060]  }
0x5b: {  	v32 =	vld [tilespmem:s21+$0x8460]  }
0x5c: {  	v33 =	vld [tilespmem:s21+$0x8070];
	s20 =	simm.s32 $0x0  }
0x5d: {  	v34 =	vld [tilespmem:s21+$0x8470];
	[tilespmem:s13], [sflag:$0x2] =	stream.linear.gather [hbm4b:s7+s20], $0x8000, $0x38  }
0x5e: {  	s22 =	simm.s32 $0x0;
	s23 =	simm.s32 $0x0;
	s31 =	sand.u32 $0x2000, s20  }
0x5f: {  	s22 =	sand.u32 $0x7000, s22;
	_ =	swait.ge [sflag:s3], $0x8000;
	s21 =	sshrl.u32 s31, $0x2  }
0x60: {  	s23 =	sand.u32 $0x380, s23;
	[sflag:s3] =	ssyncset.done $0x0;
	s21 =	sor.u32 s21, s22  }
0x61: {  	[sflag:s3] =	ssyncadd.s32 $0xFFFF8000;
	s21 =	sor.u32 s23, s21  }
0x62: {  	v13 =	vmax.f32 v13, v25;
	v25 =	vmin.f32 v14, v18;
	v23 =	vld [tilespmem:s21+$0x400]  }
0x63: {  	v18 =	vmax.f32 v15, v18;
	v14 =	vmax.f32 v13, v21;
	v15 =	vmin.f32 v25, v24;
	v25 =	vld [tilespmem:s21+$0x410]  }
0x64: {  	v18 =	vmax.f32 v18, v24;
	v6 =	vmin.f32 v6, v29;
	v13 =	vmax.f32 v8, v29;
	v21 =	vld [tilespmem:s21+$0x420]  }
0x65: {  	v19 =	vmin.f32 v19, v27;
	v8 =	vmin.f32 v6, v20;
	v13 =	vmax.f32 v13, v20;
	v6 =	vld [tilespmem:s21+$0x430]  }
0x66: {  	v9 =	vmax.f32 v9, v27;
	v19 =	vmin.f32 v19, v3;
	v10 =	vmin.f32 v10, v28;
	v24 =	vld [tilespmem:s21+$0x0]  }
0x67: {  	v9 =	vmax.f32 v9, v3;
	v16 =	vmax.f32 v16, v28;
	v10 =	vmin.f32 v10, v22;
	v20 =	vld [tilespmem:s21+$0x440]  }
0x68: {  	v16 =	vmax.f32 v16, v22;
	v3 =	vmin.f32 v4, v30;
	v4 =	vmax.f32 v5, v30;
	v30 =	vld [tilespmem:s21+$0x10]  }
0x69: {  	v5 =	vmin.f32 v17, v31;
	v29 =	vld [tilespmem:s21+$0x20];
	v7 =	vmax.f32 v7, v31;
	v11 =	vmin.f32 v11, v33  }
0x6a: {  	v17 =	vmax.f32 v12, v33;
	v27 =	vld [tilespmem:s21+$0x30];
	v3 =	vmin.f32 v3, v26;
	v4 =	vmax.f32 v4, v26  }
0x6b: {  	v22 =	vld [tilespmem:s21+$0x450];
	v12 =	vmin.f32 v5, v32;
	v5 =	vmax.f32 v7, v32;
	v2 =	vmin.f32 v2, v24  }
0x6c: {  	s22 =	simm.s32 $0x1;
	v28 =	vld [tilespmem:s21+$0x40];
	v7 =	vmin.f32 v11, v34;
	v11 =	vmax.f32 v17, v34;
	v2 =	vmin.f32 v2, v23  }
.LBB2_6:
0x6d: {  	p0 =	sne.s32 s22, $0x7F;
	v14 =	vmax.f32 v14, v24;
	v15 =	vmin.f32 v15, v30;
	v17 =	vmax.f32 v18, v30;
	v24 =	vld [tilespmem:s21+$0x50];
	s20 =	sadd.s32 $0x2000, s20  }
0x6e: {  	s24 =	sshll.u32 s22, $0x8;
	s23 =	sand.u32 $0x2000, s20;
	v26 =	vld [tilespmem:s21+$0x60];
	v14 =	vmax.f32 v14, v23;
	v15 =	vmin.f32 v15, v25;
	v18 =	vmax.f32 v17, v25  }
0x6f: {  	s25 =	sshll.u32 s22, $0x6;
	s24 =	sand.u32 $0x7000, s24;
	v8 =	vmin.f32 v8, v29;
	v13 =	vmax.f32 v13, v29;
	s23 =	sshrl.u32 s23, $0x2;
	v17 =	vmin.f32 v19, v27;
	v29 =	vld [tilespmem:s21+$0x460]  }
0x70: {  	s25 =	sand.u32 $0x380, s25;
	v8 =	vmin.f32 v8, v21;
	v13 =	vmax.f32 v13, v21;
	s23 =	sor.u32 s23, s24;
	v30 =	vld [tilespmem:s21+$0x70];
	v19 =	vmin.f32 v17, v6  }
0x71: {  	v9 =	vmax.f32 v9, v27;
	v10 =	vmin.f32 v10, v28;
	v16 =	vmax.f32 v16, v28;
	v17 =	vld [tilespmem:s21+$0x470];
	s21 =	sor.u32 s25, s23  }
0x72: {  	v9 =	vmax.f32 v9, v6;
	v23 =	vld [tilespmem:s21+$0x400];
	v10 =	vmin.f32 v10, v20;
	v16 =	vmax.f32 v16, v20  }
0x73: {  	v3 =	vmin.f32 v3, v24;
	v4 =	vmax.f32 v4, v24;
	v25 =	vld [tilespmem:s21+$0x410];
	v6 =	vmin.f32 v12, v26  }
0x74: {  	v3 =	vmin.f32 v3, v22;
	v4 =	vmax.f32 v4, v22;
	v21 =	vld [tilespmem:s21+$0x420];
	v12 =	vmin.f32 v6, v29  }
0x75: {  	v5 =	vmax.f32 v5, v26;
	v6 =	vld [tilespmem:s21+$0x430];
	v7 =	vmin.f32 v7, v30;
	v11 =	vmax.f32 v11, v30  }
0x76: {  	v5 =	vmax.f32 v5, v29;
	v24 =	vld [tilespmem:s21+$0x0];
	v7 =	vmin.f32 v7, v17;
	v11 =	vmax.f32 v11, v17  }
0x77: {  	v20 =	vld [tilespmem:s21+$0x440]  }
.Ltmp2:
0x78: {  	v30 =	vld [tilespmem:s21+$0x10];
	(pc) =	sbr.rel @p0 .LBB2_6-.Ltmp2, $4  }
0x79: {  	v29 =	vld [tilespmem:s21+$0x20]  }
0x7a: {  	v27 =	vld [tilespmem:s21+$0x30]  }
0x7b: {  	v2 =	vmin.f32 v2, v24;
	v22 =	vld [tilespmem:s21+$0x450]  }
0x7c: {  	s22 =	sadd.s32 $0x1, s22;
	v28 =	vld [tilespmem:s21+$0x40];
	v2 =	vmin.f32 v2, v23  }
0x7d: {  	v31 =	vld [tilespmem:s21+$0x50]  }
0x7e: {  	v32 =	vld [tilespmem:s21+$0x60]  }
0x7f: {  	v33 =	vld [tilespmem:s21+$0x460]  }
0x80: {  	v34 =	vld [tilespmem:s21+$0x70]  }
0x81: {  	v35 =	vld [tilespmem:s21+$0x470];
	s21 =	simm.s32 $0x0  }
0x82: {  	_ =	swait.ge [sflag:s14], $0x8000;
	s22 =	simm.s32 $0x0;
	s20 =	sand.u32 $0x2000, s21  }
0x83: {  	s23 =	simm.s32 $0x0;
	s22 =	sand.u32 $0x7000, s22;
	s20 =	sshrl.u32 s20, $0x2  }
0x84: {  	[sflag:s14] =	ssyncset.done $0x0;
	s23 =	sand.u32 $0x380, s23;
	s20 =	sor.u32 s20, s22  }
0x85: {  	[sflag:s14] =	ssyncadd.s32 $0xFFFF8000;
	s20 =	sor.u32 s23, s20  }
0x86: {  	v14 =	vmax.f32 v14, v24;
	v17 =	vmin.f32 v15, v30;
	v24 =	vld [tilespmem:s20+$0x8400]  }
0x87: {  	v18 =	vmax.f32 v18, v30;
	v15 =	vmax.f32 v14, v23;
	v17 =	vmin.f32 v17, v25;
	v26 =	vld [tilespmem:s20+$0x8410]  }
0x88: {  	v18 =	vmax.f32 v18, v25;
	v8 =	vmin.f32 v8, v29;
	v14 =	vmax.f32 v13, v29;
	v23 =	vld [tilespmem:s20+$0x8420]  }
0x89: {  	v19 =	vmin.f32 v19, v27;
	v13 =	vmin.f32 v8, v21;
	v9 =	vmax.f32 v9, v27;
	v8 =	vld [tilespmem:s20+$0x8430]  }
0x8a: {  	v14 =	vmax.f32 v14, v21;
	v9 =	vmax.f32 v9, v6;
	v10 =	vmin.f32 v10, v28;
	v27 =	vld [tilespmem:s20+$0x8000]  }
0x8b: {  	v21 =	vmax.f32 v16, v28;
	v16 =	vmin.f32 v19, v6;
	v6 =	vmin.f32 v10, v20;
	v19 =	vld [tilespmem:s20+$0x8440]  }
0x8c: {  	v10 =	vmax.f32 v21, v20;
	v3 =	vmin.f32 v3, v31;
	v4 =	vmax.f32 v4, v31;
	v28 =	vld [tilespmem:s20+$0x8010]  }
0x8d: {  	v12 =	vmin.f32 v12, v32;
	v25 =	vld [tilespmem:s20+$0x8020];
	v5 =	vmax.f32 v5, v32;
	v7 =	vmin.f32 v7, v34  }
0x8e: {  	v21 =	vld [tilespmem:s20+$0x8030];
	v3 =	vmin.f32 v3, v22;
	v4 =	vmax.f32 v4, v22;
	v22 =	vmax.f32 v11, v34  }
0x8f: {  	v20 =	vld [tilespmem:s20+$0x8450];
	v11 =	vmin.f32 v12, v33;
	v5 =	vmax.f32 v5, v33;
	v12 =	vmin.f32 v2, v27  }
0x90: {  	s22 =	simm.s32 $0x1;
	v7 =	vmin.f32 v7, v35;
	v2 =	vmax.f32 v22, v35;
	v22 =	vld [tilespmem:s20+$0x8040];
	v12 =	vmin.f32 v12, v24  }
.LBB2_8:
0x91: {  	p0 =	sne.s32 s22, $0x7F;
	v15 =	vmax.f32 v15, v27;
	v17 =	vmin.f32 v17, v28;
	v18 =	vmax.f32 v18, v28;
	v27 =	vld [tilespmem:s20+$0x8050];
	s21 =	sadd.s32 $0x2000, s21  }
0x92: {  	s24 =	sshll.u32 s22, $0x8;
	s23 =	sand.u32 $0x2000, s21;
	v28 =	vld [tilespmem:s20+$0x8060];
	v15 =	vmax.f32 v15, v24;
	v17 =	vmin.f32 v17, v26;
	v18 =	vmax.f32 v18, v26  }
0x93: {  	s25 =	sshll.u32 s22, $0x6;
	s24 =	sand.u32 $0x7000, s24;
	v13 =	vmin.f32 v13, v25;
	v14 =	vmax.f32 v14, v25;
	s23 =	sshrl.u32 s23, $0x2;
	v16 =	vmin.f32 v16, v21;
	v25 =	vld [tilespmem:s20+$0x8460]  }
0x94: {  	s25 =	sand.u32 $0x380, s25;
	v13 =	vmin.f32 v13, v23;
	v14 =	vmax.f32 v14, v23;
	s23 =	sor.u32 s23, s24;
	v29 =	vld [tilespmem:s20+$0x8070];
	v16 =	vmin.f32 v16, v8  }
0x95: {  	v9 =	vmax.f32 v9, v21;
	v6 =	vmin.f32 v6, v22;
	v10 =	vmax.f32 v10, v22;
	v21 =	vld [tilespmem:s20+$0x8470];
	s20 =	sor.u32 s25, s23  }
0x96: {  	v9 =	vmax.f32 v9, v8;
	v24 =	vld [tilespmem:s20+$0x8400];
	v6 =	vmin.f32 v6, v19;
	v10 =	vmax.f32 v10, v19  }
0x97: {  	v3 =	vmin.f32 v3, v27;
	v4 =	vmax.f32 v4, v27;
	v26 =	vld [tilespmem:s20+$0x8410];
	v8 =	vmin.f32 v11, v28  }
0x98: {  	v3 =	vmin.f32 v3, v20;
	v4 =	vmax.f32 v4, v20;
	v23 =	vld [tilespmem:s20+$0x8420];
	v11 =	vmin.f32 v8, v25  }
0x99: {  	v5 =	vmax.f32 v5, v28;
	v8 =	vld [tilespmem:s20+$0x8430];
	v7 =	vmin.f32 v7, v29;
	v2 =	vmax.f32 v2, v29  }
0x9a: {  	v5 =	vmax.f32 v5, v25;
	v27 =	vld [tilespmem:s20+$0x8000];
	v7 =	vmin.f32 v7, v21;
	v2 =	vmax.f32 v2, v21  }
0x9b: {  	v19 =	vld [tilespmem:s20+$0x8440]  }
.Ltmp3:
0x9c: {  	v28 =	vld [tilespmem:s20+$0x8010];
	(pc) =	sbr.rel @p0 .LBB2_8-.Ltmp3, $4  }
0x9d: {  	v25 =	vld [tilespmem:s20+$0x8020]  }
0x9e: {  	v21 =	vld [tilespmem:s20+$0x8030]  }
0x9f: {  	v12 =	vmin.f32 v12, v27;
	v20 =	vld [tilespmem:s20+$0x8450]  }
0xa0: {  	s22 =	sadd.s32 $0x1, s22;
	v22 =	vld [tilespmem:s20+$0x8040];
	v12 =	vmin.f32 v12, v24  }
0xa1: {  	v15 =	vmax.f32 v15, v27  }
0xa2: {  	v17 =	vmin.f32 v17, v28;
	v18 =	vmax.f32 v18, v28;
	v15 =	vmax.f32 v15, v24  }
0xa3: {  	v17 =	vmin.f32 v17, v26;
	v18 =	vmax.f32 v18, v26;
	v13 =	vmin.f32 v13, v25  }
0xa4: {  	v54 =	vld [tilespmem:s20+$0x8060];
	v14 =	vmax.f32 v14, v25;
	v16 =	vmin.f32 v16, v21;
	v13 =	vmin.f32 v13, v23  }
0xa5: {  	v53 =	vld [tilespmem:s20+$0x8050];
	v14 =	vmax.f32 v14, v23;
	v9 =	vmax.f32 v9, v21;
	v12 =	vmin.f32 v12, v17  }
0xa6: {  	v56 =	vld [tilespmem:s20+$0x8070];
	v57 =	vmax.f32 v15, v18;
	v16 =	vmin.f32 v16, v8;
	v8 =	vmax.f32 v9, v8  }
0xa7: {  	v55 =	vld [tilespmem:s20+$0x8460];
	v12 =	vmin.f32 v12, v13;
	v13 =	vmax.f32 v57, v14;
	v6 =	vmin.f32 v6, v22  }
0xa8: {  	v10 =	vmax.f32 v10, v22;
	v12 =	vmin.f32 v12, v16;
	v8 =	vmax.f32 v13, v8  }
0xa9: {  	v6 =	vmin.f32 v6, v19;
	v9 =	vmax.f32 v10, v19;
	v10 =	vmin.f32 v11, v54;
	v11 =	vld [tilespmem:s20+$0x8470]  }
0xaa: {  	v3 =	vmin.f32 v3, v53;
	v4 =	vmax.f32 v4, v53;
	v5 =	vmax.f32 v5, v54  }
0xab: {  	v7 =	vmin.f32 v7, v56;
	v2 =	vmax.f32 v2, v56;
	v3 =	vmin.f32 v3, v20  }
0xac: {  	v4 =	vmax.f32 v4, v20;
	v10 =	vmin.f32 v10, v55;
	v6 =	vmin.f32 v12, v6  }
0xad: {  	v5 =	vmax.f32 v5, v55;
	v3 =	vmin.f32 v6, v3;
	v6 =	vmax.f32 v8, v9  }
0xae: {  	v3 =	vmin.f32 v3, v10;
	v4 =	vmax.f32 v6, v4;
	v7 =	vmin.f32 v7, v11  }
0xaf: {  	v4 =	vmax.f32 v4, v5;
	v2 =	vmax.f32 v2, v11;
	v3 =	vmin.f32 v3, v7  }
0xb0: {  	v2 =	vmax.f32 v4, v2;
	[tilespmem:$0x10100] =	vst v3  }
0xb1: {  	s20 =	simm.s32 $0x0;
	[tilespmem:$0x10110] =	vst v2  }
0xb2: {  	[hbm4b:s8+s20] =	stream.linear.scatter [tilespmem:s15], [sflag:$0x3], $0x20, $0x38;
	[tilespmem:$0x10220] =	vst v63  }
0xb3: {  	_ =	swait.ge [sflag:s16], $0x20  }
0xb4: {  	[sflag:s16] =	ssyncset.done $0x0  }
0xb5: {  	[sflag:s16] =	ssyncadd.s32 $0xFFFFFFE0  }
0xb6: {  	[spmem:s9] =	stream.linear.scatter [tilespmem:s15], [sflag:$0x3], $0x80, $0x38;
	[tilespmem:$0x10220] =	vst v63  }
0xb7: {  	_ =	swait.ge [sflag:s16], $0x80  }
0xb8: {  	[sflag:s16] =	ssyncset.done $0x0  }
0xb9: {  	[sflag:s16] =	ssyncadd.s32 $0xFFFFFF80  }
0xba: {  	s0 =	simm.s32 $0x10180;
	[bflag:$0x0] =	sbarrier.arrive $0xFFFF  }
0xbb: {  	[tilespmem:s0], [sflag:$0x3] =	stream.linear.gather [spmem:s10], $0x80, $0x38;
	[tilespmem:$0x10220] =	vst v63  }
0xbc: {  	_ =	swait.ge [sflag:s16], $0x80  }
0xbd: {  	[sflag:s16] =	ssyncset.done $0x0  }
0xbe: {  	[sflag:s16] =	ssyncadd.s32 $0xFFFFFF80  }
0xbf: {  	v4 =	vld [tilespmem:$0x10180]  }
0xc0: {  	v5 =	vld [tilespmem:$0x10190];
	_ =	sdelay $0x3  }
0xc1: {  	v3 =	vmin.f32 v3, v4  }
0xc2: {  	v2 =	vmax.f32 v2, v5;
	(v2sf) =	vpush v3, $0x0  }
0xc3: {  	(v2sf) =	vpush v2, $0x0  }
0xc4: {  	(v2sf) =	vpush v3, $0x1  }
0xc5: {  	(v2sf) =	vpush v2, $0x1  }
0xc6: {  	(v2sf) =	vpush v3, $0x2  }
0xc7: {  	(v2sf) =	vpush v2, $0x2  }
0xc8: {  	(v2sf) =	vpush v3, $0x3  }
0xc9: {  	(v2sf) =	vpush v2, $0x3  }
0xca: {  	(v2sf) =	vpush v3, $0x4  }
0xcb: {  	(v2sf) =	vpush v2, $0x4  }
0xcc: {  	(v2sf) =	vpush v3, $0x5  }
0xcd: {  	(v2sf) =	vpush v2, $0x5  }
0xce: {  	(v2sf) =	vpush v3, $0x6  }
0xcf: {  	(v2sf) =	vpush v2, $0x6  }
0xd0: {  	(v2sf) =	vpush v3, $0x7  }
0xd1: {  	s21 =	spop (v2sf);
	(v2sf) =	vpush v2, $0x7  }
0xd2: {  	s22 =	spop (v2sf);
	(v2sf) =	vpush v3, $0x8  }
0xd3: {  	s23 =	spop (v2sf);
	(v2sf) =	vpush v2, $0x8  }
0xd4: {  	s24 =	spop (v2sf);
	(v2sf) =	vpush v3, $0x9  }
0xd5: {  	s21 =	smin.f32 s21, s23;
	s25 =	spop (v2sf);
	(v2sf) =	vpush v2, $0x9  }
0xd6: {  	s22 =	smax.f32 s22, s24;
	s26 =	spop (v2sf);
	(v2sf) =	vpush v3, $0xA  }
0xd7: {  	s21 =	smin.f32 s21, s25;
	s28 =	spop (v2sf);
	(v2sf) =	vpush v2, $0xA  }
0xd8: {  	s22 =	smax.f32 s22, s26;
	s29 =	spop (v2sf);
	(v2sf) =	vpush v3, $0xB  }
0xd9: {  	s21 =	smin.f32 s21, s28;
	s30 =	spop (v2sf);
	(v2sf) =	vpush v2, $0xB  }
0xda: {  	s22 =	smax.f32 s22, s29;
	s31 =	spop (v2sf);
	(v2sf) =	vpush v3, $0xC  }
0xdb: {  	s21 =	smin.f32 s21, s30;
	s23 =	spop (v2sf);
	(v2sf) =	vpush v2, $0xC  }
0xdc: {  	s22 =	smax.f32 s22, s31;
	s0 =	spop (v2sf);
	(v2sf) =	vpush v3, $0xD  }
0xdd: {  	s21 =	smin.f32 s21, s23;
	s17 =	spop (v2sf);
	(v2sf) =	vpush v2, $0xD  }
0xde: {  	s22 =	smax.f32 s22, s0;
	s26 =	spop (v2sf);
	(v2sf) =	vpush v3, $0xE  }
0xdf: {  	s21 =	smin.f32 s21, s17;
	s28 =	spop (v2sf);
	(v2sf) =	vpush v2, $0xE  }
0xe0: {  	s22 =	smax.f32 s22, s26;
	s29 =	spop (v2sf);
	(v2sf) =	vpush v3, $0xF  }
0xe1: {  	s21 =	smin.f32 s21, s28;
	s1 =	spop (v2sf);
	(v2sf) =	vpush v2, $0xF  }
0xe2: {  	s22 =	smax.f32 s22, s29;
	s30 =	spop (v2sf)  }
0xe3: {  	s1 =	smin.f32 s21, s1;
	s31 =	spop (v2sf)  }
0xe4: {  	s22 =	smax.f32 s22, s30;
	s24 =	spop (v2sf)  }
0xe5: {  	s1 =	smin.f32 s1, s31;
	s0 =	spop (v2sf)  }
0xe6: {  	s22 =	smax.f32 s22, s24;
	s17 =	spop (v2sf)  }
0xe7: {  	s1 =	smin.f32 s1, s0;
	s26 =	spop (v2sf)  }
0xe8: {  	s22 =	smax.f32 s22, s17;
	s28 =	spop (v2sf)  }
0xe9: {  	s1 =	smin.f32 s1, s26;
	s29 =	spop (v2sf)  }
0xea: {  	s22 =	smax.f32 s22, s28;
	s21 =	spop (v2sf)  }
0xeb: {  	s1 =	smin.f32 s1, s29;
	s30 =	spop (v2sf)  }
0xec: {  	[tilespmem:$0x10000] =	vst v0;
	s21 =	smax.f32 s22, s21;
	s31 =	spop (v2sf)  }
0xed: {  	[tilespmem:$0x10010] =	vst v0;
	s1 =	smin.f32 s1, s30;
	s23 =	spop (v2sf)  }
0xee: {  	[tilespmem:$0x10020] =	vst v0;
	s21 =	smax.f32 s21, s31;
	s0 =	spop (v2sf)  }
0xef: {  	[tilespmem:$0x10030] =	vst v0;
	s1 =	smin.f32 s1, s23;
	s17 =	spop (v2sf)  }
0xf0: {  	[tilespmem:$0x10040] =	vst v0;
	s21 =	smax.f32 s21, s0;
	s24 =	spop (v2sf)  }
0xf1: {  	[tilespmem:$0x10050] =	vst v0;
	s1 =	smin.f32 s1, s17;
	s21 =	smax.f32 s21, s24  }
0xf2: {  	[tilespmem:$0x10060] =	vst v0;
	s21 =	ssub.f32 s21, s1  }
0xf3: {  	[tilespmem:$0x10070] =	vst v0  }
0xf4: {  	[tilespmem:$0x10080] =	vst v0;
	v2 =	vmov s21  }
0xf5: {  	[tilespmem:$0x10090] =	vst v0;
	vm0 =	veq.f32 v2, $0.0e+00  }
0xf6: {  	[tilespmem:$0x100A0] =	vst v0;
	v2 =	vsel vm0, $0x3F800000, v2  }
0xf7: {  	[tilespmem:$0x100B0] =	vst v0;
	(erf) = vrcp.f32 v2  }
0xf8: {  	[tilespmem:$0x100C0] =	vst v0  }
0xf9: {  	[tilespmem:$0x100D0] =	vst v0  }
0xfa: {  	[tilespmem:$0x100E0] =	vst v0  }
0xfb: {  	[tilespmem:$0x100F0] =	vst v0  }
0xfc: {  	[tilespmem:s20], [sflag:$0x1] =	stream.linear.gather [hbm4b:s4+s20], $0x8000, $0x38;
	[tilespmem:$0x10220] =	vst v63  }
0xfd: {  	_ = 	snop  }
0xfe: {  	[tilespmem:s13], [sflag:$0x2] =	stream.linear.gather [hbm4b:s5+s20], $0x8000, $0x38;
	[tilespmem:$0x10220] =	vst v63  }
0xff: {  	s20 =	sand.u32 $0x2000, s20  }
0x100: {  	s20 =	sshrl.u32 s20, $0x2;
	s25 =	simm.s32 $0x0;
	v2 =	vpop (erf)  }
0x101: {  	s26 =	simm.s32 $0x0;
	s21 =	sand.u32 $0x7000, s25;
	_ =	swait.ge [sflag:s3], $0x8000  }
0x102: {  	s22 =	sand.u32 $0x380, s26;
	s20 =	sor.u32 s20, s21;
	[sflag:s3] =	ssyncset.done $0x0  }
0x103: {  	s29 =	sor.u32 s22, s20;
	[sflag:s3] =	ssyncadd.s32 $0xFFFF8000  }
0x104: {  	v4 =	vld [tilespmem:s29+$0x0];
	_ =	sdelay $0x3  }
0x105: {  	v3 =	vmov s1  }
0x106: {  	v2 =	vmul.f32 $2.559997560e+02, v2;
	v4 =	vsub.f32 v4, v3;
	_ =	sdelay $0x1  }
0x107: {  	v4 =	vmul.f32 v4, v2;
	_ =	sdelay $0x1  }
0x108: {  	v4 =	vadd.f32 $8.388607500e+06, v4;
	_ =	sdelay $0x1  }
0x109: {  	v4 =	vand.u32 $0xFF, v4;
	_ =	sdelay $0x2  }
0x10a: {  	s30 =	simm.s32 $0x2000  }
0x10b: {  	s0 =	simm.s32 $0x100;
	s1 =	sand.u32 $0x2000, s30  }
0x10c: {  	s17 =	simm.s32 $0x40;
	s1 =	sshrl.u32 s1, $0x2;
	s20 =	sand.u32 $0x7000, s0;
	[tilespmem:v4+s18+$0x0] =	vst.idx.add.f32.msk $0xffff, v1  }
0x10d: {  	s21 =	sand.u32 $0x380, s17;
	s1 =	sor.u32 s1, s20;
	v4 =	vld [tilespmem:s29+$0x10]  }
0x10e: {  	s20 =	sor.u32 s21, s1  }
0x10f: {  	v5 =	vld [tilespmem:s20+$0x0];
	_ =	sdelay $0x2  }
0x110: {  	v4 =	vsub.f32 v4, v3;
	_ =	sdelay $0x1  }
0x111: {  	v5 =	vsub.f32 v5, v3;
	v4 =	vmul.f32 v4, v2;
	_ =	sdelay $0x1  }
0x112: {  	v5 =	vmul.f32 v5, v2;
	v4 =	vadd.f32 $8.388607500e+06, v4;
	_ =	sdelay $0x1  }
0x113: {  	v5 =	vadd.f32 $8.388607500e+06, v5;
	v4 =	vand.u32 $0xFF, v4;
	_ =	sdelay $0x1  }
0x114: {  	v5 =	vand.u32 $0xFF, v5;
	_ =	sdelay $0x2  }
0x115: {  	[tilespmem:v4+s18+$0x0] =	vst.idx.add.f32.msk $0xffff, v1  }
0x116: {  	v4 =	vld [tilespmem:s29+$0x20]  }
0x117: {  	[tilespmem:v5+s18+$0x0] =	vst.idx.add.f32.msk $0xffff, v1  }
0x118: {  	v5 =	vld [tilespmem:s20+$0x10];
	_ =	sdelay $0x2  }
0x119: {  	v4 =	vsub.f32 v4, v3;
	_ =	sdelay $0x1  }
0x11a: {  	v5 =	vsub.f32 v5, v3;
	v4 =	vmul.f32 v4, v2;
	_ =	sdelay $0x1  }
0x11b: {  	v5 =	vmul.f32 v5, v2;
	v4 =	vadd.f32 $8.388607500e+06, v4  }
0x11c: {  	s21 =	simm.s32 $0x4000  }
0x11d: {  	s22 =	simm.s32 $0x200;
	s1 =	sand.u32 $0x2000, s21;
	v5 =	vadd.f32 $8.388607500e+06, v5;
	v4 =	vand.u32 $0xFF, v4  }
0x11e: {  	s23 =	simm.s32 $0x80;
	s21 =	sand.u32 $0x7000, s22;
	s1 =	sshrl.u32 s1, $0x2  }
0x11f: {  	s22 =	sand.u32 $0x380, s23;
	s1 =	sor.u32 s1, s21;
	v5 =	vand.u32 $0xFF, v5  }
0x120: {  	s21 =	sor.u32 s22, s1  }
0x121: {  	v6 =	vld [tilespmem:s21+$0x0]  }
0x122: {  	[tilespmem:v4+s18+$0x0] =	vst.idx.add.f32.msk $0xffff, v1  }
0x123: {  	v4 =	vld [tilespmem:s29+$0x30]  }
0x124: {  	[tilespmem:v5+s18+$0x0] =	vst.idx.add.f32.msk $0xffff, v1  }
0x125: {  	v5 =	vld [tilespmem:s20+$0x20]  }
0x126: {  	v6 =	vsub.f32 v6, v3;
	_ =	sdelay $0x1  }
0x127: {  	v6 =	vmul.f32 v6, v2;
	v4 =	vsub.f32 v4, v3;
	_ =	sdelay $0x1  }
0x128: {  	v6 =	vadd.f32 $8.388607500e+06, v6;
	v5 =	vsub.f32 v5, v3;
	v4 =	vmul.f32 v4, v2;
	_ =	sdelay $0x1  }
0x129: {  	v6 =	vand.u32 $0xFF, v6;
	v5 =	vmul.f32 v5, v2;
	v4 =	vadd.f32 $8.388607500e+06, v4;
	_ =	sdelay $0x1  }
0x12a: {  	v5 =	vadd.f32 $8.388607500e+06, v5;
	v4 =	vand.u32 $0xFF, v4;
	_ =	sdelay $0x1  }
0x12b: {  	v5 =	vand.u32 $0xFF, v5  }
0x12c: {  	[tilespmem:v6+s18+$0x0] =	vst.idx.add.f32.msk $0xffff, v1  }
0x12d: {  	v6 =	vld [tilespmem:s21+$0x10]  }
0x12e: {  	[tilespmem:v4+s18+$0x0] =	vst.idx.add.f32.msk $0xffff, v1  }
0x12f: {  	v4 =	vld [tilespmem:s29+$0x40]  }
0x130: {  	[tilespmem:v5+s18+$0x0] =	vst.idx.add.f32.msk $0xffff, v1  }
0x131: {  	v5 =	vld [tilespmem:s20+$0x30]  }
0x132: {  	v6 =	vsub.f32 v6, v3;
	_ =	sdelay $0x1  }
0x133: {  	s24 =	simm.s32 $0x6000;
	v6 =	vmul.f32 v6, v2;
	v4 =	vsub.f32 v4, v3  }
0x134: {  	s25 =	simm.s32 $0x300;
	s1 =	sand.u32 $0x2000, s24  }
0x135: {  	s26 =	simm.s32 $0xC0;
	s22 =	sand.u32 $0x7000, s25;
	s1 =	sshrl.u32 s1, $0x2;
	v6 =	vadd.f32 $8.388607500e+06, v6;
	v5 =	vsub.f32 v5, v3;
	v4 =	vmul.f32 v4, v2  }
0x136: {  	s23 =	sand.u32 $0x380, s26;
	s1 =	sor.u32 s1, s22  }
0x137: {  	s22 =	sor.u32 s23, s1;
	v6 =	vand.u32 $0xFF, v6;
	v5 =	vmul.f32 v5, v2;
	v4 =	vadd.f32 $8.388607500e+06, v4  }
0x138: {  	v7 =	vld [tilespmem:s22+$0x0]  }
0x139: {  	v5 =	vadd.f32 $8.388607500e+06, v5;
	v4 =	vand.u32 $0xFF, v4;
	_ =	sdelay $0x1  }
0x13a: {  	v5 =	vand.u32 $0xFF, v5  }
0x13b: {  	[tilespmem:v6+s18+$0x0] =	vst.idx.add.f32.msk $0xffff, v1  }
0x13c: {  	v6 =	vsub.f32 v7, v3;
	v7 =	vld [tilespmem:s21+$0x20]  }
0x13d: {  	[tilespmem:v4+s18+$0x0] =	vst.idx.add.f32.msk $0xffff, v1  }
0x13e: {  	v6 =	vmul.f32 v6, v2;
	v4 =	vld [tilespmem:s29+$0x50]  }
0x13f: {  	[tilespmem:v5+s18+$0x0] =	vst.idx.add.f32.msk $0xffff, v1  }
0x140: {  	v5 =	vadd.f32 $8.388607500e+06, v6;
	v6 =	vld [tilespmem:s20+$0x40]  }
0x141: {  	v7 =	vsub.f32 v7, v3  }
0x142: {  	v5 =	vand.u32 $0xFF, v5  }
0x143: {  	v7 =	vmul.f32 v7, v2;
	v4 =	vsub.f32 v4, v3;
	_ =	sdelay $0x1  }
0x144: {  	v7 =	vadd.f32 $8.388607500e+06, v7;
	v6 =	vsub.f32 v6, v3;
	v4 =	vmul.f32 v4, v2;
	_ =	sdelay $0x1  }
0x145: {  	[tilespmem:v5+s18+$0x0] =	vst.idx.add.f32.msk $0xffff, v1;
	v5 =	vmul.f32 v6, v2;
	v6 =	vand.u32 $0xFF, v7;
	v4 =	vadd.f32 $8.388607500e+06, v4  }
0x146: {  	v7 =	vld [tilespmem:s22+$0x10]  }
0x147: {  	v5 =	vadd.f32 $8.388607500e+06, v5;
	v4 =	vand.u32 $0xFF, v4;
	_ =	sdelay $0x1  }
0x148: {  	v5 =	vand.u32 $0xFF, v5  }
0x149: {  	[tilespmem:v6+s18+$0x0] =	vst.idx.add.f32.msk $0xffff, v1  }
0x14a: {  	v6 =	vsub.f32 v7, v3;
	v7 =	vld [tilespmem:s21+$0x30]  }
0x14b: {  	[tilespmem:v4+s18+$0x0] =	vst.idx.add.f32.msk $0xffff, v1  }
0x14c: {  	v6 =	vmul.f32 v6, v2;
	v4 =	vld [tilespmem:s29+$0x60]  }
0x14d: {  	[tilespmem:v5+s18+$0x0] =	vst.idx.add.f32.msk $0xffff, v1  }
0x14e: {  	v5 =	vadd.f32 $8.388607500e+06, v6;
	v6 =	vld [tilespmem:s20+$0x50]  }
0x14f: {  	s30 =	simm.s32 $0x8000;
	v7 =	vsub.f32 v7, v3  }
0x150: {  	s0 =	simm.s32 $0x400;
	s1 =	sand.u32 $0x2000, s30;
	v5 =	vand.u32 $0xFF, v5  }
0x151: {  	s17 =	simm.s32 $0x100;
	s23 =	sand.u32 $0x7000, s0;
	s1 =	sshrl.u32 s1, $0x2;
	v7 =	vmul.f32 v7, v2;
	v4 =	vsub.f32 v4, v3  }
0x152: {  	s24 =	sand.u32 $0x380, s17;
	s1 =	sor.u32 s1, s23  }
0x153: {  	s23 =	sor.u32 s24, s1;
	v6 =	vsub.f32 v6, v3;
	v7 =	vadd.f32 $8.388607500e+06, v7;
	v4 =	vmul.f32 v4, v2  }
0x154: {  	v8 =	vld [tilespmem:s23+$0x0]  }
0x155: {  	[tilespmem:v5+s18+$0x0] =	vst.idx.add.f32.msk $0xffff, v1;
	v5 =	vmul.f32 v6, v2;
	v6 =	vand.u32 $0xFF, v7;
	v4 =	vadd.f32 $8.388607500e+06, v4  }
0x156: {  	v7 =	vld [tilespmem:s22+$0x20]  }
0x157: {  	v5 =	vadd.f32 $8.388607500e+06, v5;
	v4 =	vand.u32 $0xFF, v4;
	_ =	sdelay $0x1  }
0x158: {  	v8 =	vsub.f32 v8, v3;
	v5 =	vand.u32 $0xFF, v5  }
0x159: {  	[tilespmem:v6+s18+$0x0] =	vst.idx.add.f32.msk $0xffff, v1  }
0x15a: {  	v8 =	vmul.f32 v8, v2;
	v6 =	vsub.f32 v7, v3;
	v7 =	vld [tilespmem:s21+$0x40]  }
0x15b: {  	[tilespmem:v4+s18+$0x0] =	vst.idx.add.f32.msk $0xffff, v1  }
0x15c: {  	v8 =	vadd.f32 $8.388607500e+06, v8;
	v6 =	vmul.f32 v6, v2;
	v4 =	vld [tilespmem:s29+$0x70]  }
0x15d: {  	[tilespmem:v5+s18+$0x0] =	vst.idx.add.f32.msk $0xffff, v1  }
0x15e: {  	v8 =	vand.u32 $0xFF, v8;
	v5 =	vadd.f32 $8.388607500e+06, v6;
	v6 =	vld [tilespmem:s20+$0x60]  }
0x15f: {  	v7 =	vsub.f32 v7, v3  }
0x160: {  	v5 =	vand.u32 $0xFF, v5  }
0x161: {  	v7 =	vmul.f32 v7, v2;
	v4 =	vsub.f32 v4, v3;
	_ =	sdelay $0x1  }
0x162: {  	[tilespmem:v8+s18+$0x0] =	vst.idx.add.f32.msk $0xffff, v1;
	v6 =	vsub.f32 v6, v3;
	v7 =	vadd.f32 $8.388607500e+06, v7;
	v4 =	vmul.f32 v4, v2  }
0x163: {  	v8 =	vld [tilespmem:s23+$0x10]  }
0x164: {  	[tilespmem:v5+s18+$0x0] =	vst.idx.add.f32.msk $0xffff, v1;
	v5 =	vmul.f32 v6, v2;
	v6 =	vand.u32 $0xFF, v7;
	v4 =	vadd.f32 $8.388607500e+06, v4  }
0x165: {  	v7 =	vld [tilespmem:s22+$0x30]  }
0x166: {  	v5 =	vadd.f32 $8.388607500e+06, v5;
	v4 =	vand.u32 $0xFF, v4;
	_ =	sdelay $0x1  }
0x167: {  	v8 =	vsub.f32 v8, v3;
	v5 =	vand.u32 $0xFF, v5  }
0x168: {  	[tilespmem:v6+s18+$0x0] =	vst.idx.add.f32.msk $0xffff, v1  }
0x169: {  	v8 =	vmul.f32 v8, v2;
	v6 =	vsub.f32 v7, v3;
	v7 =	vld [tilespmem:s21+$0x50]  }
0x16a: {  	[tilespmem:v4+s18+$0x0] =	vst.idx.add.f32.msk $0xffff, v1  }
0x16b: {  	s24 =	simm.s32 $0xA000;
	v8 =	vadd.f32 $8.388607500e+06, v8;
	v6 =	vmul.f32 v6, v2;
	v4 =	vld [tilespmem:s29+$0x400]  }
0x16c: {  	s25 =	simm.s32 $0x500;
	s1 =	sand.u32 $0x2000, s24;
	[tilespmem:v5+s18+$0x0] =	vst.idx.add.f32.msk $0xffff, v1  }
0x16d: {  	s26 =	simm.s32 $0x140;
	s24 =	sand.u32 $0x7000, s25;
	s1 =	sshrl.u32 s1, $0x2;
	v8 =	vand.u32 $0xFF, v8;
	v5 =	vadd.f32 $8.388607500e+06, v6;
	v6 =	vld [tilespmem:s20+$0x70]  }
0x16e: {  	s25 =	sand.u32 $0x380, s26;
	s1 =	sor.u32 s1, s24;
	v7 =	vsub.f32 v7, v3  }
0x16f: {  	s24 =	sor.u32 s25, s1;
	v5 =	vand.u32 $0xFF, v5  }
0x170: {  	v9 =	vld [tilespmem:s24+$0x0];
	v7 =	vmul.f32 v7, v2;
	v4 =	vsub.f32 v4, v3;
	_ =	sdelay $0x1  }
0x171: {  	[tilespmem:v8+s18+$0x0] =	vst.idx.add.f32.msk $0xffff, v1;
	v6 =	vsub.f32 v6, v3;
	v7 =	vadd.f32 $8.388607500e+06, v7;
	v4 =	vmul.f32 v4, v2  }
0x172: {  	v8 =	vld [tilespmem:s23+$0x20]  }
0x173: {  	[tilespmem:v5+s18+$0x0] =	vst.idx.add.f32.msk $0xffff, v1;
	v5 =	vmul.f32 v6, v2;
	v6 =	vand.u32 $0xFF, v7;
	v4 =	vadd.f32 $8.388607500e+06, v4  }
0x174: {  	v9 =	vsub.f32 v9, v3;
	v7 =	vld [tilespmem:s22+$0x40]  }
0x175: {  	v4 =	vand.u32 $0xFF, v4  }
0x176: {  	v9 =	vmul.f32 v9, v2  }
0x177: {  	v8 =	vsub.f32 v8, v3;
	v5 =	vadd.f32 $8.388607500e+06, v5  }
0x178: {  	v9 =	vadd.f32 $8.388607500e+06, v9;
	[tilespmem:v6+s18+$0x0] =	vst.idx.add.f32.msk $0xffff, v1  }
0x179: {  	v8 =	vmul.f32 v8, v2;
	v5 =	vand.u32 $0xFF, v5;
	v6 =	vsub.f32 v7, v3;
	v7 =	vld [tilespmem:s21+$0x60]  }
0x17a: {  	[tilespmem:v4+s18+$0x0] =	vst.idx.add.f32.msk $0xffff, v1  }
0x17b: {  	v9 =	vand.u32 $0xFF, v9;
	v8 =	vadd.f32 $8.388607500e+06, v8;
	v4 =	vld [tilespmem:s29+$0x410]  }
0x17c: {  	v6 =	vmul.f32 v6, v2  }
0x17d: {  	v8 =	vand.u32 $0xFF, v8  }
0x17e: {  	[tilespmem:v5+s18+$0x0] =	vst.idx.add.f32.msk $0xffff, v1;
	v5 =	vadd.f32 $8.388607500e+06, v6  }
0x17f: {  	v7 =	vsub.f32 v7, v3  }
0x180: {  	[tilespmem:v9+s18+$0x0] =	vst.idx.add.f32.msk $0xffff, v1;
	v5 =	vand.u32 $0xFF, v5;
	v4 =	vsub.f32 v4, v3  }
0x181: {  	v9 =	vld [tilespmem:s24+$0x10];
	v7 =	vmul.f32 v7, v2  }
0x182: {  	[tilespmem:v8+s18+$0x0] =	vst.idx.add.f32.msk $0xffff, v1;
	v4 =	vmul.f32 v4, v2  }
0x183: {  	v6 =	vld [tilespmem:s20+$0x400];
	v7 =	vadd.f32 $8.388607500e+06, v7  }
0x184: {  	v8 =	vld [tilespmem:s23+$0x30];
	v4 =	vadd.f32 $8.388607500e+06, v4  }
0x185: {  	[tilespmem:v5+s18+$0x0] =	vst.idx.add.f32.msk $0xffff, v1;
	v5 =	vand.u32 $0xFF, v7  }
0x186: {  	v4 =	vand.u32 $0xFF, v4  }
0x187: {  	v9 =	vsub.f32 v9, v3;
	v7 =	vld [tilespmem:s22+$0x50]  }
0x188: {  	v6 =	vsub.f32 v6, v3  }
0x189: {  	v9 =	vmul.f32 v9, v2  }
0x18a: {  	v8 =	vsub.f32 v8, v3;
	v6 =	vmul.f32 v6, v2;
	[tilespmem:v5+s18+$0x0] =	vst.idx.add.f32.msk $0xffff, v1  }
0x18b: {  	v9 =	vadd.f32 $8.388607500e+06, v9;
	[tilespmem:v4+s18+$0x0] =	vst.idx.add.f32.msk $0xffff, v1  }
0x18c: {  	s30 =	simm.s32 $0xC000;
	v8 =	vmul.f32 v8, v2;
	v5 =	vsub.f32 v7, v3;
	v4 =	vadd.f32 $8.388607500e+06, v6;
	v6 =	vld [tilespmem:s29+$0x420]  }
0x18d: {  	s0 =	simm.s32 $0x600;
	s1 =	sand.u32 $0x2000, s30;
	v9 =	vand.u32 $0xFF, v9  }
0x18e: {  	s17 =	simm.s32 $0x180;
	s25 =	sand.u32 $0x7000, s0;
	s1 =	sshrl.u32 s1, $0x2;
	v8 =	vadd.f32 $8.388607500e+06, v8;
	v7 =	vld [tilespmem:s21+$0x70];
	v5 =	vmul.f32 v5, v2;
	v4 =	vand.u32 $0xFF, v4  }
0x18f: {  	s26 =	sand.u32 $0x380, s17;
	s1 =	sor.u32 s1, s25  }
0x190: {  	s25 =	sor.u32 s26, s1;
	v8 =	vand.u32 $0xFF, v8;
	v5 =	vadd.f32 $8.388607500e+06, v5  }
0x191: {  	v10 =	vld [tilespmem:s25+$0x0];
	v6 =	vsub.f32 v6, v3  }
0x192: {  	[tilespmem:v9+s18+$0x0] =	vst.idx.add.f32.msk $0xffff, v1;
	v5 =	vand.u32 $0xFF, v5  }
0x193: {  	[tilespmem:v4+s18+$0x0] =	vst.idx.add.f32.msk $0xffff, v1;
	v4 =	vmul.f32 v6, v2;
	v6 =	vsub.f32 v7, v3  }
0x194: {  	v7 =	vld [tilespmem:s24+$0x20]  }
0x195: {  	[tilespmem:v8+s18+$0x0] =	vst.idx.add.f32.msk $0xffff, v1;
	v4 =	vadd.f32 $8.388607500e+06, v4;
	v6 =	vmul.f32 v6, v2  }
0x196: {  	v9 =	vsub.f32 v10, v3;
	v8 =	vld [tilespmem:s23+$0x40]  }
0x197: {  	[tilespmem:v5+s18+$0x0] =	vst.idx.add.f32.msk $0xffff, v1;
	v4 =	vand.u32 $0xFF, v4;
	v6 =	vadd.f32 $8.388607500e+06, v6  }
0x198: {  	v5 =	vmul.f32 v9, v2;
	v10 =	vld [tilespmem:s20+$0x410]  }
0x199: {  	v9 =	vld [tilespmem:s22+$0x60];
	v7 =	vsub.f32 v7, v3;
	v6 =	vand.u32 $0xFF, v6  }
0x19a: {  	v5 =	vadd.f32 $8.388607500e+06, v5  }
0x19b: {  	v8 =	vsub.f32 v8, v3;
	v7 =	vmul.f32 v7, v2  }
0x19c: {  	[tilespmem:v4+s18+$0x0] =	vst.idx.add.f32.msk $0xffff, v1;
	v4 =	vand.u32 $0xFF, v5  }
0x19d: {  	v8 =	vmul.f32 v8, v2;
	v5 =	vsub.f32 v10, v3;
	v7 =	vadd.f32 $8.388607500e+06, v7;
	v10 =	vld [tilespmem:s29+$0x430]  }
0x19e: {  	[tilespmem:v6+s18+$0x0] =	vst.idx.add.f32.msk $0xffff, v1;
	v6 =	vsub.f32 v9, v3  }
0x19f: {  	v8 =	vadd.f32 $8.388607500e+06, v8;
	v5 =	vmul.f32 v5, v2;
	v7 =	vand.u32 $0xFF, v7;
	v9 =	vld [tilespmem:s21+$0x400]  }
0x1a0: {  	v6 =	vmul.f32 v6, v2  }
0x1a1: {  	v8 =	vand.u32 $0xFF, v8;
	v5 =	vadd.f32 $8.388607500e+06, v5;
	[tilespmem:v4+s18+$0x0] =	vst.idx.add.f32.msk $0xffff, v1  }
0x1a2: {  	v4 =	vsub.f32 v10, v3;
	v6 =	vadd.f32 $8.388607500e+06, v6;
	v10 =	vld [tilespmem:s25+$0x10]  }
0x1a3: {  	v5 =	vand.u32 $0xFF, v5  }
0x1a4: {  	[tilespmem:v7+s18+$0x0] =	vst.idx.add.f32.msk $0xffff, v1;
	v9 =	vsub.f32 v9, v3;
	v4 =	vmul.f32 v4, v2;
	v6 =	vand.u32 $0xFF, v6  }
0x1a5: {  	v7 =	vld [tilespmem:s24+$0x30]  }
0x1a6: {  	[tilespmem:v8+s18+$0x0] =	vst.idx.add.f32.msk $0xffff, v1;
	v9 =	vmul.f32 v9, v2;
	v4 =	vadd.f32 $8.388607500e+06, v4  }
0x1a7: {  	v8 =	vld [tilespmem:s23+$0x50];
	v10 =	vsub.f32 v10, v3  }
0x1a8: {  	[tilespmem:v5+s18+$0x0] =	vst.idx.add.f32.msk $0xffff, v1;
	v5 =	vadd.f32 $8.388607500e+06, v9;
	v4 =	vand.u32 $0xFF, v4  }
0x1a9: {  	[tilespmem:v6+s18+$0x0] =	vst.idx.add.f32.msk $0xffff, v1;
	v6 =	vmul.f32 v10, v2  }
0x1aa: {  	v7 =	vsub.f32 v7, v3;
	v5 =	vand.u32 $0xFF, v5;
	v9 =	vld [tilespmem:s22+$0x70]  }
0x1ab: {  	v10 =	vld [tilespmem:s20+$0x420];
	v6 =	vadd.f32 $8.388607500e+06, v6  }
0x1ac: {  	s26 =	simm.s32 $0xE000;
	v8 =	vsub.f32 v8, v3;
	v7 =	vmul.f32 v7, v2  }
0x1ad: {  	s30 =	simm.s32 $0x700;
	s1 =	sand.u32 $0x2000, s26;
	[tilespmem:v4+s18+$0x0] =	vst.idx.add.f32.msk $0xffff, v1;
	v4 =	vand.u32 $0xFF, v6  }
0x1ae: {  	s28 =	simm.s32 $0x1C0;
	s26 =	sand.u32 $0x7000, s30;
	s1 =	sshrl.u32 s1, $0x2;
	v6 =	vadd.f32 $8.388607500e+06, v7;
	v7 =	vmul.f32 v8, v2;
	v8 =	vld [tilespmem:s29+$0x440]  }
0x1af: {  	s28 =	sand.u32 $0x380, s28;
	s1 =	sor.u32 s1, s26;
	[tilespmem:v5+s18+$0x0] =	vst.idx.add.f32.msk $0xffff, v1;
	v5 =	vsub.f32 v9, v3  }
0x1b0: {  	s26 =	sor.u32 s28, s1;
	v9 =	vsub.f32 v10, v3;
	v6 =	vand.u32 $0xFF, v6;
	v7 =	vadd.f32 $8.388607500e+06, v7;
	v10 =	vld [tilespmem:s21+$0x410]  }
0x1b1: {  	v11 =	vld [tilespmem:s26+$0x0];
	v5 =	vmul.f32 v5, v2  }
0x1b2: {  	v9 =	vmul.f32 v9, v2;
	v7 =	vand.u32 $0xFF, v7;
	[tilespmem:v4+s18+$0x0] =	vst.idx.add.f32.msk $0xffff, v1  }
0x1b3: {  	v4 =	vadd.f32 $8.388607500e+06, v5;
	v5 =	vsub.f32 v8, v3;
	v8 =	vld [tilespmem:s25+$0x20]  }
0x1b4: {  	v9 =	vadd.f32 $8.388607500e+06, v9  }
0x1b5: {  	[tilespmem:v6+s18+$0x0] =	vst.idx.add.f32.msk $0xffff, v1;
	v10 =	vsub.f32 v10, v3;
	v4 =	vand.u32 $0xFF, v4;
	v5 =	vmul.f32 v5, v2  }
0x1b6: {  	v11 =	vsub.f32 v11, v3;
	v6 =	vld [tilespmem:s24+$0x40]  }
0x1b7: {  	v9 =	vand.u32 $0xFF, v9;
	[tilespmem:v7+s18+$0x0] =	vst.idx.add.f32.msk $0xffff, v1;
	v10 =	vmul.f32 v10, v2;
	v5 =	vadd.f32 $8.388607500e+06, v5  }
0x1b8: {  	v11 =	vmul.f32 v11, v2;
	v7 =	vld [tilespmem:s23+$0x60];
	v8 =	vsub.f32 v8, v3  }
0x1b9: {  	v10 =	vadd.f32 $8.388607500e+06, v10;
	v5 =	vand.u32 $0xFF, v5  }
0x1ba: {  	[tilespmem:v4+s18+$0x0] =	vst.idx.add.f32.msk $0xffff, v1;
	v4 =	vadd.f32 $8.388607500e+06, v11;
	v8 =	vmul.f32 v8, v2  }
0x1bb: {  	v6 =	vsub.f32 v6, v3;
	v10 =	vand.u32 $0xFF, v10;
	v11 =	vld [tilespmem:s22+$0x400]  }
0x1bc: {  	[tilespmem:v9+s18+$0x0] =	vst.idx.add.f32.msk $0xffff, v1;
	v4 =	vand.u32 $0xFF, v4;
	v8 =	vadd.f32 $8.388607500e+06, v8  }
0x1bd: {  	v9 =	vld [tilespmem:s20+$0x430];
	v6 =	vmul.f32 v6, v2;
	v7 =	vsub.f32 v7, v3  }
0x1be: {  	[tilespmem:v5+s18+$0x0] =	vst.idx.add.f32.msk $0xffff, v1;
	v5 =	vand.u32 $0xFF, v8  }
0x1bf: {  	v6 =	vadd.f32 $8.388607500e+06, v6;
	v7 =	vmul.f32 v7, v2;
	v8 =	vld [tilespmem:s29+$0x450]  }
0x1c0: {  	[tilespmem:v10+s18+$0x0] =	vst.idx.add.f32.msk $0xffff, v1;
	v10 =	vsub.f32 v11, v3  }
0x1c1: {  	v6 =	vand.u32 $0xFF, v6;
	[tilespmem:v4+s18+$0x0] =	vst.idx.add.f32.msk $0xffff, v1;
	v4 =	vadd.f32 $8.388607500e+06, v7  }
0x1c2: {  	v7 =	vsub.f32 v9, v3;
	v9 =	vmul.f32 v10, v2;
	v10 =	vld [tilespmem:s26+$0x10]  }
0x1c3: {  	[tilespmem:v5+s18+$0x0] =	vst.idx.add.f32.msk $0xffff, v1;
	v4 =	vand.u32 $0xFF, v4  }
0x1c4: {  	v5 =	vmul.f32 v7, v2;
	v7 =	vadd.f32 $8.388607500e+06, v9;
	v9 =	vld [tilespmem:s25+$0x30];
	v8 =	vsub.f32 v8, v3  }
0x1c5: {  	v11 =	vld [tilespmem:s21+$0x420]  }
0x1c6: {  	v5 =	vadd.f32 $8.388607500e+06, v5;
	[tilespmem:v6+s18+$0x0] =	vst.idx.add.f32.msk $0xffff, v1;
	v6 =	vand.u32 $0xFF, v7;
	v7 =	vmul.f32 v8, v2  }
0x1c7: {  	v8 =	vld [tilespmem:s24+$0x50];
	v10 =	vsub.f32 v10, v3  }
0x1c8: {  	v5 =	vand.u32 $0xFF, v5;
	[tilespmem:v4+s18+$0x0] =	vst.idx.add.f32.msk $0xffff, v1;
	v4 =	vadd.f32 $8.388607500e+06, v7  }
0x1c9: {  	v7 =	vmul.f32 v10, v2;
	v9 =	vsub.f32 v9, v3;
	v10 =	vld [tilespmem:s23+$0x70]  }
0x1ca: {  	v4 =	vand.u32 $0xFF, v4  }
0x1cb: {  	v11 =	vsub.f32 v11, v3;
	[tilespmem:v6+s18+$0x0] =	vst.idx.add.f32.msk $0xffff, v1;
	v6 =	vadd.f32 $8.388607500e+06, v7;
	v7 =	vmul.f32 v9, v2  }
0x1cc: {  	s0 =	simm.s32 $0x10000;
	v8 =	vsub.f32 v8, v3;
	v9 =	vld [tilespmem:s22+$0x410]  }
0x1cd: {  	s1 =	sand.u32 $0x2000, s0;
	s28 =	simm.s32 $0x800;
	v11 =	vmul.f32 v11, v2;
	[tilespmem:v5+s18+$0x0] =	vst.idx.add.f32.msk $0xffff, v1;
	v5 =	vand.u32 $0xFF, v6;
	v6 =	vadd.f32 $8.388607500e+06, v7  }
0x1ce: {  	s17 =	simm.s32 $0x200;
	s28 =	sand.u32 $0x7000, s28;
	s1 =	sshrl.u32 s1, $0x2;
	v7 =	vmul.f32 v8, v2;
	v8 =	vld [tilespmem:s20+$0x440];
	v10 =	vsub.f32 v10, v3  }
0x1cf: {  	s30 =	sand.u32 $0x380, s17;
	s1 =	sor.u32 s1, s28;
	v11 =	vadd.f32 $8.388607500e+06, v11;
	v6 =	vand.u32 $0xFF, v6;
	[tilespmem:v4+s18+$0x0] =	vst.idx.add.f32.msk $0xffff, v1  }
0x1d0: {  	s28 =	sor.u32 s30, s1;
	v4 =	vadd.f32 $8.388607500e+06, v7;
	v7 =	vmul.f32 v10, v2;
	v10 =	vld [tilespmem:s29+$0x460]  }
0x1d1: {  	v58 =	vld [tilespmem:s28+$0x0];
	v11 =	vand.u32 $0xFF, v11;
	v9 =	vsub.f32 v9, v3  }
0x1d2: {  	v4 =	vand.u32 $0xFF, v4;
	[tilespmem:v5+s18+$0x0] =	vst.idx.add.f32.msk $0xffff, v1;
	v5 =	vadd.f32 $8.388607500e+06, v7  }
0x1d3: {  	v8 =	vsub.f32 v8, v3;
	v7 =	vmul.f32 v9, v2;
	v9 =	vld [tilespmem:s26+$0x20]  }
0x1d4: {  	[tilespmem:v6+s18+$0x0] =	vst.idx.add.f32.msk $0xffff, v1;
	v5 =	vand.u32 $0xFF, v5  }
0x1d5: {  	v6 =	vadd.f32 $8.388607500e+06, v7;
	v7 =	vmul.f32 v8, v2;
	v8 =	vld [tilespmem:s25+$0x40];
	v10 =	vsub.f32 v10, v3  }
0x1d6: {  	[tilespmem:v11+s18+$0x0] =	vst.idx.add.f32.msk $0xffff, v1;
	v11 =	vsub.f32 v58, v3  }
0x1d7: {  	[tilespmem:v4+s18+$0x0] =	vst.idx.add.f32.msk $0xffff, v1;
	v4 =	vand.u32 $0xFF, v6;
	v6 =	vadd.f32 $8.388607500e+06, v7;
	v7 =	vmul.f32 v10, v2  }
0x1d8: {  	v11 =	vmul.f32 v11, v2;
	v10 =	vld [tilespmem:s24+$0x60];
	v9 =	vsub.f32 v9, v3  }
0x1d9: {  	v6 =	vand.u32 $0xFF, v6;
	[tilespmem:v5+s18+$0x0] =	vst.idx.add.f32.msk $0xffff, v1;
	v5 =	vadd.f32 $8.388607500e+06, v7  }
0x1da: {  	v7 =	vadd.f32 $8.388607500e+06, v11;
	v9 =	vmul.f32 v9, v2;
	v8 =	vsub.f32 v8, v3;
	v11 =	vld [tilespmem:s23+$0x400]  }
0x1db: {  	v59 =	vld [tilespmem:s21+$0x430];
	v5 =	vand.u32 $0xFF, v5  }
0x1dc: {  	[tilespmem:v4+s18+$0x0] =	vst.idx.add.f32.msk $0xffff, v1;
	v4 =	vand.u32 $0xFF, v7;
	v7 =	vadd.f32 $8.388607500e+06, v9;
	v8 =	vmul.f32 v8, v2  }
0x1dd: {  	v10 =	vsub.f32 v10, v3;
	v9 =	vld [tilespmem:s22+$0x420]  }
0x1de: {  	[tilespmem:v6+s18+$0x0] =	vst.idx.add.f32.msk $0xffff, v1;
	v6 =	vand.u32 $0xFF, v7;
	v7 =	vadd.f32 $8.388607500e+06, v8  }
0x1df: {  	v8 =	vmul.f32 v10, v2;
	v10 =	vsub.f32 v11, v3;
	v11 =	vld [tilespmem:s20+$0x450]  }
0x1e0: {  	v7 =	vand.u32 $0xFF, v7;
	[tilespmem:v5+s18+$0x0] =	vst.idx.add.f32.msk $0xffff, v1  }
0x1e1: {  	v5 =	vsub.f32 v59, v3;
	[tilespmem:v4+s18+$0x0] =	vst.idx.add.f32.msk $0xffff, v1;
	v4 =	vadd.f32 $8.388607500e+06, v8;
	v8 =	vmul.f32 v10, v2  }
0x1e2: {  	v10 =	vld [tilespmem:s28+$0x10]  }
0x1e3: {  	v5 =	vmul.f32 v5, v2;
	[tilespmem:v6+s18+$0x0] =	vst.idx.add.f32.msk $0xffff, v1;
	v4 =	vand.u32 $0xFF, v4;
	v6 =	vadd.f32 $8.388607500e+06, v8  }
0x1e4: {  	v9 =	vsub.f32 v9, v3;
	v8 =	vld [tilespmem:s26+$0x30]  }
0x1e5: {  	v5 =	vadd.f32 $8.388607500e+06, v5;
	[tilespmem:v7+s18+$0x0] =	vst.idx.add.f32.msk $0xffff, v1;
	v6 =	vand.u32 $0xFF, v6;
	v7 =	vsub.f32 v11, v3  }
0x1e6: {  	v62 =	vld [tilespmem:s29+$0x470];
	v9 =	vmul.f32 v9, v2  }
0x1e7: {  	v60 =	vld [tilespmem:s25+$0x50];
	v61 =	vand.u32 $0xFF, v5;
	v5 =	vsub.f32 v10, v3;
	v7 =	vmul.f32 v7, v2  }
0x1e8: {  	[tilespmem:v4+s18+$0x0] =	vst.idx.add.f32.msk $0xffff, v1;
	v4 =	vadd.f32 $8.388607500e+06, v9  }
0x1e9: {  	v5 =	vmul.f32 v5, v2;
	v9 =	vsub.f32 v8, v3;
	v8 =	vld [tilespmem:s24+$0x70];
	v63 =	vadd.f32 $8.388607500e+06, v7  }
0x1ea: {  	[tilespmem:v6+s18+$0x0] =	vst.idx.add.f32.msk $0xffff, v1;
	v6 =	vand.u32 $0xFF, v4  }
0x1eb: {  	v4 =	vsub.f32 v62, v3;
	v11 =	vadd.f32 $8.388607500e+06, v5;
	v7 =	vld [tilespmem:s23+$0x410];
	v5 =	vand.u32 $0xFF, v63  }
0x1ec: {  	s31 =	simm.s32 $0x9;
	s29 =	simm.s32 $0x12000;
	v10 =	vmul.f32 v9, v2;
	v9 =	vsub.f32 v60, v3;
	[tilespmem:v61+s18+$0x0] =	vst.idx.add.f32.msk $0xffff, v1  }
.LBB2_10:
0x1ed: {  	s1 =	sand.u32 $0x2000, s29  }
0x1ee: {  	s0 =	sshll.u32 s31, $0x8;
	v11 =	vand.u32 $0xFF, v11;
	v10 =	vadd.f32 $8.388607500e+06, v10;
	v9 =	vmul.f32 v9, v2;
	v12 =	vld [tilespmem:s21+$0x440];
	s17 =	smov.u32 s31;
	s30 =	sadd.s32 $0x1, s31  }
0x1ef: {  	s0 =	sand.u32 $0x7000, s0;
	s17 =	sshll.u32 s17, $0x6;
	s1 =	sshrl.u32 s1, $0x2;
	v8 =	vsub.f32 v8, v3;
	[tilespmem:v6+s18+$0x0] =	vst.idx.add.f32.msk $0xffff, v1;
	v4 =	vmul.f32 v4, v2  }
0x1f0: {  	p0 =	sne.s32 s31, $0x7F;
	s17 =	sand.u32 $0x380, s17;
	s0 =	sor.u32 s1, s0;
	v6 =	vand.u32 $0xFF, v10;
	v9 =	vadd.f32 $8.388607500e+06, v9;
	[tilespmem:v5+s18+$0x0] =	vst.idx.add.f32.msk $0xffff, v1  }
0x1f1: {  	s31 =	sor.u32 s17, s0;
	v5 =	vmul.f32 v8, v2;
	v7 =	vsub.f32 v7, v3;
	v8 =	vld [tilespmem:s20+$0x460];
	v4 =	vadd.f32 $8.388607500e+06, v4  }
0x1f2: {  	v10 =	vld [tilespmem:s31+$0x0];
	v9 =	vand.u32 $0xFF, v9  }
0x1f3: {  	[tilespmem:v11+s18+$0x0] =	vst.idx.add.f32.msk $0xffff, v1;
	v5 =	vadd.f32 $8.388607500e+06, v5;
	v7 =	vmul.f32 v7, v2;
	v11 =	vsub.f32 v12, v3  }
0x1f4: {  	v4 =	vand.u32 $0xFF, v4;
	v12 =	vld [tilespmem:s28+$0x20]  }
0x1f5: {  	[tilespmem:v6+s18+$0x0] =	vst.idx.add.f32.msk $0xffff, v1;
	v5 =	vand.u32 $0xFF, v5;
	v6 =	vadd.f32 $8.388607500e+06, v7;
	v7 =	vmul.f32 v11, v2  }
0x1f6: {  	v11 =	vld [tilespmem:s26+$0x40];
	v8 =	vsub.f32 v8, v3  }
0x1f7: {  	v10 =	vsub.f32 v10, v3;
	[tilespmem:v9+s18+$0x0] =	vst.idx.add.f32.msk $0xffff, v1;
	v6 =	vand.u32 $0xFF, v6;
	v7 =	vadd.f32 $8.388607500e+06, v7  }
0x1f8: {  	v9 =	vld [tilespmem:s25+$0x60];
	v8 =	vmul.f32 v8, v2  }
0x1f9: {  	v10 =	vmul.f32 v10, v2;
	v12 =	vsub.f32 v12, v3;
	v13 =	vld [tilespmem:s22+$0x430];
	v7 =	vand.u32 $0xFF, v7  }
0x1fa: {  	[tilespmem:v5+s18+$0x0] =	vst.idx.add.f32.msk $0xffff, v1;
	v5 =	vadd.f32 $8.388607500e+06, v8  }
0x1fb: {  	v8 =	vadd.f32 $8.388607500e+06, v10;
	v10 =	vmul.f32 v12, v2;
	v11 =	vsub.f32 v11, v3;
	v12 =	vld [tilespmem:s24+$0x400]  }
0x1fc: {  	[tilespmem:v6+s18+$0x0] =	vst.idx.add.f32.msk $0xffff, v1;
	v5 =	vand.u32 $0xFF, v5  }
0x1fd: {  	v6 =	vand.u32 $0xFF, v8;
	v8 =	vadd.f32 $8.388607500e+06, v10;
	v10 =	vmul.f32 v11, v2;
	v11 =	vld [tilespmem:s23+$0x420]  }
0x1fe: {  	v9 =	vsub.f32 v9, v3;
	v13 =	vsub.f32 v13, v3;
	[tilespmem:v7+s18+$0x0] =	vst.idx.add.f32.msk $0xffff, v1  }
0x1ff: {  	v7 =	vand.u32 $0xFF, v8;
	v8 =	vadd.f32 $8.388607500e+06, v10;
	[tilespmem:v4+s18+$0x0] =	vst.idx.add.f32.msk $0xffff, v1  }
0x200: {  	v4 =	vmul.f32 v9, v2;
	v9 =	vsub.f32 v12, v3;
	v10 =	vmul.f32 v13, v2;
	v12 =	vld [tilespmem:s21+$0x450]  }
0x201: {  	v8 =	vand.u32 $0xFF, v8;
	[tilespmem:v5+s18+$0x0] =	vst.idx.add.f32.msk $0xffff, v1  }
0x202: {  	v4 =	vadd.f32 $8.388607500e+06, v4;
	[tilespmem:v6+s18+$0x0] =	vst.idx.add.f32.msk $0xffff, v1;
	v5 =	vmul.f32 v9, v2;
	v6 =	vsub.f32 v11, v3  }
0x203: {  	v10 =	vadd.f32 $8.388607500e+06, v10;
	v9 =	vld [tilespmem:s31+$0x10]  }
0x204: {  	v4 =	vand.u32 $0xFF, v4;
	[tilespmem:v7+s18+$0x0] =	vst.idx.add.f32.msk $0xffff, v1;
	v5 =	vadd.f32 $8.388607500e+06, v5;
	v6 =	vmul.f32 v6, v2  }
0x205: {  	v7 =	vld [tilespmem:s28+$0x30];
	v11 =	vsub.f32 v12, v3  }
0x206: {  	[tilespmem:v8+s18+$0x0] =	vst.idx.add.f32.msk $0xffff, v1;
	v5 =	vand.u32 $0xFF, v5;
	v6 =	vadd.f32 $8.388607500e+06, v6  }
0x207: {  	v13 =	vand.u32 $0xFF, v10;
	v12 =	vld [tilespmem:s26+$0x50];
	v8 =	vmul.f32 v11, v2  }
0x208: {  	v9 =	vsub.f32 v9, v3;
	v6 =	vand.u32 $0xFF, v6;
	v14 =	vld [tilespmem:s20+$0x470];
	s20 =	smov.u32 s21;
	s21 =	smov.u32 s22;
	s22 =	smov.u32 s23  }
.Ltmp4:
0x209: {  	s23 =	smov.u32 s24;
	s24 =	smov.u32 s25;
	[tilespmem:v4+s18+$0x0] =	vst.idx.add.f32.msk $0xffff, v1;
	v4 =	vadd.f32 $8.388607500e+06, v8;
	(pc) =	sbr.rel @p0 .LBB2_10-.Ltmp4, $4  }
0x20a: {  	s25 =	smov.u32 s26;
	s26 =	smov.u32 s28;
	s28 =	smov.u32 s31;
	v9 =	vmul.f32 v9, v2;
	v7 =	vsub.f32 v7, v3;
	v8 =	vld [tilespmem:s24+$0x70]  }
0x20b: {  	[tilespmem:v5+s18+$0x0] =	vst.idx.add.f32.msk $0xffff, v1;
	v5 =	vand.u32 $0xFF, v4  }
0x20c: {  	v11 =	vadd.f32 $8.388607500e+06, v9;
	v10 =	vmul.f32 v7, v2;
	v9 =	vsub.f32 v12, v3;
	v7 =	vld [tilespmem:s23+$0x410]  }
0x20d: {  	s29 =	sadd.s32 $0x2000, s29;
	s31 =	smov.u32 s30;
	[tilespmem:v13+s18+$0x0] =	vst.idx.add.f32.msk $0xffff, v1;
	v4 =	vsub.f32 v14, v3  }
0x20e: {  	v11 =	vand.u32 $0xFF, v11;
	_ =	sdelay $0x4  }
0x20f: {  	[tilespmem:v11+s18+$0x0] =	vst.idx.add.f32.msk $0xffff, v1  }
0x210: {  	v11 =	vld [tilespmem:s28+$0x20];
	_ =	sdelay $0x4  }
0x211: {  	v11 =	vsub.f32 v11, v3;
	_ =	sdelay $0x1  }
0x212: {  	v11 =	vmul.f32 v11, v2;
	_ =	sdelay $0x1  }
0x213: {  	v11 =	vadd.f32 $8.388607500e+06, v11;
	_ =	sdelay $0x1  }
0x214: {  	v11 =	vand.u32 $0xFF, v11;
	_ =	sdelay $0x4  }
0x215: {  	[tilespmem:v11+s18+$0x0] =	vst.idx.add.f32.msk $0xffff, v1  }
0x216: {  	v11 =	vld [tilespmem:s28+$0x30];
	_ =	sdelay $0x4  }
0x217: {  	v11 =	vsub.f32 v11, v3;
	_ =	sdelay $0x1  }
0x218: {  	v10 =	vadd.f32 $8.388607500e+06, v10;
	v11 =	vmul.f32 v11, v2;
	_ =	sdelay $0x1  }
0x219: {  	v10 =	vand.u32 $0xFF, v10;
	v11 =	vadd.f32 $8.388607500e+06, v11;
	_ =	sdelay $0x1  }
0x21a: {  	v11 =	vand.u32 $0xFF, v11;
	_ =	sdelay $0x2  }
0x21b: {  	[tilespmem:v10+s18+$0x0] =	vst.idx.add.f32.msk $0xffff, v1  }
0x21c: {  	v10 =	vld [tilespmem:s26+$0x40]  }
0x21d: {  	[tilespmem:v11+s18+$0x0] =	vst.idx.add.f32.msk $0xffff, v1  }
0x21e: {  	v11 =	vld [tilespmem:s28+$0x40];
	_ =	sdelay $0x2  }
0x21f: {  	v10 =	vsub.f32 v10, v3;
	_ =	sdelay $0x1  }
0x220: {  	v10 =	vmul.f32 v10, v2;
	v11 =	vsub.f32 v11, v3;
	_ =	sdelay $0x1  }
0x221: {  	v10 =	vadd.f32 $8.388607500e+06, v10;
	v11 =	vmul.f32 v11, v2;
	_ =	sdelay $0x1  }
0x222: {  	v10 =	vand.u32 $0xFF, v10;
	v11 =	vadd.f32 $8.388607500e+06, v11;
	_ =	sdelay $0x1  }
0x223: {  	v11 =	vand.u32 $0xFF, v11;
	_ =	sdelay $0x2  }
0x224: {  	[tilespmem:v10+s18+$0x0] =	vst.idx.add.f32.msk $0xffff, v1  }
0x225: {  	v10 =	vld [tilespmem:s26+$0x50]  }
0x226: {  	[tilespmem:v11+s18+$0x0] =	vst.idx.add.f32.msk $0xffff, v1  }
0x227: {  	v11 =	vld [tilespmem:s28+$0x50];
	_ =	sdelay $0x2  }
0x228: {  	v9 =	vmul.f32 v9, v2;
	v10 =	vsub.f32 v10, v3;
	_ =	sdelay $0x1  }
0x229: {  	v9 =	vadd.f32 $8.388607500e+06, v9;
	v10 =	vmul.f32 v10, v2;
	v11 =	vsub.f32 v11, v3;
	_ =	sdelay $0x1  }
0x22a: {  	v9 =	vand.u32 $0xFF, v9;
	v10 =	vadd.f32 $8.388607500e+06, v10;
	v11 =	vmul.f32 v11, v2;
	_ =	sdelay $0x1  }
0x22b: {  	v10 =	vand.u32 $0xFF, v10;
	v11 =	vadd.f32 $8.388607500e+06, v11;
	_ =	sdelay $0x1  }
0x22c: {  	v11 =	vand.u32 $0xFF, v11  }
0x22d: {  	[tilespmem:v9+s18+$0x0] =	vst.idx.add.f32.msk $0xffff, v1  }
0x22e: {  	v9 =	vld [tilespmem:s25+$0x60]  }
0x22f: {  	[tilespmem:v10+s18+$0x0] =	vst.idx.add.f32.msk $0xffff, v1  }
0x230: {  	v10 =	vld [tilespmem:s26+$0x60]  }
0x231: {  	[tilespmem:v11+s18+$0x0] =	vst.idx.add.f32.msk $0xffff, v1  }
0x232: {  	v11 =	vld [tilespmem:s28+$0x60]  }
0x233: {  	v9 =	vsub.f32 v9, v3;
	_ =	sdelay $0x1  }
0x234: {  	v9 =	vmul.f32 v9, v2;
	v10 =	vsub.f32 v10, v3;
	_ =	sdelay $0x1  }
0x235: {  	v9 =	vadd.f32 $8.388607500e+06, v9;
	v10 =	vmul.f32 v10, v2;
	v11 =	vsub.f32 v11, v3;
	_ =	sdelay $0x1  }
0x236: {  	v9 =	vand.u32 $0xFF, v9;
	v10 =	vadd.f32 $8.388607500e+06, v10;
	v11 =	vmul.f32 v11, v2;
	_ =	sdelay $0x1  }
0x237: {  	v10 =	vand.u32 $0xFF, v10;
	v11 =	vadd.f32 $8.388607500e+06, v11;
	_ =	sdelay $0x1  }
0x238: {  	v11 =	vand.u32 $0xFF, v11  }
0x239: {  	[tilespmem:v9+s18+$0x0] =	vst.idx.add.f32.msk $0xffff, v1  }
0x23a: {  	v9 =	vld [tilespmem:s25+$0x70]  }
0x23b: {  	[tilespmem:v10+s18+$0x0] =	vst.idx.add.f32.msk $0xffff, v1  }
0x23c: {  	v8 =	vsub.f32 v8, v3;
	v10 =	vld [tilespmem:s26+$0x70]  }
0x23d: {  	[tilespmem:v11+s18+$0x0] =	vst.idx.add.f32.msk $0xffff, v1  }
0x23e: {  	v8 =	vmul.f32 v8, v2;
	v11 =	vld [tilespmem:s28+$0x70]  }
0x23f: {  	v9 =	vsub.f32 v9, v3  }
0x240: {  	v8 =	vadd.f32 $8.388607500e+06, v8  }
0x241: {  	v9 =	vmul.f32 v9, v2;
	v10 =	vsub.f32 v10, v3  }
0x242: {  	v8 =	vand.u32 $0xFF, v8  }
0x243: {  	v9 =	vadd.f32 $8.388607500e+06, v9;
	v10 =	vmul.f32 v10, v2;
	v11 =	vsub.f32 v11, v3;
	_ =	sdelay $0x1  }
0x244: {  	v9 =	vand.u32 $0xFF, v9;
	v10 =	vadd.f32 $8.388607500e+06, v10;
	v11 =	vmul.f32 v11, v2;
	_ =	sdelay $0x1  }
0x245: {  	[tilespmem:v8+s18+$0x0] =	vst.idx.add.f32.msk $0xffff, v1;
	v8 =	vand.u32 $0xFF, v10;
	v10 =	vadd.f32 $8.388607500e+06, v11  }
0x246: {  	v11 =	vld [tilespmem:s24+$0x400]  }
0x247: {  	v10 =	vand.u32 $0xFF, v10  }
0x248: {  	[tilespmem:v9+s18+$0x0] =	vst.idx.add.f32.msk $0xffff, v1  }
0x249: {  	v9 =	vld [tilespmem:s25+$0x400]  }
0x24a: {  	[tilespmem:v8+s18+$0x0] =	vst.idx.add.f32.msk $0xffff, v1  }
0x24b: {  	v8 =	vsub.f32 v11, v3;
	v11 =	vld [tilespmem:s26+$0x400]  }
0x24c: {  	[tilespmem:v10+s18+$0x0] =	vst.idx.add.f32.msk $0xffff, v1  }
0x24d: {  	v8 =	vmul.f32 v8, v2;
	v10 =	vld [tilespmem:s28+$0x400]  }
0x24e: {  	v9 =	vsub.f32 v9, v3  }
0x24f: {  	v8 =	vadd.f32 $8.388607500e+06, v8  }
0x250: {  	v9 =	vmul.f32 v9, v2;
	v11 =	vsub.f32 v11, v3  }
0x251: {  	v8 =	vand.u32 $0xFF, v8  }
0x252: {  	v9 =	vadd.f32 $8.388607500e+06, v9;
	v11 =	vmul.f32 v11, v2;
	v10 =	vsub.f32 v10, v3;
	_ =	sdelay $0x1  }
0x253: {  	v9 =	vand.u32 $0xFF, v9;
	v11 =	vadd.f32 $8.388607500e+06, v11;
	v10 =	vmul.f32 v10, v2;
	_ =	sdelay $0x1  }
0x254: {  	[tilespmem:v8+s18+$0x0] =	vst.idx.add.f32.msk $0xffff, v1;
	v8 =	vand.u32 $0xFF, v11;
	v10 =	vadd.f32 $8.388607500e+06, v10  }
0x255: {  	v11 =	vld [tilespmem:s24+$0x410]  }
0x256: {  	v10 =	vand.u32 $0xFF, v10  }
0x257: {  	[tilespmem:v9+s18+$0x0] =	vst.idx.add.f32.msk $0xffff, v1  }
0x258: {  	v7 =	vsub.f32 v7, v3;
	v9 =	vld [tilespmem:s25+$0x410]  }
0x259: {  	[tilespmem:v8+s18+$0x0] =	vst.idx.add.f32.msk $0xffff, v1  }
0x25a: {  	v7 =	vmul.f32 v7, v2;
	v8 =	vsub.f32 v11, v3;
	v11 =	vld [tilespmem:s26+$0x410]  }
0x25b: {  	[tilespmem:v10+s18+$0x0] =	vst.idx.add.f32.msk $0xffff, v1  }
0x25c: {  	v7 =	vadd.f32 $8.388607500e+06, v7;
	v8 =	vmul.f32 v8, v2;
	v10 =	vld [tilespmem:s28+$0x410]  }
0x25d: {  	v9 =	vsub.f32 v9, v3  }
0x25e: {  	v7 =	vand.u32 $0xFF, v7;
	v8 =	vadd.f32 $8.388607500e+06, v8  }
0x25f: {  	v9 =	vmul.f32 v9, v2;
	v11 =	vsub.f32 v11, v3  }
0x260: {  	v8 =	vand.u32 $0xFF, v8  }
0x261: {  	v9 =	vadd.f32 $8.388607500e+06, v9;
	v11 =	vmul.f32 v11, v2;
	v10 =	vsub.f32 v10, v3;
	_ =	sdelay $0x1  }
0x262: {  	[tilespmem:v7+s18+$0x0] =	vst.idx.add.f32.msk $0xffff, v1;
	v7 =	vand.u32 $0xFF, v9;
	v9 =	vadd.f32 $8.388607500e+06, v11;
	v10 =	vmul.f32 v10, v2  }
0x263: {  	v11 =	vld [tilespmem:s23+$0x420]  }
0x264: {  	[tilespmem:v8+s18+$0x0] =	vst.idx.add.f32.msk $0xffff, v1;
	v8 =	vand.u32 $0xFF, v9;
	v9 =	vadd.f32 $8.388607500e+06, v10  }
0x265: {  	v10 =	vld [tilespmem:s24+$0x420]  }
0x266: {  	v9 =	vand.u32 $0xFF, v9  }
0x267: {  	[tilespmem:v7+s18+$0x0] =	vst.idx.add.f32.msk $0xffff, v1  }
0x268: {  	v7 =	vsub.f32 v11, v3;
	v11 =	vld [tilespmem:s25+$0x420]  }
0x269: {  	[tilespmem:v8+s18+$0x0] =	vst.idx.add.f32.msk $0xffff, v1  }
0x26a: {  	v7 =	vmul.f32 v7, v2;
	v8 =	vsub.f32 v10, v3;
	v10 =	vld [tilespmem:s26+$0x420]  }
0x26b: {  	[tilespmem:v9+s18+$0x0] =	vst.idx.add.f32.msk $0xffff, v1  }
0x26c: {  	v7 =	vadd.f32 $8.388607500e+06, v7;
	v8 =	vmul.f32 v8, v2;
	v9 =	vld [tilespmem:s28+$0x420]  }
0x26d: {  	v11 =	vsub.f32 v11, v3  }
0x26e: {  	v7 =	vand.u32 $0xFF, v7;
	v8 =	vadd.f32 $8.388607500e+06, v8  }
0x26f: {  	v11 =	vmul.f32 v11, v2;
	v10 =	vsub.f32 v10, v3  }
0x270: {  	[tilespmem:v6+s18+$0x0] =	vst.idx.add.f32.msk $0xffff, v1;
	v8 =	vand.u32 $0xFF, v8  }
0x271: {  	v6 =	vadd.f32 $8.388607500e+06, v11;
	v11 =	vld [tilespmem:s22+$0x430];
	v10 =	vmul.f32 v10, v2;
	v9 =	vsub.f32 v9, v3;
	_ =	sdelay $0x1  }
0x272: {  	[tilespmem:v7+s18+$0x0] =	vst.idx.add.f32.msk $0xffff, v1;
	v6 =	vand.u32 $0xFF, v6;
	v7 =	vadd.f32 $8.388607500e+06, v10;
	v9 =	vmul.f32 v9, v2  }
0x273: {  	v10 =	vld [tilespmem:s23+$0x430]  }
0x274: {  	[tilespmem:v8+s18+$0x0] =	vst.idx.add.f32.msk $0xffff, v1;
	v7 =	vand.u32 $0xFF, v7;
	v8 =	vadd.f32 $8.388607500e+06, v9  }
0x275: {  	v11 =	vsub.f32 v11, v3;
	v9 =	vld [tilespmem:s24+$0x430]  }
0x276: {  	v8 =	vand.u32 $0xFF, v8  }
0x277: {  	[tilespmem:v6+s18+$0x0] =	vst.idx.add.f32.msk $0xffff, v1;
	v6 =	vmul.f32 v11, v2  }
0x278: {  	v10 =	vsub.f32 v10, v3;
	v11 =	vld [tilespmem:s25+$0x430]  }
0x279: {  	v6 =	vadd.f32 $8.388607500e+06, v6;
	[tilespmem:v7+s18+$0x0] =	vst.idx.add.f32.msk $0xffff, v1  }
0x27a: {  	v7 =	vmul.f32 v10, v2;
	v9 =	vsub.f32 v9, v3;
	v10 =	vld [tilespmem:s26+$0x430]  }
0x27b: {  	v6 =	vand.u32 $0xFF, v6;
	[tilespmem:v8+s18+$0x0] =	vst.idx.add.f32.msk $0xffff, v1  }
0x27c: {  	v7 =	vadd.f32 $8.388607500e+06, v7;
	v8 =	vmul.f32 v9, v2;
	v9 =	vld [tilespmem:s28+$0x430]  }
0x27d: {  	v11 =	vsub.f32 v11, v3  }
0x27e: {  	v7 =	vand.u32 $0xFF, v7;
	v8 =	vadd.f32 $8.388607500e+06, v8  }
0x27f: {  	v12 =	vld [tilespmem:s21+$0x440];
	v11 =	vmul.f32 v11, v2;
	v10 =	vsub.f32 v10, v3  }
0x280: {  	[tilespmem:v6+s18+$0x0] =	vst.idx.add.f32.msk $0xffff, v1;
	v8 =	vand.u32 $0xFF, v8  }
0x281: {  	v6 =	vadd.f32 $8.388607500e+06, v11;
	v11 =	vld [tilespmem:s22+$0x440];
	v10 =	vmul.f32 v10, v2;
	v9 =	vsub.f32 v9, v3;
	_ =	sdelay $0x1  }
0x282: {  	[tilespmem:v7+s18+$0x0] =	vst.idx.add.f32.msk $0xffff, v1;
	v6 =	vand.u32 $0xFF, v6;
	v7 =	vadd.f32 $8.388607500e+06, v10;
	v9 =	vmul.f32 v9, v2  }
0x283: {  	v10 =	vsub.f32 v12, v3;
	v55 =	vld [tilespmem:s23+$0x440]  }
0x284: {  	[tilespmem:v8+s18+$0x0] =	vst.idx.add.f32.msk $0xffff, v1;
	v7 =	vand.u32 $0xFF, v7;
	v8 =	vadd.f32 $8.388607500e+06, v9  }
0x285: {  	v11 =	vsub.f32 v11, v3;
	v9 =	vmul.f32 v10, v2;
	v10 =	vld [tilespmem:s24+$0x440]  }
0x286: {  	v8 =	vand.u32 $0xFF, v8  }
0x287: {  	[tilespmem:v6+s18+$0x0] =	vst.idx.add.f32.msk $0xffff, v1;
	v6 =	vmul.f32 v11, v2;
	v9 =	vadd.f32 $8.388607500e+06, v9  }
0x288: {  	v11 =	vsub.f32 v55, v3;
	v56 =	vld [tilespmem:s25+$0x440]  }
0x289: {  	v6 =	vadd.f32 $8.388607500e+06, v6;
	v9 =	vand.u32 $0xFF, v9;
	[tilespmem:v7+s18+$0x0] =	vst.idx.add.f32.msk $0xffff, v1  }
0x28a: {  	v7 =	vmul.f32 v11, v2;
	v10 =	vsub.f32 v10, v3;
	v11 =	vld [tilespmem:s26+$0x440]  }
0x28b: {  	v6 =	vand.u32 $0xFF, v6;
	[tilespmem:v8+s18+$0x0] =	vst.idx.add.f32.msk $0xffff, v1  }
0x28c: {  	v7 =	vadd.f32 $8.388607500e+06, v7;
	v8 =	vmul.f32 v10, v2;
	v10 =	vld [tilespmem:s28+$0x440]  }
0x28d: {  	v12 =	vsub.f32 v56, v3  }
0x28e: {  	v7 =	vand.u32 $0xFF, v7;
	[tilespmem:v9+s18+$0x0] =	vst.idx.add.f32.msk $0xffff, v1;
	v8 =	vadd.f32 $8.388607500e+06, v8  }
0x28f: {  	v12 =	vmul.f32 v12, v2;
	v9 =	vld [tilespmem:s21+$0x450];
	v11 =	vsub.f32 v11, v3  }
0x290: {  	[tilespmem:v6+s18+$0x0] =	vst.idx.add.f32.msk $0xffff, v1;
	v8 =	vand.u32 $0xFF, v8  }
0x291: {  	v6 =	vadd.f32 $8.388607500e+06, v12;
	v57 =	vld [tilespmem:s22+$0x450];
	v11 =	vmul.f32 v11, v2;
	v10 =	vsub.f32 v10, v3  }
0x292: {  	[tilespmem:v5+s18+$0x0] =	vst.idx.add.f32.msk $0xffff, v1  }
0x293: {  	[tilespmem:v7+s18+$0x0] =	vst.idx.add.f32.msk $0xffff, v1;
	v6 =	vand.u32 $0xFF, v6;
	v7 =	vadd.f32 $8.388607500e+06, v11;
	v10 =	vmul.f32 v10, v2  }
0x294: {  	v11 =	vld [tilespmem:s23+$0x450];
	v9 =	vsub.f32 v9, v3  }
0x295: {  	[tilespmem:v8+s18+$0x0] =	vst.idx.add.f32.msk $0xffff, v1;
	v7 =	vand.u32 $0xFF, v7;
	v8 =	vadd.f32 $8.388607500e+06, v10  }
0x296: {  	v5 =	vsub.f32 v57, v3;
	v9 =	vmul.f32 v9, v2;
	v10 =	vld [tilespmem:s24+$0x450]  }
0x297: {  	v8 =	vand.u32 $0xFF, v8  }
0x298: {  	[tilespmem:v6+s18+$0x0] =	vst.idx.add.f32.msk $0xffff, v1;
	v5 =	vmul.f32 v5, v2;
	v9 =	vadd.f32 $8.388607500e+06, v9  }
0x299: {  	v6 =	vsub.f32 v11, v3;
	v11 =	vld [tilespmem:s25+$0x450]  }
0x29a: {  	v5 =	vadd.f32 $8.388607500e+06, v5;
	v9 =	vand.u32 $0xFF, v9;
	[tilespmem:v7+s18+$0x0] =	vst.idx.add.f32.msk $0xffff, v1  }
0x29b: {  	v6 =	vmul.f32 v6, v2;
	v7 =	vsub.f32 v10, v3;
	v10 =	vld [tilespmem:s26+$0x450]  }
0x29c: {  	v5 =	vand.u32 $0xFF, v5;
	[tilespmem:v8+s18+$0x0] =	vst.idx.add.f32.msk $0xffff, v1  }
0x29d: {  	v6 =	vadd.f32 $8.388607500e+06, v6;
	v7 =	vmul.f32 v7, v2;
	v8 =	vld [tilespmem:s28+$0x450]  }
0x29e: {  	v58 =	vld [tilespmem:s20+$0x460];
	v11 =	vsub.f32 v11, v3  }
0x29f: {  	v6 =	vand.u32 $0xFF, v6;
	v7 =	vadd.f32 $8.388607500e+06, v7;
	[tilespmem:v9+s18+$0x0] =	vst.idx.add.f32.msk $0xffff, v1  }
0x2a0: {  	v9 =	vmul.f32 v11, v2;
	v10 =	vsub.f32 v10, v3;
	v11 =	vld [tilespmem:s21+$0x460]  }
0x2a1: {  	[tilespmem:v5+s18+$0x0] =	vst.idx.add.f32.msk $0xffff, v1;
	v7 =	vand.u32 $0xFF, v7  }
0x2a2: {  	v5 =	vadd.f32 $8.388607500e+06, v9;
	v59 =	vld [tilespmem:s22+$0x460];
	v9 =	vmul.f32 v10, v2;
	v8 =	vsub.f32 v8, v3  }
0x2a3: {  	v10 =	vsub.f32 v58, v3  }
0x2a4: {  	[tilespmem:v6+s18+$0x0] =	vst.idx.add.f32.msk $0xffff, v1;
	v5 =	vand.u32 $0xFF, v5;
	v6 =	vadd.f32 $8.388607500e+06, v9;
	v8 =	vmul.f32 v8, v2  }
0x2a5: {  	v9 =	vld [tilespmem:s23+$0x460]  }
0x2a6: {  	v10 =	vmul.f32 v10, v2;
	[tilespmem:v7+s18+$0x0] =	vst.idx.add.f32.msk $0xffff, v1;
	v6 =	vand.u32 $0xFF, v6;
	v7 =	vadd.f32 $8.388607500e+06, v8  }
0x2a7: {  	v12 =	vsub.f32 v59, v3;
	v8 =	vsub.f32 v11, v3;
	v11 =	vld [tilespmem:s24+$0x460]  }
0x2a8: {  	v10 =	vadd.f32 $8.388607500e+06, v10;
	v7 =	vand.u32 $0xFF, v7  }
0x2a9: {  	[tilespmem:v5+s18+$0x0] =	vst.idx.add.f32.msk $0xffff, v1;
	v12 =	vmul.f32 v12, v2  }
0x2aa: {  	v5 =	vand.u32 $0xFF, v10;
	v8 =	vmul.f32 v8, v2;
	v10 =	vld [tilespmem:s25+$0x460]  }
0x2ab: {  	v9 =	vsub.f32 v9, v3;
	v12 =	vadd.f32 $8.388607500e+06, v12;
	[tilespmem:v6+s18+$0x0] =	vst.idx.add.f32.msk $0xffff, v1  }
0x2ac: {  	v8 =	vadd.f32 $8.388607500e+06, v8;
	v6 =	vsub.f32 v11, v3;
	v11 =	vld [tilespmem:s26+$0x460]  }
0x2ad: {  	v9 =	vmul.f32 v9, v2;
	v12 =	vand.u32 $0xFF, v12;
	[tilespmem:v7+s18+$0x0] =	vst.idx.add.f32.msk $0xffff, v1  }
0x2ae: {  	v8 =	vand.u32 $0xFF, v8;
	v6 =	vmul.f32 v6, v2;
	v7 =	vld [tilespmem:s28+$0x460]  }
0x2af: {  	v9 =	vadd.f32 $8.388607500e+06, v9;
	v10 =	vsub.f32 v10, v3  }
0x2b0: {  	[tilespmem:v5+s18+$0x0] =	vst.idx.add.f32.msk $0xffff, v1;
	v5 =	vadd.f32 $8.388607500e+06, v6  }
0x2b1: {  	v9 =	vand.u32 $0xFF, v9;
	v6 =	vld [tilespmem:s20+$0x470];
	v10 =	vmul.f32 v10, v2;
	v11 =	vsub.f32 v11, v3  }
0x2b2: {  	[tilespmem:v12+s18+$0x0] =	vst.idx.add.f32.msk $0xffff, v1;
	v5 =	vand.u32 $0xFF, v5  }
0x2b3: {  	[tilespmem:v8+s18+$0x0] =	vst.idx.add.f32.msk $0xffff, v1;
	v10 =	vadd.f32 $8.388607500e+06, v10;
	v11 =	vmul.f32 v11, v2;
	v7 =	vsub.f32 v7, v3  }
0x2b4: {  	v12 =	vld [tilespmem:s22+$0x470]  }
0x2b5: {  	v8 =	vld [tilespmem:s21+$0x470];
	v10 =	vand.u32 $0xFF, v10;
	v11 =	vadd.f32 $8.388607500e+06, v11;
	v7 =	vmul.f32 v7, v2  }
0x2b6: {  	[tilespmem:v9+s18+$0x0] =	vst.idx.add.f32.msk $0xffff, v1  }
0x2b7: {  	v9 =	vld [tilespmem:s23+$0x470];
	v11 =	vand.u32 $0xFF, v11;
	v7 =	vadd.f32 $8.388607500e+06, v7  }
0x2b8: {  	[tilespmem:v5+s18+$0x0] =	vst.idx.add.f32.msk $0xffff, v1  }
0x2b9: {  	v5 =	vld [tilespmem:s24+$0x470];
	v7 =	vand.u32 $0xFF, v7  }
0x2ba: {  	[tilespmem:v10+s18+$0x0] =	vst.idx.add.f32.msk $0xffff, v1  }
0x2bb: {  	v6 =	vsub.f32 v6, v3;
	v10 =	vld [tilespmem:s25+$0x470]  }
0x2bc: {  	v4 =	vmul.f32 v4, v2;
	v8 =	vsub.f32 v8, v3;
	[tilespmem:v11+s18+$0x0] =	vst.idx.add.f32.msk $0xffff, v1  }
0x2bd: {  	v6 =	vmul.f32 v6, v2;
	v11 =	vld [tilespmem:s26+$0x470]  }
0x2be: {  	v4 =	vadd.f32 $8.388607500e+06, v4;
	v8 =	vmul.f32 v8, v2;
	[tilespmem:v7+s18+$0x0] =	vst.idx.add.f32.msk $0xffff, v1  }
0x2bf: {  	v6 =	vadd.f32 $8.388607500e+06, v6;
	v7 =	vsub.f32 v12, v3;
	v60 =	vld [tilespmem:s28+$0x470]  }
0x2c0: {  	v4 =	vand.u32 $0xFF, v4;
	v9 =	vsub.f32 v9, v3;
	v8 =	vadd.f32 $8.388607500e+06, v8  }
0x2c1: {  	v6 =	vand.u32 $0xFF, v6;
	v5 =	vsub.f32 v5, v3;
	v7 =	vmul.f32 v7, v2  }
0x2c2: {  	v9 =	vmul.f32 v9, v2;
	v8 =	vand.u32 $0xFF, v8;
	v10 =	vsub.f32 v10, v3  }
0x2c3: {  	v5 =	vmul.f32 v5, v2;
	v11 =	vsub.f32 v11, v3;
	v7 =	vadd.f32 $8.388607500e+06, v7  }
0x2c4: {  	v9 =	vadd.f32 $8.388607500e+06, v9;
	v10 =	vmul.f32 v10, v2;
	v12 =	vsub.f32 v60, v3  }
0x2c5: {  	v5 =	vadd.f32 $8.388607500e+06, v5;
	v11 =	vmul.f32 v11, v2;
	v7 =	vand.u32 $0xFF, v7  }
0x2c6: {  	v9 =	vand.u32 $0xFF, v9;
	v10 =	vadd.f32 $8.388607500e+06, v10;
	v12 =	vmul.f32 v12, v2  }
0x2c7: {  	[tilespmem:v4+s18+$0x0] =	vst.idx.add.f32.msk $0xffff, v1;
	v4 =	vand.u32 $0xFF, v5;
	v5 =	vadd.f32 $8.388607500e+06, v11  }
0x2c8: {  	[tilespmem:v6+s18+$0x0] =	vst.idx.add.f32.msk $0xffff, v1;
	v6 =	vand.u32 $0xFF, v10;
	v10 =	vadd.f32 $8.388607500e+06, v12  }
0x2c9: {  	[tilespmem:v8+s18+$0x0] =	vst.idx.add.f32.msk $0xffff, v1;
	v5 =	vand.u32 $0xFF, v5  }
0x2ca: {  	[tilespmem:v7+s18+$0x0] =	vst.idx.add.f32.msk $0xffff, v1;
	v7 =	vand.u32 $0xFF, v10  }
0x2cb: {  	[tilespmem:v9+s18+$0x0] =	vst.idx.add.f32.msk $0xffff, v1  }
0x2cc: {  	[tilespmem:v4+s18+$0x0] =	vst.idx.add.f32.msk $0xffff, v1  }
0x2cd: {  	[tilespmem:v6+s18+$0x0] =	vst.idx.add.f32.msk $0xffff, v1  }
0x2ce: {  	[tilespmem:v5+s18+$0x0] =	vst.idx.add.f32.msk $0xffff, v1  }
0x2cf: {  	s0 =	simm.s32 $0x0;
	[tilespmem:v7+s18+$0x0] =	vst.idx.add.f32.msk $0xffff, v1  }
0x2d0: {  	[tilespmem:s0], [sflag:$0x1] =	stream.linear.gather [hbm4b:s6+s0], $0x8000, $0x38;
	[tilespmem:$0x10220] =	vst v63  }
0x2d1: {  	s1 =	simm.s32 $0x0;
	s17 =	simm.s32 $0x0;
	s0 =	sand.u32 $0x2000, s0  }
0x2d2: {  	s1 =	sand.u32 $0x7000, s1;
	_ =	swait.ge [sflag:s14], $0x8000;
	s0 =	sshrl.u32 s0, $0x2  }
0x2d3: {  	s17 =	sand.u32 $0x380, s17;
	[sflag:s14] =	ssyncset.done $0x0;
	s0 =	sor.u32 s0, s1  }
0x2d4: {  	[sflag:s14] =	ssyncadd.s32 $0xFFFF8000;
	s29 =	sor.u32 s17, s0  }
0x2d5: {  	v4 =	vld [tilespmem:s29+$0x8000];
	_ =	sdelay $0x4  }
0x2d6: {  	v4 =	vsub.f32 v4, v3;
	_ =	sdelay $0x1  }
0x2d7: {  	v4 =	vmul.f32 v4, v2;
	_ =	sdelay $0x1  }
0x2d8: {  	v4 =	vadd.f32 $8.388607500e+06, v4;
	_ =	sdelay $0x1  }
0x2d9: {  	v4 =	vand.u32 $0xFF, v4;
	_ =	sdelay $0x2  }
0x2da: {  	s25 =	simm.s32 $0x2000  }
0x2db: {  	s26 =	simm.s32 $0x100;
	s0 =	sand.u32 $0x2000, s25  }
0x2dc: {  	s30 =	simm.s32 $0x40;
	s1 =	sand.u32 $0x7000, s26;
	s0 =	sshrl.u32 s0, $0x2;
	[tilespmem:v4+s18+$0x0] =	vst.idx.add.f32.msk $0xffff, v1  }
0x2dd: {  	s17 =	sand.u32 $0x380, s30;
	s0 =	sor.u32 s0, s1;
	v4 =	vld [tilespmem:s29+$0x8010]  }
0x2de: {  	s20 =	sor.u32 s17, s0  }
0x2df: {  	v5 =	vld [tilespmem:s20+$0x8000];
	_ =	sdelay $0x2  }
0x2e0: {  	v4 =	vsub.f32 v4, v3;
	_ =	sdelay $0x1  }
0x2e1: {  	v5 =	vsub.f32 v5, v3;
	v4 =	vmul.f32 v4, v2;
	_ =	sdelay $0x1  }
0x2e2: {  	v5 =	vmul.f32 v5, v2;
	v4 =	vadd.f32 $8.388607500e+06, v4;
	_ =	sdelay $0x1  }
0x2e3: {  	v5 =	vadd.f32 $8.388607500e+06, v5;
	v4 =	vand.u32 $0xFF, v4;
	_ =	sdelay $0x1  }
0x2e4: {  	v5 =	vand.u32 $0xFF, v5;
	_ =	sdelay $0x2  }
0x2e5: {  	[tilespmem:v4+s18+$0x0] =	vst.idx.add.f32.msk $0xffff, v1  }
0x2e6: {  	v4 =	vld [tilespmem:s29+$0x8020]  }
0x2e7: {  	[tilespmem:v5+s18+$0x0] =	vst.idx.add.f32.msk $0xffff, v1  }
0x2e8: {  	v5 =	vld [tilespmem:s20+$0x8010];
	_ =	sdelay $0x2  }
0x2e9: {  	v4 =	vsub.f32 v4, v3;
	_ =	sdelay $0x1  }
0x2ea: {  	v5 =	vsub.f32 v5, v3;
	v4 =	vmul.f32 v4, v2;
	_ =	sdelay $0x1  }
0x2eb: {  	v5 =	vmul.f32 v5, v2;
	v4 =	vadd.f32 $8.388607500e+06, v4  }
0x2ec: {  	s1 =	simm.s32 $0x4000  }
0x2ed: {  	s0 =	sand.u32 $0x2000, s1;
	s17 =	simm.s32 $0x200;
	v5 =	vadd.f32 $8.388607500e+06, v5;
	v4 =	vand.u32 $0xFF, v4  }
0x2ee: {  	s21 =	simm.s32 $0x80;
	s1 =	sand.u32 $0x7000, s17;
	s0 =	sshrl.u32 s0, $0x2  }
0x2ef: {  	s17 =	sand.u32 $0x380, s21;
	s0 =	sor.u32 s0, s1;
	v5 =	vand.u32 $0xFF, v5  }
0x2f0: {  	s21 =	sor.u32 s17, s0  }
0x2f1: {  	v6 =	vld [tilespmem:s21+$0x8000]  }
0x2f2: {  	[tilespmem:v4+s18+$0x0] =	vst.idx.add.f32.msk $0xffff, v1  }
0x2f3: {  	v4 =	vld [tilespmem:s29+$0x8030]  }
0x2f4: {  	[tilespmem:v5+s18+$0x0] =	vst.idx.add.f32.msk $0xffff, v1  }
0x2f5: {  	v5 =	vld [tilespmem:s20+$0x8020]  }
0x2f6: {  	v6 =	vsub.f32 v6, v3;
	_ =	sdelay $0x1  }
0x2f7: {  	v6 =	vmul.f32 v6, v2;
	v4 =	vsub.f32 v4, v3;
	_ =	sdelay $0x1  }
0x2f8: {  	v6 =	vadd.f32 $8.388607500e+06, v6;
	v5 =	vsub.f32 v5, v3;
	v4 =	vmul.f32 v4, v2;
	_ =	sdelay $0x1  }
0x2f9: {  	v6 =	vand.u32 $0xFF, v6;
	v5 =	vmul.f32 v5, v2;
	v4 =	vadd.f32 $8.388607500e+06, v4;
	_ =	sdelay $0x1  }
0x2fa: {  	v5 =	vadd.f32 $8.388607500e+06, v5;
	v4 =	vand.u32 $0xFF, v4;
	_ =	sdelay $0x1  }
0x2fb: {  	v5 =	vand.u32 $0xFF, v5  }
0x2fc: {  	[tilespmem:v6+s18+$0x0] =	vst.idx.add.f32.msk $0xffff, v1  }
0x2fd: {  	v6 =	vld [tilespmem:s21+$0x8010]  }
0x2fe: {  	[tilespmem:v4+s18+$0x0] =	vst.idx.add.f32.msk $0xffff, v1  }
0x2ff: {  	v4 =	vld [tilespmem:s29+$0x8040]  }
0x300: {  	[tilespmem:v5+s18+$0x0] =	vst.idx.add.f32.msk $0xffff, v1  }
0x301: {  	v5 =	vld [tilespmem:s20+$0x8030]  }
0x302: {  	v6 =	vsub.f32 v6, v3;
	_ =	sdelay $0x1  }
0x303: {  	s22 =	simm.s32 $0x6000;
	v6 =	vmul.f32 v6, v2;
	v4 =	vsub.f32 v4, v3  }
0x304: {  	s23 =	simm.s32 $0x300;
	s0 =	sand.u32 $0x2000, s22  }
0x305: {  	s24 =	simm.s32 $0xC0;
	s1 =	sand.u32 $0x7000, s23;
	s0 =	sshrl.u32 s0, $0x2;
	v6 =	vadd.f32 $8.388607500e+06, v6;
	v5 =	vsub.f32 v5, v3;
	v4 =	vmul.f32 v4, v2  }
0x306: {  	s17 =	sand.u32 $0x380, s24;
	s0 =	sor.u32 s0, s1  }
0x307: {  	s22 =	sor.u32 s17, s0;
	v6 =	vand.u32 $0xFF, v6;
	v5 =	vmul.f32 v5, v2;
	v4 =	vadd.f32 $8.388607500e+06, v4  }
0x308: {  	v7 =	vld [tilespmem:s22+$0x8000]  }
0x309: {  	v5 =	vadd.f32 $8.388607500e+06, v5;
	v4 =	vand.u32 $0xFF, v4;
	_ =	sdelay $0x1  }
0x30a: {  	v5 =	vand.u32 $0xFF, v5  }
0x30b: {  	[tilespmem:v6+s18+$0x0] =	vst.idx.add.f32.msk $0xffff, v1  }
0x30c: {  	v6 =	vsub.f32 v7, v3;
	v7 =	vld [tilespmem:s21+$0x8020]  }
0x30d: {  	[tilespmem:v4+s18+$0x0] =	vst.idx.add.f32.msk $0xffff, v1  }
0x30e: {  	v6 =	vmul.f32 v6, v2;
	v4 =	vld [tilespmem:s29+$0x8050]  }
0x30f: {  	[tilespmem:v5+s18+$0x0] =	vst.idx.add.f32.msk $0xffff, v1  }
0x310: {  	v5 =	vadd.f32 $8.388607500e+06, v6;
	v6 =	vld [tilespmem:s20+$0x8040]  }
0x311: {  	v7 =	vsub.f32 v7, v3  }
0x312: {  	v5 =	vand.u32 $0xFF, v5  }
0x313: {  	v7 =	vmul.f32 v7, v2;
	v4 =	vsub.f32 v4, v3;
	_ =	sdelay $0x1  }
0x314: {  	v7 =	vadd.f32 $8.388607500e+06, v7;
	v6 =	vsub.f32 v6, v3;
	v4 =	vmul.f32 v4, v2;
	_ =	sdelay $0x1  }
0x315: {  	[tilespmem:v5+s18+$0x0] =	vst.idx.add.f32.msk $0xffff, v1;
	v5 =	vmul.f32 v6, v2;
	v6 =	vand.u32 $0xFF, v7;
	v4 =	vadd.f32 $8.388607500e+06, v4  }
0x316: {  	v7 =	vld [tilespmem:s22+$0x8010]  }
0x317: {  	v5 =	vadd.f32 $8.388607500e+06, v5;
	v4 =	vand.u32 $0xFF, v4;
	_ =	sdelay $0x1  }
0x318: {  	v5 =	vand.u32 $0xFF, v5  }
0x319: {  	[tilespmem:v6+s18+$0x0] =	vst.idx.add.f32.msk $0xffff, v1  }
0x31a: {  	v6 =	vsub.f32 v7, v3;
	v7 =	vld [tilespmem:s21+$0x8030]  }
0x31b: {  	[tilespmem:v4+s18+$0x0] =	vst.idx.add.f32.msk $0xffff, v1  }
0x31c: {  	v6 =	vmul.f32 v6, v2;
	v4 =	vld [tilespmem:s29+$0x8060]  }
0x31d: {  	[tilespmem:v5+s18+$0x0] =	vst.idx.add.f32.msk $0xffff, v1  }
0x31e: {  	v5 =	vadd.f32 $8.388607500e+06, v6;
	v6 =	vld [tilespmem:s20+$0x8050]  }
0x31f: {  	s25 =	simm.s32 $0x8000;
	v7 =	vsub.f32 v7, v3  }
0x320: {  	s26 =	simm.s32 $0x400;
	s0 =	sand.u32 $0x2000, s25;
	v5 =	vand.u32 $0xFF, v5  }
0x321: {  	s30 =	simm.s32 $0x100;
	s1 =	sand.u32 $0x7000, s26;
	s0 =	sshrl.u32 s0, $0x2;
	v7 =	vmul.f32 v7, v2;
	v4 =	vsub.f32 v4, v3  }
0x322: {  	s17 =	sand.u32 $0x380, s30;
	s0 =	sor.u32 s0, s1  }
0x323: {  	s23 =	sor.u32 s17, s0;
	v6 =	vsub.f32 v6, v3;
	v7 =	vadd.f32 $8.388607500e+06, v7;
	v4 =	vmul.f32 v4, v2  }
0x324: {  	v8 =	vld [tilespmem:s23+$0x8000]  }
0x325: {  	[tilespmem:v5+s18+$0x0] =	vst.idx.add.f32.msk $0xffff, v1;
	v5 =	vmul.f32 v6, v2;
	v6 =	vand.u32 $0xFF, v7;
	v4 =	vadd.f32 $8.388607500e+06, v4  }
0x326: {  	v7 =	vld [tilespmem:s22+$0x8020]  }
0x327: {  	v5 =	vadd.f32 $8.388607500e+06, v5;
	v4 =	vand.u32 $0xFF, v4;
	_ =	sdelay $0x1  }
0x328: {  	v8 =	vsub.f32 v8, v3;
	v5 =	vand.u32 $0xFF, v5  }
0x329: {  	[tilespmem:v6+s18+$0x0] =	vst.idx.add.f32.msk $0xffff, v1  }
0x32a: {  	v8 =	vmul.f32 v8, v2;
	v6 =	vsub.f32 v7, v3;
	v7 =	vld [tilespmem:s21+$0x8040]  }
0x32b: {  	[tilespmem:v4+s18+$0x0] =	vst.idx.add.f32.msk $0xffff, v1  }
0x32c: {  	v8 =	vadd.f32 $8.388607500e+06, v8;
	v6 =	vmul.f32 v6, v2;
	v4 =	vld [tilespmem:s29+$0x8070]  }
0x32d: {  	[tilespmem:v5+s18+$0x0] =	vst.idx.add.f32.msk $0xffff, v1  }
0x32e: {  	v8 =	vand.u32 $0xFF, v8;
	v5 =	vadd.f32 $8.388607500e+06, v6;
	v6 =	vld [tilespmem:s20+$0x8060]  }
0x32f: {  	v7 =	vsub.f32 v7, v3  }
0x330: {  	v5 =	vand.u32 $0xFF, v5  }
0x331: {  	v7 =	vmul.f32 v7, v2;
	v4 =	vsub.f32 v4, v3;
	_ =	sdelay $0x1  }
0x332: {  	[tilespmem:v8+s18+$0x0] =	vst.idx.add.f32.msk $0xffff, v1;
	v6 =	vsub.f32 v6, v3;
	v7 =	vadd.f32 $8.388607500e+06, v7;
	v4 =	vmul.f32 v4, v2  }
0x333: {  	v8 =	vld [tilespmem:s23+$0x8010]  }
0x334: {  	[tilespmem:v5+s18+$0x0] =	vst.idx.add.f32.msk $0xffff, v1;
	v5 =	vmul.f32 v6, v2;
	v6 =	vand.u32 $0xFF, v7;
	v4 =	vadd.f32 $8.388607500e+06, v4  }
0x335: {  	v7 =	vld [tilespmem:s22+$0x8030]  }
0x336: {  	v5 =	vadd.f32 $8.388607500e+06, v5;
	v4 =	vand.u32 $0xFF, v4;
	_ =	sdelay $0x1  }
0x337: {  	v8 =	vsub.f32 v8, v3;
	v5 =	vand.u32 $0xFF, v5  }
0x338: {  	[tilespmem:v6+s18+$0x0] =	vst.idx.add.f32.msk $0xffff, v1  }
0x339: {  	v8 =	vmul.f32 v8, v2;
	v6 =	vsub.f32 v7, v3;
	v7 =	vld [tilespmem:s21+$0x8050]  }
0x33a: {  	[tilespmem:v4+s18+$0x0] =	vst.idx.add.f32.msk $0xffff, v1  }
0x33b: {  	s1 =	simm.s32 $0xA000;
	v8 =	vadd.f32 $8.388607500e+06, v8;
	v6 =	vmul.f32 v6, v2;
	v4 =	vld [tilespmem:s29+$0x8400]  }
0x33c: {  	s0 =	sand.u32 $0x2000, s1;
	s17 =	simm.s32 $0x500;
	[tilespmem:v5+s18+$0x0] =	vst.idx.add.f32.msk $0xffff, v1  }
0x33d: {  	s24 =	simm.s32 $0x140;
	s1 =	sand.u32 $0x7000, s17;
	s0 =	sshrl.u32 s0, $0x2;
	v8 =	vand.u32 $0xFF, v8;
	v5 =	vadd.f32 $8.388607500e+06, v6;
	v6 =	vld [tilespmem:s20+$0x8070]  }
0x33e: {  	s17 =	sand.u32 $0x380, s24;
	s0 =	sor.u32 s0, s1;
	v7 =	vsub.f32 v7, v3  }
0x33f: {  	s24 =	sor.u32 s17, s0;
	v5 =	vand.u32 $0xFF, v5  }
0x340: {  	v9 =	vld [tilespmem:s24+$0x8000];
	v7 =	vmul.f32 v7, v2;
	v4 =	vsub.f32 v4, v3;
	_ =	sdelay $0x1  }
0x341: {  	[tilespmem:v8+s18+$0x0] =	vst.idx.add.f32.msk $0xffff, v1;
	v6 =	vsub.f32 v6, v3;
	v7 =	vadd.f32 $8.388607500e+06, v7;
	v4 =	vmul.f32 v4, v2  }
0x342: {  	v8 =	vld [tilespmem:s23+$0x8020]  }
0x343: {  	[tilespmem:v5+s18+$0x0] =	vst.idx.add.f32.msk $0xffff, v1;
	v5 =	vmul.f32 v6, v2;
	v6 =	vand.u32 $0xFF, v7;
	v4 =	vadd.f32 $8.388607500e+06, v4  }
0x344: {  	v9 =	vsub.f32 v9, v3;
	v7 =	vld [tilespmem:s22+$0x8040]  }
0x345: {  	v4 =	vand.u32 $0xFF, v4  }
0x346: {  	v9 =	vmul.f32 v9, v2  }
0x347: {  	v8 =	vsub.f32 v8, v3;
	v5 =	vadd.f32 $8.388607500e+06, v5  }
0x348: {  	v9 =	vadd.f32 $8.388607500e+06, v9;
	[tilespmem:v6+s18+$0x0] =	vst.idx.add.f32.msk $0xffff, v1  }
0x349: {  	v8 =	vmul.f32 v8, v2;
	v5 =	vand.u32 $0xFF, v5;
	v6 =	vsub.f32 v7, v3;
	v7 =	vld [tilespmem:s21+$0x8060]  }
0x34a: {  	[tilespmem:v4+s18+$0x0] =	vst.idx.add.f32.msk $0xffff, v1  }
0x34b: {  	v9 =	vand.u32 $0xFF, v9;
	v8 =	vadd.f32 $8.388607500e+06, v8;
	v4 =	vld [tilespmem:s29+$0x8410]  }
0x34c: {  	v6 =	vmul.f32 v6, v2  }
0x34d: {  	v8 =	vand.u32 $0xFF, v8  }
0x34e: {  	[tilespmem:v5+s18+$0x0] =	vst.idx.add.f32.msk $0xffff, v1;
	v5 =	vadd.f32 $8.388607500e+06, v6  }
0x34f: {  	v7 =	vsub.f32 v7, v3  }
0x350: {  	[tilespmem:v9+s18+$0x0] =	vst.idx.add.f32.msk $0xffff, v1;
	v5 =	vand.u32 $0xFF, v5;
	v4 =	vsub.f32 v4, v3  }
0x351: {  	v9 =	vld [tilespmem:s24+$0x8010];
	v7 =	vmul.f32 v7, v2  }
0x352: {  	[tilespmem:v8+s18+$0x0] =	vst.idx.add.f32.msk $0xffff, v1;
	v4 =	vmul.f32 v4, v2  }
0x353: {  	v6 =	vld [tilespmem:s20+$0x8400];
	v7 =	vadd.f32 $8.388607500e+06, v7  }
0x354: {  	v8 =	vld [tilespmem:s23+$0x8030];
	v4 =	vadd.f32 $8.388607500e+06, v4  }
0x355: {  	[tilespmem:v5+s18+$0x0] =	vst.idx.add.f32.msk $0xffff, v1;
	v5 =	vand.u32 $0xFF, v7  }
0x356: {  	v4 =	vand.u32 $0xFF, v4  }
0x357: {  	v9 =	vsub.f32 v9, v3;
	v7 =	vld [tilespmem:s22+$0x8050]  }
0x358: {  	v6 =	vsub.f32 v6, v3  }
0x359: {  	v9 =	vmul.f32 v9, v2  }
0x35a: {  	v8 =	vsub.f32 v8, v3;
	v6 =	vmul.f32 v6, v2;
	[tilespmem:v5+s18+$0x0] =	vst.idx.add.f32.msk $0xffff, v1  }
0x35b: {  	v9 =	vadd.f32 $8.388607500e+06, v9;
	[tilespmem:v4+s18+$0x0] =	vst.idx.add.f32.msk $0xffff, v1  }
0x35c: {  	s25 =	simm.s32 $0xC000;
	v8 =	vmul.f32 v8, v2;
	v5 =	vsub.f32 v7, v3;
	v4 =	vadd.f32 $8.388607500e+06, v6;
	v6 =	vld [tilespmem:s29+$0x8420]  }
0x35d: {  	s26 =	simm.s32 $0x600;
	s0 =	sand.u32 $0x2000, s25;
	v9 =	vand.u32 $0xFF, v9  }
0x35e: {  	s30 =	simm.s32 $0x180;
	s1 =	sand.u32 $0x7000, s26;
	s0 =	sshrl.u32 s0, $0x2;
	v8 =	vadd.f32 $8.388607500e+06, v8;
	v7 =	vld [tilespmem:s21+$0x8070];
	v5 =	vmul.f32 v5, v2;
	v4 =	vand.u32 $0xFF, v4  }
0x35f: {  	s17 =	sand.u32 $0x380, s30;
	s0 =	sor.u32 s0, s1  }
0x360: {  	s25 =	sor.u32 s17, s0;
	v8 =	vand.u32 $0xFF, v8;
	v5 =	vadd.f32 $8.388607500e+06, v5  }
0x361: {  	v10 =	vld [tilespmem:s25+$0x8000];
	v6 =	vsub.f32 v6, v3  }
0x362: {  	[tilespmem:v9+s18+$0x0] =	vst.idx.add.f32.msk $0xffff, v1;
	v5 =	vand.u32 $0xFF, v5  }
0x363: {  	[tilespmem:v4+s18+$0x0] =	vst.idx.add.f32.msk $0xffff, v1;
	v4 =	vmul.f32 v6, v2;
	v6 =	vsub.f32 v7, v3  }
0x364: {  	v7 =	vld [tilespmem:s24+$0x8020]  }
0x365: {  	[tilespmem:v8+s18+$0x0] =	vst.idx.add.f32.msk $0xffff, v1;
	v4 =	vadd.f32 $8.388607500e+06, v4;
	v6 =	vmul.f32 v6, v2  }
0x366: {  	v9 =	vsub.f32 v10, v3;
	v8 =	vld [tilespmem:s23+$0x8040]  }
0x367: {  	[tilespmem:v5+s18+$0x0] =	vst.idx.add.f32.msk $0xffff, v1;
	v4 =	vand.u32 $0xFF, v4;
	v6 =	vadd.f32 $8.388607500e+06, v6  }
0x368: {  	v5 =	vmul.f32 v9, v2;
	v10 =	vld [tilespmem:s20+$0x8410]  }
0x369: {  	v9 =	vld [tilespmem:s22+$0x8060];
	v7 =	vsub.f32 v7, v3;
	v6 =	vand.u32 $0xFF, v6  }
0x36a: {  	v5 =	vadd.f32 $8.388607500e+06, v5  }
0x36b: {  	v8 =	vsub.f32 v8, v3;
	v7 =	vmul.f32 v7, v2  }
0x36c: {  	[tilespmem:v4+s18+$0x0] =	vst.idx.add.f32.msk $0xffff, v1;
	v4 =	vand.u32 $0xFF, v5  }
0x36d: {  	v8 =	vmul.f32 v8, v2;
	v5 =	vsub.f32 v10, v3;
	v7 =	vadd.f32 $8.388607500e+06, v7;
	v10 =	vld [tilespmem:s29+$0x8430]  }
0x36e: {  	[tilespmem:v6+s18+$0x0] =	vst.idx.add.f32.msk $0xffff, v1;
	v6 =	vsub.f32 v9, v3  }
0x36f: {  	v8 =	vadd.f32 $8.388607500e+06, v8;
	v5 =	vmul.f32 v5, v2;
	v7 =	vand.u32 $0xFF, v7;
	v9 =	vld [tilespmem:s21+$0x8400]  }
0x370: {  	v6 =	vmul.f32 v6, v2  }
0x371: {  	v8 =	vand.u32 $0xFF, v8;
	v5 =	vadd.f32 $8.388607500e+06, v5;
	[tilespmem:v4+s18+$0x0] =	vst.idx.add.f32.msk $0xffff, v1  }
0x372: {  	v4 =	vsub.f32 v10, v3;
	v6 =	vadd.f32 $8.388607500e+06, v6;
	v10 =	vld [tilespmem:s25+$0x8010]  }
0x373: {  	v5 =	vand.u32 $0xFF, v5  }
0x374: {  	[tilespmem:v7+s18+$0x0] =	vst.idx.add.f32.msk $0xffff, v1;
	v9 =	vsub.f32 v9, v3;
	v4 =	vmul.f32 v4, v2;
	v6 =	vand.u32 $0xFF, v6  }
0x375: {  	v7 =	vld [tilespmem:s24+$0x8030]  }
0x376: {  	[tilespmem:v8+s18+$0x0] =	vst.idx.add.f32.msk $0xffff, v1;
	v9 =	vmul.f32 v9, v2;
	v4 =	vadd.f32 $8.388607500e+06, v4  }
0x377: {  	v8 =	vld [tilespmem:s23+$0x8050];
	v10 =	vsub.f32 v10, v3  }
0x378: {  	[tilespmem:v5+s18+$0x0] =	vst.idx.add.f32.msk $0xffff, v1;
	v5 =	vadd.f32 $8.388607500e+06, v9;
	v4 =	vand.u32 $0xFF, v4  }
0x379: {  	[tilespmem:v6+s18+$0x0] =	vst.idx.add.f32.msk $0xffff, v1;
	v6 =	vmul.f32 v10, v2  }
0x37a: {  	v7 =	vsub.f32 v7, v3;
	v5 =	vand.u32 $0xFF, v5;
	v9 =	vld [tilespmem:s22+$0x8070]  }
0x37b: {  	v10 =	vld [tilespmem:s20+$0x8420];
	v6 =	vadd.f32 $8.388607500e+06, v6  }
0x37c: {  	s17 =	simm.s32 $0xE000;
	v8 =	vsub.f32 v8, v3;
	v7 =	vmul.f32 v7, v2  }
0x37d: {  	s26 =	simm.s32 $0x700;
	s0 =	sand.u32 $0x2000, s17;
	[tilespmem:v4+s18+$0x0] =	vst.idx.add.f32.msk $0xffff, v1;
	v4 =	vand.u32 $0xFF, v6  }
0x37e: {  	s30 =	simm.s32 $0x1C0;
	s1 =	sand.u32 $0x7000, s26;
	s0 =	sshrl.u32 s0, $0x2;
	v6 =	vadd.f32 $8.388607500e+06, v7;
	v7 =	vmul.f32 v8, v2;
	v8 =	vld [tilespmem:s29+$0x8440]  }
0x37f: {  	s17 =	sand.u32 $0x380, s30;
	s0 =	sor.u32 s0, s1;
	[tilespmem:v5+s18+$0x0] =	vst.idx.add.f32.msk $0xffff, v1;
	v5 =	vsub.f32 v9, v3  }
0x380: {  	s26 =	sor.u32 s17, s0;
	v9 =	vsub.f32 v10, v3;
	v6 =	vand.u32 $0xFF, v6;
	v7 =	vadd.f32 $8.388607500e+06, v7;
	v10 =	vld [tilespmem:s21+$0x8410]  }
0x381: {  	v11 =	vld [tilespmem:s26+$0x8000];
	v5 =	vmul.f32 v5, v2  }
0x382: {  	v9 =	vmul.f32 v9, v2;
	v7 =	vand.u32 $0xFF, v7;
	[tilespmem:v4+s18+$0x0] =	vst.idx.add.f32.msk $0xffff, v1  }
0x383: {  	v4 =	vadd.f32 $8.388607500e+06, v5;
	v5 =	vsub.f32 v8, v3;
	v8 =	vld [tilespmem:s25+$0x8020]  }
0x384: {  	v9 =	vadd.f32 $8.388607500e+06, v9  }
0x385: {  	[tilespmem:v6+s18+$0x0] =	vst.idx.add.f32.msk $0xffff, v1;
	v10 =	vsub.f32 v10, v3;
	v4 =	vand.u32 $0xFF, v4;
	v5 =	vmul.f32 v5, v2  }
0x386: {  	v11 =	vsub.f32 v11, v3;
	v6 =	vld [tilespmem:s24+$0x8040]  }
0x387: {  	v9 =	vand.u32 $0xFF, v9;
	[tilespmem:v7+s18+$0x0] =	vst.idx.add.f32.msk $0xffff, v1;
	v10 =	vmul.f32 v10, v2;
	v5 =	vadd.f32 $8.388607500e+06, v5  }
0x388: {  	v11 =	vmul.f32 v11, v2;
	v7 =	vld [tilespmem:s23+$0x8060];
	v8 =	vsub.f32 v8, v3  }
0x389: {  	v10 =	vadd.f32 $8.388607500e+06, v10;
	v5 =	vand.u32 $0xFF, v5  }
0x38a: {  	[tilespmem:v4+s18+$0x0] =	vst.idx.add.f32.msk $0xffff, v1;
	v4 =	vadd.f32 $8.388607500e+06, v11;
	v8 =	vmul.f32 v8, v2  }
0x38b: {  	v6 =	vsub.f32 v6, v3;
	v10 =	vand.u32 $0xFF, v10;
	v11 =	vld [tilespmem:s22+$0x8400]  }
0x38c: {  	[tilespmem:v9+s18+$0x0] =	vst.idx.add.f32.msk $0xffff, v1;
	v4 =	vand.u32 $0xFF, v4;
	v8 =	vadd.f32 $8.388607500e+06, v8  }
0x38d: {  	v9 =	vld [tilespmem:s20+$0x8430];
	v6 =	vmul.f32 v6, v2;
	v7 =	vsub.f32 v7, v3  }
0x38e: {  	[tilespmem:v5+s18+$0x0] =	vst.idx.add.f32.msk $0xffff, v1;
	v5 =	vand.u32 $0xFF, v8  }
0x38f: {  	v6 =	vadd.f32 $8.388607500e+06, v6;
	v7 =	vmul.f32 v7, v2;
	v8 =	vld [tilespmem:s29+$0x8450]  }
0x390: {  	[tilespmem:v10+s18+$0x0] =	vst.idx.add.f32.msk $0xffff, v1;
	v10 =	vsub.f32 v11, v3  }
0x391: {  	v6 =	vand.u32 $0xFF, v6;
	[tilespmem:v4+s18+$0x0] =	vst.idx.add.f32.msk $0xffff, v1;
	v4 =	vadd.f32 $8.388607500e+06, v7  }
0x392: {  	v7 =	vsub.f32 v9, v3;
	v9 =	vmul.f32 v10, v2;
	v10 =	vld [tilespmem:s26+$0x8010]  }
0x393: {  	[tilespmem:v5+s18+$0x0] =	vst.idx.add.f32.msk $0xffff, v1;
	v4 =	vand.u32 $0xFF, v4  }
0x394: {  	v5 =	vmul.f32 v7, v2;
	v7 =	vadd.f32 $8.388607500e+06, v9;
	v9 =	vld [tilespmem:s25+$0x8030];
	v8 =	vsub.f32 v8, v3  }
0x395: {  	v11 =	vld [tilespmem:s21+$0x8420]  }
0x396: {  	v5 =	vadd.f32 $8.388607500e+06, v5;
	[tilespmem:v6+s18+$0x0] =	vst.idx.add.f32.msk $0xffff, v1;
	v6 =	vand.u32 $0xFF, v7;
	v7 =	vmul.f32 v8, v2  }
0x397: {  	v8 =	vld [tilespmem:s24+$0x8050];
	v10 =	vsub.f32 v10, v3  }
0x398: {  	v5 =	vand.u32 $0xFF, v5;
	[tilespmem:v4+s18+$0x0] =	vst.idx.add.f32.msk $0xffff, v1;
	v4 =	vadd.f32 $8.388607500e+06, v7  }
0x399: {  	v7 =	vmul.f32 v10, v2;
	v9 =	vsub.f32 v9, v3;
	v10 =	vld [tilespmem:s23+$0x8070]  }
0x39a: {  	v4 =	vand.u32 $0xFF, v4  }
0x39b: {  	v11 =	vsub.f32 v11, v3;
	[tilespmem:v6+s18+$0x0] =	vst.idx.add.f32.msk $0xffff, v1;
	v6 =	vadd.f32 $8.388607500e+06, v7;
	v7 =	vmul.f32 v9, v2  }
0x39c: {  	s1 =	simm.s32 $0x10000;
	v8 =	vsub.f32 v8, v3;
	v9 =	vld [tilespmem:s22+$0x8410]  }
0x39d: {  	s0 =	sand.u32 $0x2000, s1;
	s17 =	simm.s32 $0x800;
	v11 =	vmul.f32 v11, v2;
	[tilespmem:v5+s18+$0x0] =	vst.idx.add.f32.msk $0xffff, v1;
	v5 =	vand.u32 $0xFF, v6;
	v6 =	vadd.f32 $8.388607500e+06, v7  }
0x39e: {  	s30 =	simm.s32 $0x200;
	s1 =	sand.u32 $0x7000, s17;
	s0 =	sshrl.u32 s0, $0x2;
	v7 =	vmul.f32 v8, v2;
	v8 =	vld [tilespmem:s20+$0x8440];
	v10 =	vsub.f32 v10, v3  }
0x39f: {  	s17 =	sand.u32 $0x380, s30;
	s0 =	sor.u32 s0, s1;
	v11 =	vadd.f32 $8.388607500e+06, v11;
	v6 =	vand.u32 $0xFF, v6;
	[tilespmem:v4+s18+$0x0] =	vst.idx.add.f32.msk $0xffff, v1  }
0x3a0: {  	s28 =	sor.u32 s17, s0;
	v4 =	vadd.f32 $8.388607500e+06, v7;
	v7 =	vmul.f32 v10, v2;
	v10 =	vld [tilespmem:s29+$0x8460]  }
0x3a1: {  	v61 =	vld [tilespmem:s28+$0x8000];
	v11 =	vand.u32 $0xFF, v11;
	v9 =	vsub.f32 v9, v3  }
0x3a2: {  	v4 =	vand.u32 $0xFF, v4;
	[tilespmem:v5+s18+$0x0] =	vst.idx.add.f32.msk $0xffff, v1;
	v5 =	vadd.f32 $8.388607500e+06, v7  }
0x3a3: {  	v8 =	vsub.f32 v8, v3;
	v7 =	vmul.f32 v9, v2;
	v9 =	vld [tilespmem:s26+$0x8020]  }
0x3a4: {  	[tilespmem:v6+s18+$0x0] =	vst.idx.add.f32.msk $0xffff, v1;
	v5 =	vand.u32 $0xFF, v5  }
0x3a5: {  	v6 =	vadd.f32 $8.388607500e+06, v7;
	v7 =	vmul.f32 v8, v2;
	v8 =	vld [tilespmem:s25+$0x8040];
	v10 =	vsub.f32 v10, v3  }
0x3a6: {  	[tilespmem:v11+s18+$0x0] =	vst.idx.add.f32.msk $0xffff, v1;
	v11 =	vsub.f32 v61, v3  }
0x3a7: {  	[tilespmem:v4+s18+$0x0] =	vst.idx.add.f32.msk $0xffff, v1;
	v4 =	vand.u32 $0xFF, v6;
	v6 =	vadd.f32 $8.388607500e+06, v7;
	v7 =	vmul.f32 v10, v2  }
0x3a8: {  	v11 =	vmul.f32 v11, v2;
	v10 =	vld [tilespmem:s24+$0x8060];
	v9 =	vsub.f32 v9, v3  }
0x3a9: {  	v6 =	vand.u32 $0xFF, v6;
	[tilespmem:v5+s18+$0x0] =	vst.idx.add.f32.msk $0xffff, v1;
	v5 =	vadd.f32 $8.388607500e+06, v7  }
0x3aa: {  	v7 =	vadd.f32 $8.388607500e+06, v11;
	v9 =	vmul.f32 v9, v2;
	v8 =	vsub.f32 v8, v3;
	v11 =	vld [tilespmem:s23+$0x8400]  }
0x3ab: {  	v62 =	vld [tilespmem:s21+$0x8430];
	v5 =	vand.u32 $0xFF, v5  }
0x3ac: {  	[tilespmem:v4+s18+$0x0] =	vst.idx.add.f32.msk $0xffff, v1;
	v4 =	vand.u32 $0xFF, v7;
	v7 =	vadd.f32 $8.388607500e+06, v9;
	v8 =	vmul.f32 v8, v2  }
0x3ad: {  	v10 =	vsub.f32 v10, v3;
	v9 =	vld [tilespmem:s22+$0x8420]  }
0x3ae: {  	[tilespmem:v6+s18+$0x0] =	vst.idx.add.f32.msk $0xffff, v1;
	v6 =	vand.u32 $0xFF, v7;
	v7 =	vadd.f32 $8.388607500e+06, v8  }
0x3af: {  	v8 =	vmul.f32 v10, v2;
	v10 =	vsub.f32 v11, v3;
	v11 =	vld [tilespmem:s20+$0x8450]  }
0x3b0: {  	v7 =	vand.u32 $0xFF, v7;
	[tilespmem:v5+s18+$0x0] =	vst.idx.add.f32.msk $0xffff, v1  }
0x3b1: {  	v5 =	vsub.f32 v62, v3;
	[tilespmem:v4+s18+$0x0] =	vst.idx.add.f32.msk $0xffff, v1;
	v4 =	vadd.f32 $8.388607500e+06, v8;
	v8 =	vmul.f32 v10, v2  }
0x3b2: {  	v10 =	vld [tilespmem:s28+$0x8010]  }
0x3b3: {  	v5 =	vmul.f32 v5, v2;
	[tilespmem:v6+s18+$0x0] =	vst.idx.add.f32.msk $0xffff, v1;
	v4 =	vand.u32 $0xFF, v4;
	v6 =	vadd.f32 $8.388607500e+06, v8  }
0x3b4: {  	v9 =	vsub.f32 v9, v3;
	v8 =	vld [tilespmem:s26+$0x8030]  }
0x3b5: {  	v5 =	vadd.f32 $8.388607500e+06, v5;
	[tilespmem:v7+s18+$0x0] =	vst.idx.add.f32.msk $0xffff, v1;
	v6 =	vand.u32 $0xFF, v6;
	v7 =	vsub.f32 v11, v3  }
0x3b6: {  	v14 =	vld [tilespmem:s29+$0x8470];
	v9 =	vmul.f32 v9, v2  }
0x3b7: {  	v63 =	vld [tilespmem:s25+$0x8050];
	v13 =	vand.u32 $0xFF, v5;
	v5 =	vsub.f32 v10, v3;
	v7 =	vmul.f32 v7, v2  }
0x3b8: {  	[tilespmem:v4+s18+$0x0] =	vst.idx.add.f32.msk $0xffff, v1;
	v4 =	vadd.f32 $8.388607500e+06, v9  }
0x3b9: {  	v5 =	vmul.f32 v5, v2;
	v9 =	vsub.f32 v8, v3;
	v8 =	vld [tilespmem:s24+$0x8070];
	v15 =	vadd.f32 $8.388607500e+06, v7  }
0x3ba: {  	[tilespmem:v6+s18+$0x0] =	vst.idx.add.f32.msk $0xffff, v1;
	v6 =	vand.u32 $0xFF, v4  }
0x3bb: {  	v4 =	vsub.f32 v14, v3;
	v11 =	vadd.f32 $8.388607500e+06, v5;
	v7 =	vld [tilespmem:s23+$0x8410];
	v5 =	vand.u32 $0xFF, v15  }
0x3bc: {  	s31 =	simm.s32 $0x9;
	s29 =	simm.s32 $0x12000;
	v10 =	vmul.f32 v9, v2;
	v9 =	vsub.f32 v63, v3;
	[tilespmem:v13+s18+$0x0] =	vst.idx.add.f32.msk $0xffff, v1  }
.LBB2_12:
0x3bd: {  	s0 =	sand.u32 $0x2000, s29  }
0x3be: {  	s1 =	sshll.u32 s31, $0x8;
	v11 =	vand.u32 $0xFF, v11;
	v10 =	vadd.f32 $8.388607500e+06, v10;
	v9 =	vmul.f32 v9, v2;
	v12 =	vld [tilespmem:s21+$0x8440];
	s17 =	smov.u32 s31;
	s30 =	sadd.s32 $0x1, s31  }
0x3bf: {  	s1 =	sand.u32 $0x7000, s1;
	s17 =	sshll.u32 s17, $0x6;
	s0 =	sshrl.u32 s0, $0x2;
	v8 =	vsub.f32 v8, v3;
	[tilespmem:v6+s18+$0x0] =	vst.idx.add.f32.msk $0xffff, v1;
	v4 =	vmul.f32 v4, v2  }
0x3c0: {  	p0 =	sne.s32 s31, $0x7F;
	s17 =	sand.u32 $0x380, s17;
	s0 =	sor.u32 s0, s1;
	v6 =	vand.u32 $0xFF, v10;
	v9 =	vadd.f32 $8.388607500e+06, v9;
	[tilespmem:v5+s18+$0x0] =	vst.idx.add.f32.msk $0xffff, v1  }
0x3c1: {  	s31 =	sor.u32 s17, s0;
	v5 =	vmul.f32 v8, v2;
	v7 =	vsub.f32 v7, v3;
	v8 =	vld [tilespmem:s20+$0x8460];
	v4 =	vadd.f32 $8.388607500e+06, v4  }
0x3c2: {  	v10 =	vld [tilespmem:s31+$0x8000];
	v9 =	vand.u32 $0xFF, v9  }
0x3c3: {  	[tilespmem:v11+s18+$0x0] =	vst.idx.add.f32.msk $0xffff, v1;
	v5 =	vadd.f32 $8.388607500e+06, v5;
	v7 =	vmul.f32 v7, v2;
	v11 =	vsub.f32 v12, v3  }
0x3c4: {  	v4 =	vand.u32 $0xFF, v4;
	v12 =	vld [tilespmem:s28+$0x8020]  }
0x3c5: {  	[tilespmem:v6+s18+$0x0] =	vst.idx.add.f32.msk $0xffff, v1;
	v5 =	vand.u32 $0xFF, v5;
	v6 =	vadd.f32 $8.388607500e+06, v7;
	v7 =	vmul.f32 v11, v2  }
0x3c6: {  	v11 =	vld [tilespmem:s26+$0x8040];
	v8 =	vsub.f32 v8, v3  }
0x3c7: {  	v10 =	vsub.f32 v10, v3;
	[tilespmem:v9+s18+$0x0] =	vst.idx.add.f32.msk $0xffff, v1;
	v6 =	vand.u32 $0xFF, v6;
	v7 =	vadd.f32 $8.388607500e+06, v7  }
0x3c8: {  	v9 =	vld [tilespmem:s25+$0x8060];
	v8 =	vmul.f32 v8, v2  }
0x3c9: {  	v10 =	vmul.f32 v10, v2;
	v12 =	vsub.f32 v12, v3;
	v13 =	vld [tilespmem:s22+$0x8430];
	v7 =	vand.u32 $0xFF, v7  }
0x3ca: {  	[tilespmem:v5+s18+$0x0] =	vst.idx.add.f32.msk $0xffff, v1;
	v5 =	vadd.f32 $8.388607500e+06, v8  }
0x3cb: {  	v8 =	vadd.f32 $8.388607500e+06, v10;
	v10 =	vmul.f32 v12, v2;
	v11 =	vsub.f32 v11, v3;
	v12 =	vld [tilespmem:s24+$0x8400]  }
0x3cc: {  	[tilespmem:v6+s18+$0x0] =	vst.idx.add.f32.msk $0xffff, v1;
	v5 =	vand.u32 $0xFF, v5  }
0x3cd: {  	v6 =	vand.u32 $0xFF, v8;
	v8 =	vadd.f32 $8.388607500e+06, v10;
	v10 =	vmul.f32 v11, v2;
	v11 =	vld [tilespmem:s23+$0x8420]  }
0x3ce: {  	v9 =	vsub.f32 v9, v3;
	v13 =	vsub.f32 v13, v3;
	[tilespmem:v7+s18+$0x0] =	vst.idx.add.f32.msk $0xffff, v1  }
0x3cf: {  	v7 =	vand.u32 $0xFF, v8;
	v8 =	vadd.f32 $8.388607500e+06, v10;
	[tilespmem:v4+s18+$0x0] =	vst.idx.add.f32.msk $0xffff, v1  }
0x3d0: {  	v4 =	vmul.f32 v9, v2;
	v9 =	vsub.f32 v12, v3;
	v10 =	vmul.f32 v13, v2;
	v12 =	vld [tilespmem:s21+$0x8450]  }
0x3d1: {  	v8 =	vand.u32 $0xFF, v8;
	[tilespmem:v5+s18+$0x0] =	vst.idx.add.f32.msk $0xffff, v1  }
0x3d2: {  	v4 =	vadd.f32 $8.388607500e+06, v4;
	[tilespmem:v6+s18+$0x0] =	vst.idx.add.f32.msk $0xffff, v1;
	v5 =	vmul.f32 v9, v2;
	v6 =	vsub.f32 v11, v3  }
0x3d3: {  	v10 =	vadd.f32 $8.388607500e+06, v10;
	v9 =	vld [tilespmem:s31+$0x8010]  }
0x3d4: {  	v4 =	vand.u32 $0xFF, v4;
	[tilespmem:v7+s18+$0x0] =	vst.idx.add.f32.msk $0xffff, v1;
	v5 =	vadd.f32 $8.388607500e+06, v5;
	v6 =	vmul.f32 v6, v2  }
0x3d5: {  	v7 =	vld [tilespmem:s28+$0x8030];
	v11 =	vsub.f32 v12, v3  }
0x3d6: {  	[tilespmem:v8+s18+$0x0] =	vst.idx.add.f32.msk $0xffff, v1;
	v5 =	vand.u32 $0xFF, v5;
	v6 =	vadd.f32 $8.388607500e+06, v6  }
0x3d7: {  	v13 =	vand.u32 $0xFF, v10;
	v12 =	vld [tilespmem:s26+$0x8050];
	v8 =	vmul.f32 v11, v2  }
0x3d8: {  	v9 =	vsub.f32 v9, v3;
	v6 =	vand.u32 $0xFF, v6;
	v14 =	vld [tilespmem:s20+$0x8470];
	s20 =	smov.u32 s21;
	s21 =	smov.u32 s22;
	s22 =	smov.u32 s23  }
.Ltmp5:
0x3d9: {  	s23 =	smov.u32 s24;
	s24 =	smov.u32 s25;
	[tilespmem:v4+s18+$0x0] =	vst.idx.add.f32.msk $0xffff, v1;
	v4 =	vadd.f32 $8.388607500e+06, v8;
	(pc) =	sbr.rel @p0 .LBB2_12-.Ltmp5, $4  }
0x3da: {  	s25 =	smov.u32 s26;
	s26 =	smov.u32 s28;
	s28 =	smov.u32 s31;
	v9 =	vmul.f32 v9, v2;
	v7 =	vsub.f32 v7, v3;
	v8 =	vld [tilespmem:s24+$0x8070]  }
0x3db: {  	[tilespmem:v5+s18+$0x0] =	vst.idx.add.f32.msk $0xffff, v1;
	v5 =	vand.u32 $0xFF, v4  }
0x3dc: {  	v11 =	vadd.f32 $8.388607500e+06, v9;
	v10 =	vmul.f32 v7, v2;
	v9 =	vsub.f32 v12, v3;
	v7 =	vld [tilespmem:s23+$0x8410]  }
0x3dd: {  	s29 =	sadd.s32 $0x2000, s29;
	s31 =	smov.u32 s30;
	[tilespmem:v13+s18+$0x0] =	vst.idx.add.f32.msk $0xffff, v1;
	v4 =	vsub.f32 v14, v3  }
0x3de: {  	v11 =	vand.u32 $0xFF, v11;
	_ =	sdelay $0x4  }
0x3df: {  	[tilespmem:v11+s18+$0x0] =	vst.idx.add.f32.msk $0xffff, v1  }
0x3e0: {  	v11 =	vld [tilespmem:s28+$0x8020];
	_ =	sdelay $0x4  }
0x3e1: {  	v11 =	vsub.f32 v11, v3;
	_ =	sdelay $0x1  }
0x3e2: {  	v11 =	vmul.f32 v11, v2;
	_ =	sdelay $0x1  }
0x3e3: {  	v11 =	vadd.f32 $8.388607500e+06, v11;
	_ =	sdelay $0x1  }
0x3e4: {  	v11 =	vand.u32 $0xFF, v11;
	_ =	sdelay $0x4  }
0x3e5: {  	[tilespmem:v11+s18+$0x0] =	vst.idx.add.f32.msk $0xffff, v1  }
0x3e6: {  	v11 =	vld [tilespmem:s28+$0x8030];
	_ =	sdelay $0x4  }
0x3e7: {  	v11 =	vsub.f32 v11, v3;
	_ =	sdelay $0x1  }
0x3e8: {  	v10 =	vadd.f32 $8.388607500e+06, v10;
	v11 =	vmul.f32 v11, v2;
	_ =	sdelay $0x1  }
0x3e9: {  	v10 =	vand.u32 $0xFF, v10;
	v11 =	vadd.f32 $8.388607500e+06, v11;
	_ =	sdelay $0x1  }
0x3ea: {  	v11 =	vand.u32 $0xFF, v11;
	_ =	sdelay $0x2  }
0x3eb: {  	[tilespmem:v10+s18+$0x0] =	vst.idx.add.f32.msk $0xffff, v1  }
0x3ec: {  	v10 =	vld [tilespmem:s26+$0x8040]  }
0x3ed: {  	[tilespmem:v11+s18+$0x0] =	vst.idx.add.f32.msk $0xffff, v1  }
0x3ee: {  	v11 =	vld [tilespmem:s28+$0x8040];
	_ =	sdelay $0x2  }
0x3ef: {  	v10 =	vsub.f32 v10, v3;
	_ =	sdelay $0x1  }
0x3f0: {  	v10 =	vmul.f32 v10, v2;
	v11 =	vsub.f32 v11, v3;
	_ =	sdelay $0x1  }
0x3f1: {  	v10 =	vadd.f32 $8.388607500e+06, v10;
	v11 =	vmul.f32 v11, v2;
	_ =	sdelay $0x1  }
0x3f2: {  	v10 =	vand.u32 $0xFF, v10;
	v11 =	vadd.f32 $8.388607500e+06, v11;
	_ =	sdelay $0x1  }
0x3f3: {  	v11 =	vand.u32 $0xFF, v11;
	_ =	sdelay $0x2  }
0x3f4: {  	[tilespmem:v10+s18+$0x0] =	vst.idx.add.f32.msk $0xffff, v1  }
0x3f5: {  	v10 =	vld [tilespmem:s26+$0x8050]  }
0x3f6: {  	[tilespmem:v11+s18+$0x0] =	vst.idx.add.f32.msk $0xffff, v1  }
0x3f7: {  	v11 =	vld [tilespmem:s28+$0x8050];
	_ =	sdelay $0x2  }
0x3f8: {  	v9 =	vmul.f32 v9, v2;
	v10 =	vsub.f32 v10, v3;
	_ =	sdelay $0x1  }
0x3f9: {  	v9 =	vadd.f32 $8.388607500e+06, v9;
	v10 =	vmul.f32 v10, v2;
	v11 =	vsub.f32 v11, v3;
	_ =	sdelay $0x1  }
0x3fa: {  	v9 =	vand.u32 $0xFF, v9;
	v10 =	vadd.f32 $8.388607500e+06, v10;
	v11 =	vmul.f32 v11, v2;
	_ =	sdelay $0x1  }
0x3fb: {  	v10 =	vand.u32 $0xFF, v10;
	v11 =	vadd.f32 $8.388607500e+06, v11;
	_ =	sdelay $0x1  }
0x3fc: {  	v11 =	vand.u32 $0xFF, v11  }
0x3fd: {  	[tilespmem:v9+s18+$0x0] =	vst.idx.add.f32.msk $0xffff, v1  }
0x3fe: {  	v9 =	vld [tilespmem:s25+$0x8060]  }
0x3ff: {  	[tilespmem:v10+s18+$0x0] =	vst.idx.add.f32.msk $0xffff, v1  }
0x400: {  	v10 =	vld [tilespmem:s26+$0x8060]  }
0x401: {  	[tilespmem:v11+s18+$0x0] =	vst.idx.add.f32.msk $0xffff, v1  }
0x402: {  	v11 =	vld [tilespmem:s28+$0x8060]  }
0x403: {  	v9 =	vsub.f32 v9, v3;
	_ =	sdelay $0x1  }
0x404: {  	v9 =	vmul.f32 v9, v2;
	v10 =	vsub.f32 v10, v3;
	_ =	sdelay $0x1  }
0x405: {  	v9 =	vadd.f32 $8.388607500e+06, v9;
	v10 =	vmul.f32 v10, v2;
	v11 =	vsub.f32 v11, v3;
	_ =	sdelay $0x1  }
0x406: {  	v9 =	vand.u32 $0xFF, v9;
	v10 =	vadd.f32 $8.388607500e+06, v10;
	v11 =	vmul.f32 v11, v2;
	_ =	sdelay $0x1  }
0x407: {  	v10 =	vand.u32 $0xFF, v10;
	v11 =	vadd.f32 $8.388607500e+06, v11;
	_ =	sdelay $0x1  }
0x408: {  	v11 =	vand.u32 $0xFF, v11  }
0x409: {  	[tilespmem:v9+s18+$0x0] =	vst.idx.add.f32.msk $0xffff, v1  }
0x40a: {  	v9 =	vld [tilespmem:s25+$0x8070]  }
0x40b: {  	[tilespmem:v10+s18+$0x0] =	vst.idx.add.f32.msk $0xffff, v1  }
0x40c: {  	v8 =	vsub.f32 v8, v3;
	v10 =	vld [tilespmem:s26+$0x8070]  }
0x40d: {  	[tilespmem:v11+s18+$0x0] =	vst.idx.add.f32.msk $0xffff, v1  }
0x40e: {  	v8 =	vmul.f32 v8, v2;
	v11 =	vld [tilespmem:s28+$0x8070]  }
0x40f: {  	v9 =	vsub.f32 v9, v3  }
0x410: {  	v8 =	vadd.f32 $8.388607500e+06, v8  }
0x411: {  	v9 =	vmul.f32 v9, v2;
	v10 =	vsub.f32 v10, v3  }
0x412: {  	v8 =	vand.u32 $0xFF, v8  }
0x413: {  	v9 =	vadd.f32 $8.388607500e+06, v9;
	v10 =	vmul.f32 v10, v2;
	v11 =	vsub.f32 v11, v3;
	_ =	sdelay $0x1  }
0x414: {  	v9 =	vand.u32 $0xFF, v9;
	v10 =	vadd.f32 $8.388607500e+06, v10;
	v11 =	vmul.f32 v11, v2;
	_ =	sdelay $0x1  }
0x415: {  	[tilespmem:v8+s18+$0x0] =	vst.idx.add.f32.msk $0xffff, v1;
	v8 =	vand.u32 $0xFF, v10;
	v10 =	vadd.f32 $8.388607500e+06, v11  }
0x416: {  	v11 =	vld [tilespmem:s24+$0x8400]  }
0x417: {  	v10 =	vand.u32 $0xFF, v10  }
0x418: {  	[tilespmem:v9+s18+$0x0] =	vst.idx.add.f32.msk $0xffff, v1  }
0x419: {  	v9 =	vld [tilespmem:s25+$0x8400]  }
0x41a: {  	[tilespmem:v8+s18+$0x0] =	vst.idx.add.f32.msk $0xffff, v1  }
0x41b: {  	v8 =	vsub.f32 v11, v3;
	v11 =	vld [tilespmem:s26+$0x8400]  }
0x41c: {  	[tilespmem:v10+s18+$0x0] =	vst.idx.add.f32.msk $0xffff, v1  }
0x41d: {  	v8 =	vmul.f32 v8, v2;
	v10 =	vld [tilespmem:s28+$0x8400]  }
0x41e: {  	v9 =	vsub.f32 v9, v3  }
0x41f: {  	v8 =	vadd.f32 $8.388607500e+06, v8  }
0x420: {  	v9 =	vmul.f32 v9, v2;
	v11 =	vsub.f32 v11, v3  }
0x421: {  	v8 =	vand.u32 $0xFF, v8  }
0x422: {  	v9 =	vadd.f32 $8.388607500e+06, v9;
	v11 =	vmul.f32 v11, v2;
	v10 =	vsub.f32 v10, v3;
	_ =	sdelay $0x1  }
0x423: {  	v9 =	vand.u32 $0xFF, v9;
	v11 =	vadd.f32 $8.388607500e+06, v11;
	v10 =	vmul.f32 v10, v2;
	_ =	sdelay $0x1  }
0x424: {  	[tilespmem:v8+s18+$0x0] =	vst.idx.add.f32.msk $0xffff, v1;
	v8 =	vand.u32 $0xFF, v11;
	v10 =	vadd.f32 $8.388607500e+06, v10  }
0x425: {  	v11 =	vld [tilespmem:s24+$0x8410]  }
0x426: {  	v10 =	vand.u32 $0xFF, v10  }
0x427: {  	[tilespmem:v9+s18+$0x0] =	vst.idx.add.f32.msk $0xffff, v1  }
0x428: {  	v7 =	vsub.f32 v7, v3;
	v9 =	vld [tilespmem:s25+$0x8410]  }
0x429: {  	[tilespmem:v8+s18+$0x0] =	vst.idx.add.f32.msk $0xffff, v1  }
0x42a: {  	v7 =	vmul.f32 v7, v2;
	v8 =	vsub.f32 v11, v3;
	v11 =	vld [tilespmem:s26+$0x8410]  }
0x42b: {  	[tilespmem:v10+s18+$0x0] =	vst.idx.add.f32.msk $0xffff, v1  }
0x42c: {  	v7 =	vadd.f32 $8.388607500e+06, v7;
	v8 =	vmul.f32 v8, v2;
	v10 =	vld [tilespmem:s28+$0x8410]  }
0x42d: {  	v9 =	vsub.f32 v9, v3  }
0x42e: {  	v7 =	vand.u32 $0xFF, v7;
	v8 =	vadd.f32 $8.388607500e+06, v8  }
0x42f: {  	v9 =	vmul.f32 v9, v2;
	v11 =	vsub.f32 v11, v3  }
0x430: {  	v8 =	vand.u32 $0xFF, v8  }
0x431: {  	v9 =	vadd.f32 $8.388607500e+06, v9;
	v11 =	vmul.f32 v11, v2;
	v10 =	vsub.f32 v10, v3;
	_ =	sdelay $0x1  }
0x432: {  	[tilespmem:v7+s18+$0x0] =	vst.idx.add.f32.msk $0xffff, v1;
	v7 =	vand.u32 $0xFF, v9;
	v9 =	vadd.f32 $8.388607500e+06, v11;
	v10 =	vmul.f32 v10, v2  }
0x433: {  	v11 =	vld [tilespmem:s23+$0x8420]  }
0x434: {  	[tilespmem:v8+s18+$0x0] =	vst.idx.add.f32.msk $0xffff, v1;
	v8 =	vand.u32 $0xFF, v9;
	v9 =	vadd.f32 $8.388607500e+06, v10  }
0x435: {  	v10 =	vld [tilespmem:s24+$0x8420]  }
0x436: {  	v9 =	vand.u32 $0xFF, v9  }
0x437: {  	[tilespmem:v7+s18+$0x0] =	vst.idx.add.f32.msk $0xffff, v1  }
0x438: {  	v7 =	vsub.f32 v11, v3;
	v11 =	vld [tilespmem:s25+$0x8420]  }
0x439: {  	[tilespmem:v8+s18+$0x0] =	vst.idx.add.f32.msk $0xffff, v1  }
0x43a: {  	v7 =	vmul.f32 v7, v2;
	v8 =	vsub.f32 v10, v3;
	v10 =	vld [tilespmem:s26+$0x8420]  }
0x43b: {  	[tilespmem:v9+s18+$0x0] =	vst.idx.add.f32.msk $0xffff, v1  }
0x43c: {  	v7 =	vadd.f32 $8.388607500e+06, v7;
	v8 =	vmul.f32 v8, v2;
	v9 =	vld [tilespmem:s28+$0x8420]  }
0x43d: {  	v11 =	vsub.f32 v11, v3  }
0x43e: {  	v7 =	vand.u32 $0xFF, v7;
	v8 =	vadd.f32 $8.388607500e+06, v8  }
0x43f: {  	v11 =	vmul.f32 v11, v2;
	v10 =	vsub.f32 v10, v3  }
0x440: {  	[tilespmem:v6+s18+$0x0] =	vst.idx.add.f32.msk $0xffff, v1;
	v8 =	vand.u32 $0xFF, v8  }
0x441: {  	v6 =	vadd.f32 $8.388607500e+06, v11;
	v11 =	vld [tilespmem:s22+$0x8430];
	v10 =	vmul.f32 v10, v2;
	v9 =	vsub.f32 v9, v3;
	_ =	sdelay $0x1  }
0x442: {  	[tilespmem:v7+s18+$0x0] =	vst.idx.add.f32.msk $0xffff, v1;
	v6 =	vand.u32 $0xFF, v6;
	v7 =	vadd.f32 $8.388607500e+06, v10;
	v9 =	vmul.f32 v9, v2  }
0x443: {  	v10 =	vld [tilespmem:s23+$0x8430]  }
0x444: {  	[tilespmem:v8+s18+$0x0] =	vst.idx.add.f32.msk $0xffff, v1;
	v7 =	vand.u32 $0xFF, v7;
	v8 =	vadd.f32 $8.388607500e+06, v9  }
0x445: {  	v11 =	vsub.f32 v11, v3;
	v9 =	vld [tilespmem:s24+$0x8430]  }
0x446: {  	v8 =	vand.u32 $0xFF, v8  }
0x447: {  	[tilespmem:v6+s18+$0x0] =	vst.idx.add.f32.msk $0xffff, v1;
	v6 =	vmul.f32 v11, v2  }
0x448: {  	v10 =	vsub.f32 v10, v3;
	v11 =	vld [tilespmem:s25+$0x8430]  }
0x449: {  	v6 =	vadd.f32 $8.388607500e+06, v6;
	[tilespmem:v7+s18+$0x0] =	vst.idx.add.f32.msk $0xffff, v1  }
0x44a: {  	v7 =	vmul.f32 v10, v2;
	v9 =	vsub.f32 v9, v3;
	v10 =	vld [tilespmem:s26+$0x8430]  }
0x44b: {  	v6 =	vand.u32 $0xFF, v6;
	[tilespmem:v8+s18+$0x0] =	vst.idx.add.f32.msk $0xffff, v1  }
0x44c: {  	v7 =	vadd.f32 $8.388607500e+06, v7;
	v8 =	vmul.f32 v9, v2;
	v9 =	vld [tilespmem:s28+$0x8430]  }
0x44d: {  	v11 =	vsub.f32 v11, v3  }
0x44e: {  	v7 =	vand.u32 $0xFF, v7;
	v8 =	vadd.f32 $8.388607500e+06, v8  }
0x44f: {  	v12 =	vld [tilespmem:s21+$0x8440];
	v11 =	vmul.f32 v11, v2;
	v10 =	vsub.f32 v10, v3  }
0x450: {  	[tilespmem:v6+s18+$0x0] =	vst.idx.add.f32.msk $0xffff, v1;
	v8 =	vand.u32 $0xFF, v8  }
0x451: {  	v6 =	vadd.f32 $8.388607500e+06, v11;
	v11 =	vld [tilespmem:s22+$0x8440];
	v10 =	vmul.f32 v10, v2;
	v9 =	vsub.f32 v9, v3;
	_ =	sdelay $0x1  }
0x452: {  	[tilespmem:v7+s18+$0x0] =	vst.idx.add.f32.msk $0xffff, v1;
	v6 =	vand.u32 $0xFF, v6;
	v7 =	vadd.f32 $8.388607500e+06, v10;
	v9 =	vmul.f32 v9, v2  }
0x453: {  	v10 =	vsub.f32 v12, v3;
	v55 =	vld [tilespmem:s23+$0x8440]  }
0x454: {  	[tilespmem:v8+s18+$0x0] =	vst.idx.add.f32.msk $0xffff, v1;
	v7 =	vand.u32 $0xFF, v7;
	v8 =	vadd.f32 $8.388607500e+06, v9  }
0x455: {  	v11 =	vsub.f32 v11, v3;
	v9 =	vmul.f32 v10, v2;
	v10 =	vld [tilespmem:s24+$0x8440]  }
0x456: {  	v8 =	vand.u32 $0xFF, v8  }
0x457: {  	[tilespmem:v6+s18+$0x0] =	vst.idx.add.f32.msk $0xffff, v1;
	v6 =	vmul.f32 v11, v2;
	v9 =	vadd.f32 $8.388607500e+06, v9  }
0x458: {  	v11 =	vsub.f32 v55, v3;
	v56 =	vld [tilespmem:s25+$0x8440]  }
0x459: {  	v6 =	vadd.f32 $8.388607500e+06, v6;
	v9 =	vand.u32 $0xFF, v9;
	[tilespmem:v7+s18+$0x0] =	vst.idx.add.f32.msk $0xffff, v1  }
0x45a: {  	v7 =	vmul.f32 v11, v2;
	v10 =	vsub.f32 v10, v3;
	v11 =	vld [tilespmem:s26+$0x8440]  }
0x45b: {  	v6 =	vand.u32 $0xFF, v6;
	[tilespmem:v8+s18+$0x0] =	vst.idx.add.f32.msk $0xffff, v1  }
0x45c: {  	v7 =	vadd.f32 $8.388607500e+06, v7;
	v8 =	vmul.f32 v10, v2;
	v10 =	vld [tilespmem:s28+$0x8440]  }
0x45d: {  	v12 =	vsub.f32 v56, v3  }
0x45e: {  	v7 =	vand.u32 $0xFF, v7;
	[tilespmem:v9+s18+$0x0] =	vst.idx.add.f32.msk $0xffff, v1;
	v8 =	vadd.f32 $8.388607500e+06, v8  }
0x45f: {  	v12 =	vmul.f32 v12, v2;
	v9 =	vld [tilespmem:s21+$0x8450];
	v11 =	vsub.f32 v11, v3  }
0x460: {  	[tilespmem:v6+s18+$0x0] =	vst.idx.add.f32.msk $0xffff, v1;
	v8 =	vand.u32 $0xFF, v8  }
0x461: {  	v6 =	vadd.f32 $8.388607500e+06, v12;
	v57 =	vld [tilespmem:s22+$0x8450];
	v11 =	vmul.f32 v11, v2;
	v10 =	vsub.f32 v10, v3  }
0x462: {  	[tilespmem:v5+s18+$0x0] =	vst.idx.add.f32.msk $0xffff, v1  }
0x463: {  	[tilespmem:v7+s18+$0x0] =	vst.idx.add.f32.msk $0xffff, v1;
	v6 =	vand.u32 $0xFF, v6;
	v7 =	vadd.f32 $8.388607500e+06, v11;
	v10 =	vmul.f32 v10, v2  }
0x464: {  	v11 =	vld [tilespmem:s23+$0x8450];
	v9 =	vsub.f32 v9, v3  }
0x465: {  	[tilespmem:v8+s18+$0x0] =	vst.idx.add.f32.msk $0xffff, v1;
	v7 =	vand.u32 $0xFF, v7;
	v8 =	vadd.f32 $8.388607500e+06, v10  }
0x466: {  	v5 =	vsub.f32 v57, v3;
	v9 =	vmul.f32 v9, v2;
	v10 =	vld [tilespmem:s24+$0x8450]  }
0x467: {  	v8 =	vand.u32 $0xFF, v8  }
0x468: {  	[tilespmem:v6+s18+$0x0] =	vst.idx.add.f32.msk $0xffff, v1;
	v5 =	vmul.f32 v5, v2;
	v9 =	vadd.f32 $8.388607500e+06, v9  }
0x469: {  	v6 =	vsub.f32 v11, v3;
	v11 =	vld [tilespmem:s25+$0x8450]  }
0x46a: {  	v5 =	vadd.f32 $8.388607500e+06, v5;
	v9 =	vand.u32 $0xFF, v9;
	[tilespmem:v7+s18+$0x0] =	vst.idx.add.f32.msk $0xffff, v1  }
0x46b: {  	v6 =	vmul.f32 v6, v2;
	v7 =	vsub.f32 v10, v3;
	v10 =	vld [tilespmem:s26+$0x8450]  }
0x46c: {  	v5 =	vand.u32 $0xFF, v5;
	[tilespmem:v8+s18+$0x0] =	vst.idx.add.f32.msk $0xffff, v1  }
0x46d: {  	v6 =	vadd.f32 $8.388607500e+06, v6;
	v7 =	vmul.f32 v7, v2;
	v8 =	vld [tilespmem:s28+$0x8450]  }
0x46e: {  	v58 =	vld [tilespmem:s20+$0x8460];
	v11 =	vsub.f32 v11, v3  }
0x46f: {  	v6 =	vand.u32 $0xFF, v6;
	v7 =	vadd.f32 $8.388607500e+06, v7;
	[tilespmem:v9+s18+$0x0] =	vst.idx.add.f32.msk $0xffff, v1  }
0x470: {  	v9 =	vmul.f32 v11, v2;
	v10 =	vsub.f32 v10, v3;
	v11 =	vld [tilespmem:s21+$0x8460]  }
0x471: {  	[tilespmem:v5+s18+$0x0] =	vst.idx.add.f32.msk $0xffff, v1;
	v7 =	vand.u32 $0xFF, v7  }
0x472: {  	v5 =	vadd.f32 $8.388607500e+06, v9;
	v59 =	vld [tilespmem:s22+$0x8460];
	v9 =	vmul.f32 v10, v2;
	v8 =	vsub.f32 v8, v3  }
0x473: {  	v10 =	vsub.f32 v58, v3  }
0x474: {  	[tilespmem:v6+s18+$0x0] =	vst.idx.add.f32.msk $0xffff, v1;
	v5 =	vand.u32 $0xFF, v5;
	v6 =	vadd.f32 $8.388607500e+06, v9;
	v8 =	vmul.f32 v8, v2  }
0x475: {  	v9 =	vld [tilespmem:s23+$0x8460]  }
0x476: {  	v10 =	vmul.f32 v10, v2;
	[tilespmem:v7+s18+$0x0] =	vst.idx.add.f32.msk $0xffff, v1;
	v6 =	vand.u32 $0xFF, v6;
	v7 =	vadd.f32 $8.388607500e+06, v8  }
0x477: {  	v12 =	vsub.f32 v59, v3;
	v8 =	vsub.f32 v11, v3;
	v11 =	vld [tilespmem:s24+$0x8460]  }
0x478: {  	v10 =	vadd.f32 $8.388607500e+06, v10;
	v7 =	vand.u32 $0xFF, v7  }
0x479: {  	[tilespmem:v5+s18+$0x0] =	vst.idx.add.f32.msk $0xffff, v1;
	v12 =	vmul.f32 v12, v2  }
0x47a: {  	v5 =	vand.u32 $0xFF, v10;
	v8 =	vmul.f32 v8, v2;
	v10 =	vld [tilespmem:s25+$0x8460]  }
0x47b: {  	v9 =	vsub.f32 v9, v3;
	v12 =	vadd.f32 $8.388607500e+06, v12;
	[tilespmem:v6+s18+$0x0] =	vst.idx.add.f32.msk $0xffff, v1  }
0x47c: {  	v8 =	vadd.f32 $8.388607500e+06, v8;
	v6 =	vsub.f32 v11, v3;
	v11 =	vld [tilespmem:s26+$0x8460]  }
0x47d: {  	v9 =	vmul.f32 v9, v2;
	v12 =	vand.u32 $0xFF, v12;
	[tilespmem:v7+s18+$0x0] =	vst.idx.add.f32.msk $0xffff, v1  }
0x47e: {  	v8 =	vand.u32 $0xFF, v8;
	v6 =	vmul.f32 v6, v2;
	v7 =	vld [tilespmem:s28+$0x8460]  }
0x47f: {  	v9 =	vadd.f32 $8.388607500e+06, v9;
	v10 =	vsub.f32 v10, v3  }
0x480: {  	[tilespmem:v5+s18+$0x0] =	vst.idx.add.f32.msk $0xffff, v1;
	v5 =	vadd.f32 $8.388607500e+06, v6  }
0x481: {  	v9 =	vand.u32 $0xFF, v9;
	v6 =	vld [tilespmem:s20+$0x8470];
	v10 =	vmul.f32 v10, v2;
	v11 =	vsub.f32 v11, v3  }
0x482: {  	[tilespmem:v12+s18+$0x0] =	vst.idx.add.f32.msk $0xffff, v1;
	v5 =	vand.u32 $0xFF, v5  }
0x483: {  	[tilespmem:v8+s18+$0x0] =	vst.idx.add.f32.msk $0xffff, v1;
	v10 =	vadd.f32 $8.388607500e+06, v10;
	v11 =	vmul.f32 v11, v2;
	v7 =	vsub.f32 v7, v3  }
0x484: {  	v12 =	vld [tilespmem:s22+$0x8470]  }
0x485: {  	v8 =	vld [tilespmem:s21+$0x8470];
	v10 =	vand.u32 $0xFF, v10;
	v11 =	vadd.f32 $8.388607500e+06, v11;
	v7 =	vmul.f32 v7, v2  }
0x486: {  	[tilespmem:v9+s18+$0x0] =	vst.idx.add.f32.msk $0xffff, v1  }
0x487: {  	v9 =	vld [tilespmem:s23+$0x8470];
	v11 =	vand.u32 $0xFF, v11;
	v7 =	vadd.f32 $8.388607500e+06, v7  }
0x488: {  	[tilespmem:v5+s18+$0x0] =	vst.idx.add.f32.msk $0xffff, v1  }
0x489: {  	v5 =	vld [tilespmem:s24+$0x8470];
	v7 =	vand.u32 $0xFF, v7  }
0x48a: {  	[tilespmem:v10+s18+$0x0] =	vst.idx.add.f32.msk $0xffff, v1  }
0x48b: {  	v6 =	vsub.f32 v6, v3;
	v10 =	vld [tilespmem:s25+$0x8470]  }
0x48c: {  	v4 =	vmul.f32 v4, v2;
	v8 =	vsub.f32 v8, v3;
	[tilespmem:v11+s18+$0x0] =	vst.idx.add.f32.msk $0xffff, v1  }
0x48d: {  	v6 =	vmul.f32 v6, v2;
	v11 =	vld [tilespmem:s26+$0x8470]  }
0x48e: {  	v4 =	vadd.f32 $8.388607500e+06, v4;
	v8 =	vmul.f32 v8, v2;
	[tilespmem:v7+s18+$0x0] =	vst.idx.add.f32.msk $0xffff, v1  }
0x48f: {  	v6 =	vadd.f32 $8.388607500e+06, v6;
	v7 =	vsub.f32 v12, v3;
	v60 =	vld [tilespmem:s28+$0x8470]  }
0x490: {  	v4 =	vand.u32 $0xFF, v4;
	v9 =	vsub.f32 v9, v3;
	v8 =	vadd.f32 $8.388607500e+06, v8  }
0x491: {  	v6 =	vand.u32 $0xFF, v6;
	v5 =	vsub.f32 v5, v3;
	v7 =	vmul.f32 v7, v2  }
0x492: {  	v9 =	vmul.f32 v9, v2;
	v8 =	vand.u32 $0xFF, v8;
	v10 =	vsub.f32 v10, v3  }
0x493: {  	v5 =	vmul.f32 v5, v2;
	v11 =	vsub.f32 v11, v3;
	v7 =	vadd.f32 $8.388607500e+06, v7  }
0x494: {  	v9 =	vadd.f32 $8.388607500e+06, v9;
	v10 =	vmul.f32 v10, v2;
	v12 =	vsub.f32 v60, v3  }
0x495: {  	v5 =	vadd.f32 $8.388607500e+06, v5;
	v11 =	vmul.f32 v11, v2;
	v7 =	vand.u32 $0xFF, v7  }
0x496: {  	v9 =	vand.u32 $0xFF, v9;
	v10 =	vadd.f32 $8.388607500e+06, v10;
	v12 =	vmul.f32 v12, v2  }
0x497: {  	[tilespmem:v4+s18+$0x0] =	vst.idx.add.f32.msk $0xffff, v1;
	v4 =	vand.u32 $0xFF, v5;
	v5 =	vadd.f32 $8.388607500e+06, v11  }
0x498: {  	[tilespmem:v6+s18+$0x0] =	vst.idx.add.f32.msk $0xffff, v1;
	v6 =	vand.u32 $0xFF, v10;
	v10 =	vadd.f32 $8.388607500e+06, v12  }
0x499: {  	[tilespmem:v8+s18+$0x0] =	vst.idx.add.f32.msk $0xffff, v1;
	v5 =	vand.u32 $0xFF, v5  }
0x49a: {  	[tilespmem:v7+s18+$0x0] =	vst.idx.add.f32.msk $0xffff, v1;
	v7 =	vand.u32 $0xFF, v10  }
0x49b: {  	[tilespmem:v9+s18+$0x0] =	vst.idx.add.f32.msk $0xffff, v1  }
0x49c: {  	[tilespmem:v4+s18+$0x0] =	vst.idx.add.f32.msk $0xffff, v1  }
0x49d: {  	[tilespmem:v6+s18+$0x0] =	vst.idx.add.f32.msk $0xffff, v1  }
0x49e: {  	[tilespmem:v5+s18+$0x0] =	vst.idx.add.f32.msk $0xffff, v1  }
0x49f: {  	s0 =	simm.s32 $0x0;
	[tilespmem:v7+s18+$0x0] =	vst.idx.add.f32.msk $0xffff, v1  }
0x4a0: {  	[tilespmem:s13], [sflag:$0x2] =	stream.linear.gather [hbm4b:s7+s0], $0x8000, $0x38;
	[tilespmem:$0x10220] =	vst v63  }
0x4a1: {  	s1 =	simm.s32 $0x0;
	s17 =	simm.s32 $0x0;
	s0 =	sand.u32 $0x2000, s0  }
0x4a2: {  	s1 =	sand.u32 $0x7000, s1;
	_ =	swait.ge [sflag:s3], $0x8000;
	s0 =	sshrl.u32 s0, $0x2  }
0x4a3: {  	s17 =	sand.u32 $0x380, s17;
	[sflag:s3] =	ssyncset.done $0x0;
	s0 =	sor.u32 s0, s1  }
0x4a4: {  	[sflag:s3] =	ssyncadd.s32 $0xFFFF8000;
	s29 =	sor.u32 s17, s0  }
0x4a5: {  	v4 =	vld [tilespmem:s29+$0x0];
	_ =	sdelay $0x4  }
0x4a6: {  	v4 =	vsub.f32 v4, v3;
	_ =	sdelay $0x1  }
0x4a7: {  	v4 =	vmul.f32 v4, v2;
	_ =	sdelay $0x1  }
0x4a8: {  	v4 =	vadd.f32 $8.388607500e+06, v4;
	_ =	sdelay $0x1  }
0x4a9: {  	v4 =	vand.u32 $0xFF, v4;
	_ =	sdelay $0x2  }
0x4aa: {  	s25 =	simm.s32 $0x2000  }
0x4ab: {  	s26 =	simm.s32 $0x100;
	s0 =	sand.u32 $0x2000, s25  }
0x4ac: {  	s30 =	simm.s32 $0x40;
	s1 =	sand.u32 $0x7000, s26;
	s0 =	sshrl.u32 s0, $0x2;
	[tilespmem:v4+s18+$0x0] =	vst.idx.add.f32.msk $0xffff, v1  }
0x4ad: {  	s17 =	sand.u32 $0x380, s30;
	s0 =	sor.u32 s0, s1;
	v4 =	vld [tilespmem:s29+$0x10]  }
0x4ae: {  	s20 =	sor.u32 s17, s0  }
0x4af: {  	v5 =	vld [tilespmem:s20+$0x0];
	_ =	sdelay $0x2  }
0x4b0: {  	v4 =	vsub.f32 v4, v3;
	_ =	sdelay $0x1  }
0x4b1: {  	v5 =	vsub.f32 v5, v3;
	v4 =	vmul.f32 v4, v2;
	_ =	sdelay $0x1  }
0x4b2: {  	v5 =	vmul.f32 v5, v2;
	v4 =	vadd.f32 $8.388607500e+06, v4;
	_ =	sdelay $0x1  }
0x4b3: {  	v5 =	vadd.f32 $8.388607500e+06, v5;
	v4 =	vand.u32 $0xFF, v4;
	_ =	sdelay $0x1  }
0x4b4: {  	v5 =	vand.u32 $0xFF, v5;
	_ =	sdelay $0x2  }
0x4b5: {  	[tilespmem:v4+s18+$0x0] =	vst.idx.add.f32.msk $0xffff, v1  }
0x4b6: {  	v4 =	vld [tilespmem:s29+$0x20]  }
0x4b7: {  	[tilespmem:v5+s18+$0x0] =	vst.idx.add.f32.msk $0xffff, v1  }
0x4b8: {  	v5 =	vld [tilespmem:s20+$0x10];
	_ =	sdelay $0x2  }
0x4b9: {  	v4 =	vsub.f32 v4, v3;
	_ =	sdelay $0x1  }
0x4ba: {  	v5 =	vsub.f32 v5, v3;
	v4 =	vmul.f32 v4, v2;
	_ =	sdelay $0x1  }
0x4bb: {  	v5 =	vmul.f32 v5, v2;
	v4 =	vadd.f32 $8.388607500e+06, v4  }
0x4bc: {  	s1 =	simm.s32 $0x4000  }
0x4bd: {  	s0 =	sand.u32 $0x2000, s1;
	s17 =	simm.s32 $0x200;
	v5 =	vadd.f32 $8.388607500e+06, v5;
	v4 =	vand.u32 $0xFF, v4  }
0x4be: {  	s21 =	simm.s32 $0x80;
	s1 =	sand.u32 $0x7000, s17;
	s0 =	sshrl.u32 s0, $0x2  }
0x4bf: {  	s17 =	sand.u32 $0x380, s21;
	s0 =	sor.u32 s0, s1;
	v5 =	vand.u32 $0xFF, v5  }
0x4c0: {  	s21 =	sor.u32 s17, s0  }
0x4c1: {  	v6 =	vld [tilespmem:s21+$0x0]  }
0x4c2: {  	[tilespmem:v4+s18+$0x0] =	vst.idx.add.f32.msk $0xffff, v1  }
0x4c3: {  	v4 =	vld [tilespmem:s29+$0x30]  }
0x4c4: {  	[tilespmem:v5+s18+$0x0] =	vst.idx.add.f32.msk $0xffff, v1  }
0x4c5: {  	v5 =	vld [tilespmem:s20+$0x20]  }
0x4c6: {  	v6 =	vsub.f32 v6, v3;
	_ =	sdelay $0x1  }
0x4c7: {  	v6 =	vmul.f32 v6, v2;
	v4 =	vsub.f32 v4, v3;
	_ =	sdelay $0x1  }
0x4c8: {  	v6 =	vadd.f32 $8.388607500e+06, v6;
	v5 =	vsub.f32 v5, v3;
	v4 =	vmul.f32 v4, v2;
	_ =	sdelay $0x1  }
0x4c9: {  	v6 =	vand.u32 $0xFF, v6;
	v5 =	vmul.f32 v5, v2;
	v4 =	vadd.f32 $8.388607500e+06, v4;
	_ =	sdelay $0x1  }
0x4ca: {  	v5 =	vadd.f32 $8.388607500e+06, v5;
	v4 =	vand.u32 $0xFF, v4;
	_ =	sdelay $0x1  }
0x4cb: {  	v5 =	vand.u32 $0xFF, v5  }
0x4cc: {  	[tilespmem:v6+s18+$0x0] =	vst.idx.add.f32.msk $0xffff, v1  }
0x4cd: {  	v6 =	vld [tilespmem:s21+$0x10]  }
0x4ce: {  	[tilespmem:v4+s18+$0x0] =	vst.idx.add.f32.msk $0xffff, v1  }
0x4cf: {  	v4 =	vld [tilespmem:s29+$0x40]  }
0x4d0: {  	[tilespmem:v5+s18+$0x0] =	vst.idx.add.f32.msk $0xffff, v1  }
0x4d1: {  	v5 =	vld [tilespmem:s20+$0x30]  }
0x4d2: {  	v6 =	vsub.f32 v6, v3;
	_ =	sdelay $0x1  }
0x4d3: {  	s22 =	simm.s32 $0x6000;
	v6 =	vmul.f32 v6, v2;
	v4 =	vsub.f32 v4, v3  }
0x4d4: {  	s23 =	simm.s32 $0x300;
	s0 =	sand.u32 $0x2000, s22  }
0x4d5: {  	s24 =	simm.s32 $0xC0;
	s1 =	sand.u32 $0x7000, s23;
	s0 =	sshrl.u32 s0, $0x2;
	v6 =	vadd.f32 $8.388607500e+06, v6;
	v5 =	vsub.f32 v5, v3;
	v4 =	vmul.f32 v4, v2  }
0x4d6: {  	s17 =	sand.u32 $0x380, s24;
	s0 =	sor.u32 s0, s1  }
0x4d7: {  	s22 =	sor.u32 s17, s0;
	v6 =	vand.u32 $0xFF, v6;
	v5 =	vmul.f32 v5, v2;
	v4 =	vadd.f32 $8.388607500e+06, v4  }
0x4d8: {  	v7 =	vld [tilespmem:s22+$0x0]  }
0x4d9: {  	v5 =	vadd.f32 $8.388607500e+06, v5;
	v4 =	vand.u32 $0xFF, v4;
	_ =	sdelay $0x1  }
0x4da: {  	v5 =	vand.u32 $0xFF, v5  }
0x4db: {  	[tilespmem:v6+s18+$0x0] =	vst.idx.add.f32.msk $0xffff, v1  }
0x4dc: {  	v6 =	vsub.f32 v7, v3;
	v7 =	vld [tilespmem:s21+$0x20]  }
0x4dd: {  	[tilespmem:v4+s18+$0x0] =	vst.idx.add.f32.msk $0xffff, v1  }
0x4de: {  	v6 =	vmul.f32 v6, v2;
	v4 =	vld [tilespmem:s29+$0x50]  }
0x4df: {  	[tilespmem:v5+s18+$0x0] =	vst.idx.add.f32.msk $0xffff, v1  }
0x4e0: {  	v5 =	vadd.f32 $8.388607500e+06, v6;
	v6 =	vld [tilespmem:s20+$0x40]  }
0x4e1: {  	v7 =	vsub.f32 v7, v3  }
0x4e2: {  	v5 =	vand.u32 $0xFF, v5  }
0x4e3: {  	v7 =	vmul.f32 v7, v2;
	v4 =	vsub.f32 v4, v3;
	_ =	sdelay $0x1  }
0x4e4: {  	v7 =	vadd.f32 $8.388607500e+06, v7;
	v6 =	vsub.f32 v6, v3;
	v4 =	vmul.f32 v4, v2;
	_ =	sdelay $0x1  }
0x4e5: {  	[tilespmem:v5+s18+$0x0] =	vst.idx.add.f32.msk $0xffff, v1;
	v5 =	vmul.f32 v6, v2;
	v6 =	vand.u32 $0xFF, v7;
	v4 =	vadd.f32 $8.388607500e+06, v4  }
0x4e6: {  	v7 =	vld [tilespmem:s22+$0x10]  }
0x4e7: {  	v5 =	vadd.f32 $8.388607500e+06, v5;
	v4 =	vand.u32 $0xFF, v4;
	_ =	sdelay $0x1  }
0x4e8: {  	v5 =	vand.u32 $0xFF, v5  }
0x4e9: {  	[tilespmem:v6+s18+$0x0] =	vst.idx.add.f32.msk $0xffff, v1  }
0x4ea: {  	v6 =	vsub.f32 v7, v3;
	v7 =	vld [tilespmem:s21+$0x30]  }
0x4eb: {  	[tilespmem:v4+s18+$0x0] =	vst.idx.add.f32.msk $0xffff, v1  }
0x4ec: {  	v6 =	vmul.f32 v6, v2;
	v4 =	vld [tilespmem:s29+$0x60]  }
0x4ed: {  	[tilespmem:v5+s18+$0x0] =	vst.idx.add.f32.msk $0xffff, v1  }
0x4ee: {  	v5 =	vadd.f32 $8.388607500e+06, v6;
	v6 =	vld [tilespmem:s20+$0x50]  }
0x4ef: {  	s25 =	simm.s32 $0x8000;
	v7 =	vsub.f32 v7, v3  }
0x4f0: {  	s26 =	simm.s32 $0x400;
	s0 =	sand.u32 $0x2000, s25;
	v5 =	vand.u32 $0xFF, v5  }
0x4f1: {  	s30 =	simm.s32 $0x100;
	s1 =	sand.u32 $0x7000, s26;
	s0 =	sshrl.u32 s0, $0x2;
	v7 =	vmul.f32 v7, v2;
	v4 =	vsub.f32 v4, v3  }
0x4f2: {  	s17 =	sand.u32 $0x380, s30;
	s0 =	sor.u32 s0, s1  }
0x4f3: {  	s23 =	sor.u32 s17, s0;
	v6 =	vsub.f32 v6, v3;
	v7 =	vadd.f32 $8.388607500e+06, v7;
	v4 =	vmul.f32 v4, v2  }
0x4f4: {  	v8 =	vld [tilespmem:s23+$0x0]  }
0x4f5: {  	[tilespmem:v5+s18+$0x0] =	vst.idx.add.f32.msk $0xffff, v1;
	v5 =	vmul.f32 v6, v2;
	v6 =	vand.u32 $0xFF, v7;
	v4 =	vadd.f32 $8.388607500e+06, v4  }
0x4f6: {  	v7 =	vld [tilespmem:s22+$0x20]  }
0x4f7: {  	v5 =	vadd.f32 $8.388607500e+06, v5;
	v4 =	vand.u32 $0xFF, v4;
	_ =	sdelay $0x1  }
0x4f8: {  	v8 =	vsub.f32 v8, v3;
	v5 =	vand.u32 $0xFF, v5  }
0x4f9: {  	[tilespmem:v6+s18+$0x0] =	vst.idx.add.f32.msk $0xffff, v1  }
0x4fa: {  	v8 =	vmul.f32 v8, v2;
	v6 =	vsub.f32 v7, v3;
	v7 =	vld [tilespmem:s21+$0x40]  }
0x4fb: {  	[tilespmem:v4+s18+$0x0] =	vst.idx.add.f32.msk $0xffff, v1  }
0x4fc: {  	v8 =	vadd.f32 $8.388607500e+06, v8;
	v6 =	vmul.f32 v6, v2;
	v4 =	vld [tilespmem:s29+$0x70]  }
0x4fd: {  	[tilespmem:v5+s18+$0x0] =	vst.idx.add.f32.msk $0xffff, v1  }
0x4fe: {  	v8 =	vand.u32 $0xFF, v8;
	v5 =	vadd.f32 $8.388607500e+06, v6;
	v6 =	vld [tilespmem:s20+$0x60]  }
0x4ff: {  	v7 =	vsub.f32 v7, v3  }
0x500: {  	v5 =	vand.u32 $0xFF, v5  }
0x501: {  	v7 =	vmul.f32 v7, v2;
	v4 =	vsub.f32 v4, v3;
	_ =	sdelay $0x1  }
0x502: {  	[tilespmem:v8+s18+$0x0] =	vst.idx.add.f32.msk $0xffff, v1;
	v6 =	vsub.f32 v6, v3;
	v7 =	vadd.f32 $8.388607500e+06, v7;
	v4 =	vmul.f32 v4, v2  }
0x503: {  	v8 =	vld [tilespmem:s23+$0x10]  }
0x504: {  	[tilespmem:v5+s18+$0x0] =	vst.idx.add.f32.msk $0xffff, v1;
	v5 =	vmul.f32 v6, v2;
	v6 =	vand.u32 $0xFF, v7;
	v4 =	vadd.f32 $8.388607500e+06, v4  }
0x505: {  	v7 =	vld [tilespmem:s22+$0x30]  }
0x506: {  	v5 =	vadd.f32 $8.388607500e+06, v5;
	v4 =	vand.u32 $0xFF, v4;
	_ =	sdelay $0x1  }
0x507: {  	v8 =	vsub.f32 v8, v3;
	v5 =	vand.u32 $0xFF, v5  }
0x508: {  	[tilespmem:v6+s18+$0x0] =	vst.idx.add.f32.msk $0xffff, v1  }
0x509: {  	v8 =	vmul.f32 v8, v2;
	v6 =	vsub.f32 v7, v3;
	v7 =	vld [tilespmem:s21+$0x50]  }
0x50a: {  	[tilespmem:v4+s18+$0x0] =	vst.idx.add.f32.msk $0xffff, v1  }
0x50b: {  	s1 =	simm.s32 $0xA000;
	v8 =	vadd.f32 $8.388607500e+06, v8;
	v6 =	vmul.f32 v6, v2;
	v4 =	vld [tilespmem:s29+$0x400]  }
0x50c: {  	s0 =	sand.u32 $0x2000, s1;
	s17 =	simm.s32 $0x500;
	[tilespmem:v5+s18+$0x0] =	vst.idx.add.f32.msk $0xffff, v1  }
0x50d: {  	s24 =	simm.s32 $0x140;
	s1 =	sand.u32 $0x7000, s17;
	s0 =	sshrl.u32 s0, $0x2;
	v8 =	vand.u32 $0xFF, v8;
	v5 =	vadd.f32 $8.388607500e+06, v6;
	v6 =	vld [tilespmem:s20+$0x70]  }
0x50e: {  	s17 =	sand.u32 $0x380, s24;
	s0 =	sor.u32 s0, s1;
	v7 =	vsub.f32 v7, v3  }
0x50f: {  	s24 =	sor.u32 s17, s0;
	v5 =	vand.u32 $0xFF, v5  }
0x510: {  	v9 =	vld [tilespmem:s24+$0x0];
	v7 =	vmul.f32 v7, v2;
	v4 =	vsub.f32 v4, v3;
	_ =	sdelay $0x1  }
0x511: {  	[tilespmem:v8+s18+$0x0] =	vst.idx.add.f32.msk $0xffff, v1;
	v6 =	vsub.f32 v6, v3;
	v7 =	vadd.f32 $8.388607500e+06, v7;
	v4 =	vmul.f32 v4, v2  }
0x512: {  	v8 =	vld [tilespmem:s23+$0x20]  }
0x513: {  	[tilespmem:v5+s18+$0x0] =	vst.idx.add.f32.msk $0xffff, v1;
	v5 =	vmul.f32 v6, v2;
	v6 =	vand.u32 $0xFF, v7;
	v4 =	vadd.f32 $8.388607500e+06, v4  }
0x514: {  	v9 =	vsub.f32 v9, v3;
	v7 =	vld [tilespmem:s22+$0x40]  }
0x515: {  	v4 =	vand.u32 $0xFF, v4  }
0x516: {  	v9 =	vmul.f32 v9, v2  }
0x517: {  	v8 =	vsub.f32 v8, v3;
	v5 =	vadd.f32 $8.388607500e+06, v5  }
0x518: {  	v9 =	vadd.f32 $8.388607500e+06, v9;
	[tilespmem:v6+s18+$0x0] =	vst.idx.add.f32.msk $0xffff, v1  }
0x519: {  	v8 =	vmul.f32 v8, v2;
	v5 =	vand.u32 $0xFF, v5;
	v6 =	vsub.f32 v7, v3;
	v7 =	vld [tilespmem:s21+$0x60]  }
0x51a: {  	[tilespmem:v4+s18+$0x0] =	vst.idx.add.f32.msk $0xffff, v1  }
0x51b: {  	v9 =	vand.u32 $0xFF, v9;
	v8 =	vadd.f32 $8.388607500e+06, v8;
	v4 =	vld [tilespmem:s29+$0x410]  }
0x51c: {  	v6 =	vmul.f32 v6, v2  }
0x51d: {  	v8 =	vand.u32 $0xFF, v8  }
0x51e: {  	[tilespmem:v5+s18+$0x0] =	vst.idx.add.f32.msk $0xffff, v1;
	v5 =	vadd.f32 $8.388607500e+06, v6  }
0x51f: {  	v7 =	vsub.f32 v7, v3  }
0x520: {  	[tilespmem:v9+s18+$0x0] =	vst.idx.add.f32.msk $0xffff, v1;
	v5 =	vand.u32 $0xFF, v5;
	v4 =	vsub.f32 v4, v3  }
0x521: {  	v9 =	vld [tilespmem:s24+$0x10];
	v7 =	vmul.f32 v7, v2  }
0x522: {  	[tilespmem:v8+s18+$0x0] =	vst.idx.add.f32.msk $0xffff, v1;
	v4 =	vmul.f32 v4, v2  }
0x523: {  	v6 =	vld [tilespmem:s20+$0x400];
	v7 =	vadd.f32 $8.388607500e+06, v7  }
0x524: {  	v8 =	vld [tilespmem:s23+$0x30];
	v4 =	vadd.f32 $8.388607500e+06, v4  }
0x525: {  	[tilespmem:v5+s18+$0x0] =	vst.idx.add.f32.msk $0xffff, v1;
	v5 =	vand.u32 $0xFF, v7  }
0x526: {  	v4 =	vand.u32 $0xFF, v4  }
0x527: {  	v9 =	vsub.f32 v9, v3;
	v7 =	vld [tilespmem:s22+$0x50]  }
0x528: {  	v6 =	vsub.f32 v6, v3  }
0x529: {  	v9 =	vmul.f32 v9, v2  }
0x52a: {  	v8 =	vsub.f32 v8, v3;
	v6 =	vmul.f32 v6, v2;
	[tilespmem:v5+s18+$0x0] =	vst.idx.add.f32.msk $0xffff, v1  }
0x52b: {  	v9 =	vadd.f32 $8.388607500e+06, v9;
	[tilespmem:v4+s18+$0x0] =	vst.idx.add.f32.msk $0xffff, v1  }
0x52c: {  	s25 =	simm.s32 $0xC000;
	v8 =	vmul.f32 v8, v2;
	v5 =	vsub.f32 v7, v3;
	v4 =	vadd.f32 $8.388607500e+06, v6;
	v6 =	vld [tilespmem:s29+$0x420]  }
0x52d: {  	s26 =	simm.s32 $0x600;
	s0 =	sand.u32 $0x2000, s25;
	v9 =	vand.u32 $0xFF, v9  }
0x52e: {  	s30 =	simm.s32 $0x180;
	s1 =	sand.u32 $0x7000, s26;
	s0 =	sshrl.u32 s0, $0x2;
	v8 =	vadd.f32 $8.388607500e+06, v8;
	v7 =	vld [tilespmem:s21+$0x70];
	v5 =	vmul.f32 v5, v2;
	v4 =	vand.u32 $0xFF, v4  }
0x52f: {  	s17 =	sand.u32 $0x380, s30;
	s0 =	sor.u32 s0, s1  }
0x530: {  	s25 =	sor.u32 s17, s0;
	v8 =	vand.u32 $0xFF, v8;
	v5 =	vadd.f32 $8.388607500e+06, v5  }
0x531: {  	v10 =	vld [tilespmem:s25+$0x0];
	v6 =	vsub.f32 v6, v3  }
0x532: {  	[tilespmem:v9+s18+$0x0] =	vst.idx.add.f32.msk $0xffff, v1;
	v5 =	vand.u32 $0xFF, v5  }
0x533: {  	[tilespmem:v4+s18+$0x0] =	vst.idx.add.f32.msk $0xffff, v1;
	v4 =	vmul.f32 v6, v2;
	v6 =	vsub.f32 v7, v3  }
0x534: {  	v7 =	vld [tilespmem:s24+$0x20]  }
0x535: {  	[tilespmem:v8+s18+$0x0] =	vst.idx.add.f32.msk $0xffff, v1;
	v4 =	vadd.f32 $8.388607500e+06, v4;
	v6 =	vmul.f32 v6, v2  }
0x536: {  	v9 =	vsub.f32 v10, v3;
	v8 =	vld [tilespmem:s23+$0x40]  }
0x537: {  	[tilespmem:v5+s18+$0x0] =	vst.idx.add.f32.msk $0xffff, v1;
	v4 =	vand.u32 $0xFF, v4;
	v6 =	vadd.f32 $8.388607500e+06, v6  }
0x538: {  	v5 =	vmul.f32 v9, v2;
	v10 =	vld [tilespmem:s20+$0x410]  }
0x539: {  	v9 =	vld [tilespmem:s22+$0x60];
	v7 =	vsub.f32 v7, v3;
	v6 =	vand.u32 $0xFF, v6  }
0x53a: {  	v5 =	vadd.f32 $8.388607500e+06, v5  }
0x53b: {  	v8 =	vsub.f32 v8, v3;
	v7 =	vmul.f32 v7, v2  }
0x53c: {  	[tilespmem:v4+s18+$0x0] =	vst.idx.add.f32.msk $0xffff, v1;
	v4 =	vand.u32 $0xFF, v5  }
0x53d: {  	v8 =	vmul.f32 v8, v2;
	v5 =	vsub.f32 v10, v3;
	v7 =	vadd.f32 $8.388607500e+06, v7;
	v10 =	vld [tilespmem:s29+$0x430]  }
0x53e: {  	[tilespmem:v6+s18+$0x0] =	vst.idx.add.f32.msk $0xffff, v1;
	v6 =	vsub.f32 v9, v3  }
0x53f: {  	v8 =	vadd.f32 $8.388607500e+06, v8;
	v5 =	vmul.f32 v5, v2;
	v7 =	vand.u32 $0xFF, v7;
	v9 =	vld [tilespmem:s21+$0x400]  }
0x540: {  	v6 =	vmul.f32 v6, v2  }
0x541: {  	v8 =	vand.u32 $0xFF, v8;
	v5 =	vadd.f32 $8.388607500e+06, v5;
	[tilespmem:v4+s18+$0x0] =	vst.idx.add.f32.msk $0xffff, v1  }
0x542: {  	v4 =	vsub.f32 v10, v3;
	v6 =	vadd.f32 $8.388607500e+06, v6;
	v10 =	vld [tilespmem:s25+$0x10]  }
0x543: {  	v5 =	vand.u32 $0xFF, v5  }
0x544: {  	[tilespmem:v7+s18+$0x0] =	vst.idx.add.f32.msk $0xffff, v1;
	v9 =	vsub.f32 v9, v3;
	v4 =	vmul.f32 v4, v2;
	v6 =	vand.u32 $0xFF, v6  }
0x545: {  	v7 =	vld [tilespmem:s24+$0x30]  }
0x546: {  	[tilespmem:v8+s18+$0x0] =	vst.idx.add.f32.msk $0xffff, v1;
	v9 =	vmul.f32 v9, v2;
	v4 =	vadd.f32 $8.388607500e+06, v4  }
0x547: {  	v8 =	vld [tilespmem:s23+$0x50];
	v10 =	vsub.f32 v10, v3  }
0x548: {  	[tilespmem:v5+s18+$0x0] =	vst.idx.add.f32.msk $0xffff, v1;
	v5 =	vadd.f32 $8.388607500e+06, v9;
	v4 =	vand.u32 $0xFF, v4  }
0x549: {  	[tilespmem:v6+s18+$0x0] =	vst.idx.add.f32.msk $0xffff, v1;
	v6 =	vmul.f32 v10, v2  }
0x54a: {  	v7 =	vsub.f32 v7, v3;
	v5 =	vand.u32 $0xFF, v5;
	v9 =	vld [tilespmem:s22+$0x70]  }
0x54b: {  	v10 =	vld [tilespmem:s20+$0x420];
	v6 =	vadd.f32 $8.388607500e+06, v6  }
0x54c: {  	s17 =	simm.s32 $0xE000;
	v8 =	vsub.f32 v8, v3;
	v7 =	vmul.f32 v7, v2  }
0x54d: {  	s26 =	simm.s32 $0x700;
	s0 =	sand.u32 $0x2000, s17;
	[tilespmem:v4+s18+$0x0] =	vst.idx.add.f32.msk $0xffff, v1;
	v4 =	vand.u32 $0xFF, v6  }
0x54e: {  	s30 =	simm.s32 $0x1C0;
	s1 =	sand.u32 $0x7000, s26;
	s0 =	sshrl.u32 s0, $0x2;
	v6 =	vadd.f32 $8.388607500e+06, v7;
	v7 =	vmul.f32 v8, v2;
	v8 =	vld [tilespmem:s29+$0x440]  }
0x54f: {  	s17 =	sand.u32 $0x380, s30;
	s0 =	sor.u32 s0, s1;
	[tilespmem:v5+s18+$0x0] =	vst.idx.add.f32.msk $0xffff, v1;
	v5 =	vsub.f32 v9, v3  }
0x550: {  	s26 =	sor.u32 s17, s0;
	v9 =	vsub.f32 v10, v3;
	v6 =	vand.u32 $0xFF, v6;
	v7 =	vadd.f32 $8.388607500e+06, v7;
	v10 =	vld [tilespmem:s21+$0x410]  }
0x551: {  	v11 =	vld [tilespmem:s26+$0x0];
	v5 =	vmul.f32 v5, v2  }
0x552: {  	v9 =	vmul.f32 v9, v2;
	v7 =	vand.u32 $0xFF, v7;
	[tilespmem:v4+s18+$0x0] =	vst.idx.add.f32.msk $0xffff, v1  }
0x553: {  	v4 =	vadd.f32 $8.388607500e+06, v5;
	v5 =	vsub.f32 v8, v3;
	v8 =	vld [tilespmem:s25+$0x20]  }
0x554: {  	v9 =	vadd.f32 $8.388607500e+06, v9  }
0x555: {  	[tilespmem:v6+s18+$0x0] =	vst.idx.add.f32.msk $0xffff, v1;
	v10 =	vsub.f32 v10, v3;
	v4 =	vand.u32 $0xFF, v4;
	v5 =	vmul.f32 v5, v2  }
0x556: {  	v11 =	vsub.f32 v11, v3;
	v6 =	vld [tilespmem:s24+$0x40]  }
0x557: {  	v9 =	vand.u32 $0xFF, v9;
	[tilespmem:v7+s18+$0x0] =	vst.idx.add.f32.msk $0xffff, v1;
	v10 =	vmul.f32 v10, v2;
	v5 =	vadd.f32 $8.388607500e+06, v5  }
0x558: {  	v11 =	vmul.f32 v11, v2;
	v7 =	vld [tilespmem:s23+$0x60];
	v8 =	vsub.f32 v8, v3  }
0x559: {  	v10 =	vadd.f32 $8.388607500e+06, v10;
	v5 =	vand.u32 $0xFF, v5  }
0x55a: {  	[tilespmem:v4+s18+$0x0] =	vst.idx.add.f32.msk $0xffff, v1;
	v4 =	vadd.f32 $8.388607500e+06, v11;
	v8 =	vmul.f32 v8, v2  }
0x55b: {  	v6 =	vsub.f32 v6, v3;
	v10 =	vand.u32 $0xFF, v10;
	v11 =	vld [tilespmem:s22+$0x400]  }
0x55c: {  	[tilespmem:v9+s18+$0x0] =	vst.idx.add.f32.msk $0xffff, v1;
	v4 =	vand.u32 $0xFF, v4;
	v8 =	vadd.f32 $8.388607500e+06, v8  }
0x55d: {  	v9 =	vld [tilespmem:s20+$0x430];
	v6 =	vmul.f32 v6, v2;
	v7 =	vsub.f32 v7, v3  }
0x55e: {  	[tilespmem:v5+s18+$0x0] =	vst.idx.add.f32.msk $0xffff, v1;
	v5 =	vand.u32 $0xFF, v8  }
0x55f: {  	v6 =	vadd.f32 $8.388607500e+06, v6;
	v7 =	vmul.f32 v7, v2;
	v8 =	vld [tilespmem:s29+$0x450]  }
0x560: {  	[tilespmem:v10+s18+$0x0] =	vst.idx.add.f32.msk $0xffff, v1;
	v10 =	vsub.f32 v11, v3  }
0x561: {  	v6 =	vand.u32 $0xFF, v6;
	[tilespmem:v4+s18+$0x0] =	vst.idx.add.f32.msk $0xffff, v1;
	v4 =	vadd.f32 $8.388607500e+06, v7  }
0x562: {  	v7 =	vsub.f32 v9, v3;
	v9 =	vmul.f32 v10, v2;
	v10 =	vld [tilespmem:s26+$0x10]  }
0x563: {  	[tilespmem:v5+s18+$0x0] =	vst.idx.add.f32.msk $0xffff, v1;
	v4 =	vand.u32 $0xFF, v4  }
0x564: {  	v5 =	vmul.f32 v7, v2;
	v7 =	vadd.f32 $8.388607500e+06, v9;
	v9 =	vld [tilespmem:s25+$0x30];
	v8 =	vsub.f32 v8, v3  }
0x565: {  	v11 =	vld [tilespmem:s21+$0x420]  }
0x566: {  	v5 =	vadd.f32 $8.388607500e+06, v5;
	[tilespmem:v6+s18+$0x0] =	vst.idx.add.f32.msk $0xffff, v1;
	v6 =	vand.u32 $0xFF, v7;
	v7 =	vmul.f32 v8, v2  }
0x567: {  	v8 =	vld [tilespmem:s24+$0x50];
	v10 =	vsub.f32 v10, v3  }
0x568: {  	v5 =	vand.u32 $0xFF, v5;
	[tilespmem:v4+s18+$0x0] =	vst.idx.add.f32.msk $0xffff, v1;
	v4 =	vadd.f32 $8.388607500e+06, v7  }
0x569: {  	v7 =	vmul.f32 v10, v2;
	v9 =	vsub.f32 v9, v3;
	v10 =	vld [tilespmem:s23+$0x70]  }
0x56a: {  	v4 =	vand.u32 $0xFF, v4  }
0x56b: {  	v11 =	vsub.f32 v11, v3;
	[tilespmem:v6+s18+$0x0] =	vst.idx.add.f32.msk $0xffff, v1;
	v6 =	vadd.f32 $8.388607500e+06, v7;
	v7 =	vmul.f32 v9, v2  }
0x56c: {  	s1 =	simm.s32 $0x10000;
	v8 =	vsub.f32 v8, v3;
	v9 =	vld [tilespmem:s22+$0x410]  }
0x56d: {  	s0 =	sand.u32 $0x2000, s1;
	s17 =	simm.s32 $0x800;
	v11 =	vmul.f32 v11, v2;
	[tilespmem:v5+s18+$0x0] =	vst.idx.add.f32.msk $0xffff, v1;
	v5 =	vand.u32 $0xFF, v6;
	v6 =	vadd.f32 $8.388607500e+06, v7  }
0x56e: {  	s30 =	simm.s32 $0x200;
	s1 =	sand.u32 $0x7000, s17;
	s0 =	sshrl.u32 s0, $0x2;
	v7 =	vmul.f32 v8, v2;
	v8 =	vld [tilespmem:s20+$0x440];
	v10 =	vsub.f32 v10, v3  }
0x56f: {  	s17 =	sand.u32 $0x380, s30;
	s0 =	sor.u32 s0, s1;
	v11 =	vadd.f32 $8.388607500e+06, v11;
	v6 =	vand.u32 $0xFF, v6;
	[tilespmem:v4+s18+$0x0] =	vst.idx.add.f32.msk $0xffff, v1  }
0x570: {  	s28 =	sor.u32 s17, s0;
	v4 =	vadd.f32 $8.388607500e+06, v7;
	v7 =	vmul.f32 v10, v2;
	v10 =	vld [tilespmem:s29+$0x460]  }
0x571: {  	v61 =	vld [tilespmem:s28+$0x0];
	v11 =	vand.u32 $0xFF, v11;
	v9 =	vsub.f32 v9, v3  }
0x572: {  	v4 =	vand.u32 $0xFF, v4;
	[tilespmem:v5+s18+$0x0] =	vst.idx.add.f32.msk $0xffff, v1;
	v5 =	vadd.f32 $8.388607500e+06, v7  }
0x573: {  	v8 =	vsub.f32 v8, v3;
	v7 =	vmul.f32 v9, v2;
	v9 =	vld [tilespmem:s26+$0x20]  }
0x574: {  	[tilespmem:v6+s18+$0x0] =	vst.idx.add.f32.msk $0xffff, v1;
	v5 =	vand.u32 $0xFF, v5  }
0x575: {  	v6 =	vadd.f32 $8.388607500e+06, v7;
	v7 =	vmul.f32 v8, v2;
	v8 =	vld [tilespmem:s25+$0x40];
	v10 =	vsub.f32 v10, v3  }
0x576: {  	[tilespmem:v11+s18+$0x0] =	vst.idx.add.f32.msk $0xffff, v1;
	v11 =	vsub.f32 v61, v3  }
0x577: {  	[tilespmem:v4+s18+$0x0] =	vst.idx.add.f32.msk $0xffff, v1;
	v4 =	vand.u32 $0xFF, v6;
	v6 =	vadd.f32 $8.388607500e+06, v7;
	v7 =	vmul.f32 v10, v2  }
0x578: {  	v11 =	vmul.f32 v11, v2;
	v10 =	vld [tilespmem:s24+$0x60];
	v9 =	vsub.f32 v9, v3  }
0x579: {  	v6 =	vand.u32 $0xFF, v6;
	[tilespmem:v5+s18+$0x0] =	vst.idx.add.f32.msk $0xffff, v1;
	v5 =	vadd.f32 $8.388607500e+06, v7  }
0x57a: {  	v7 =	vadd.f32 $8.388607500e+06, v11;
	v9 =	vmul.f32 v9, v2;
	v8 =	vsub.f32 v8, v3;
	v11 =	vld [tilespmem:s23+$0x400]  }
0x57b: {  	v62 =	vld [tilespmem:s21+$0x430];
	v5 =	vand.u32 $0xFF, v5  }
0x57c: {  	[tilespmem:v4+s18+$0x0] =	vst.idx.add.f32.msk $0xffff, v1;
	v4 =	vand.u32 $0xFF, v7;
	v7 =	vadd.f32 $8.388607500e+06, v9;
	v8 =	vmul.f32 v8, v2  }
0x57d: {  	v10 =	vsub.f32 v10, v3;
	v9 =	vld [tilespmem:s22+$0x420]  }
0x57e: {  	[tilespmem:v6+s18+$0x0] =	vst.idx.add.f32.msk $0xffff, v1;
	v6 =	vand.u32 $0xFF, v7;
	v7 =	vadd.f32 $8.388607500e+06, v8  }
0x57f: {  	v8 =	vmul.f32 v10, v2;
	v10 =	vsub.f32 v11, v3;
	v11 =	vld [tilespmem:s20+$0x450]  }
0x580: {  	v7 =	vand.u32 $0xFF, v7;
	[tilespmem:v5+s18+$0x0] =	vst.idx.add.f32.msk $0xffff, v1  }
0x581: {  	v5 =	vsub.f32 v62, v3;
	[tilespmem:v4+s18+$0x0] =	vst.idx.add.f32.msk $0xffff, v1;
	v4 =	vadd.f32 $8.388607500e+06, v8;
	v8 =	vmul.f32 v10, v2  }
0x582: {  	v10 =	vld [tilespmem:s28+$0x10]  }
0x583: {  	v5 =	vmul.f32 v5, v2;
	[tilespmem:v6+s18+$0x0] =	vst.idx.add.f32.msk $0xffff, v1;
	v4 =	vand.u32 $0xFF, v4;
	v6 =	vadd.f32 $8.388607500e+06, v8  }
0x584: {  	v9 =	vsub.f32 v9, v3;
	v8 =	vld [tilespmem:s26+$0x30]  }
0x585: {  	v5 =	vadd.f32 $8.388607500e+06, v5;
	[tilespmem:v7+s18+$0x0] =	vst.idx.add.f32.msk $0xffff, v1;
	v6 =	vand.u32 $0xFF, v6;
	v7 =	vsub.f32 v11, v3  }
0x586: {  	v14 =	vld [tilespmem:s29+$0x470];
	v9 =	vmul.f32 v9, v2  }
0x587: {  	v63 =	vld [tilespmem:s25+$0x50];
	v13 =	vand.u32 $0xFF, v5;
	v5 =	vsub.f32 v10, v3;
	v7 =	vmul.f32 v7, v2  }
0x588: {  	[tilespmem:v4+s18+$0x0] =	vst.idx.add.f32.msk $0xffff, v1;
	v4 =	vadd.f32 $8.388607500e+06, v9  }
0x589: {  	v5 =	vmul.f32 v5, v2;
	v9 =	vsub.f32 v8, v3;
	v8 =	vld [tilespmem:s24+$0x70];
	v15 =	vadd.f32 $8.388607500e+06, v7  }
0x58a: {  	[tilespmem:v6+s18+$0x0] =	vst.idx.add.f32.msk $0xffff, v1;
	v6 =	vand.u32 $0xFF, v4  }
0x58b: {  	v4 =	vsub.f32 v14, v3;
	v11 =	vadd.f32 $8.388607500e+06, v5;
	v7 =	vld [tilespmem:s23+$0x410];
	v5 =	vand.u32 $0xFF, v15  }
0x58c: {  	s31 =	simm.s32 $0x9;
	s29 =	simm.s32 $0x12000;
	v10 =	vmul.f32 v9, v2;
	v9 =	vsub.f32 v63, v3;
	[tilespmem:v13+s18+$0x0] =	vst.idx.add.f32.msk $0xffff, v1  }
.LBB2_14:
0x58d: {  	s0 =	sand.u32 $0x2000, s29  }
0x58e: {  	s1 =	sshll.u32 s31, $0x8;
	v11 =	vand.u32 $0xFF, v11;
	v10 =	vadd.f32 $8.388607500e+06, v10;
	v9 =	vmul.f32 v9, v2;
	v12 =	vld [tilespmem:s21+$0x440];
	s17 =	smov.u32 s31;
	s30 =	sadd.s32 $0x1, s31  }
0x58f: {  	s1 =	sand.u32 $0x7000, s1;
	s17 =	sshll.u32 s17, $0x6;
	s0 =	sshrl.u32 s0, $0x2;
	v8 =	vsub.f32 v8, v3;
	[tilespmem:v6+s18+$0x0] =	vst.idx.add.f32.msk $0xffff, v1;
	v4 =	vmul.f32 v4, v2  }
0x590: {  	p0 =	sne.s32 s31, $0x7F;
	s17 =	sand.u32 $0x380, s17;
	s0 =	sor.u32 s0, s1;
	v6 =	vand.u32 $0xFF, v10;
	v9 =	vadd.f32 $8.388607500e+06, v9;
	[tilespmem:v5+s18+$0x0] =	vst.idx.add.f32.msk $0xffff, v1  }
0x591: {  	s31 =	sor.u32 s17, s0;
	v5 =	vmul.f32 v8, v2;
	v7 =	vsub.f32 v7, v3;
	v8 =	vld [tilespmem:s20+$0x460];
	v4 =	vadd.f32 $8.388607500e+06, v4  }
0x592: {  	v10 =	vld [tilespmem:s31+$0x0];
	v9 =	vand.u32 $0xFF, v9  }
0x593: {  	[tilespmem:v11+s18+$0x0] =	vst.idx.add.f32.msk $0xffff, v1;
	v5 =	vadd.f32 $8.388607500e+06, v5;
	v7 =	vmul.f32 v7, v2;
	v11 =	vsub.f32 v12, v3  }
0x594: {  	v4 =	vand.u32 $0xFF, v4;
	v12 =	vld [tilespmem:s28+$0x20]  }
0x595: {  	[tilespmem:v6+s18+$0x0] =	vst.idx.add.f32.msk $0xffff, v1;
	v5 =	vand.u32 $0xFF, v5;
	v6 =	vadd.f32 $8.388607500e+06, v7;
	v7 =	vmul.f32 v11, v2  }
0x596: {  	v11 =	vld [tilespmem:s26+$0x40];
	v8 =	vsub.f32 v8, v3  }
0x597: {  	v10 =	vsub.f32 v10, v3;
	[tilespmem:v9+s18+$0x0] =	vst.idx.add.f32.msk $0xffff, v1;
	v6 =	vand.u32 $0xFF, v6;
	v7 =	vadd.f32 $8.388607500e+06, v7  }
0x598: {  	v9 =	vld [tilespmem:s25+$0x60];
	v8 =	vmul.f32 v8, v2  }
0x599: {  	v10 =	vmul.f32 v10, v2;
	v12 =	vsub.f32 v12, v3;
	v13 =	vld [tilespmem:s22+$0x430];
	v7 =	vand.u32 $0xFF, v7  }
0x59a: {  	[tilespmem:v5+s18+$0x0] =	vst.idx.add.f32.msk $0xffff, v1;
	v5 =	vadd.f32 $8.388607500e+06, v8  }
0x59b: {  	v8 =	vadd.f32 $8.388607500e+06, v10;
	v10 =	vmul.f32 v12, v2;
	v11 =	vsub.f32 v11, v3;
	v12 =	vld [tilespmem:s24+$0x400]  }
0x59c: {  	[tilespmem:v6+s18+$0x0] =	vst.idx.add.f32.msk $0xffff, v1;
	v5 =	vand.u32 $0xFF, v5  }
0x59d: {  	v6 =	vand.u32 $0xFF, v8;
	v8 =	vadd.f32 $8.388607500e+06, v10;
	v10 =	vmul.f32 v11, v2;
	v11 =	vld [tilespmem:s23+$0x420]  }
0x59e: {  	v9 =	vsub.f32 v9, v3;
	v13 =	vsub.f32 v13, v3;
	[tilespmem:v7+s18+$0x0] =	vst.idx.add.f32.msk $0xffff, v1  }
0x59f: {  	v7 =	vand.u32 $0xFF, v8;
	v8 =	vadd.f32 $8.388607500e+06, v10;
	[tilespmem:v4+s18+$0x0] =	vst.idx.add.f32.msk $0xffff, v1  }
0x5a0: {  	v4 =	vmul.f32 v9, v2;
	v9 =	vsub.f32 v12, v3;
	v10 =	vmul.f32 v13, v2;
	v12 =	vld [tilespmem:s21+$0x450]  }
0x5a1: {  	v8 =	vand.u32 $0xFF, v8;
	[tilespmem:v5+s18+$0x0] =	vst.idx.add.f32.msk $0xffff, v1  }
0x5a2: {  	v4 =	vadd.f32 $8.388607500e+06, v4;
	[tilespmem:v6+s18+$0x0] =	vst.idx.add.f32.msk $0xffff, v1;
	v5 =	vmul.f32 v9, v2;
	v6 =	vsub.f32 v11, v3  }
0x5a3: {  	v10 =	vadd.f32 $8.388607500e+06, v10;
	v9 =	vld [tilespmem:s31+$0x10]  }
0x5a4: {  	v4 =	vand.u32 $0xFF, v4;
	[tilespmem:v7+s18+$0x0] =	vst.idx.add.f32.msk $0xffff, v1;
	v5 =	vadd.f32 $8.388607500e+06, v5;
	v6 =	vmul.f32 v6, v2  }
0x5a5: {  	v7 =	vld [tilespmem:s28+$0x30];
	v11 =	vsub.f32 v12, v3  }
0x5a6: {  	[tilespmem:v8+s18+$0x0] =	vst.idx.add.f32.msk $0xffff, v1;
	v5 =	vand.u32 $0xFF, v5;
	v6 =	vadd.f32 $8.388607500e+06, v6  }
0x5a7: {  	v13 =	vand.u32 $0xFF, v10;
	v12 =	vld [tilespmem:s26+$0x50];
	v8 =	vmul.f32 v11, v2  }
0x5a8: {  	v9 =	vsub.f32 v9, v3;
	v6 =	vand.u32 $0xFF, v6;
	v14 =	vld [tilespmem:s20+$0x470];
	s20 =	smov.u32 s21;
	s21 =	smov.u32 s22;
	s22 =	smov.u32 s23  }
.Ltmp6:
0x5a9: {  	s23 =	smov.u32 s24;
	s24 =	smov.u32 s25;
	[tilespmem:v4+s18+$0x0] =	vst.idx.add.f32.msk $0xffff, v1;
	v4 =	vadd.f32 $8.388607500e+06, v8;
	(pc) =	sbr.rel @p0 .LBB2_14-.Ltmp6, $4  }
0x5aa: {  	s25 =	smov.u32 s26;
	s26 =	smov.u32 s28;
	s28 =	smov.u32 s31;
	v9 =	vmul.f32 v9, v2;
	v7 =	vsub.f32 v7, v3;
	v8 =	vld [tilespmem:s24+$0x70]  }
0x5ab: {  	[tilespmem:v5+s18+$0x0] =	vst.idx.add.f32.msk $0xffff, v1;
	v5 =	vand.u32 $0xFF, v4  }
0x5ac: {  	v11 =	vadd.f32 $8.388607500e+06, v9;
	v10 =	vmul.f32 v7, v2;
	v9 =	vsub.f32 v12, v3;
	v7 =	vld [tilespmem:s23+$0x410]  }
0x5ad: {  	s29 =	sadd.s32 $0x2000, s29;
	s31 =	smov.u32 s30;
	[tilespmem:v13+s18+$0x0] =	vst.idx.add.f32.msk $0xffff, v1;
	v4 =	vsub.f32 v14, v3  }
0x5ae: {  	v11 =	vand.u32 $0xFF, v11;
	_ =	sdelay $0x4  }
0x5af: {  	[tilespmem:v11+s18+$0x0] =	vst.idx.add.f32.msk $0xffff, v1  }
0x5b0: {  	v11 =	vld [tilespmem:s28+$0x20];
	_ =	sdelay $0x4  }
0x5b1: {  	v11 =	vsub.f32 v11, v3;
	_ =	sdelay $0x1  }
0x5b2: {  	v11 =	vmul.f32 v11, v2;
	_ =	sdelay $0x1  }
0x5b3: {  	v11 =	vadd.f32 $8.388607500e+06, v11;
	_ =	sdelay $0x1  }
0x5b4: {  	v11 =	vand.u32 $0xFF, v11;
	_ =	sdelay $0x4  }
0x5b5: {  	[tilespmem:v11+s18+$0x0] =	vst.idx.add.f32.msk $0xffff, v1  }
0x5b6: {  	v11 =	vld [tilespmem:s28+$0x30];
	_ =	sdelay $0x4  }
0x5b7: {  	v11 =	vsub.f32 v11, v3;
	_ =	sdelay $0x1  }
0x5b8: {  	v10 =	vadd.f32 $8.388607500e+06, v10;
	v11 =	vmul.f32 v11, v2;
	_ =	sdelay $0x1  }
0x5b9: {  	v10 =	vand.u32 $0xFF, v10;
	v11 =	vadd.f32 $8.388607500e+06, v11;
	_ =	sdelay $0x1  }
0x5ba: {  	v11 =	vand.u32 $0xFF, v11;
	_ =	sdelay $0x2  }
0x5bb: {  	[tilespmem:v10+s18+$0x0] =	vst.idx.add.f32.msk $0xffff, v1  }
0x5bc: {  	v10 =	vld [tilespmem:s26+$0x40]  }
0x5bd: {  	[tilespmem:v11+s18+$0x0] =	vst.idx.add.f32.msk $0xffff, v1  }
0x5be: {  	v11 =	vld [tilespmem:s28+$0x40];
	_ =	sdelay $0x2  }
0x5bf: {  	v10 =	vsub.f32 v10, v3;
	_ =	sdelay $0x1  }
0x5c0: {  	v10 =	vmul.f32 v10, v2;
	v11 =	vsub.f32 v11, v3;
	_ =	sdelay $0x1  }
0x5c1: {  	v10 =	vadd.f32 $8.388607500e+06, v10;
	v11 =	vmul.f32 v11, v2;
	_ =	sdelay $0x1  }
0x5c2: {  	v10 =	vand.u32 $0xFF, v10;
	v11 =	vadd.f32 $8.388607500e+06, v11;
	_ =	sdelay $0x1  }
0x5c3: {  	v11 =	vand.u32 $0xFF, v11;
	_ =	sdelay $0x2  }
0x5c4: {  	[tilespmem:v10+s18+$0x0] =	vst.idx.add.f32.msk $0xffff, v1  }
0x5c5: {  	v10 =	vld [tilespmem:s26+$0x50]  }
0x5c6: {  	[tilespmem:v11+s18+$0x0] =	vst.idx.add.f32.msk $0xffff, v1  }
0x5c7: {  	v11 =	vld [tilespmem:s28+$0x50];
	_ =	sdelay $0x2  }
0x5c8: {  	v9 =	vmul.f32 v9, v2;
	v10 =	vsub.f32 v10, v3;
	_ =	sdelay $0x1  }
0x5c9: {  	v9 =	vadd.f32 $8.388607500e+06, v9;
	v10 =	vmul.f32 v10, v2;
	v11 =	vsub.f32 v11, v3;
	_ =	sdelay $0x1  }
0x5ca: {  	v9 =	vand.u32 $0xFF, v9;
	v10 =	vadd.f32 $8.388607500e+06, v10;
	v11 =	vmul.f32 v11, v2;
	_ =	sdelay $0x1  }
0x5cb: {  	v10 =	vand.u32 $0xFF, v10;
	v11 =	vadd.f32 $8.388607500e+06, v11;
	_ =	sdelay $0x1  }
0x5cc: {  	v11 =	vand.u32 $0xFF, v11  }
0x5cd: {  	[tilespmem:v9+s18+$0x0] =	vst.idx.add.f32.msk $0xffff, v1  }
0x5ce: {  	v9 =	vld [tilespmem:s25+$0x60]  }
0x5cf: {  	[tilespmem:v10+s18+$0x0] =	vst.idx.add.f32.msk $0xffff, v1  }
0x5d0: {  	v10 =	vld [tilespmem:s26+$0x60]  }
0x5d1: {  	[tilespmem:v11+s18+$0x0] =	vst.idx.add.f32.msk $0xffff, v1  }
0x5d2: {  	v11 =	vld [tilespmem:s28+$0x60]  }
0x5d3: {  	v9 =	vsub.f32 v9, v3;
	_ =	sdelay $0x1  }
0x5d4: {  	v9 =	vmul.f32 v9, v2;
	v10 =	vsub.f32 v10, v3;
	_ =	sdelay $0x1  }
0x5d5: {  	v9 =	vadd.f32 $8.388607500e+06, v9;
	v10 =	vmul.f32 v10, v2;
	v11 =	vsub.f32 v11, v3;
	_ =	sdelay $0x1  }
0x5d6: {  	v9 =	vand.u32 $0xFF, v9;
	v10 =	vadd.f32 $8.388607500e+06, v10;
	v11 =	vmul.f32 v11, v2;
	_ =	sdelay $0x1  }
0x5d7: {  	v10 =	vand.u32 $0xFF, v10;
	v11 =	vadd.f32 $8.388607500e+06, v11;
	_ =	sdelay $0x1  }
0x5d8: {  	v11 =	vand.u32 $0xFF, v11  }
0x5d9: {  	[tilespmem:v9+s18+$0x0] =	vst.idx.add.f32.msk $0xffff, v1  }
0x5da: {  	v9 =	vld [tilespmem:s25+$0x70]  }
0x5db: {  	[tilespmem:v10+s18+$0x0] =	vst.idx.add.f32.msk $0xffff, v1  }
0x5dc: {  	v8 =	vsub.f32 v8, v3;
	v10 =	vld [tilespmem:s26+$0x70]  }
0x5dd: {  	[tilespmem:v11+s18+$0x0] =	vst.idx.add.f32.msk $0xffff, v1  }
0x5de: {  	v8 =	vmul.f32 v8, v2;
	v11 =	vld [tilespmem:s28+$0x70]  }
0x5df: {  	v9 =	vsub.f32 v9, v3  }
0x5e0: {  	v8 =	vadd.f32 $8.388607500e+06, v8  }
0x5e1: {  	v9 =	vmul.f32 v9, v2;
	v10 =	vsub.f32 v10, v3  }
0x5e2: {  	v8 =	vand.u32 $0xFF, v8  }
0x5e3: {  	v9 =	vadd.f32 $8.388607500e+06, v9;
	v10 =	vmul.f32 v10, v2;
	v11 =	vsub.f32 v11, v3;
	_ =	sdelay $0x1  }
0x5e4: {  	v9 =	vand.u32 $0xFF, v9;
	v10 =	vadd.f32 $8.388607500e+06, v10;
	v11 =	vmul.f32 v11, v2;
	_ =	sdelay $0x1  }
0x5e5: {  	[tilespmem:v8+s18+$0x0] =	vst.idx.add.f32.msk $0xffff, v1;
	v8 =	vand.u32 $0xFF, v10;
	v10 =	vadd.f32 $8.388607500e+06, v11  }
0x5e6: {  	v11 =	vld [tilespmem:s24+$0x400]  }
0x5e7: {  	v10 =	vand.u32 $0xFF, v10  }
0x5e8: {  	[tilespmem:v9+s18+$0x0] =	vst.idx.add.f32.msk $0xffff, v1  }
0x5e9: {  	v9 =	vld [tilespmem:s25+$0x400]  }
0x5ea: {  	[tilespmem:v8+s18+$0x0] =	vst.idx.add.f32.msk $0xffff, v1  }
0x5eb: {  	v8 =	vsub.f32 v11, v3;
	v11 =	vld [tilespmem:s26+$0x400]  }
0x5ec: {  	[tilespmem:v10+s18+$0x0] =	vst.idx.add.f32.msk $0xffff, v1  }
0x5ed: {  	v8 =	vmul.f32 v8, v2;
	v10 =	vld [tilespmem:s28+$0x400]  }
0x5ee: {  	v9 =	vsub.f32 v9, v3  }
0x5ef: {  	v8 =	vadd.f32 $8.388607500e+06, v8  }
0x5f0: {  	v9 =	vmul.f32 v9, v2;
	v11 =	vsub.f32 v11, v3  }
0x5f1: {  	v8 =	vand.u32 $0xFF, v8  }
0x5f2: {  	v9 =	vadd.f32 $8.388607500e+06, v9;
	v11 =	vmul.f32 v11, v2;
	v10 =	vsub.f32 v10, v3;
	_ =	sdelay $0x1  }
0x5f3: {  	v9 =	vand.u32 $0xFF, v9;
	v11 =	vadd.f32 $8.388607500e+06, v11;
	v10 =	vmul.f32 v10, v2;
	_ =	sdelay $0x1  }
0x5f4: {  	[tilespmem:v8+s18+$0x0] =	vst.idx.add.f32.msk $0xffff, v1;
	v8 =	vand.u32 $0xFF, v11;
	v10 =	vadd.f32 $8.388607500e+06, v10  }
0x5f5: {  	v11 =	vld [tilespmem:s24+$0x410]  }
0x5f6: {  	v10 =	vand.u32 $0xFF, v10  }
0x5f7: {  	[tilespmem:v9+s18+$0x0] =	vst.idx.add.f32.msk $0xffff, v1  }
0x5f8: {  	v7 =	vsub.f32 v7, v3;
	v9 =	vld [tilespmem:s25+$0x410]  }
0x5f9: {  	[tilespmem:v8+s18+$0x0] =	vst.idx.add.f32.msk $0xffff, v1  }
0x5fa: {  	v7 =	vmul.f32 v7, v2;
	v8 =	vsub.f32 v11, v3;
	v11 =	vld [tilespmem:s26+$0x410]  }
0x5fb: {  	[tilespmem:v10+s18+$0x0] =	vst.idx.add.f32.msk $0xffff, v1  }
0x5fc: {  	v7 =	vadd.f32 $8.388607500e+06, v7;
	v8 =	vmul.f32 v8, v2;
	v10 =	vld [tilespmem:s28+$0x410]  }
0x5fd: {  	v9 =	vsub.f32 v9, v3  }
0x5fe: {  	v7 =	vand.u32 $0xFF, v7;
	v8 =	vadd.f32 $8.388607500e+06, v8  }
0x5ff: {  	v9 =	vmul.f32 v9, v2;
	v11 =	vsub.f32 v11, v3  }
0x600: {  	v8 =	vand.u32 $0xFF, v8  }
0x601: {  	v9 =	vadd.f32 $8.388607500e+06, v9;
	v11 =	vmul.f32 v11, v2;
	v10 =	vsub.f32 v10, v3;
	_ =	sdelay $0x1  }
0x602: {  	[tilespmem:v7+s18+$0x0] =	vst.idx.add.f32.msk $0xffff, v1;
	v7 =	vand.u32 $0xFF, v9;
	v9 =	vadd.f32 $8.388607500e+06, v11;
	v10 =	vmul.f32 v10, v2  }
0x603: {  	v11 =	vld [tilespmem:s23+$0x420]  }
0x604: {  	[tilespmem:v8+s18+$0x0] =	vst.idx.add.f32.msk $0xffff, v1;
	v8 =	vand.u32 $0xFF, v9;
	v9 =	vadd.f32 $8.388607500e+06, v10  }
0x605: {  	v10 =	vld [tilespmem:s24+$0x420]  }
0x606: {  	v9 =	vand.u32 $0xFF, v9  }
0x607: {  	[tilespmem:v7+s18+$0x0] =	vst.idx.add.f32.msk $0xffff, v1  }
0x608: {  	v7 =	vsub.f32 v11, v3;
	v11 =	vld [tilespmem:s25+$0x420]  }
0x609: {  	[tilespmem:v8+s18+$0x0] =	vst.idx.add.f32.msk $0xffff, v1  }
0x60a: {  	v7 =	vmul.f32 v7, v2;
	v8 =	vsub.f32 v10, v3;
	v10 =	vld [tilespmem:s26+$0x420]  }
0x60b: {  	[tilespmem:v9+s18+$0x0] =	vst.idx.add.f32.msk $0xffff, v1  }
0x60c: {  	v7 =	vadd.f32 $8.388607500e+06, v7;
	v8 =	vmul.f32 v8, v2;
	v9 =	vld [tilespmem:s28+$0x420]  }
0x60d: {  	v11 =	vsub.f32 v11, v3  }
0x60e: {  	v7 =	vand.u32 $0xFF, v7;
	v8 =	vadd.f32 $8.388607500e+06, v8  }
0x60f: {  	v11 =	vmul.f32 v11, v2;
	v10 =	vsub.f32 v10, v3  }
0x610: {  	[tilespmem:v6+s18+$0x0] =	vst.idx.add.f32.msk $0xffff, v1;
	v8 =	vand.u32 $0xFF, v8  }
0x611: {  	v6 =	vadd.f32 $8.388607500e+06, v11;
	v11 =	vld [tilespmem:s22+$0x430];
	v10 =	vmul.f32 v10, v2;
	v9 =	vsub.f32 v9, v3;
	_ =	sdelay $0x1  }
0x612: {  	[tilespmem:v7+s18+$0x0] =	vst.idx.add.f32.msk $0xffff, v1;
	v6 =	vand.u32 $0xFF, v6;
	v7 =	vadd.f32 $8.388607500e+06, v10;
	v9 =	vmul.f32 v9, v2  }
0x613: {  	v10 =	vld [tilespmem:s23+$0x430]  }
0x614: {  	[tilespmem:v8+s18+$0x0] =	vst.idx.add.f32.msk $0xffff, v1;
	v7 =	vand.u32 $0xFF, v7;
	v8 =	vadd.f32 $8.388607500e+06, v9  }
0x615: {  	v11 =	vsub.f32 v11, v3;
	v9 =	vld [tilespmem:s24+$0x430]  }
0x616: {  	v8 =	vand.u32 $0xFF, v8  }
0x617: {  	[tilespmem:v6+s18+$0x0] =	vst.idx.add.f32.msk $0xffff, v1;
	v6 =	vmul.f32 v11, v2  }
0x618: {  	v10 =	vsub.f32 v10, v3;
	v11 =	vld [tilespmem:s25+$0x430]  }
0x619: {  	v6 =	vadd.f32 $8.388607500e+06, v6;
	[tilespmem:v7+s18+$0x0] =	vst.idx.add.f32.msk $0xffff, v1  }
0x61a: {  	v7 =	vmul.f32 v10, v2;
	v9 =	vsub.f32 v9, v3;
	v10 =	vld [tilespmem:s26+$0x430]  }
0x61b: {  	v6 =	vand.u32 $0xFF, v6;
	[tilespmem:v8+s18+$0x0] =	vst.idx.add.f32.msk $0xffff, v1  }
0x61c: {  	v7 =	vadd.f32 $8.388607500e+06, v7;
	v8 =	vmul.f32 v9, v2;
	v9 =	vld [tilespmem:s28+$0x430]  }
0x61d: {  	v11 =	vsub.f32 v11, v3  }
0x61e: {  	v7 =	vand.u32 $0xFF, v7;
	v8 =	vadd.f32 $8.388607500e+06, v8  }
0x61f: {  	v12 =	vld [tilespmem:s21+$0x440];
	v11 =	vmul.f32 v11, v2;
	v10 =	vsub.f32 v10, v3  }
0x620: {  	[tilespmem:v6+s18+$0x0] =	vst.idx.add.f32.msk $0xffff, v1;
	v8 =	vand.u32 $0xFF, v8  }
0x621: {  	v6 =	vadd.f32 $8.388607500e+06, v11;
	v11 =	vld [tilespmem:s22+$0x440];
	v10 =	vmul.f32 v10, v2;
	v9 =	vsub.f32 v9, v3;
	_ =	sdelay $0x1  }
0x622: {  	[tilespmem:v7+s18+$0x0] =	vst.idx.add.f32.msk $0xffff, v1;
	v6 =	vand.u32 $0xFF, v6;
	v7 =	vadd.f32 $8.388607500e+06, v10;
	v9 =	vmul.f32 v9, v2  }
0x623: {  	v10 =	vsub.f32 v12, v3;
	v55 =	vld [tilespmem:s23+$0x440]  }
0x624: {  	[tilespmem:v8+s18+$0x0] =	vst.idx.add.f32.msk $0xffff, v1;
	v7 =	vand.u32 $0xFF, v7;
	v8 =	vadd.f32 $8.388607500e+06, v9  }
0x625: {  	v11 =	vsub.f32 v11, v3;
	v9 =	vmul.f32 v10, v2;
	v10 =	vld [tilespmem:s24+$0x440]  }
0x626: {  	v8 =	vand.u32 $0xFF, v8  }
0x627: {  	[tilespmem:v6+s18+$0x0] =	vst.idx.add.f32.msk $0xffff, v1;
	v6 =	vmul.f32 v11, v2;
	v9 =	vadd.f32 $8.388607500e+06, v9  }
0x628: {  	v11 =	vsub.f32 v55, v3;
	v56 =	vld [tilespmem:s25+$0x440]  }
0x629: {  	v6 =	vadd.f32 $8.388607500e+06, v6;
	v9 =	vand.u32 $0xFF, v9;
	[tilespmem:v7+s18+$0x0] =	vst.idx.add.f32.msk $0xffff, v1  }
0x62a: {  	v7 =	vmul.f32 v11, v2;
	v10 =	vsub.f32 v10, v3;
	v11 =	vld [tilespmem:s26+$0x440]  }
0x62b: {  	v6 =	vand.u32 $0xFF, v6;
	[tilespmem:v8+s18+$0x0] =	vst.idx.add.f32.msk $0xffff, v1  }
0x62c: {  	v7 =	vadd.f32 $8.388607500e+06, v7;
	v8 =	vmul.f32 v10, v2;
	v10 =	vld [tilespmem:s28+$0x440]  }
0x62d: {  	v12 =	vsub.f32 v56, v3  }
0x62e: {  	v7 =	vand.u32 $0xFF, v7;
	[tilespmem:v9+s18+$0x0] =	vst.idx.add.f32.msk $0xffff, v1;
	v8 =	vadd.f32 $8.388607500e+06, v8  }
0x62f: {  	v12 =	vmul.f32 v12, v2;
	v9 =	vld [tilespmem:s21+$0x450];
	v11 =	vsub.f32 v11, v3  }
0x630: {  	[tilespmem:v6+s18+$0x0] =	vst.idx.add.f32.msk $0xffff, v1;
	v8 =	vand.u32 $0xFF, v8  }
0x631: {  	v6 =	vadd.f32 $8.388607500e+06, v12;
	v57 =	vld [tilespmem:s22+$0x450];
	v11 =	vmul.f32 v11, v2;
	v10 =	vsub.f32 v10, v3  }
0x632: {  	[tilespmem:v5+s18+$0x0] =	vst.idx.add.f32.msk $0xffff, v1  }
0x633: {  	[tilespmem:v7+s18+$0x0] =	vst.idx.add.f32.msk $0xffff, v1;
	v6 =	vand.u32 $0xFF, v6;
	v7 =	vadd.f32 $8.388607500e+06, v11;
	v10 =	vmul.f32 v10, v2  }
0x634: {  	v11 =	vld [tilespmem:s23+$0x450];
	v9 =	vsub.f32 v9, v3  }
0x635: {  	[tilespmem:v8+s18+$0x0] =	vst.idx.add.f32.msk $0xffff, v1;
	v7 =	vand.u32 $0xFF, v7;
	v8 =	vadd.f32 $8.388607500e+06, v10  }
0x636: {  	v5 =	vsub.f32 v57, v3;
	v9 =	vmul.f32 v9, v2;
	v10 =	vld [tilespmem:s24+$0x450]  }
0x637: {  	v8 =	vand.u32 $0xFF, v8  }
0x638: {  	[tilespmem:v6+s18+$0x0] =	vst.idx.add.f32.msk $0xffff, v1;
	v5 =	vmul.f32 v5, v2;
	v9 =	vadd.f32 $8.388607500e+06, v9  }
0x639: {  	v6 =	vsub.f32 v11, v3;
	v11 =	vld [tilespmem:s25+$0x450]  }
0x63a: {  	v5 =	vadd.f32 $8.388607500e+06, v5;
	v9 =	vand.u32 $0xFF, v9;
	[tilespmem:v7+s18+$0x0] =	vst.idx.add.f32.msk $0xffff, v1  }
0x63b: {  	v6 =	vmul.f32 v6, v2;
	v7 =	vsub.f32 v10, v3;
	v10 =	vld [tilespmem:s26+$0x450]  }
0x63c: {  	v5 =	vand.u32 $0xFF, v5;
	[tilespmem:v8+s18+$0x0] =	vst.idx.add.f32.msk $0xffff, v1  }
0x63d: {  	v6 =	vadd.f32 $8.388607500e+06, v6;
	v7 =	vmul.f32 v7, v2;
	v8 =	vld [tilespmem:s28+$0x450]  }
0x63e: {  	v58 =	vld [tilespmem:s20+$0x460];
	v11 =	vsub.f32 v11, v3  }
0x63f: {  	v6 =	vand.u32 $0xFF, v6;
	v7 =	vadd.f32 $8.388607500e+06, v7;
	[tilespmem:v9+s18+$0x0] =	vst.idx.add.f32.msk $0xffff, v1  }
0x640: {  	v9 =	vmul.f32 v11, v2;
	v10 =	vsub.f32 v10, v3;
	v11 =	vld [tilespmem:s21+$0x460]  }
0x641: {  	[tilespmem:v5+s18+$0x0] =	vst.idx.add.f32.msk $0xffff, v1;
	v7 =	vand.u32 $0xFF, v7  }
0x642: {  	v5 =	vadd.f32 $8.388607500e+06, v9;
	v59 =	vld [tilespmem:s22+$0x460];
	v9 =	vmul.f32 v10, v2;
	v8 =	vsub.f32 v8, v3  }
0x643: {  	v10 =	vsub.f32 v58, v3  }
0x644: {  	[tilespmem:v6+s18+$0x0] =	vst.idx.add.f32.msk $0xffff, v1;
	v5 =	vand.u32 $0xFF, v5;
	v6 =	vadd.f32 $8.388607500e+06, v9;
	v8 =	vmul.f32 v8, v2  }
0x645: {  	v9 =	vld [tilespmem:s23+$0x460]  }
0x646: {  	v10 =	vmul.f32 v10, v2;
	[tilespmem:v7+s18+$0x0] =	vst.idx.add.f32.msk $0xffff, v1;
	v6 =	vand.u32 $0xFF, v6;
	v7 =	vadd.f32 $8.388607500e+06, v8  }
0x647: {  	v12 =	vsub.f32 v59, v3;
	v8 =	vsub.f32 v11, v3;
	v11 =	vld [tilespmem:s24+$0x460]  }
0x648: {  	v10 =	vadd.f32 $8.388607500e+06, v10;
	v7 =	vand.u32 $0xFF, v7  }
0x649: {  	[tilespmem:v5+s18+$0x0] =	vst.idx.add.f32.msk $0xffff, v1;
	v12 =	vmul.f32 v12, v2  }
0x64a: {  	v5 =	vand.u32 $0xFF, v10;
	v8 =	vmul.f32 v8, v2;
	v10 =	vld [tilespmem:s25+$0x460]  }
0x64b: {  	v9 =	vsub.f32 v9, v3;
	v12 =	vadd.f32 $8.388607500e+06, v12;
	[tilespmem:v6+s18+$0x0] =	vst.idx.add.f32.msk $0xffff, v1  }
0x64c: {  	v8 =	vadd.f32 $8.388607500e+06, v8;
	v6 =	vsub.f32 v11, v3;
	v11 =	vld [tilespmem:s26+$0x460]  }
0x64d: {  	v9 =	vmul.f32 v9, v2;
	v12 =	vand.u32 $0xFF, v12;
	[tilespmem:v7+s18+$0x0] =	vst.idx.add.f32.msk $0xffff, v1  }
0x64e: {  	v8 =	vand.u32 $0xFF, v8;
	v6 =	vmul.f32 v6, v2;
	v7 =	vld [tilespmem:s28+$0x460]  }
0x64f: {  	v9 =	vadd.f32 $8.388607500e+06, v9;
	v10 =	vsub.f32 v10, v3  }
0x650: {  	[tilespmem:v5+s18+$0x0] =	vst.idx.add.f32.msk $0xffff, v1;
	v5 =	vadd.f32 $8.388607500e+06, v6  }
0x651: {  	v9 =	vand.u32 $0xFF, v9;
	v6 =	vld [tilespmem:s20+$0x470];
	v10 =	vmul.f32 v10, v2;
	v11 =	vsub.f32 v11, v3  }
0x652: {  	[tilespmem:v12+s18+$0x0] =	vst.idx.add.f32.msk $0xffff, v1;
	v5 =	vand.u32 $0xFF, v5  }
0x653: {  	[tilespmem:v8+s18+$0x0] =	vst.idx.add.f32.msk $0xffff, v1;
	v10 =	vadd.f32 $8.388607500e+06, v10;
	v11 =	vmul.f32 v11, v2;
	v7 =	vsub.f32 v7, v3  }
0x654: {  	v12 =	vld [tilespmem:s22+$0x470]  }
0x655: {  	v8 =	vld [tilespmem:s21+$0x470];
	v10 =	vand.u32 $0xFF, v10;
	v11 =	vadd.f32 $8.388607500e+06, v11;
	v7 =	vmul.f32 v7, v2  }
0x656: {  	[tilespmem:v9+s18+$0x0] =	vst.idx.add.f32.msk $0xffff, v1  }
0x657: {  	v9 =	vld [tilespmem:s23+$0x470];
	v11 =	vand.u32 $0xFF, v11;
	v7 =	vadd.f32 $8.388607500e+06, v7  }
0x658: {  	[tilespmem:v5+s18+$0x0] =	vst.idx.add.f32.msk $0xffff, v1  }
0x659: {  	v5 =	vld [tilespmem:s24+$0x470];
	v7 =	vand.u32 $0xFF, v7  }
0x65a: {  	[tilespmem:v10+s18+$0x0] =	vst.idx.add.f32.msk $0xffff, v1  }
0x65b: {  	v6 =	vsub.f32 v6, v3;
	v10 =	vld [tilespmem:s25+$0x470]  }
0x65c: {  	v4 =	vmul.f32 v4, v2;
	v8 =	vsub.f32 v8, v3;
	[tilespmem:v11+s18+$0x0] =	vst.idx.add.f32.msk $0xffff, v1  }
0x65d: {  	v6 =	vmul.f32 v6, v2;
	v11 =	vld [tilespmem:s26+$0x470]  }
0x65e: {  	v4 =	vadd.f32 $8.388607500e+06, v4;
	v8 =	vmul.f32 v8, v2;
	[tilespmem:v7+s18+$0x0] =	vst.idx.add.f32.msk $0xffff, v1  }
0x65f: {  	v6 =	vadd.f32 $8.388607500e+06, v6;
	v7 =	vsub.f32 v12, v3;
	v60 =	vld [tilespmem:s28+$0x470]  }
0x660: {  	v4 =	vand.u32 $0xFF, v4;
	v9 =	vsub.f32 v9, v3;
	v8 =	vadd.f32 $8.388607500e+06, v8  }
0x661: {  	v6 =	vand.u32 $0xFF, v6;
	v5 =	vsub.f32 v5, v3;
	v7 =	vmul.f32 v7, v2  }
0x662: {  	v9 =	vmul.f32 v9, v2;
	v8 =	vand.u32 $0xFF, v8;
	v10 =	vsub.f32 v10, v3  }
0x663: {  	v5 =	vmul.f32 v5, v2;
	v11 =	vsub.f32 v11, v3;
	v7 =	vadd.f32 $8.388607500e+06, v7  }
0x664: {  	v9 =	vadd.f32 $8.388607500e+06, v9;
	v10 =	vmul.f32 v10, v2;
	v12 =	vsub.f32 v60, v3  }
0x665: {  	v5 =	vadd.f32 $8.388607500e+06, v5;
	v11 =	vmul.f32 v11, v2;
	v7 =	vand.u32 $0xFF, v7  }
0x666: {  	v9 =	vand.u32 $0xFF, v9;
	v10 =	vadd.f32 $8.388607500e+06, v10;
	v12 =	vmul.f32 v12, v2  }
0x667: {  	[tilespmem:v4+s18+$0x0] =	vst.idx.add.f32.msk $0xffff, v1;
	v4 =	vand.u32 $0xFF, v5;
	v5 =	vadd.f32 $8.388607500e+06, v11  }
0x668: {  	[tilespmem:v6+s18+$0x0] =	vst.idx.add.f32.msk $0xffff, v1;
	v6 =	vand.u32 $0xFF, v10;
	v10 =	vadd.f32 $8.388607500e+06, v12  }
0x669: {  	[tilespmem:v8+s18+$0x0] =	vst.idx.add.f32.msk $0xffff, v1;
	v5 =	vand.u32 $0xFF, v5  }
0x66a: {  	[tilespmem:v7+s18+$0x0] =	vst.idx.add.f32.msk $0xffff, v1;
	v7 =	vand.u32 $0xFF, v10  }
0x66b: {  	[tilespmem:v9+s18+$0x0] =	vst.idx.add.f32.msk $0xffff, v1  }
0x66c: {  	[tilespmem:v4+s18+$0x0] =	vst.idx.add.f32.msk $0xffff, v1  }
0x66d: {  	[tilespmem:v6+s18+$0x0] =	vst.idx.add.f32.msk $0xffff, v1  }
0x66e: {  	s0 =	simm.s32 $0x0;
	[tilespmem:v5+s18+$0x0] =	vst.idx.add.f32.msk $0xffff, v1  }
0x66f: {  	s1 =	simm.s32 $0x0;
	s17 =	simm.s32 $0x0;
	s0 =	sand.u32 $0x2000, s0;
	[tilespmem:v7+s18+$0x0] =	vst.idx.add.f32.msk $0xffff, v1  }
0x670: {  	s1 =	sand.u32 $0x7000, s1;
	s0 =	sshrl.u32 s0, $0x2;
	_ =	swait.ge [sflag:s14], $0x8000  }
0x671: {  	s17 =	sand.u32 $0x380, s17;
	s0 =	sor.u32 s0, s1;
	[sflag:s14] =	ssyncset.done $0x0  }
0x672: {  	s29 =	sor.u32 s17, s0;
	[sflag:s14] =	ssyncadd.s32 $0xFFFF8000  }
0x673: {  	v4 =	vld [tilespmem:s29+$0x8000];
	_ =	sdelay $0x4  }
0x674: {  	v4 =	vsub.f32 v4, v3;
	_ =	sdelay $0x1  }
0x675: {  	v4 =	vmul.f32 v4, v2;
	_ =	sdelay $0x1  }
0x676: {  	v4 =	vadd.f32 $8.388607500e+06, v4;
	_ =	sdelay $0x1  }
0x677: {  	v4 =	vand.u32 $0xFF, v4;
	_ =	sdelay $0x2  }
0x678: {  	s25 =	simm.s32 $0x2000  }
0x679: {  	s0 =	sand.u32 $0x2000, s25;
	s26 =	simm.s32 $0x100  }
0x67a: {  	s30 =	simm.s32 $0x40;
	s0 =	sshrl.u32 s0, $0x2;
	s1 =	sand.u32 $0x7000, s26;
	[tilespmem:v4+s18+$0x0] =	vst.idx.add.f32.msk $0xffff, v1  }
0x67b: {  	s17 =	sand.u32 $0x380, s30;
	s0 =	sor.u32 s0, s1;
	v4 =	vld [tilespmem:s29+$0x8010]  }
0x67c: {  	s20 =	sor.u32 s17, s0  }
0x67d: {  	v5 =	vld [tilespmem:s20+$0x8000];
	_ =	sdelay $0x2  }
0x67e: {  	v4 =	vsub.f32 v4, v3;
	_ =	sdelay $0x1  }
0x67f: {  	v5 =	vsub.f32 v5, v3;
	v4 =	vmul.f32 v4, v2;
	_ =	sdelay $0x1  }
0x680: {  	v5 =	vmul.f32 v5, v2;
	v4 =	vadd.f32 $8.388607500e+06, v4;
	_ =	sdelay $0x1  }
0x681: {  	v5 =	vadd.f32 $8.388607500e+06, v5;
	v4 =	vand.u32 $0xFF, v4;
	_ =	sdelay $0x1  }
0x682: {  	v5 =	vand.u32 $0xFF, v5;
	_ =	sdelay $0x2  }
0x683: {  	[tilespmem:v4+s18+$0x0] =	vst.idx.add.f32.msk $0xffff, v1  }
0x684: {  	v4 =	vld [tilespmem:s29+$0x8020]  }
0x685: {  	[tilespmem:v5+s18+$0x0] =	vst.idx.add.f32.msk $0xffff, v1  }
0x686: {  	v5 =	vld [tilespmem:s20+$0x8010];
	_ =	sdelay $0x2  }
0x687: {  	v4 =	vsub.f32 v4, v3;
	_ =	sdelay $0x1  }
0x688: {  	v5 =	vsub.f32 v5, v3;
	v4 =	vmul.f32 v4, v2;
	_ =	sdelay $0x1  }
0x689: {  	v5 =	vmul.f32 v5, v2;
	v4 =	vadd.f32 $8.388607500e+06, v4  }
0x68a: {  	s1 =	simm.s32 $0x4000  }
0x68b: {  	s0 =	sand.u32 $0x2000, s1;
	s17 =	simm.s32 $0x200;
	v5 =	vadd.f32 $8.388607500e+06, v5;
	v4 =	vand.u32 $0xFF, v4  }
0x68c: {  	s21 =	simm.s32 $0x80;
	s1 =	sand.u32 $0x7000, s17;
	s0 =	sshrl.u32 s0, $0x2  }
0x68d: {  	s17 =	sand.u32 $0x380, s21;
	s0 =	sor.u32 s0, s1;
	v5 =	vand.u32 $0xFF, v5  }
0x68e: {  	s21 =	sor.u32 s17, s0  }
0x68f: {  	v6 =	vld [tilespmem:s21+$0x8000]  }
0x690: {  	[tilespmem:v4+s18+$0x0] =	vst.idx.add.f32.msk $0xffff, v1  }
0x691: {  	v4 =	vld [tilespmem:s29+$0x8030]  }
0x692: {  	[tilespmem:v5+s18+$0x0] =	vst.idx.add.f32.msk $0xffff, v1  }
0x693: {  	v5 =	vld [tilespmem:s20+$0x8020]  }
0x694: {  	v6 =	vsub.f32 v6, v3;
	_ =	sdelay $0x1  }
0x695: {  	v6 =	vmul.f32 v6, v2;
	v4 =	vsub.f32 v4, v3;
	_ =	sdelay $0x1  }
0x696: {  	v6 =	vadd.f32 $8.388607500e+06, v6;
	v5 =	vsub.f32 v5, v3;
	v4 =	vmul.f32 v4, v2;
	_ =	sdelay $0x1  }
0x697: {  	v6 =	vand.u32 $0xFF, v6;
	v5 =	vmul.f32 v5, v2;
	v4 =	vadd.f32 $8.388607500e+06, v4;
	_ =	sdelay $0x1  }
0x698: {  	v5 =	vadd.f32 $8.388607500e+06, v5;
	v4 =	vand.u32 $0xFF, v4;
	_ =	sdelay $0x1  }
0x699: {  	v5 =	vand.u32 $0xFF, v5  }
0x69a: {  	[tilespmem:v6+s18+$0x0] =	vst.idx.add.f32.msk $0xffff, v1  }
0x69b: {  	v6 =	vld [tilespmem:s21+$0x8010]  }
0x69c: {  	[tilespmem:v4+s18+$0x0] =	vst.idx.add.f32.msk $0xffff, v1  }
0x69d: {  	v4 =	vld [tilespmem:s29+$0x8040]  }
0x69e: {  	[tilespmem:v5+s18+$0x0] =	vst.idx.add.f32.msk $0xffff, v1  }
0x69f: {  	v5 =	vld [tilespmem:s20+$0x8030]  }
0x6a0: {  	v6 =	vsub.f32 v6, v3;
	_ =	sdelay $0x1  }
0x6a1: {  	s22 =	simm.s32 $0x6000;
	v6 =	vmul.f32 v6, v2;
	v4 =	vsub.f32 v4, v3  }
0x6a2: {  	s23 =	simm.s32 $0x300;
	s0 =	sand.u32 $0x2000, s22  }
0x6a3: {  	s24 =	simm.s32 $0xC0;
	s1 =	sand.u32 $0x7000, s23;
	s0 =	sshrl.u32 s0, $0x2;
	v6 =	vadd.f32 $8.388607500e+06, v6;
	v5 =	vsub.f32 v5, v3;
	v4 =	vmul.f32 v4, v2  }
0x6a4: {  	s17 =	sand.u32 $0x380, s24;
	s0 =	sor.u32 s0, s1  }
0x6a5: {  	s22 =	sor.u32 s17, s0;
	v6 =	vand.u32 $0xFF, v6;
	v5 =	vmul.f32 v5, v2;
	v4 =	vadd.f32 $8.388607500e+06, v4  }
0x6a6: {  	v7 =	vld [tilespmem:s22+$0x8000]  }
0x6a7: {  	v5 =	vadd.f32 $8.388607500e+06, v5;
	v4 =	vand.u32 $0xFF, v4;
	_ =	sdelay $0x1  }
0x6a8: {  	v5 =	vand.u32 $0xFF, v5  }
0x6a9: {  	[tilespmem:v6+s18+$0x0] =	vst.idx.add.f32.msk $0xffff, v1  }
0x6aa: {  	v6 =	vsub.f32 v7, v3;
	v7 =	vld [tilespmem:s21+$0x8020]  }
0x6ab: {  	[tilespmem:v4+s18+$0x0] =	vst.idx.add.f32.msk $0xffff, v1  }
0x6ac: {  	v6 =	vmul.f32 v6, v2;
	v4 =	vld [tilespmem:s29+$0x8050]  }
0x6ad: {  	[tilespmem:v5+s18+$0x0] =	vst.idx.add.f32.msk $0xffff, v1  }
0x6ae: {  	v5 =	vadd.f32 $8.388607500e+06, v6;
	v6 =	vld [tilespmem:s20+$0x8040]  }
0x6af: {  	v7 =	vsub.f32 v7, v3  }
0x6b0: {  	v5 =	vand.u32 $0xFF, v5  }
0x6b1: {  	v7 =	vmul.f32 v7, v2;
	v4 =	vsub.f32 v4, v3;
	_ =	sdelay $0x1  }
0x6b2: {  	v7 =	vadd.f32 $8.388607500e+06, v7;
	v6 =	vsub.f32 v6, v3;
	v4 =	vmul.f32 v4, v2;
	_ =	sdelay $0x1  }
0x6b3: {  	[tilespmem:v5+s18+$0x0] =	vst.idx.add.f32.msk $0xffff, v1;
	v5 =	vmul.f32 v6, v2;
	v6 =	vand.u32 $0xFF, v7;
	v4 =	vadd.f32 $8.388607500e+06, v4  }
0x6b4: {  	v7 =	vld [tilespmem:s22+$0x8010]  }
0x6b5: {  	v5 =	vadd.f32 $8.388607500e+06, v5;
	v4 =	vand.u32 $0xFF, v4;
	_ =	sdelay $0x1  }
0x6b6: {  	v5 =	vand.u32 $0xFF, v5  }
0x6b7: {  	[tilespmem:v6+s18+$0x0] =	vst.idx.add.f32.msk $0xffff, v1  }
0x6b8: {  	v6 =	vsub.f32 v7, v3;
	v7 =	vld [tilespmem:s21+$0x8030]  }
0x6b9: {  	[tilespmem:v4+s18+$0x0] =	vst.idx.add.f32.msk $0xffff, v1  }
0x6ba: {  	v6 =	vmul.f32 v6, v2;
	v4 =	vld [tilespmem:s29+$0x8060]  }
0x6bb: {  	[tilespmem:v5+s18+$0x0] =	vst.idx.add.f32.msk $0xffff, v1  }
0x6bc: {  	v5 =	vadd.f32 $8.388607500e+06, v6;
	v6 =	vld [tilespmem:s20+$0x8050]  }
0x6bd: {  	s25 =	simm.s32 $0x8000;
	v7 =	vsub.f32 v7, v3  }
0x6be: {  	s26 =	simm.s32 $0x400;
	s0 =	sand.u32 $0x2000, s25;
	v5 =	vand.u32 $0xFF, v5  }
0x6bf: {  	s30 =	simm.s32 $0x100;
	s1 =	sand.u32 $0x7000, s26;
	s0 =	sshrl.u32 s0, $0x2;
	v7 =	vmul.f32 v7, v2;
	v4 =	vsub.f32 v4, v3  }
0x6c0: {  	s17 =	sand.u32 $0x380, s30;
	s0 =	sor.u32 s0, s1  }
0x6c1: {  	s23 =	sor.u32 s17, s0;
	v6 =	vsub.f32 v6, v3;
	v7 =	vadd.f32 $8.388607500e+06, v7;
	v4 =	vmul.f32 v4, v2  }
0x6c2: {  	v8 =	vld [tilespmem:s23+$0x8000]  }
0x6c3: {  	[tilespmem:v5+s18+$0x0] =	vst.idx.add.f32.msk $0xffff, v1;
	v5 =	vmul.f32 v6, v2;
	v6 =	vand.u32 $0xFF, v7;
	v4 =	vadd.f32 $8.388607500e+06, v4  }
0x6c4: {  	v7 =	vld [tilespmem:s22+$0x8020]  }
0x6c5: {  	v5 =	vadd.f32 $8.388607500e+06, v5;
	v4 =	vand.u32 $0xFF, v4;
	_ =	sdelay $0x1  }
0x6c6: {  	v8 =	vsub.f32 v8, v3;
	v5 =	vand.u32 $0xFF, v5  }
0x6c7: {  	[tilespmem:v6+s18+$0x0] =	vst.idx.add.f32.msk $0xffff, v1  }
0x6c8: {  	v8 =	vmul.f32 v8, v2;
	v6 =	vsub.f32 v7, v3;
	v7 =	vld [tilespmem:s21+$0x8040]  }
0x6c9: {  	[tilespmem:v4+s18+$0x0] =	vst.idx.add.f32.msk $0xffff, v1  }
0x6ca: {  	v8 =	vadd.f32 $8.388607500e+06, v8;
	v6 =	vmul.f32 v6, v2;
	v4 =	vld [tilespmem:s29+$0x8070]  }
0x6cb: {  	[tilespmem:v5+s18+$0x0] =	vst.idx.add.f32.msk $0xffff, v1  }
0x6cc: {  	v8 =	vand.u32 $0xFF, v8;
	v5 =	vadd.f32 $8.388607500e+06, v6;
	v6 =	vld [tilespmem:s20+$0x8060]  }
0x6cd: {  	v7 =	vsub.f32 v7, v3  }
0x6ce: {  	v5 =	vand.u32 $0xFF, v5  }
0x6cf: {  	v7 =	vmul.f32 v7, v2;
	v4 =	vsub.f32 v4, v3;
	_ =	sdelay $0x1  }
0x6d0: {  	[tilespmem:v8+s18+$0x0] =	vst.idx.add.f32.msk $0xffff, v1;
	v6 =	vsub.f32 v6, v3;
	v7 =	vadd.f32 $8.388607500e+06, v7;
	v4 =	vmul.f32 v4, v2  }
0x6d1: {  	v8 =	vld [tilespmem:s23+$0x8010]  }
0x6d2: {  	[tilespmem:v5+s18+$0x0] =	vst.idx.add.f32.msk $0xffff, v1;
	v5 =	vmul.f32 v6, v2;
	v6 =	vand.u32 $0xFF, v7;
	v4 =	vadd.f32 $8.388607500e+06, v4  }
0x6d3: {  	v7 =	vld [tilespmem:s22+$0x8030]  }
0x6d4: {  	v5 =	vadd.f32 $8.388607500e+06, v5;
	v4 =	vand.u32 $0xFF, v4;
	_ =	sdelay $0x1  }
0x6d5: {  	v8 =	vsub.f32 v8, v3;
	v5 =	vand.u32 $0xFF, v5  }
0x6d6: {  	[tilespmem:v6+s18+$0x0] =	vst.idx.add.f32.msk $0xffff, v1  }
0x6d7: {  	v8 =	vmul.f32 v8, v2;
	v6 =	vsub.f32 v7, v3;
	v7 =	vld [tilespmem:s21+$0x8050]  }
0x6d8: {  	[tilespmem:v4+s18+$0x0] =	vst.idx.add.f32.msk $0xffff, v1  }
0x6d9: {  	s1 =	simm.s32 $0xA000;
	v8 =	vadd.f32 $8.388607500e+06, v8;
	v6 =	vmul.f32 v6, v2;
	v4 =	vld [tilespmem:s29+$0x8400]  }
0x6da: {  	s0 =	sand.u32 $0x2000, s1;
	s17 =	simm.s32 $0x500;
	[tilespmem:v5+s18+$0x0] =	vst.idx.add.f32.msk $0xffff, v1  }
0x6db: {  	s24 =	simm.s32 $0x140;
	s1 =	sand.u32 $0x7000, s17;
	s0 =	sshrl.u32 s0, $0x2;
	v8 =	vand.u32 $0xFF, v8;
	v5 =	vadd.f32 $8.388607500e+06, v6;
	v6 =	vld [tilespmem:s20+$0x8070]  }
0x6dc: {  	s17 =	sand.u32 $0x380, s24;
	s0 =	sor.u32 s0, s1;
	v7 =	vsub.f32 v7, v3  }
0x6dd: {  	s24 =	sor.u32 s17, s0;
	v5 =	vand.u32 $0xFF, v5  }
0x6de: {  	v9 =	vld [tilespmem:s24+$0x8000];
	v7 =	vmul.f32 v7, v2;
	v4 =	vsub.f32 v4, v3;
	_ =	sdelay $0x1  }
0x6df: {  	[tilespmem:v8+s18+$0x0] =	vst.idx.add.f32.msk $0xffff, v1;
	v6 =	vsub.f32 v6, v3;
	v7 =	vadd.f32 $8.388607500e+06, v7;
	v4 =	vmul.f32 v4, v2  }
0x6e0: {  	v8 =	vld [tilespmem:s23+$0x8020]  }
0x6e1: {  	[tilespmem:v5+s18+$0x0] =	vst.idx.add.f32.msk $0xffff, v1;
	v5 =	vmul.f32 v6, v2;
	v6 =	vand.u32 $0xFF, v7;
	v4 =	vadd.f32 $8.388607500e+06, v4  }
0x6e2: {  	v9 =	vsub.f32 v9, v3;
	v7 =	vld [tilespmem:s22+$0x8040]  }
0x6e3: {  	v4 =	vand.u32 $0xFF, v4  }
0x6e4: {  	v9 =	vmul.f32 v9, v2  }
0x6e5: {  	v8 =	vsub.f32 v8, v3;
	v5 =	vadd.f32 $8.388607500e+06, v5  }
0x6e6: {  	v9 =	vadd.f32 $8.388607500e+06, v9;
	[tilespmem:v6+s18+$0x0] =	vst.idx.add.f32.msk $0xffff, v1  }
0x6e7: {  	v8 =	vmul.f32 v8, v2;
	v5 =	vand.u32 $0xFF, v5;
	v6 =	vsub.f32 v7, v3;
	v7 =	vld [tilespmem:s21+$0x8060]  }
0x6e8: {  	[tilespmem:v4+s18+$0x0] =	vst.idx.add.f32.msk $0xffff, v1  }
0x6e9: {  	v9 =	vand.u32 $0xFF, v9;
	v8 =	vadd.f32 $8.388607500e+06, v8;
	v4 =	vld [tilespmem:s29+$0x8410]  }
0x6ea: {  	v6 =	vmul.f32 v6, v2  }
0x6eb: {  	v8 =	vand.u32 $0xFF, v8  }
0x6ec: {  	[tilespmem:v5+s18+$0x0] =	vst.idx.add.f32.msk $0xffff, v1;
	v5 =	vadd.f32 $8.388607500e+06, v6  }
0x6ed: {  	v7 =	vsub.f32 v7, v3  }
0x6ee: {  	[tilespmem:v9+s18+$0x0] =	vst.idx.add.f32.msk $0xffff, v1;
	v5 =	vand.u32 $0xFF, v5;
	v4 =	vsub.f32 v4, v3  }
0x6ef: {  	v9 =	vld [tilespmem:s24+$0x8010];
	v7 =	vmul.f32 v7, v2  }
0x6f0: {  	[tilespmem:v8+s18+$0x0] =	vst.idx.add.f32.msk $0xffff, v1;
	v4 =	vmul.f32 v4, v2  }
0x6f1: {  	v6 =	vld [tilespmem:s20+$0x8400];
	v7 =	vadd.f32 $8.388607500e+06, v7  }
0x6f2: {  	v8 =	vld [tilespmem:s23+$0x8030];
	v4 =	vadd.f32 $8.388607500e+06, v4  }
0x6f3: {  	[tilespmem:v5+s18+$0x0] =	vst.idx.add.f32.msk $0xffff, v1;
	v5 =	vand.u32 $0xFF, v7  }
0x6f4: {  	v4 =	vand.u32 $0xFF, v4  }
0x6f5: {  	v9 =	vsub.f32 v9, v3;
	v7 =	vld [tilespmem:s22+$0x8050]  }
0x6f6: {  	v6 =	vsub.f32 v6, v3  }
0x6f7: {  	v9 =	vmul.f32 v9, v2  }
0x6f8: {  	v8 =	vsub.f32 v8, v3;
	v6 =	vmul.f32 v6, v2;
	[tilespmem:v5+s18+$0x0] =	vst.idx.add.f32.msk $0xffff, v1  }
0x6f9: {  	v9 =	vadd.f32 $8.388607500e+06, v9;
	[tilespmem:v4+s18+$0x0] =	vst.idx.add.f32.msk $0xffff, v1  }
0x6fa: {  	s25 =	simm.s32 $0xC000;
	v8 =	vmul.f32 v8, v2;
	v5 =	vsub.f32 v7, v3;
	v4 =	vadd.f32 $8.388607500e+06, v6;
	v6 =	vld [tilespmem:s29+$0x8420]  }
0x6fb: {  	s26 =	simm.s32 $0x600;
	s0 =	sand.u32 $0x2000, s25;
	v9 =	vand.u32 $0xFF, v9  }
0x6fc: {  	s30 =	simm.s32 $0x180;
	s1 =	sand.u32 $0x7000, s26;
	s0 =	sshrl.u32 s0, $0x2;
	v8 =	vadd.f32 $8.388607500e+06, v8;
	v7 =	vld [tilespmem:s21+$0x8070];
	v5 =	vmul.f32 v5, v2;
	v4 =	vand.u32 $0xFF, v4  }
0x6fd: {  	s17 =	sand.u32 $0x380, s30;
	s0 =	sor.u32 s0, s1  }
0x6fe: {  	s25 =	sor.u32 s17, s0;
	v8 =	vand.u32 $0xFF, v8;
	v5 =	vadd.f32 $8.388607500e+06, v5  }
0x6ff: {  	v10 =	vld [tilespmem:s25+$0x8000];
	v6 =	vsub.f32 v6, v3  }
0x700: {  	[tilespmem:v9+s18+$0x0] =	vst.idx.add.f32.msk $0xffff, v1;
	v5 =	vand.u32 $0xFF, v5  }
0x701: {  	[tilespmem:v4+s18+$0x0] =	vst.idx.add.f32.msk $0xffff, v1;
	v4 =	vmul.f32 v6, v2;
	v6 =	vsub.f32 v7, v3  }
0x702: {  	v7 =	vld [tilespmem:s24+$0x8020]  }
0x703: {  	[tilespmem:v8+s18+$0x0] =	vst.idx.add.f32.msk $0xffff, v1;
	v4 =	vadd.f32 $8.388607500e+06, v4;
	v6 =	vmul.f32 v6, v2  }
0x704: {  	v9 =	vsub.f32 v10, v3;
	v8 =	vld [tilespmem:s23+$0x8040]  }
0x705: {  	[tilespmem:v5+s18+$0x0] =	vst.idx.add.f32.msk $0xffff, v1;
	v4 =	vand.u32 $0xFF, v4;
	v6 =	vadd.f32 $8.388607500e+06, v6  }
0x706: {  	v5 =	vmul.f32 v9, v2;
	v10 =	vld [tilespmem:s20+$0x8410]  }
0x707: {  	v9 =	vld [tilespmem:s22+$0x8060];
	v7 =	vsub.f32 v7, v3;
	v6 =	vand.u32 $0xFF, v6  }
0x708: {  	v5 =	vadd.f32 $8.388607500e+06, v5  }
0x709: {  	v8 =	vsub.f32 v8, v3;
	v7 =	vmul.f32 v7, v2  }
0x70a: {  	[tilespmem:v4+s18+$0x0] =	vst.idx.add.f32.msk $0xffff, v1;
	v4 =	vand.u32 $0xFF, v5  }
0x70b: {  	v8 =	vmul.f32 v8, v2;
	v5 =	vsub.f32 v10, v3;
	v7 =	vadd.f32 $8.388607500e+06, v7;
	v10 =	vld [tilespmem:s29+$0x8430]  }
0x70c: {  	[tilespmem:v6+s18+$0x0] =	vst.idx.add.f32.msk $0xffff, v1;
	v6 =	vsub.f32 v9, v3  }
0x70d: {  	v8 =	vadd.f32 $8.388607500e+06, v8;
	v5 =	vmul.f32 v5, v2;
	v7 =	vand.u32 $0xFF, v7;
	v9 =	vld [tilespmem:s21+$0x8400]  }
0x70e: {  	v6 =	vmul.f32 v6, v2  }
0x70f: {  	v8 =	vand.u32 $0xFF, v8;
	v5 =	vadd.f32 $8.388607500e+06, v5;
	[tilespmem:v4+s18+$0x0] =	vst.idx.add.f32.msk $0xffff, v1  }
0x710: {  	v4 =	vsub.f32 v10, v3;
	v6 =	vadd.f32 $8.388607500e+06, v6;
	v10 =	vld [tilespmem:s25+$0x8010]  }
0x711: {  	v5 =	vand.u32 $0xFF, v5  }
0x712: {  	[tilespmem:v7+s18+$0x0] =	vst.idx.add.f32.msk $0xffff, v1;
	v9 =	vsub.f32 v9, v3;
	v4 =	vmul.f32 v4, v2;
	v6 =	vand.u32 $0xFF, v6  }
0x713: {  	v7 =	vld [tilespmem:s24+$0x8030]  }
0x714: {  	[tilespmem:v8+s18+$0x0] =	vst.idx.add.f32.msk $0xffff, v1;
	v9 =	vmul.f32 v9, v2;
	v4 =	vadd.f32 $8.388607500e+06, v4  }
0x715: {  	v8 =	vld [tilespmem:s23+$0x8050];
	v10 =	vsub.f32 v10, v3  }
0x716: {  	[tilespmem:v5+s18+$0x0] =	vst.idx.add.f32.msk $0xffff, v1;
	v5 =	vadd.f32 $8.388607500e+06, v9;
	v4 =	vand.u32 $0xFF, v4  }
0x717: {  	[tilespmem:v6+s18+$0x0] =	vst.idx.add.f32.msk $0xffff, v1;
	v6 =	vmul.f32 v10, v2  }
0x718: {  	v7 =	vsub.f32 v7, v3;
	v5 =	vand.u32 $0xFF, v5;
	v9 =	vld [tilespmem:s22+$0x8070]  }
0x719: {  	v10 =	vld [tilespmem:s20+$0x8420];
	v6 =	vadd.f32 $8.388607500e+06, v6  }
0x71a: {  	s17 =	simm.s32 $0xE000;
	v8 =	vsub.f32 v8, v3;
	v7 =	vmul.f32 v7, v2  }
0x71b: {  	s26 =	simm.s32 $0x700;
	s0 =	sand.u32 $0x2000, s17;
	[tilespmem:v4+s18+$0x0] =	vst.idx.add.f32.msk $0xffff, v1;
	v4 =	vand.u32 $0xFF, v6  }
0x71c: {  	s30 =	simm.s32 $0x1C0;
	s1 =	sand.u32 $0x7000, s26;
	s0 =	sshrl.u32 s0, $0x2;
	v6 =	vadd.f32 $8.388607500e+06, v7;
	v7 =	vmul.f32 v8, v2;
	v8 =	vld [tilespmem:s29+$0x8440]  }
0x71d: {  	s17 =	sand.u32 $0x380, s30;
	s0 =	sor.u32 s0, s1;
	[tilespmem:v5+s18+$0x0] =	vst.idx.add.f32.msk $0xffff, v1;
	v5 =	vsub.f32 v9, v3  }
0x71e: {  	s26 =	sor.u32 s17, s0;
	v9 =	vsub.f32 v10, v3;
	v6 =	vand.u32 $0xFF, v6;
	v7 =	vadd.f32 $8.388607500e+06, v7;
	v10 =	vld [tilespmem:s21+$0x8410]  }
0x71f: {  	v11 =	vld [tilespmem:s26+$0x8000];
	v5 =	vmul.f32 v5, v2  }
0x720: {  	v9 =	vmul.f32 v9, v2;
	v7 =	vand.u32 $0xFF, v7;
	[tilespmem:v4+s18+$0x0] =	vst.idx.add.f32.msk $0xffff, v1  }
0x721: {  	v4 =	vadd.f32 $8.388607500e+06, v5;
	v5 =	vsub.f32 v8, v3;
	v8 =	vld [tilespmem:s25+$0x8020]  }
0x722: {  	v9 =	vadd.f32 $8.388607500e+06, v9  }
0x723: {  	[tilespmem:v6+s18+$0x0] =	vst.idx.add.f32.msk $0xffff, v1;
	v10 =	vsub.f32 v10, v3;
	v4 =	vand.u32 $0xFF, v4;
	v5 =	vmul.f32 v5, v2  }
0x724: {  	v11 =	vsub.f32 v11, v3;
	v6 =	vld [tilespmem:s24+$0x8040]  }
0x725: {  	v9 =	vand.u32 $0xFF, v9;
	[tilespmem:v7+s18+$0x0] =	vst.idx.add.f32.msk $0xffff, v1;
	v10 =	vmul.f32 v10, v2;
	v5 =	vadd.f32 $8.388607500e+06, v5  }
0x726: {  	v11 =	vmul.f32 v11, v2;
	v7 =	vld [tilespmem:s23+$0x8060];
	v8 =	vsub.f32 v8, v3  }
0x727: {  	v10 =	vadd.f32 $8.388607500e+06, v10;
	v5 =	vand.u32 $0xFF, v5  }
0x728: {  	[tilespmem:v4+s18+$0x0] =	vst.idx.add.f32.msk $0xffff, v1;
	v4 =	vadd.f32 $8.388607500e+06, v11;
	v8 =	vmul.f32 v8, v2  }
0x729: {  	v6 =	vsub.f32 v6, v3;
	v10 =	vand.u32 $0xFF, v10;
	v11 =	vld [tilespmem:s22+$0x8400]  }
0x72a: {  	[tilespmem:v9+s18+$0x0] =	vst.idx.add.f32.msk $0xffff, v1;
	v4 =	vand.u32 $0xFF, v4;
	v8 =	vadd.f32 $8.388607500e+06, v8  }
0x72b: {  	v9 =	vld [tilespmem:s20+$0x8430];
	v6 =	vmul.f32 v6, v2;
	v7 =	vsub.f32 v7, v3  }
0x72c: {  	[tilespmem:v5+s18+$0x0] =	vst.idx.add.f32.msk $0xffff, v1;
	v5 =	vand.u32 $0xFF, v8  }
0x72d: {  	v6 =	vadd.f32 $8.388607500e+06, v6;
	v7 =	vmul.f32 v7, v2;
	v8 =	vld [tilespmem:s29+$0x8450]  }
0x72e: {  	[tilespmem:v10+s18+$0x0] =	vst.idx.add.f32.msk $0xffff, v1;
	v10 =	vsub.f32 v11, v3  }
0x72f: {  	v6 =	vand.u32 $0xFF, v6;
	[tilespmem:v4+s18+$0x0] =	vst.idx.add.f32.msk $0xffff, v1;
	v4 =	vadd.f32 $8.388607500e+06, v7  }
0x730: {  	v7 =	vsub.f32 v9, v3;
	v9 =	vmul.f32 v10, v2;
	v10 =	vld [tilespmem:s26+$0x8010]  }
0x731: {  	[tilespmem:v5+s18+$0x0] =	vst.idx.add.f32.msk $0xffff, v1;
	v4 =	vand.u32 $0xFF, v4  }
0x732: {  	v5 =	vmul.f32 v7, v2;
	v7 =	vadd.f32 $8.388607500e+06, v9;
	v9 =	vld [tilespmem:s25+$0x8030];
	v8 =	vsub.f32 v8, v3  }
0x733: {  	v11 =	vld [tilespmem:s21+$0x8420]  }
0x734: {  	v5 =	vadd.f32 $8.388607500e+06, v5;
	[tilespmem:v6+s18+$0x0] =	vst.idx.add.f32.msk $0xffff, v1;
	v6 =	vand.u32 $0xFF, v7;
	v7 =	vmul.f32 v8, v2  }
0x735: {  	v8 =	vld [tilespmem:s24+$0x8050];
	v10 =	vsub.f32 v10, v3  }
0x736: {  	v5 =	vand.u32 $0xFF, v5;
	[tilespmem:v4+s18+$0x0] =	vst.idx.add.f32.msk $0xffff, v1;
	v4 =	vadd.f32 $8.388607500e+06, v7  }
0x737: {  	v7 =	vmul.f32 v10, v2;
	v9 =	vsub.f32 v9, v3;
	v10 =	vld [tilespmem:s23+$0x8070]  }
0x738: {  	v4 =	vand.u32 $0xFF, v4  }
0x739: {  	v11 =	vsub.f32 v11, v3;
	[tilespmem:v6+s18+$0x0] =	vst.idx.add.f32.msk $0xffff, v1;
	v6 =	vadd.f32 $8.388607500e+06, v7;
	v7 =	vmul.f32 v9, v2  }
0x73a: {  	s1 =	simm.s32 $0x10000;
	v8 =	vsub.f32 v8, v3;
	v9 =	vld [tilespmem:s22+$0x8410]  }
0x73b: {  	s0 =	sand.u32 $0x2000, s1;
	s17 =	simm.s32 $0x800;
	v11 =	vmul.f32 v11, v2;
	[tilespmem:v5+s18+$0x0] =	vst.idx.add.f32.msk $0xffff, v1;
	v5 =	vand.u32 $0xFF, v6;
	v6 =	vadd.f32 $8.388607500e+06, v7  }
0x73c: {  	s30 =	simm.s32 $0x200;
	s1 =	sand.u32 $0x7000, s17;
	s0 =	sshrl.u32 s0, $0x2;
	v7 =	vmul.f32 v8, v2;
	v8 =	vld [tilespmem:s20+$0x8440];
	v10 =	vsub.f32 v10, v3  }
0x73d: {  	s17 =	sand.u32 $0x380, s30;
	s0 =	sor.u32 s0, s1;
	v11 =	vadd.f32 $8.388607500e+06, v11;
	v6 =	vand.u32 $0xFF, v6;
	[tilespmem:v4+s18+$0x0] =	vst.idx.add.f32.msk $0xffff, v1  }
0x73e: {  	s28 =	sor.u32 s17, s0;
	v4 =	vadd.f32 $8.388607500e+06, v7;
	v7 =	vmul.f32 v10, v2;
	v10 =	vld [tilespmem:s29+$0x8460]  }
0x73f: {  	v61 =	vld [tilespmem:s28+$0x8000];
	v11 =	vand.u32 $0xFF, v11;
	v9 =	vsub.f32 v9, v3  }
0x740: {  	v4 =	vand.u32 $0xFF, v4;
	[tilespmem:v5+s18+$0x0] =	vst.idx.add.f32.msk $0xffff, v1;
	v5 =	vadd.f32 $8.388607500e+06, v7  }
0x741: {  	v8 =	vsub.f32 v8, v3;
	v7 =	vmul.f32 v9, v2;
	v9 =	vld [tilespmem:s26+$0x8020]  }
0x742: {  	[tilespmem:v6+s18+$0x0] =	vst.idx.add.f32.msk $0xffff, v1;
	v5 =	vand.u32 $0xFF, v5  }
0x743: {  	v6 =	vadd.f32 $8.388607500e+06, v7;
	v7 =	vmul.f32 v8, v2;
	v8 =	vld [tilespmem:s25+$0x8040];
	v10 =	vsub.f32 v10, v3  }
0x744: {  	[tilespmem:v11+s18+$0x0] =	vst.idx.add.f32.msk $0xffff, v1;
	v11 =	vsub.f32 v61, v3  }
0x745: {  	[tilespmem:v4+s18+$0x0] =	vst.idx.add.f32.msk $0xffff, v1;
	v4 =	vand.u32 $0xFF, v6;
	v6 =	vadd.f32 $8.388607500e+06, v7;
	v7 =	vmul.f32 v10, v2  }
0x746: {  	v11 =	vmul.f32 v11, v2;
	v10 =	vld [tilespmem:s24+$0x8060];
	v9 =	vsub.f32 v9, v3  }
0x747: {  	v6 =	vand.u32 $0xFF, v6;
	[tilespmem:v5+s18+$0x0] =	vst.idx.add.f32.msk $0xffff, v1;
	v5 =	vadd.f32 $8.388607500e+06, v7  }
0x748: {  	v7 =	vadd.f32 $8.388607500e+06, v11;
	v9 =	vmul.f32 v9, v2;
	v8 =	vsub.f32 v8, v3;
	v11 =	vld [tilespmem:s23+$0x8400]  }
0x749: {  	v62 =	vld [tilespmem:s21+$0x8430];
	v5 =	vand.u32 $0xFF, v5  }
0x74a: {  	[tilespmem:v4+s18+$0x0] =	vst.idx.add.f32.msk $0xffff, v1;
	v4 =	vand.u32 $0xFF, v7;
	v7 =	vadd.f32 $8.388607500e+06, v9;
	v8 =	vmul.f32 v8, v2  }
0x74b: {  	v10 =	vsub.f32 v10, v3;
	v9 =	vld [tilespmem:s22+$0x8420]  }
0x74c: {  	[tilespmem:v6+s18+$0x0] =	vst.idx.add.f32.msk $0xffff, v1;
	v6 =	vand.u32 $0xFF, v7;
	v7 =	vadd.f32 $8.388607500e+06, v8  }
0x74d: {  	v8 =	vmul.f32 v10, v2;
	v10 =	vsub.f32 v11, v3;
	v11 =	vld [tilespmem:s20+$0x8450]  }
0x74e: {  	v7 =	vand.u32 $0xFF, v7;
	[tilespmem:v5+s18+$0x0] =	vst.idx.add.f32.msk $0xffff, v1  }
0x74f: {  	v5 =	vsub.f32 v62, v3;
	[tilespmem:v4+s18+$0x0] =	vst.idx.add.f32.msk $0xffff, v1;
	v4 =	vadd.f32 $8.388607500e+06, v8;
	v8 =	vmul.f32 v10, v2  }
0x750: {  	v10 =	vld [tilespmem:s28+$0x8010]  }
0x751: {  	v5 =	vmul.f32 v5, v2;
	[tilespmem:v6+s18+$0x0] =	vst.idx.add.f32.msk $0xffff, v1;
	v4 =	vand.u32 $0xFF, v4;
	v6 =	vadd.f32 $8.388607500e+06, v8  }
0x752: {  	v9 =	vsub.f32 v9, v3;
	v8 =	vld [tilespmem:s26+$0x8030]  }
0x753: {  	v5 =	vadd.f32 $8.388607500e+06, v5;
	[tilespmem:v7+s18+$0x0] =	vst.idx.add.f32.msk $0xffff, v1;
	v6 =	vand.u32 $0xFF, v6;
	v7 =	vsub.f32 v11, v3  }
0x754: {  	v14 =	vld [tilespmem:s29+$0x8470];
	v9 =	vmul.f32 v9, v2  }
0x755: {  	v63 =	vld [tilespmem:s25+$0x8050];
	v13 =	vand.u32 $0xFF, v5;
	v5 =	vsub.f32 v10, v3;
	v7 =	vmul.f32 v7, v2  }
0x756: {  	[tilespmem:v4+s18+$0x0] =	vst.idx.add.f32.msk $0xffff, v1;
	v4 =	vadd.f32 $8.388607500e+06, v9  }
0x757: {  	v5 =	vmul.f32 v5, v2;
	v9 =	vsub.f32 v8, v3;
	v8 =	vld [tilespmem:s24+$0x8070];
	v15 =	vadd.f32 $8.388607500e+06, v7  }
0x758: {  	[tilespmem:v6+s18+$0x0] =	vst.idx.add.f32.msk $0xffff, v1;
	v6 =	vand.u32 $0xFF, v4  }
0x759: {  	v4 =	vsub.f32 v14, v3;
	v11 =	vadd.f32 $8.388607500e+06, v5;
	v7 =	vld [tilespmem:s23+$0x8410];
	v5 =	vand.u32 $0xFF, v15  }
0x75a: {  	s31 =	simm.s32 $0x9;
	s29 =	simm.s32 $0x12000;
	v10 =	vmul.f32 v9, v2;
	v9 =	vsub.f32 v63, v3;
	[tilespmem:v13+s18+$0x0] =	vst.idx.add.f32.msk $0xffff, v1  }
.LBB2_16:
0x75b: {  	s0 =	sand.u32 $0x2000, s29  }
0x75c: {  	s1 =	sshll.u32 s31, $0x8;
	v11 =	vand.u32 $0xFF, v11;
	v10 =	vadd.f32 $8.388607500e+06, v10;
	v9 =	vmul.f32 v9, v2;
	v12 =	vld [tilespmem:s21+$0x8440];
	s17 =	smov.u32 s31;
	s30 =	sadd.s32 $0x1, s31  }
0x75d: {  	s1 =	sand.u32 $0x7000, s1;
	s17 =	sshll.u32 s17, $0x6;
	s0 =	sshrl.u32 s0, $0x2;
	v8 =	vsub.f32 v8, v3;
	[tilespmem:v6+s18+$0x0] =	vst.idx.add.f32.msk $0xffff, v1;
	v4 =	vmul.f32 v4, v2  }
0x75e: {  	p0 =	sne.s32 s31, $0x7F;
	s17 =	sand.u32 $0x380, s17;
	s0 =	sor.u32 s0, s1;
	v6 =	vand.u32 $0xFF, v10;
	v9 =	vadd.f32 $8.388607500e+06, v9;
	[tilespmem:v5+s18+$0x0] =	vst.idx.add.f32.msk $0xffff, v1  }
0x75f: {  	s31 =	sor.u32 s17, s0;
	v5 =	vmul.f32 v8, v2;
	v7 =	vsub.f32 v7, v3;
	v8 =	vld [tilespmem:s20+$0x8460];
	v4 =	vadd.f32 $8.388607500e+06, v4  }
0x760: {  	v10 =	vld [tilespmem:s31+$0x8000];
	v9 =	vand.u32 $0xFF, v9  }
0x761: {  	[tilespmem:v11+s18+$0x0] =	vst.idx.add.f32.msk $0xffff, v1;
	v5 =	vadd.f32 $8.388607500e+06, v5;
	v7 =	vmul.f32 v7, v2;
	v11 =	vsub.f32 v12, v3  }
0x762: {  	v4 =	vand.u32 $0xFF, v4;
	v12 =	vld [tilespmem:s28+$0x8020]  }
0x763: {  	[tilespmem:v6+s18+$0x0] =	vst.idx.add.f32.msk $0xffff, v1;
	v5 =	vand.u32 $0xFF, v5;
	v6 =	vadd.f32 $8.388607500e+06, v7;
	v7 =	vmul.f32 v11, v2  }
0x764: {  	v11 =	vld [tilespmem:s26+$0x8040];
	v8 =	vsub.f32 v8, v3  }
0x765: {  	v10 =	vsub.f32 v10, v3;
	[tilespmem:v9+s18+$0x0] =	vst.idx.add.f32.msk $0xffff, v1;
	v6 =	vand.u32 $0xFF, v6;
	v7 =	vadd.f32 $8.388607500e+06, v7  }
0x766: {  	v9 =	vld [tilespmem:s25+$0x8060];
	v8 =	vmul.f32 v8, v2  }
0x767: {  	v10 =	vmul.f32 v10, v2;
	v12 =	vsub.f32 v12, v3;
	v13 =	vld [tilespmem:s22+$0x8430];
	v7 =	vand.u32 $0xFF, v7  }
0x768: {  	[tilespmem:v5+s18+$0x0] =	vst.idx.add.f32.msk $0xffff, v1;
	v5 =	vadd.f32 $8.388607500e+06, v8  }
0x769: {  	v8 =	vadd.f32 $8.388607500e+06, v10;
	v10 =	vmul.f32 v12, v2;
	v11 =	vsub.f32 v11, v3;
	v12 =	vld [tilespmem:s24+$0x8400]  }
0x76a: {  	[tilespmem:v6+s18+$0x0] =	vst.idx.add.f32.msk $0xffff, v1;
	v5 =	vand.u32 $0xFF, v5  }
0x76b: {  	v6 =	vand.u32 $0xFF, v8;
	v8 =	vadd.f32 $8.388607500e+06, v10;
	v10 =	vmul.f32 v11, v2;
	v11 =	vld [tilespmem:s23+$0x8420]  }
0x76c: {  	v9 =	vsub.f32 v9, v3;
	v13 =	vsub.f32 v13, v3;
	[tilespmem:v7+s18+$0x0] =	vst.idx.add.f32.msk $0xffff, v1  }
0x76d: {  	v7 =	vand.u32 $0xFF, v8;
	v8 =	vadd.f32 $8.388607500e+06, v10;
	[tilespmem:v4+s18+$0x0] =	vst.idx.add.f32.msk $0xffff, v1  }
0x76e: {  	v4 =	vmul.f32 v9, v2;
	v9 =	vsub.f32 v12, v3;
	v10 =	vmul.f32 v13, v2;
	v12 =	vld [tilespmem:s21+$0x8450]  }
0x76f: {  	v8 =	vand.u32 $0xFF, v8;
	[tilespmem:v5+s18+$0x0] =	vst.idx.add.f32.msk $0xffff, v1  }
0x770: {  	v4 =	vadd.f32 $8.388607500e+06, v4;
	[tilespmem:v6+s18+$0x0] =	vst.idx.add.f32.msk $0xffff, v1;
	v5 =	vmul.f32 v9, v2;
	v6 =	vsub.f32 v11, v3  }
0x771: {  	v10 =	vadd.f32 $8.388607500e+06, v10;
	v9 =	vld [tilespmem:s31+$0x8010]  }
0x772: {  	v4 =	vand.u32 $0xFF, v4;
	[tilespmem:v7+s18+$0x0] =	vst.idx.add.f32.msk $0xffff, v1;
	v5 =	vadd.f32 $8.388607500e+06, v5;
	v6 =	vmul.f32 v6, v2  }
0x773: {  	v7 =	vld [tilespmem:s28+$0x8030];
	v11 =	vsub.f32 v12, v3  }
0x774: {  	[tilespmem:v8+s18+$0x0] =	vst.idx.add.f32.msk $0xffff, v1;
	v5 =	vand.u32 $0xFF, v5;
	v6 =	vadd.f32 $8.388607500e+06, v6  }
0x775: {  	v13 =	vand.u32 $0xFF, v10;
	v12 =	vld [tilespmem:s26+$0x8050];
	v8 =	vmul.f32 v11, v2  }
0x776: {  	v9 =	vsub.f32 v9, v3;
	v6 =	vand.u32 $0xFF, v6;
	v14 =	vld [tilespmem:s20+$0x8470];
	s20 =	smov.u32 s21;
	s21 =	smov.u32 s22;
	s22 =	smov.u32 s23  }
.Ltmp7:
0x777: {  	s23 =	smov.u32 s24;
	s24 =	smov.u32 s25;
	[tilespmem:v4+s18+$0x0] =	vst.idx.add.f32.msk $0xffff, v1;
	v4 =	vadd.f32 $8.388607500e+06, v8;
	(pc) =	sbr.rel @p0 .LBB2_16-.Ltmp7, $4  }
0x778: {  	s25 =	smov.u32 s26;
	s26 =	smov.u32 s28;
	s28 =	smov.u32 s31;
	v9 =	vmul.f32 v9, v2;
	v7 =	vsub.f32 v7, v3;
	v8 =	vld [tilespmem:s24+$0x8070]  }
0x779: {  	[tilespmem:v5+s18+$0x0] =	vst.idx.add.f32.msk $0xffff, v1;
	v5 =	vand.u32 $0xFF, v4  }
0x77a: {  	v11 =	vadd.f32 $8.388607500e+06, v9;
	v10 =	vmul.f32 v7, v2;
	v9 =	vsub.f32 v12, v3;
	v7 =	vld [tilespmem:s23+$0x8410]  }
0x77b: {  	s29 =	sadd.s32 $0x2000, s29;
	s31 =	smov.u32 s30;
	[tilespmem:v13+s18+$0x0] =	vst.idx.add.f32.msk $0xffff, v1;
	v4 =	vsub.f32 v14, v3  }
0x77c: {  	v11 =	vand.u32 $0xFF, v11;
	_ =	sdelay $0x4  }
0x77d: {  	[tilespmem:v11+s18+$0x0] =	vst.idx.add.f32.msk $0xffff, v1  }
0x77e: {  	v11 =	vld [tilespmem:s28+$0x8020];
	_ =	sdelay $0x4  }
0x77f: {  	v11 =	vsub.f32 v11, v3;
	_ =	sdelay $0x1  }
0x780: {  	v11 =	vmul.f32 v11, v2;
	_ =	sdelay $0x1  }
0x781: {  	v11 =	vadd.f32 $8.388607500e+06, v11;
	_ =	sdelay $0x1  }
0x782: {  	v11 =	vand.u32 $0xFF, v11;
	_ =	sdelay $0x4  }
0x783: {  	[tilespmem:v11+s18+$0x0] =	vst.idx.add.f32.msk $0xffff, v1  }
0x784: {  	v11 =	vld [tilespmem:s28+$0x8030];
	_ =	sdelay $0x1  }
0x785: {  	v10 =	vadd.f32 $8.388607500e+06, v10;
	_ =	sdelay $0x1  }
0x786: {  	v10 =	vand.u32 $0xFF, v10  }
0x787: {  	v11 =	vsub.f32 v11, v3;
	_ =	sdelay $0x1  }
0x788: {  	v11 =	vmul.f32 v11, v2;
	_ =	sdelay $0x1  }
0x789: {  	[tilespmem:v10+s18+$0x0] =	vst.idx.add.f32.msk $0xffff, v1;
	v11 =	vadd.f32 $8.388607500e+06, v11  }
0x78a: {  	v10 =	vld [tilespmem:s26+$0x8040]  }
0x78b: {  	v11 =	vand.u32 $0xFF, v11;
	_ =	sdelay $0x3  }
0x78c: {  	v10 =	vsub.f32 v10, v3  }
0x78d: {  	[tilespmem:v11+s18+$0x0] =	vst.idx.add.f32.msk $0xffff, v1  }
0x78e: {  	v10 =	vmul.f32 v10, v2;
	v11 =	vld [tilespmem:s28+$0x8040];
	_ =	sdelay $0x1  }
0x78f: {  	v10 =	vadd.f32 $8.388607500e+06, v10;
	_ =	sdelay $0x1  }
0x790: {  	v10 =	vand.u32 $0xFF, v10  }
0x791: {  	v11 =	vsub.f32 v11, v3;
	_ =	sdelay $0x1  }
0x792: {  	v11 =	vmul.f32 v11, v2;
	_ =	sdelay $0x1  }
0x793: {  	[tilespmem:v10+s18+$0x0] =	vst.idx.add.f32.msk $0xffff, v1;
	v11 =	vadd.f32 $8.388607500e+06, v11  }
0x794: {  	v9 =	vmul.f32 v9, v2;
	v10 =	vld [tilespmem:s26+$0x8050]  }
0x795: {  	v11 =	vand.u32 $0xFF, v11  }
0x796: {  	v9 =	vadd.f32 $8.388607500e+06, v9;
	_ =	sdelay $0x1  }
0x797: {  	v9 =	vand.u32 $0xFF, v9  }
0x798: {  	v10 =	vsub.f32 v10, v3  }
0x799: {  	[tilespmem:v11+s18+$0x0] =	vst.idx.add.f32.msk $0xffff, v1  }
0x79a: {  	v10 =	vmul.f32 v10, v2;
	v11 =	vld [tilespmem:s28+$0x8050];
	_ =	sdelay $0x1  }
0x79b: {  	[tilespmem:v9+s18+$0x0] =	vst.idx.add.f32.msk $0xffff, v1;
	v10 =	vadd.f32 $8.388607500e+06, v10  }
0x79c: {  	v9 =	vld [tilespmem:s25+$0x8060]  }
0x79d: {  	v10 =	vand.u32 $0xFF, v10  }
0x79e: {  	v11 =	vsub.f32 v11, v3;
	_ =	sdelay $0x1  }
0x79f: {  	v11 =	vmul.f32 v11, v2  }
0x7a0: {  	v9 =	vsub.f32 v9, v3  }
0x7a1: {  	[tilespmem:v10+s18+$0x0] =	vst.idx.add.f32.msk $0xffff, v1;
	v11 =	vadd.f32 $8.388607500e+06, v11  }
0x7a2: {  	v9 =	vmul.f32 v9, v2;
	v10 =	vld [tilespmem:s26+$0x8060]  }
0x7a3: {  	v11 =	vand.u32 $0xFF, v11  }
0x7a4: {  	v9 =	vadd.f32 $8.388607500e+06, v9;
	_ =	sdelay $0x1  }
0x7a5: {  	v9 =	vand.u32 $0xFF, v9  }
0x7a6: {  	v10 =	vsub.f32 v10, v3  }
0x7a7: {  	[tilespmem:v11+s18+$0x0] =	vst.idx.add.f32.msk $0xffff, v1  }
0x7a8: {  	v10 =	vmul.f32 v10, v2;
	v11 =	vld [tilespmem:s28+$0x8060];
	_ =	sdelay $0x1  }
0x7a9: {  	[tilespmem:v9+s18+$0x0] =	vst.idx.add.f32.msk $0xffff, v1;
	v10 =	vadd.f32 $8.388607500e+06, v10  }
0x7aa: {  	v9 =	vld [tilespmem:s25+$0x8070]  }
0x7ab: {  	v10 =	vand.u32 $0xFF, v10  }
0x7ac: {  	v11 =	vsub.f32 v11, v3;
	_ =	sdelay $0x1  }
0x7ad: {  	v11 =	vmul.f32 v11, v2  }
0x7ae: {  	v9 =	vsub.f32 v9, v3  }
0x7af: {  	[tilespmem:v10+s18+$0x0] =	vst.idx.add.f32.msk $0xffff, v1;
	v11 =	vadd.f32 $8.388607500e+06, v11  }
0x7b0: {  	v9 =	vmul.f32 v9, v2;
	v10 =	vld [tilespmem:s26+$0x8070]  }
0x7b1: {  	v11 =	vand.u32 $0xFF, v11  }
0x7b2: {  	v9 =	vadd.f32 $8.388607500e+06, v9;
	_ =	sdelay $0x1  }
0x7b3: {  	v9 =	vand.u32 $0xFF, v9  }
0x7b4: {  	v10 =	vsub.f32 v10, v3  }
0x7b5: {  	[tilespmem:v11+s18+$0x0] =	vst.idx.add.f32.msk $0xffff, v1  }
0x7b6: {  	v8 =	vsub.f32 v8, v3;
	v10 =	vmul.f32 v10, v2;
	v11 =	vld [tilespmem:s28+$0x8070];
	_ =	sdelay $0x1  }
0x7b7: {  	v8 =	vmul.f32 v8, v2;
	[tilespmem:v9+s18+$0x0] =	vst.idx.add.f32.msk $0xffff, v1;
	v10 =	vadd.f32 $8.388607500e+06, v10  }
0x7b8: {  	v9 =	vld [tilespmem:s25+$0x8400]  }
0x7b9: {  	v8 =	vadd.f32 $8.388607500e+06, v8;
	v33 =	vand.u32 $0xFF, v10  }
0x7ba: {  	v11 =	vsub.f32 v11, v3  }
0x7bb: {  	v8 =	vand.u32 $0xFF, v8  }
0x7bc: {  	v11 =	vmul.f32 v11, v2  }
0x7bd: {  	v9 =	vsub.f32 v9, v3  }
0x7be: {  	[tilespmem:v33+s18+$0x0] =	vst.idx.add.f32.msk $0xffff, v1;
	v34 =	vadd.f32 $8.388607500e+06, v11  }
0x7bf: {  	v9 =	vmul.f32 v9, v2;
	v37 =	vld [tilespmem:s26+$0x8400]  }
0x7c0: {  	[tilespmem:v8+s18+$0x0] =	vst.idx.add.f32.msk $0xffff, v1;
	v10 =	vand.u32 $0xFF, v34  }
0x7c1: {  	v35 =	vld [tilespmem:s24+$0x8400];
	v9 =	vadd.f32 $8.388607500e+06, v9;
	_ =	sdelay $0x1  }
0x7c2: {  	v9 =	vand.u32 $0xFF, v9  }
0x7c3: {  	v11 =	vsub.f32 v37, v3  }
0x7c4: {  	[tilespmem:v10+s18+$0x0] =	vst.idx.add.f32.msk $0xffff, v1  }
0x7c5: {  	v36 =	vsub.f32 v35, v3;
	v11 =	vmul.f32 v11, v2;
	v10 =	vld [tilespmem:s28+$0x8400];
	_ =	sdelay $0x1  }
0x7c6: {  	v8 =	vmul.f32 v36, v2;
	[tilespmem:v9+s18+$0x0] =	vst.idx.add.f32.msk $0xffff, v1;
	v11 =	vadd.f32 $8.388607500e+06, v11  }
0x7c7: {  	v9 =	vld [tilespmem:s25+$0x8410]  }
0x7c8: {  	v8 =	vadd.f32 $8.388607500e+06, v8;
	v38 =	vand.u32 $0xFF, v11  }
0x7c9: {  	v10 =	vsub.f32 v10, v3  }
0x7ca: {  	v8 =	vand.u32 $0xFF, v8  }
0x7cb: {  	v10 =	vmul.f32 v10, v2  }
0x7cc: {  	v9 =	vsub.f32 v9, v3  }
0x7cd: {  	[tilespmem:v38+s18+$0x0] =	vst.idx.add.f32.msk $0xffff, v1;
	v10 =	vadd.f32 $8.388607500e+06, v10  }
0x7ce: {  	v7 =	vsub.f32 v7, v3;
	v9 =	vmul.f32 v9, v2;
	v41 =	vld [tilespmem:s26+$0x8410]  }
0x7cf: {  	[tilespmem:v8+s18+$0x0] =	vst.idx.add.f32.msk $0xffff, v1;
	v10 =	vand.u32 $0xFF, v10  }
0x7d0: {  	v7 =	vmul.f32 v7, v2;
	v39 =	vld [tilespmem:s24+$0x8410];
	v9 =	vadd.f32 $8.388607500e+06, v9;
	_ =	sdelay $0x1  }
0x7d1: {  	v7 =	vadd.f32 $8.388607500e+06, v7;
	v42 =	vand.u32 $0xFF, v9  }
0x7d2: {  	v11 =	vsub.f32 v41, v3  }
0x7d3: {  	v7 =	vand.u32 $0xFF, v7;
	[tilespmem:v10+s18+$0x0] =	vst.idx.add.f32.msk $0xffff, v1  }
0x7d4: {  	v40 =	vsub.f32 v39, v3;
	v11 =	vmul.f32 v11, v2;
	v10 =	vld [tilespmem:s28+$0x8410];
	_ =	sdelay $0x1  }
0x7d5: {  	v8 =	vmul.f32 v40, v2;
	[tilespmem:v42+s18+$0x0] =	vst.idx.add.f32.msk $0xffff, v1;
	v43 =	vadd.f32 $8.388607500e+06, v11  }
0x7d6: {  	v49 =	vld [tilespmem:s25+$0x8420]  }
0x7d7: {  	[tilespmem:v7+s18+$0x0] =	vst.idx.add.f32.msk $0xffff, v1;
	v8 =	vadd.f32 $8.388607500e+06, v8;
	v45 =	vand.u32 $0xFF, v43  }
0x7d8: {  	v44 =	vld [tilespmem:s23+$0x8420];
	v10 =	vsub.f32 v10, v3  }
0x7d9: {  	v8 =	vand.u32 $0xFF, v8  }
0x7da: {  	v10 =	vmul.f32 v10, v2  }
0x7db: {  	v11 =	vsub.f32 v49, v3  }
0x7dc: {  	[tilespmem:v45+s18+$0x0] =	vst.idx.add.f32.msk $0xffff, v1;
	v46 =	vadd.f32 $8.388607500e+06, v10  }
0x7dd: {  	v48 =	vsub.f32 v44, v3;
	v11 =	vmul.f32 v11, v2;
	v51 =	vld [tilespmem:s26+$0x8420]  }
0x7de: {  	[tilespmem:v8+s18+$0x0] =	vst.idx.add.f32.msk $0xffff, v1;
	v9 =	vand.u32 $0xFF, v46  }
0x7df: {  	v7 =	vmul.f32 v48, v2;
	v47 =	vld [tilespmem:s24+$0x8420];
	v52 =	vadd.f32 $8.388607500e+06, v11;
	_ =	sdelay $0x1  }
0x7e0: {  	[tilespmem:v6+s18+$0x0] =	vst.idx.add.f32.msk $0xffff, v1;
	v7 =	vadd.f32 $8.388607500e+06, v7;
	v6 =	vand.u32 $0xFF, v52  }
0x7e1: {  	v53 =	vld [tilespmem:s22+$0x8430];
	v10 =	vsub.f32 v51, v3  }
0x7e2: {  	v7 =	vand.u32 $0xFF, v7;
	[tilespmem:v9+s18+$0x0] =	vst.idx.add.f32.msk $0xffff, v1  }
0x7e3: {  	v50 =	vsub.f32 v47, v3;
	v10 =	vmul.f32 v10, v2;
	v9 =	vld [tilespmem:s28+$0x8420];
	_ =	sdelay $0x1  }
0x7e4: {  	v8 =	vmul.f32 v50, v2;
	[tilespmem:v6+s18+$0x0] =	vst.idx.add.f32.msk $0xffff, v1;
	v54 =	vadd.f32 $8.388607500e+06, v10  }
0x7e5: {  	v11 =	vsub.f32 v53, v3;
	v59 =	vld [tilespmem:s25+$0x8430]  }
0x7e6: {  	[tilespmem:v7+s18+$0x0] =	vst.idx.add.f32.msk $0xffff, v1;
	v8 =	vadd.f32 $8.388607500e+06, v8;
	v7 =	vand.u32 $0xFF, v54  }
0x7e7: {  	v55 =	vld [tilespmem:s23+$0x8430];
	v58 =	vmul.f32 v11, v2;
	v9 =	vsub.f32 v9, v3  }
0x7e8: {  	v8 =	vand.u32 $0xFF, v8  }
0x7e9: {  	v6 =	vadd.f32 $8.388607500e+06, v58;
	v9 =	vmul.f32 v9, v2  }
0x7ea: {  	v11 =	vsub.f32 v59, v3  }
0x7eb: {  	v6 =	vand.u32 $0xFF, v6;
	[tilespmem:v7+s18+$0x0] =	vst.idx.add.f32.msk $0xffff, v1;
	v56 =	vadd.f32 $8.388607500e+06, v9  }
0x7ec: {  	v10 =	vsub.f32 v55, v3;
	v11 =	vmul.f32 v11, v2;
	v61 =	vld [tilespmem:s26+$0x8430]  }
0x7ed: {  	[tilespmem:v8+s18+$0x0] =	vst.idx.add.f32.msk $0xffff, v1;
	v8 =	vand.u32 $0xFF, v56  }
0x7ee: {  	v57 =	vld [tilespmem:s24+$0x8430];
	v60 =	vmul.f32 v10, v2;
	v16 =	vadd.f32 $8.388607500e+06, v11;
	_ =	sdelay $0x1  }
0x7ef: {  	[tilespmem:v6+s18+$0x0] =	vst.idx.add.f32.msk $0xffff, v1;
	v6 =	vand.u32 $0xFF, v16;
	v7 =	vadd.f32 $8.388607500e+06, v60  }
0x7f0: {  	v17 =	vld [tilespmem:s22+$0x8440];
	v10 =	vsub.f32 v61, v3  }
0x7f1: {  	v7 =	vand.u32 $0xFF, v7;
	[tilespmem:v8+s18+$0x0] =	vst.idx.add.f32.msk $0xffff, v1  }
0x7f2: {  	v9 =	vsub.f32 v57, v3;
	v10 =	vmul.f32 v10, v2;
	v63 =	vld [tilespmem:s28+$0x8430]  }
0x7f3: {  	v12 =	vld [tilespmem:s21+$0x8440]  }
0x7f4: {  	[tilespmem:v6+s18+$0x0] =	vst.idx.add.f32.msk $0xffff, v1;
	v62 =	vmul.f32 v9, v2;
	v18 =	vadd.f32 $8.388607500e+06, v10  }
0x7f5: {  	v11 =	vsub.f32 v17, v3;
	v26 =	vld [tilespmem:s25+$0x8440]  }
0x7f6: {  	[tilespmem:v7+s18+$0x0] =	vst.idx.add.f32.msk $0xffff, v1;
	v7 =	vand.u32 $0xFF, v18;
	v8 =	vadd.f32 $8.388607500e+06, v62  }
0x7f7: {  	v24 =	vmul.f32 v11, v2;
	v9 =	vsub.f32 v63, v3  }
0x7f8: {  	v20 =	vld [tilespmem:s23+$0x8440];
	v8 =	vand.u32 $0xFF, v8  }
0x7f9: {  	v6 =	vadd.f32 $8.388607500e+06, v24;
	v9 =	vmul.f32 v9, v2  }
0x7fa: {  	v19 =	vsub.f32 v12, v3  }
0x7fb: {  	v6 =	vand.u32 $0xFF, v6;
	v12 =	vsub.f32 v26, v3;
	[tilespmem:v7+s18+$0x0] =	vst.idx.add.f32.msk $0xffff, v1;
	v21 =	vadd.f32 $8.388607500e+06, v9  }
0x7fc: {  	v28 =	vld [tilespmem:s26+$0x8440]  }
0x7fd: {  	v12 =	vmul.f32 v12, v2;
	v25 =	vsub.f32 v20, v3;
	[tilespmem:v8+s18+$0x0] =	vst.idx.add.f32.msk $0xffff, v1;
	v8 =	vand.u32 $0xFF, v21  }
0x7fe: {  	v23 =	vld [tilespmem:s24+$0x8440]  }
0x7ff: {  	v31 =	vadd.f32 $8.388607500e+06, v12;
	v27 =	vmul.f32 v25, v2  }
0x800: {  	[tilespmem:v6+s18+$0x0] =	vst.idx.add.f32.msk $0xffff, v1  }
0x801: {  	v32 =	vld [tilespmem:s22+$0x8450];
	v6 =	vand.u32 $0xFF, v31;
	v7 =	vadd.f32 $8.388607500e+06, v27  }
0x802: {  	v22 =	vmul.f32 v19, v2;
	v11 =	vsub.f32 v28, v3;
	[tilespmem:v8+s18+$0x0] =	vst.idx.add.f32.msk $0xffff, v1  }
0x803: {  	v7 =	vand.u32 $0xFF, v7;
	v10 =	vsub.f32 v23, v3;
	v30 =	vld [tilespmem:s28+$0x8440]  }
0x804: {  	v9 =	vadd.f32 $8.388607500e+06, v22;
	v11 =	vmul.f32 v11, v2  }
0x805: {  	v29 =	vmul.f32 v10, v2  }
0x806: {  	[tilespmem:v6+s18+$0x0] =	vst.idx.add.f32.msk $0xffff, v1;
	v9 =	vand.u32 $0xFF, v9;
	v33 =	vadd.f32 $8.388607500e+06, v11  }
0x807: {  	v37 =	vsub.f32 v32, v3;
	v39 =	vld [tilespmem:s25+$0x8450];
	v8 =	vadd.f32 $8.388607500e+06, v29  }
0x808: {  	[tilespmem:v7+s18+$0x0] =	vst.idx.add.f32.msk $0xffff, v1;
	v7 =	vand.u32 $0xFF, v33;
	v10 =	vsub.f32 v30, v3  }
0x809: {  	[tilespmem:v5+s18+$0x0] =	vst.idx.add.f32.msk $0xffff, v1;
	v5 =	vmul.f32 v37, v2;
	v8 =	vand.u32 $0xFF, v8  }
0x80a: {  	v34 =	vld [tilespmem:s23+$0x8450];
	v10 =	vmul.f32 v10, v2  }
0x80b: {  	v5 =	vadd.f32 $8.388607500e+06, v5;
	[tilespmem:v9+s18+$0x0] =	vst.idx.add.f32.msk $0xffff, v1  }
0x80c: {  	v9 =	vld [tilespmem:s21+$0x8450];
	v35 =	vadd.f32 $8.388607500e+06, v10  }
0x80d: {  	v5 =	vand.u32 $0xFF, v5;
	v11 =	vsub.f32 v39, v3;
	[tilespmem:v7+s18+$0x0] =	vst.idx.add.f32.msk $0xffff, v1  }
0x80e: {  	[tilespmem:v8+s18+$0x0] =	vst.idx.add.f32.msk $0xffff, v1;
	v8 =	vand.u32 $0xFF, v35  }
0x80f: {  	v43 =	vmul.f32 v11, v2;
	v36 =	vld [tilespmem:s24+$0x8450]  }
0x810: {  	v38 =	vsub.f32 v34, v3;
	v41 =	vld [tilespmem:s26+$0x8450]  }
0x811: {  	v45 =	vadd.f32 $8.388607500e+06, v43  }
0x812: {  	[tilespmem:v5+s18+$0x0] =	vst.idx.add.f32.msk $0xffff, v1;
	v6 =	vmul.f32 v38, v2;
	v9 =	vsub.f32 v9, v3  }
0x813: {  	v5 =	vand.u32 $0xFF, v45;
	[tilespmem:v8+s18+$0x0] =	vst.idx.add.f32.msk $0xffff, v1  }
0x814: {  	v6 =	vadd.f32 $8.388607500e+06, v6;
	v9 =	vmul.f32 v9, v2;
	v40 =	vsub.f32 v36, v3;
	v8 =	vld [tilespmem:s28+$0x8450]  }
0x815: {  	v42 =	vld [tilespmem:s20+$0x8460];
	v10 =	vsub.f32 v41, v3  }
0x816: {  	v6 =	vand.u32 $0xFF, v6;
	v9 =	vadd.f32 $8.388607500e+06, v9;
	v7 =	vmul.f32 v40, v2  }
0x817: {  	v48 =	vld [tilespmem:s22+$0x8460];
	v46 =	vmul.f32 v10, v2  }
0x818: {  	v9 =	vand.u32 $0xFF, v9;
	v7 =	vadd.f32 $8.388607500e+06, v7  }
0x819: {  	[tilespmem:v5+s18+$0x0] =	vst.idx.add.f32.msk $0xffff, v1;
	v49 =	vadd.f32 $8.388607500e+06, v46;
	v8 =	vsub.f32 v8, v3  }
0x81a: {  	v47 =	vsub.f32 v42, v3;
	v55 =	vld [tilespmem:s25+$0x8460];
	v7 =	vand.u32 $0xFF, v7  }
0x81b: {  	[tilespmem:v6+s18+$0x0] =	vst.idx.add.f32.msk $0xffff, v1;
	v6 =	vand.u32 $0xFF, v49;
	v8 =	vmul.f32 v8, v2  }
0x81c: {  	v12 =	vsub.f32 v48, v3;
	v50 =	vld [tilespmem:s23+$0x8460];
	v10 =	vmul.f32 v47, v2  }
0x81d: {  	[tilespmem:v9+s18+$0x0] =	vst.idx.add.f32.msk $0xffff, v1;
	v51 =	vadd.f32 $8.388607500e+06, v8  }
0x81e: {  	v12 =	vmul.f32 v12, v2;
	v10 =	vadd.f32 $8.388607500e+06, v10;
	v44 =	vld [tilespmem:s21+$0x8460]  }
0x81f: {  	[tilespmem:v7+s18+$0x0] =	vst.idx.add.f32.msk $0xffff, v1;
	v7 =	vand.u32 $0xFF, v51  }
0x820: {  	v12 =	vadd.f32 $8.388607500e+06, v12;
	v54 =	vand.u32 $0xFF, v10;
	v10 =	vsub.f32 v55, v3;
	[tilespmem:v6+s18+$0x0] =	vst.idx.add.f32.msk $0xffff, v1  }
0x821: {  	v9 =	vsub.f32 v50, v3;
	v57 =	vld [tilespmem:s26+$0x8460]  }
0x822: {  	v12 =	vand.u32 $0xFF, v12;
	v10 =	vmul.f32 v10, v2  }
0x823: {  	v9 =	vmul.f32 v9, v2;
	v52 =	vsub.f32 v44, v3;
	v53 =	vld [tilespmem:s24+$0x8460]  }
0x824: {  	v10 =	vadd.f32 $8.388607500e+06, v10;
	[tilespmem:v7+s18+$0x0] =	vst.idx.add.f32.msk $0xffff, v1  }
0x825: {  	v9 =	vadd.f32 $8.388607500e+06, v9;
	v8 =	vmul.f32 v52, v2;
	v7 =	vld [tilespmem:s28+$0x8460]  }
0x826: {  	v10 =	vand.u32 $0xFF, v10;
	v11 =	vsub.f32 v57, v3  }
0x827: {  	[tilespmem:v12+s18+$0x0] =	vst.idx.add.f32.msk $0xffff, v1;
	v9 =	vand.u32 $0xFF, v9;
	v8 =	vadd.f32 $8.388607500e+06, v8  }
0x828: {  	v12 =	vld [tilespmem:s22+$0x8470];
	v11 =	vmul.f32 v11, v2;
	v56 =	vsub.f32 v53, v3  }
0x829: {  	[tilespmem:v54+s18+$0x0] =	vst.idx.add.f32.msk $0xffff, v1;
	v8 =	vand.u32 $0xFF, v8  }
0x82a: {  	v59 =	vld [tilespmem:s20+$0x8470];
	v11 =	vadd.f32 $8.388607500e+06, v11;
	v6 =	vmul.f32 v56, v2;
	v7 =	vsub.f32 v7, v3  }
0x82b: {  	[tilespmem:v10+s18+$0x0] =	vst.idx.add.f32.msk $0xffff, v1  }
0x82c: {  	[tilespmem:v9+s18+$0x0] =	vst.idx.add.f32.msk $0xffff, v1;
	v11 =	vand.u32 $0xFF, v11;
	v58 =	vadd.f32 $8.388607500e+06, v6;
	v7 =	vmul.f32 v7, v2  }
0x82d: {  	v10 =	vld [tilespmem:s25+$0x8470]  }
0x82e: {  	v9 =	vld [tilespmem:s23+$0x8470];
	v5 =	vand.u32 $0xFF, v58;
	v7 =	vadd.f32 $8.388607500e+06, v7  }
0x82f: {  	[tilespmem:v8+s18+$0x0] =	vst.idx.add.f32.msk $0xffff, v1  }
0x830: {  	v8 =	vld [tilespmem:s21+$0x8470];
	v7 =	vand.u32 $0xFF, v7  }
0x831: {  	[tilespmem:v11+s18+$0x0] =	vst.idx.add.f32.msk $0xffff, v1  }
0x832: {  	v11 =	vld [tilespmem:s26+$0x8470]  }
0x833: {  	v10 =	vsub.f32 v10, v3;
	[tilespmem:v5+s18+$0x0] =	vst.idx.add.f32.msk $0xffff, v1  }
0x834: {  	v4 =	vmul.f32 v4, v2;
	v6 =	vsub.f32 v59, v3;
	v5 =	vld [tilespmem:s24+$0x8470]  }
0x835: {  	v9 =	vsub.f32 v9, v3;
	v10 =	vmul.f32 v10, v2;
	[tilespmem:v7+s18+$0x0] =	vst.idx.add.f32.msk $0xffff, v1  }
0x836: {  	v4 =	vadd.f32 $8.388607500e+06, v4;
	v60 =	vsub.f32 v12, v3;
	v6 =	vmul.f32 v6, v2;
	v61 =	vld [tilespmem:s28+$0x8470]  }
0x837: {  	v9 =	vmul.f32 v9, v2;
	v10 =	vadd.f32 $8.388607500e+06, v10;
	v8 =	vsub.f32 v8, v3  }
0x838: {  	v4 =	vand.u32 $0xFF, v4;
	v6 =	vadd.f32 $8.388607500e+06, v6;
	v11 =	vsub.f32 v11, v3  }
0x839: {  	v9 =	vadd.f32 $8.388607500e+06, v9;
	v63 =	vand.u32 $0xFF, v10;
	v8 =	vmul.f32 v8, v2  }
0x83a: {  	v6 =	vand.u32 $0xFF, v6;
	v11 =	vmul.f32 v11, v2;
	v5 =	vsub.f32 v5, v3  }
0x83b: {  	v8 =	vadd.f32 $8.388607500e+06, v8;
	v7 =	vmul.f32 v60, v2;
	v3 =	vsub.f32 v61, v3  }
0x83c: {  	v9 =	vand.u32 $0xFF, v9;
	v62 =	vadd.f32 $8.388607500e+06, v11;
	v5 =	vmul.f32 v5, v2  }
0x83d: {  	v8 =	vand.u32 $0xFF, v8;
	v7 =	vadd.f32 $8.388607500e+06, v7;
	v2 =	vmul.f32 v3, v2  }
0x83e: {  	[tilespmem:v4+s18+$0x0] =	vst.idx.add.f32.msk $0xffff, v1;
	v4 =	vand.u32 $0xFF, v62;
	v5 =	vadd.f32 $8.388607500e+06, v5  }
0x83f: {  	[tilespmem:v63+s18+$0x0] =	vst.idx.add.f32.msk $0xffff, v1;
	v7 =	vand.u32 $0xFF, v7;
	v2 =	vadd.f32 $8.388607500e+06, v2  }
0x840: {  	[tilespmem:v6+s18+$0x0] =	vst.idx.add.f32.msk $0xffff, v1;
	v3 =	vand.u32 $0xFF, v5  }
0x841: {  	[tilespmem:v9+s18+$0x0] =	vst.idx.add.f32.msk $0xffff, v1;
	v2 =	vand.u32 $0xFF, v2  }
0x842: {  	[tilespmem:v8+s18+$0x0] =	vst.idx.add.f32.msk $0xffff, v1  }
0x843: {  	[tilespmem:v4+s18+$0x0] =	vst.idx.add.f32.msk $0xffff, v1  }
0x844: {  	s19 =	sadd.s32 $0x1, s19;
	[tilespmem:v7+s18+$0x0] =	vst.idx.add.f32.msk $0xffff, v1  }
0x845: {  	p0 =	sne.s32 s19, s12;
	[tilespmem:v3+s18+$0x0] =	vst.idx.add.f32.msk $0xffff, v1  }
.Ltmp8:
0x846: {  	[tilespmem:v2+s18+$0x0] =	vst.idx.add.f32.msk $0xffff, v1;
	(pc) =	sbr.rel @p0 .LBB2_1-.Ltmp8, $4  }
0x847: {  	[hbm4b:s11+s2] =	stream.linear.scatter [tilespmem:s18], [sflag:$0x3], $0x100, $0x38;
	[tilespmem:$0x10220] =	vst v63  }
0x848: {  	_ =	swait.ge [sflag:s16], $0x100  }
0x849: {  	[sflag:s16] =	ssyncset.done $0x0  }
0x84a: {  	[sflag:s16] =	ssyncadd.s32 $0xFFFFFF00  }
0x84b: {  	_ =	sfence.sel $0x180000  }
0x84c: {  	[bflag:$0x0] =	sbarrier.arrive $0xFFFF  }
0x84d: {  	_ =	strace $0x90000047  }
0x84e: {  	s0 =	stileid.u32;
	[bflag:$0x2] =	sbarrier.arrive $0xFFFF  }
0x84f: {  	p0 =	sne.s32 s0, $0x0;
	s0 =	rddreg [dreg:$0x4]  }
0x850: {  	s0 =	sadd.s32 @!p0 $0x100000, s0  }
0x851: {  	[sflag:s0] =	ssyncadd.tile.s32 @!p0 $0x1;
	_ =	shalt  }
.Lfunc_end2:
_tile_overlayer_lowered:
.L_overlay_start_2:
0x852: {  	(tag) =	ssettag $0x2  }
0x853: {  	s0 =	rddreg [dreg:$0x0];
	s2 =	stileid.u32  }
0x854: {  	s1 =	rddreg [dreg:$0x1];
	p0 =	sne.s32 s2, $0x0  }
0x855: {  	s3 =	rddreg [dreg:$0x2];
	[bflag:$0x3] =	sbarrier.arrive $0xFFFF;
	s2 =	simm.s32 @!p0 $0x1C03  }
0x856: {  	[timem:s3], [sflag:s2] =	dma.local @!p0 [hbm:s0], s1  }
0x857: {  	s0 =	simm.s32 @!p0 $0x3  }
0x858: {  	_ =	swait.ge @!p0 [sflag:s0], s1  }
0x859: {  	s1 =	ssub.s32 @!p0 $0x0, s1;
	[sflag:s0] =	ssyncset.done @!p0 $0x0  }
0x85a: {  	[sflag:s0] =	ssyncadd.s32 @!p0 s1  }
0x85b: {  	[bflag:$0x3] =	sbarrier.arrive $0xFFFF  }
0x85c: {  	_ =	shalt  }

</sc_bundles>
